<compile_context>
chip_gen: v7x
topology: tpu7x:2x2x1
jax: 0.10.2.dev20260603
libtpu: 0.0.44.dev20260713+nightly
codegen_flags: <defaults>
</compile_context>

<pallas_src>
import functools

import jax
import jax.numpy as jnp
from jax import lax
from jax.experimental import pallas as pl
from jax.experimental.pallas import tpu as pltpu
from jax.experimental.pallas import tpu_sc as plsc

N = 10000
E = 320000
D = 128
H = 256
G = 64
HH = H // 2

NC, NS = 2, 16
NW = NC * NS

CH = 125
EROWS = E // CH
ROWS_PER_SUB = EROWS // NS
ROWS_PER_W = EROWS // NW

NP = 10240
NPS = NP // NS
RB = 64
NRB = NPS // RB
SB = 16

_f32 = jnp.float32


def _sc_mesh():
    return plsc.VectorSubcoreMesh(
        core_axis_name="c", subcore_axis_name="s", num_cores=NC, num_subcores=NS
    )


DW = HH


def _fill_const(ref, rows, cols, value):
    def outer(i, carry):
        def inner(k, carry2):
            ref[i, pl.ds(k * 16, 16)] = jnp.full((16,), value, _f32)
            return carry2
        return lax.fori_loop(0, cols // 16, inner, carry)
    lax.fori_loop(0, rows, outer, 0)


def _deg_body(dst_hbm, degp_hbm, hist, idxv, ones, buf, ssem):
    c = lax.axis_index("c")
    s = lax.axis_index("s")
    wid = c * NS + s

    _fill_const(ones, CH, DW, 1.0)
    _fill_const(buf, RB, DW, 0.0)

    def z(k, carry):
        pltpu.sync_copy(buf, hist.at[pl.ds(s * NPS + k * RB, RB)])
        return carry

    lax.fori_loop(0, NRB, z, 0)
    pltpu.sync_copy(dst_hbm.at[pl.ds(wid * ROWS_PER_W, ROWS_PER_W)], idxv)
    plsc.subcore_barrier()

    def fire(j, carry):
        pltpu.async_copy(ones, hist.at[idxv.at[j]], ssem, add=True)
        return carry

    lax.fori_loop(0, ROWS_PER_W, fire, 0)

    def drain(j, carry):
        pltpu.make_async_copy(ones, hist.at[idxv.at[0]], ssem).wait()
        return carry

    lax.fori_loop(0, ROWS_PER_W, drain, 0)
    plsc.subcore_barrier()

    def rb_phase(core):
        def rb(k, carry):
            sl = pl.ds(s * NPS + k * RB, RB)
            pltpu.sync_copy(hist.at[sl], buf)
            pltpu.sync_copy(buf, degp_hbm.at[core].at[sl])
            return carry

        lax.fori_loop(0, NRB, rb, 0)

    @pl.when(c == 0)
    def _():
        rb_phase(0)

    @pl.when(c == 1)
    def _():
        rb_phase(1)


def _gs_body(pre_hbm, src_hbm, dst_hbm, acc_hbm, accsh,
             sidx0, didx0, sidx1, didx1, bufa, bufb,
             gsema, gsemb, ssema, ssemb, isem):
    c = lax.axis_index("c")
    s = lax.axis_index("s")

    nbase = s * NPS
    ebase = s * ROWS_PER_SUB
    NPAIR = ROWS_PER_SUB // 2
    NBLK = ROWS_PER_SUB // SB
    cinit = bufa.at[pl.ds(0, RB)]

    def init_phase(core):
        pre = pre_hbm.at[core]
        sl = pl.ds(nbase, NPS)
        pltpu.sync_copy(pre.at[sl], accsh.at[sl])

    def g_start(pre, bkpar, jrow, buf, sem):
        @pl.when(bkpar == 0)
        def _():
            pltpu.async_copy(pre.at[sidx0.at[jrow]], buf, sem)

        @pl.when(bkpar == 1)
        def _():
            pltpu.async_copy(pre.at[sidx1.at[jrow]], buf, sem)

    def g_wait(pre, buf, sem):
        pltpu.make_async_copy(pre.at[sidx0.at[0]], buf, sem).wait()

    def s_start(bkpar, jrow, buf, sem):
        @pl.when(bkpar == 0)
        def _():
            pltpu.async_copy(buf, accsh.at[didx0.at[jrow]], sem, add=True)

        @pl.when(bkpar == 1)
        def _():
            pltpu.async_copy(buf, accsh.at[didx1.at[jrow]], sem, add=True)

    def s_wait(buf, sem):
        pltpu.make_async_copy(buf, accsh.at[didx0.at[0]], sem).wait()

    def stage_start(bknext):
        bsl = pl.ds(ebase + bknext * SB, SB)

        @pl.when(bknext % 2 == 0)
        def _():
            pltpu.async_copy(src_hbm.at[bsl], sidx0, isem)
            pltpu.async_copy(dst_hbm.at[bsl], didx0, isem)

        @pl.when(bknext % 2 == 1)
        def _():
            pltpu.async_copy(src_hbm.at[bsl], sidx1, isem)
            pltpu.async_copy(dst_hbm.at[bsl], didx1, isem)

    def stage_wait():
        pltpu.make_async_copy(src_hbm.at[pl.ds(0, SB)], sidx0, isem).wait()
        pltpu.make_async_copy(dst_hbm.at[pl.ds(0, SB)], didx0, isem).wait()

    def main_phase(core):
        pre = pre_hbm.at[core]
        pltpu.sync_copy(src_hbm.at[pl.ds(ebase, SB)], sidx0)
        pltpu.sync_copy(dst_hbm.at[pl.ds(ebase, SB)], didx0)
        g_start(pre, 0, 0, bufa, gsema)

        def body(p, carry):
            j0 = 2 * p
            bk = j0 // SB
            bkpar = bk % 2
            r0 = j0 - bk * SB
            g_wait(pre, bufa, gsema)

            @pl.when(p > 0)
            def _():
                s_wait(bufb, ssemb)

            s_start(bkpar, r0, bufa, ssema)
            g_start(pre, bkpar, r0 + 1, bufb, gsemb)

            @pl.when(jnp.logical_and(p % 8 == 1, bk < NBLK - 1))
            def _():
                stage_start(bk + 1)

            g_wait(pre, bufb, gsemb)
            s_wait(bufa, ssema)
            s_start(bkpar, r0 + 1, bufb, ssemb)

            @pl.when(jnp.logical_and(p % 8 == 7, p < NPAIR - 8))
            def _():
                stage_wait()

            @pl.when(p < NPAIR - 1)
            def _():
                j2 = j0 + 2
                g_start(pre, (j2 // SB) % 2, j2 % SB, bufa, gsema)

            return carry

        lax.fori_loop(0, NPAIR, body, 0)
        s_wait(bufb, ssemb)

    def rb_phase(core):
        out = acc_hbm.at[core]
        sl = pl.ds(nbase, NPS)
        pltpu.sync_copy(accsh.at[sl], out.at[sl])

    @pl.when(c == 0)
    def _():
        init_phase(0)

    @pl.when(c == 1)
    def _():
        init_phase(1)

    plsc.subcore_barrier()

    @pl.when(c == 0)
    def _():
        main_phase(0)

    @pl.when(c == 1)
    def _():
        main_phase(1)

    plsc.subcore_barrier()

    @pl.when(c == 0)
    def _():
        rb_phase(0)

    @pl.when(c == 1)
    def _():
        rb_phase(1)


@functools.lru_cache(maxsize=None)
def _deg_kernel():
    return pl.kernel(
        _deg_body,
        out_type=jax.ShapeDtypeStruct((NC, NP, DW), _f32),
        mesh=_sc_mesh(),
        scratch_types=[
            pltpu.VMEM_SHARED((NP, DW), _f32),
            pltpu.VMEM((ROWS_PER_W, CH), jnp.int32),
            pltpu.VMEM((CH, DW), _f32),
            pltpu.VMEM((RB, DW), _f32),
            pltpu.SemaphoreType.DMA,
        ],
    )


@functools.lru_cache(maxsize=None)
def _gs_kernel():
    return pl.kernel(
        _gs_body,
        out_type=jax.ShapeDtypeStruct((NC, NP, HH), _f32),
        mesh=_sc_mesh(),
        scratch_types=[
            pltpu.VMEM_SHARED((NP, HH), _f32),
            pltpu.VMEM((SB, CH), jnp.int32),
            pltpu.VMEM((SB, CH), jnp.int32),
            pltpu.VMEM((SB, CH), jnp.int32),
            pltpu.VMEM((SB, CH), jnp.int32),
            pltpu.VMEM((CH, HH), _f32),
            pltpu.VMEM((CH, HH), _f32),
            pltpu.SemaphoreType.DMA,
            pltpu.SemaphoreType.DMA,
            pltpu.SemaphoreType.DMA,
            pltpu.SemaphoreType.DMA,
            pltpu.SemaphoreType.DMA,
        ],
    )


def _tc0_body(x_ref, w_ref, degp_ref, pre_ref, dsq_ref):
    deg = 1.0 + degp_ref[0, :N, 0:1] + degp_ref[1, :N, 0:1]
    dsq = lax.rsqrt(deg)
    dsq_ref[...] = dsq
    m = jnp.dot(x_ref[...], w_ref[...], preferred_element_type=_f32) * dsq
    pre_ref[0, :N, :] = m[:, :HH]
    pre_ref[1, :N, :] = m[:, HH:]
    pre_ref[0, N:, :] = jnp.zeros((NP - N, HH), _f32)
    pre_ref[1, N:, :] = jnp.zeros((NP - N, HH), _f32)


def _bn_act(acc_ref, dsq_ref, b_ref, g_ref, bt_ref):
    conv = (
        jnp.concatenate([acc_ref[0, :N, :], acc_ref[1, :N, :]], axis=-1)
        * dsq_ref[...]
        + b_ref[...]
    )
    mu = jnp.mean(conv, axis=0, keepdims=True)
    var = jnp.mean((conv - mu) ** 2, axis=0, keepdims=True)
    t = (conv - mu) * lax.rsqrt(var + 1e-5) * g_ref[...] + bt_ref[...]
    return jnp.maximum(t, 0.0)


def _make_mid_body(has_res):
    if has_res:
        def body(acc_ref, dsq_ref, b_ref, g_ref, bt_ref, res_ref, w_ref,
                 h_ref, pre_ref):
            h = _bn_act(acc_ref, dsq_ref, b_ref, g_ref, bt_ref) + res_ref[...]
            h_ref[...] = h
            pre = jnp.dot(h, w_ref[...], preferred_element_type=_f32) * dsq_ref[...]
            pre_ref[0, :N, :] = pre[:, :HH]
            pre_ref[1, :N, :] = pre[:, HH:]
            pre_ref[0, N:, :] = jnp.zeros((NP - N, HH), _f32)
            pre_ref[1, N:, :] = jnp.zeros((NP - N, HH), _f32)
    else:
        def body(acc_ref, dsq_ref, b_ref, g_ref, bt_ref, w_ref, h_ref, pre_ref):
            h = _bn_act(acc_ref, dsq_ref, b_ref, g_ref, bt_ref)
            h_ref[...] = h
            pre = jnp.dot(h, w_ref[...], preferred_element_type=_f32) * dsq_ref[...]
            pre_ref[0, :N, :] = pre[:, :HH]
            pre_ref[1, :N, :] = pre[:, HH:]
            pre_ref[0, N:, :] = jnp.zeros((NP - N, HH), _f32)
            pre_ref[1, N:, :] = jnp.zeros((NP - N, HH), _f32)
    return body


def _fin_body(acc_ref, dsq_ref, b_ref, g_ref, bt_ref, res_ref, batch_ref,
              linw_ref, linb_ref, out_ref):
    h = _bn_act(acc_ref, dsq_ref, b_ref, g_ref, bt_ref) + res_ref[...]
    y = jnp.dot(h, linw_ref[...], preferred_element_type=_f32)
    yc = jnp.concatenate([y, jnp.ones_like(y)], axis=1)
    onehot = (
        lax.broadcasted_iota(jnp.int32, (G, N), 0) == batch_ref[...]
    ).astype(_f32)
    s2 = jnp.dot(onehot, yc, preferred_element_type=_f32)
    out_ref[...] = s2[:, 0:1] / jnp.maximum(s2[:, 1:2], 1.0) + linb_ref[...]


_tc_params = pltpu.CompilerParams(vmem_limit_bytes=63 * 1024 * 1024)

_tc0 = pl.pallas_call(
    _tc0_body,
    out_shape=[
        jax.ShapeDtypeStruct((NC, NP, HH), _f32),
        jax.ShapeDtypeStruct((N, 1), _f32),
    ],
    compiler_params=_tc_params,
)

_tc_mid0 = pl.pallas_call(
    _make_mid_body(False),
    out_shape=[
        jax.ShapeDtypeStruct((N, H), _f32),
        jax.ShapeDtypeStruct((NC, NP, HH), _f32),
    ],
    compiler_params=_tc_params,
)

_tc_mid1 = pl.pallas_call(
    _make_mid_body(True),
    out_shape=[
        jax.ShapeDtypeStruct((N, H), _f32),
        jax.ShapeDtypeStruct((NC, NP, HH), _f32),
    ],
    compiler_params=_tc_params,
)

_tc_fin = pl.pallas_call(
    _fin_body,
    out_shape=jax.ShapeDtypeStruct((G, 1), _f32),
    compiler_params=_tc_params,
)


def kernel(x, edge_index, batch, W0, b0, W1, b1, W2, b2,
           g0, bt0, g1, bt1, g2, bt2, linW, linb):
    src2d = edge_index[0].reshape(EROWS, CH)
    dst2d = edge_index[1].reshape(EROWS, CH)
    batch_row = batch.reshape(1, N)
    b0r, b1r, b2r = b0.reshape(1, H), b1.reshape(1, H), b2.reshape(1, H)
    g0r, g1r, g2r = g0.reshape(1, H), g1.reshape(1, H), g2.reshape(1, H)
    t0r, t1r, t2r = bt0.reshape(1, H), bt1.reshape(1, H), bt2.reshape(1, H)
    linbr = linb.reshape(1, 1)

    deg_k = _deg_kernel()
    gs_k = _gs_kernel()
    degp = deg_k(dst2d)
    pre0, dsq = _tc0(x, W0, degp)
    acc0 = gs_k(pre0, src2d, dst2d)
    ha, pre1 = _tc_mid0(acc0, dsq, b0r, g0r, t0r, W1)
    acc1 = gs_k(pre1, src2d, dst2d)
    hb, pre2 = _tc_mid1(acc1, dsq, b1r, g1r, t1r, ha, W2)
    acc2 = gs_k(pre2, src2d, dst2d)
    out = _tc_fin(acc2, dsq, b2r, g2r, t2r, hb, batch_row, linW, linbr)
    return out

# --- scband reference (transcript-rebuilt; emitter-appended) ---
"""Pipeline reference for scband-improved-gcn-35132832481700 (READ-ONLY COPY).

The authoritative reference and input builder live on the scoring server;
editing this copy changes nothing except your own understanding.
"""

import jax, jax.numpy as jnp
import numpy as np

N = 10000
E = 320000
D = 128
H = 256
G = 64


def setup_inputs(seed: int = 0) -> dict:
    key = jax.random.key(seed)
    ks = jax.random.split(key, 20)
    x = jax.random.normal(ks[0], (N, D), dtype=jnp.float32)
    edge_index = jax.random.randint(ks[1], (2, E), 0, N, dtype=jnp.int32)
    batch = jnp.sort(jax.random.randint(ks[2], (N,), 0, G, dtype=jnp.int32))
    # learned params: 3 GCN layers, 3 batch norms, final linear
    W0 = jax.random.normal(ks[3], (D, H), dtype=jnp.float32) * (1.0 / np.sqrt(D))
    b0 = jnp.zeros((H,), dtype=jnp.float32)
    W1 = jax.random.normal(ks[4], (H, H), dtype=jnp.float32) * (1.0 / np.sqrt(H))
    b1 = jnp.zeros((H,), dtype=jnp.float32)
    W2 = jax.random.normal(ks[5], (H, H), dtype=jnp.float32) * (1.0 / np.sqrt(H))
    b2 = jnp.zeros((H,), dtype=jnp.float32)
    g0 = jnp.ones((H,), dtype=jnp.float32); bt0 = jnp.zeros((H,), dtype=jnp.float32)
    g1 = jnp.ones((H,), dtype=jnp.float32); bt1 = jnp.zeros((H,), dtype=jnp.float32)
    g2 = jnp.ones((H,), dtype=jnp.float32); bt2 = jnp.zeros((H,), dtype=jnp.float32)
    linW = jax.random.normal(ks[6], (H, 1), dtype=jnp.float32) * (1.0 / np.sqrt(H))
    linb = jnp.zeros((1,), dtype=jnp.float32)
    return {
        'x': x, 'edge_index': edge_index, 'batch': batch,
        'W0': W0, 'b0': b0, 'W1': W1, 'b1': b1, 'W2': W2, 'b2': b2,
        'g0': g0, 'bt0': bt0, 'g1': g1, 'bt1': bt1, 'g2': g2, 'bt2': bt2,
        'linW': linW, 'linb': linb,
    }


def reference(x, edge_index, batch, W0, b0, W1, b1, W2, b2,
              g0, bt0, g1, bt1, g2, bt2, linW, linb):
    # GCNConv with added self-loops and symmetric degree normalization
    src = edge_index[0]
    dst = edge_index[1]
    loop = jnp.arange(N, dtype=src.dtype)
    src2 = jnp.concatenate([src, loop])
    dst2 = jnp.concatenate([dst, loop])
    deg = jax.ops.segment_sum(jnp.ones_like(dst2, dtype=jnp.float32), dst2, num_segments=N)
    norm_e = 1.0 / jnp.sqrt(deg[src2] * deg[dst2])  # deg >= 1 due to self-loops

    def conv(h, W, b):
        h = h @ W
        msg = h[src2] * norm_e[:, None]
        return jax.ops.segment_sum(msg, dst2, num_segments=N) + b

    def bn(h, g, bt):
        m = jnp.mean(h, axis=0)
        v = jnp.var(h, axis=0)
        return (h - m) / jnp.sqrt(v + 1e-5) * g + bt

    relu = jax.nn.relu
    # layer 0 (no residual: dim change 128 -> 256)
    h = relu(bn(conv(x, W0, b0), g0, bt0))
    # layer 1 with residual
    h1 = relu(bn(conv(h, W1, b1), g1, bt1)) + h
    # layer 2 with residual
    h2 = relu(bn(conv(h1, W2, b2), g2, bt2)) + h1
    # global mean pool per graph
    counts = jax.ops.segment_sum(jnp.ones((N,), jnp.float32), batch, num_segments=G)
    sums = jax.ops.segment_sum(h2, batch, num_segments=G)
    pooled = sums / jnp.clip(counts, 1.0)[:, None]
    out = pooled @ linW + linb
    return out

if __name__ == "__main__":
    import jax
    _d = setup_inputs()
    print(jax.jit(kernel)(*tuple(_d.values())))

</pallas_src>

<mosaic_0001>
#map = affine_map<(d0, d1) -> (0, 0, 0)>
#map1 = affine_map<(d0, d1) -> (0, 0)>
module attributes {stable_mosaic.version = 14 : i64} {
  func.func @_gs_body(%arg0: i32, %arg1: i32, %arg2: memref<2x10240x128xf32, #tpu.memory_space<hbm>>, %arg3: memref<2560x125xi32, #tpu.memory_space<hbm>>, %arg4: memref<2560x125xi32, #tpu.memory_space<hbm>>, %arg5: memref<2x10240x128xf32, #tpu.memory_space<hbm>>, %arg6: memref<10240x128xf32, #tpu.memory_space<vmem_shared>>, %arg7: memref<16x125xi32, #tpu.memory_space<vmem>>, %arg8: memref<16x125xi32, #tpu.memory_space<vmem>>, %arg9: memref<16x125xi32, #tpu.memory_space<vmem>>, %arg10: memref<16x125xi32, #tpu.memory_space<vmem>>, %arg11: memref<125x128xf32, #tpu.memory_space<vmem>>, %arg12: memref<125x128xf32, #tpu.memory_space<vmem>>, %arg13: memref<!tpu.dma_semaphore, #tpu.memory_space<semaphore_mem>>, %arg14: memref<!tpu.dma_semaphore, #tpu.memory_space<semaphore_mem>>, %arg15: memref<!tpu.dma_semaphore, #tpu.memory_space<semaphore_mem>>, %arg16: memref<!tpu.dma_semaphore, #tpu.memory_space<semaphore_mem>>, %arg17: memref<!tpu.dma_semaphore, #tpu.memory_space<semaphore_mem>>) attributes {dimension_semantics = [#tpu.dimension_semantics<core_parallel>, #tpu.dimension_semantics<subcore_parallel>], iteration_bounds = array<i64: 2, 16>, scalar_prefetch = 0 : i64, scratch_operands = 12 : i64, tpu.core_type = #tpu.core_type<sc_vector_subcore>, window_params = [{transform_indices = #map}, {transform_indices = #map1}, {transform_indices = #map1}, {transform_indices = #map}]} {
    %mul3A = arith.constant 640 : i32
    %mul3A_0 = arith.muli %arg1, %mul3A : i32
    %mul3A_1 = arith.constant 160 : i32
    %mul3A_2 = arith.muli %arg1, %mul3A_1 : i32
    %eq3A = arith.constant 0 : i32
    %eq3A_3 = arith.cmpi eq, %arg0, %eq3A : i32
    %convert_element_type3A = arith.extui %eq3A_3 : i1 to i32
    %cond3A = arith.constant 0 : i32
    %cond3A_4 = arith.cmpi ne, %convert_element_type3A, %cond3A : i32
    scf.if %cond3A_4 {
      %run_scoped3A = arith.constant 0 : i32
      "tpu.region"() ({
        %run_scoped3A_31 = tpu.sem_alloc : memref<!tpu.dma_semaphore, #tpu.memory_space<semaphore_mem>>
        %dma_start3A = arith.constant 0 : i32
        %dma_start3A_32 = tpu.memref_slice %arg6[%mul3A_0, %dma_start3A] : memref<10240x128xf32, #tpu.memory_space<vmem_shared>> -> memref<640x128xf32, #tpu.memory_space<vmem_shared>>
        %dma_start3A_33 = arith.constant 0 : i32
        %dma_start3A_34 = arith.constant 0 : i32
        %dma_start3A_35 = tpu.memref_slice %arg2[%run_scoped3A, %dma_start3A_33, %dma_start3A_34] : memref<2x10240x128xf32, #tpu.memory_space<hbm>> -> memref<1x10240x128xf32, #tpu.memory_space<hbm>>
        %dma_start3A_36 = tpu.memref_squeeze %dma_start3A_35 : memref<1x10240x128xf32, #tpu.memory_space<hbm>> -> memref<10240x128xf32, #tpu.memory_space<hbm>>
        %dma_start3A_37 = arith.constant 0 : i32
        %dma_start3A_38 = tpu.memref_slice %dma_start3A_36[%mul3A_0, %dma_start3A_37] : memref<10240x128xf32, #tpu.memory_space<hbm>> -> memref<640x128xf32, #tpu.memory_space<hbm>>
        tpu.enqueue_dma source(%dma_start3A_38 : memref<640x128xf32, #tpu.memory_space<hbm>>) target(%dma_start3A_32 : memref<640x128xf32, #tpu.memory_space<vmem_shared>>) target_semaphore(%run_scoped3A_31 : memref<!tpu.dma_semaphore, #tpu.memory_space<semaphore_mem>>)
        %dma_wait3A = arith.constant 0 : i32
        %dma_wait3A_39 = tpu.memref_slice %arg6[%mul3A_0, %dma_wait3A] : memref<10240x128xf32, #tpu.memory_space<vmem_shared>> -> memref<640x128xf32, #tpu.memory_space<vmem_shared>>
        %dma_wait3A_40 = arith.constant 0 : i32
        %dma_wait3A_41 = arith.constant 0 : i32
        %dma_wait3A_42 = tpu.memref_slice %arg2[%run_scoped3A, %dma_wait3A_40, %dma_wait3A_41] : memref<2x10240x128xf32, #tpu.memory_space<hbm>> -> memref<1x10240x128xf32, #tpu.memory_space<hbm>>
        %dma_wait3A_43 = tpu.memref_squeeze %dma_wait3A_42 : memref<1x10240x128xf32, #tpu.memory_space<hbm>> -> memref<10240x128xf32, #tpu.memory_space<hbm>>
        %dma_wait3A_44 = arith.constant 0 : i32
        %dma_wait3A_45 = tpu.memref_slice %dma_wait3A_43[%mul3A_0, %dma_wait3A_44] : memref<10240x128xf32, #tpu.memory_space<hbm>> -> memref<640x128xf32, #tpu.memory_space<hbm>>
        tpu.wait_dma2 semaphore(%run_scoped3A_31 : memref<!tpu.dma_semaphore, #tpu.memory_space<semaphore_mem>>) src(%dma_wait3A_45 : memref<640x128xf32, #tpu.memory_space<hbm>>) dst(%dma_wait3A_39 : memref<640x128xf32, #tpu.memory_space<vmem_shared>>)
        tpu.yield
      }) : () -> ()
    } else {
    }
    %eq3A_5 = arith.constant 1 : i32
    %eq3A_6 = arith.cmpi eq, %arg0, %eq3A_5 : i32
    %convert_element_type3A_7 = arith.extui %eq3A_6 : i1 to i32
    %cond3A_8 = arith.constant 0 : i32
    %cond3A_9 = arith.cmpi ne, %convert_element_type3A_7, %cond3A_8 : i32
    scf.if %cond3A_9 {
      %run_scoped3A = arith.constant 1 : i32
      "tpu.region"() ({
        %run_scoped3A_31 = tpu.sem_alloc : memref<!tpu.dma_semaphore, #tpu.memory_space<semaphore_mem>>
        %dma_start3A = arith.constant 0 : i32
        %dma_start3A_32 = tpu.memref_slice %arg6[%mul3A_0, %dma_start3A] : memref<10240x128xf32, #tpu.memory_space<vmem_shared>> -> memref<640x128xf32, #tpu.memory_space<vmem_shared>>
        %dma_start3A_33 = arith.constant 0 : i32
        %dma_start3A_34 = arith.constant 0 : i32
        %dma_start3A_35 = tpu.memref_slice %arg2[%run_scoped3A, %dma_start3A_33, %dma_start3A_34] : memref<2x10240x128xf32, #tpu.memory_space<hbm>> -> memref<1x10240x128xf32, #tpu.memory_space<hbm>>
        %dma_start3A_36 = tpu.memref_squeeze %dma_start3A_35 : memref<1x10240x128xf32, #tpu.memory_space<hbm>> -> memref<10240x128xf32, #tpu.memory_space<hbm>>
        %dma_start3A_37 = arith.constant 0 : i32
        %dma_start3A_38 = tpu.memref_slice %dma_start3A_36[%mul3A_0, %dma_start3A_37] : memref<10240x128xf32, #tpu.memory_space<hbm>> -> memref<640x128xf32, #tpu.memory_space<hbm>>
        tpu.enqueue_dma source(%dma_start3A_38 : memref<640x128xf32, #tpu.memory_space<hbm>>) target(%dma_start3A_32 : memref<640x128xf32, #tpu.memory_space<vmem_shared>>) target_semaphore(%run_scoped3A_31 : memref<!tpu.dma_semaphore, #tpu.memory_space<semaphore_mem>>)
        %dma_wait3A = arith.constant 0 : i32
        %dma_wait3A_39 = tpu.memref_slice %arg6[%mul3A_0, %dma_wait3A] : memref<10240x128xf32, #tpu.memory_space<vmem_shared>> -> memref<640x128xf32, #tpu.memory_space<vmem_shared>>
        %dma_wait3A_40 = arith.constant 0 : i32
        %dma_wait3A_41 = arith.constant 0 : i32
        %dma_wait3A_42 = tpu.memref_slice %arg2[%run_scoped3A, %dma_wait3A_40, %dma_wait3A_41] : memref<2x10240x128xf32, #tpu.memory_space<hbm>> -> memref<1x10240x128xf32, #tpu.memory_space<hbm>>
        %dma_wait3A_43 = tpu.memref_squeeze %dma_wait3A_42 : memref<1x10240x128xf32, #tpu.memory_space<hbm>> -> memref<10240x128xf32, #tpu.memory_space<hbm>>
        %dma_wait3A_44 = arith.constant 0 : i32
        %dma_wait3A_45 = tpu.memref_slice %dma_wait3A_43[%mul3A_0, %dma_wait3A_44] : memref<10240x128xf32, #tpu.memory_space<hbm>> -> memref<640x128xf32, #tpu.memory_space<hbm>>
        tpu.wait_dma2 semaphore(%run_scoped3A_31 : memref<!tpu.dma_semaphore, #tpu.memory_space<semaphore_mem>>) src(%dma_wait3A_45 : memref<640x128xf32, #tpu.memory_space<hbm>>) dst(%dma_wait3A_39 : memref<640x128xf32, #tpu.memory_space<vmem_shared>>)
        tpu.yield
      }) : () -> ()
    } else {
    }
    %barrier3A = arith.constant 0 : index
    tpu.barrier barrier_id(%barrier3A)
    %eq3A_10 = arith.constant 0 : i32
    %eq3A_11 = arith.cmpi eq, %arg0, %eq3A_10 : i32
    %convert_element_type3A_12 = arith.extui %eq3A_11 : i1 to i32
    %cond3A_13 = arith.constant 0 : i32
    %cond3A_14 = arith.cmpi ne, %convert_element_type3A_12, %cond3A_13 : i32
    scf.if %cond3A_14 {
      "tpu.region"() ({
        %run_scoped3A = tpu.sem_alloc : memref<!tpu.dma_semaphore, #tpu.memory_space<semaphore_mem>>
        %dma_start3A_54 = arith.constant 0 : i32
        %dma_start3A_55 = tpu.memref_slice %arg3[%mul3A_2, %dma_start3A_54] : memref<2560x125xi32, #tpu.memory_space<hbm>> -> memref<16x125xi32, #tpu.memory_space<hbm>>
        %dma_start3A_56 = arith.constant 0 : i32
        %dma_start3A_57 = tpu.memref_slice %arg3[%mul3A_2, %dma_start3A_56] : memref<2560x125xi32, #tpu.memory_space<hbm>> -> memref<16x125xi32, #tpu.memory_space<hbm>>
        tpu.enqueue_dma source(%dma_start3A_57 : memref<16x125xi32, #tpu.memory_space<hbm>>) target(%arg7 : memref<16x125xi32, #tpu.memory_space<vmem>>) target_semaphore(%run_scoped3A : memref<!tpu.dma_semaphore, #tpu.memory_space<semaphore_mem>>)
        %dma_wait3A_58 = arith.constant 0 : i32
        %dma_wait3A_59 = tpu.memref_slice %arg3[%mul3A_2, %dma_wait3A_58] : memref<2560x125xi32, #tpu.memory_space<hbm>> -> memref<16x125xi32, #tpu.memory_space<hbm>>
        %dma_wait3A_60 = arith.constant 0 : i32
        %dma_wait3A_61 = tpu.memref_slice %arg3[%mul3A_2, %dma_wait3A_60] : memref<2560x125xi32, #tpu.memory_space<hbm>> -> memref<16x125xi32, #tpu.memory_space<hbm>>
        tpu.wait_dma2 semaphore(%run_scoped3A : memref<!tpu.dma_semaphore, #tpu.memory_space<semaphore_mem>>) src(%dma_wait3A_61 : memref<16x125xi32, #tpu.memory_space<hbm>>) dst(%arg7 : memref<16x125xi32, #tpu.memory_space<vmem>>)
        tpu.yield
      }) : () -> ()
      "tpu.region"() ({
        %run_scoped3A = tpu.sem_alloc : memref<!tpu.dma_semaphore, #tpu.memory_space<semaphore_mem>>
        %dma_start3A_54 = arith.constant 0 : i32
        %dma_start3A_55 = tpu.memref_slice %arg4[%mul3A_2, %dma_start3A_54] : memref<2560x125xi32, #tpu.memory_space<hbm>> -> memref<16x125xi32, #tpu.memory_space<hbm>>
        %dma_start3A_56 = arith.constant 0 : i32
        %dma_start3A_57 = tpu.memref_slice %arg4[%mul3A_2, %dma_start3A_56] : memref<2560x125xi32, #tpu.memory_space<hbm>> -> memref<16x125xi32, #tpu.memory_space<hbm>>
        tpu.enqueue_dma source(%dma_start3A_57 : memref<16x125xi32, #tpu.memory_space<hbm>>) target(%arg8 : memref<16x125xi32, #tpu.memory_space<vmem>>) target_semaphore(%run_scoped3A : memref<!tpu.dma_semaphore, #tpu.memory_space<semaphore_mem>>)
        %dma_wait3A_58 = arith.constant 0 : i32
        %dma_wait3A_59 = tpu.memref_slice %arg4[%mul3A_2, %dma_wait3A_58] : memref<2560x125xi32, #tpu.memory_space<hbm>> -> memref<16x125xi32, #tpu.memory_space<hbm>>
        %dma_wait3A_60 = arith.constant 0 : i32
        %dma_wait3A_61 = tpu.memref_slice %arg4[%mul3A_2, %dma_wait3A_60] : memref<2560x125xi32, #tpu.memory_space<hbm>> -> memref<16x125xi32, #tpu.memory_space<hbm>>
        tpu.wait_dma2 semaphore(%run_scoped3A : memref<!tpu.dma_semaphore, #tpu.memory_space<semaphore_mem>>) src(%dma_wait3A_61 : memref<16x125xi32, #tpu.memory_space<hbm>>) dst(%arg8 : memref<16x125xi32, #tpu.memory_space<vmem>>)
        tpu.yield
      }) : () -> ()
      %dma_start3A = arith.constant 0 : i32
      %dma_start3A_31 = arith.constant 0 : i32
      %dma_start3A_32 = arith.constant 0 : i32
      %dma_start3A_33 = tpu.memref_slice %arg7[%dma_start3A_31, %dma_start3A_32] : memref<16x125xi32, #tpu.memory_space<vmem>> -> memref<1x125xi32, #tpu.memory_space<vmem>>
      %dma_start3A_34 = tpu.memref_squeeze %dma_start3A_33 : memref<1x125xi32, #tpu.memory_space<vmem>> -> memref<125xi32, #tpu.memory_space<vmem>>
      %dma_start3A_35 = arith.constant 0 : i32
      %dma_start3A_36 = arith.constant 0 : i32
      %dma_start3A_37 = tpu.memref_slice %arg2[%dma_start3A, %dma_start3A_35, %dma_start3A_36] : memref<2x10240x128xf32, #tpu.memory_space<hbm>> -> memref<1x10240x128xf32, #tpu.memory_space<hbm>>
      %dma_start3A_38 = tpu.memref_squeeze %dma_start3A_37 : memref<1x10240x128xf32, #tpu.memory_space<hbm>> -> memref<10240x128xf32, #tpu.memory_space<hbm>>
      %dma_start3A_39 = arith.constant 0 : i32
      %dma_start3A_40 = arith.constant 0 : i32
      %dma_start3A_41 = tpu.memref_slice %dma_start3A_38[%dma_start3A_39, %dma_start3A_40] : memref<10240x128xf32, #tpu.memory_space<hbm>> -> memref<10240x128xf32, #tpu.memory_space<hbm>>
      tpu.enqueue_indirect_dma source(%dma_start3A_41 : memref<10240x128xf32, #tpu.memory_space<hbm>>) target(%arg11 : memref<125x128xf32, #tpu.memory_space<vmem>>) offsets(%dma_start3A_34 : memref<125xi32, #tpu.memory_space<vmem>>) semaphore(%arg13 : memref<!tpu.dma_semaphore, #tpu.memory_space<semaphore_mem>>)
      %scan3A = arith.constant 0 : i32
      %scan3A_42 = arith.constant 0 : i32
      %scan3A_43 = arith.constant 0 : i32
      %scan3A_44 = arith.constant 80 : i32
      %scan3A_45 = arith.addi %scan3A_43, %scan3A_44 : i32
      %scan3A_46 = arith.constant 1 : i32
      scf.for %scan3A_54 = %scan3A_43 to %scan3A_45 step %scan3A_46  : i32 {
        %mul3A_55 = arith.constant 2 : i32
        %mul3A_56 = arith.muli %mul3A_55, %scan3A_54 : i32
        %jit3A = arith.constant 16 : i32
        %div3A = arith.divsi %mul3A_56, %jit3A : i32
        %sign3A = arith.constant 0 : i32
        %sign3A_57 = arith.cmpi sgt, %mul3A_56, %sign3A : i32
        %sign3A_58 = arith.extui %sign3A_57 : i1 to i32
        %sign3A_59 = arith.constant 0 : i32
        %sign3A_60 = arith.cmpi slt, %mul3A_56, %sign3A_59 : i32
        %sign3A_61 = arith.extui %sign3A_60 : i1 to i32
        %sign3A_62 = arith.subi %sign3A_58, %sign3A_61 : i32
        %sign3A_63 = arith.constant 0 : i32
        %sign3A_64 = arith.cmpi sgt, %jit3A, %sign3A_63 : i32
        %sign3A_65 = arith.extui %sign3A_64 : i1 to i32
        %sign3A_66 = arith.constant 0 : i32
        %sign3A_67 = arith.cmpi slt, %jit3A, %sign3A_66 : i32
        %sign3A_68 = arith.extui %sign3A_67 : i1 to i32
        %sign3A_69 = arith.subi %sign3A_65, %sign3A_68 : i32
        %ne3A = arith.cmpi ne, %sign3A_62, %sign3A_69 : i32
        %rem3A = arith.remsi %mul3A_56, %jit3A : i32
        %ne3A_70 = arith.constant 0 : i32
        %ne3A_71 = arith.cmpi ne, %rem3A, %ne3A_70 : i32
        %and3A = arith.andi %ne3A, %ne3A_71 : i1
        %sub3A = arith.constant 1 : i32
        %sub3A_72 = arith.subi %div3A, %sub3A : i32
        %select_n3A = arith.select %and3A, %sub3A_72, %div3A : i32
        %jit3A_73 = arith.constant 2 : i32
        %eq3A_74 = arith.constant 0 : i32
        %eq3A_75 = arith.cmpi eq, %jit3A_73, %eq3A_74 : i32
        %jit3A_76 = arith.constant 1 : i32
        %select_n3A_77 = arith.select %eq3A_75, %jit3A_76, %jit3A_73 : i32
        %rem3A_78 = arith.remsi %select_n3A, %select_n3A_77 : i32
        %ne3A_79 = arith.constant 0 : i32
        %ne3A_80 = arith.cmpi ne, %rem3A_78, %ne3A_79 : i32
        %lt3A = arith.constant 0 : i32
        %lt3A_81 = arith.cmpi slt, %rem3A_78, %lt3A : i32
        %lt3A_82 = arith.constant 0 : i32
        %lt3A_83 = arith.cmpi slt, %select_n3A_77, %lt3A_82 : i32
        %ne3A_84 = arith.xori %lt3A_81, %lt3A_83 : i1
        %and3A_85 = arith.andi %ne3A_84, %ne3A_80 : i1
        %add3A = arith.addi %rem3A_78, %select_n3A_77 : i32
        %select_n3A_86 = arith.select %and3A_85, %add3A, %rem3A_78 : i32
        %mul3A_87 = arith.constant 16 : i32
        %mul3A_88 = arith.muli %select_n3A, %mul3A_87 : i32
        %sub3A_89 = arith.subi %mul3A_56, %mul3A_88 : i32
        %dma_wait3A_90 = arith.constant 0 : i32
        %dma_wait3A_91 = arith.constant 0 : i32
        %dma_wait3A_92 = tpu.memref_slice %arg7[%dma_wait3A_90, %dma_wait3A_91] : memref<16x125xi32, #tpu.memory_space<vmem>> -> memref<1x125xi32, #tpu.memory_space<vmem>>
        %dma_wait3A_93 = tpu.memref_squeeze %dma_wait3A_92 : memref<1x125xi32, #tpu.memory_space<vmem>> -> memref<125xi32, #tpu.memory_space<vmem>>
        %dma_wait3A_94 = arith.constant 0 : i32
        %dma_wait3A_95 = arith.constant 0 : i32
        %dma_wait3A_96 = tpu.memref_slice %arg2[%scan3A_42, %dma_wait3A_94, %dma_wait3A_95] : memref<2x10240x128xf32, #tpu.memory_space<hbm>> -> memref<1x10240x128xf32, #tpu.memory_space<hbm>>
        %dma_wait3A_97 = tpu.memref_squeeze %dma_wait3A_96 : memref<1x10240x128xf32, #tpu.memory_space<hbm>> -> memref<10240x128xf32, #tpu.memory_space<hbm>>
        %dma_wait3A_98 = arith.constant 0 : i32
        %dma_wait3A_99 = arith.constant 0 : i32
        %dma_wait3A_100 = tpu.memref_slice %dma_wait3A_97[%dma_wait3A_98, %dma_wait3A_99] : memref<10240x128xf32, #tpu.memory_space<hbm>> -> memref<10240x128xf32, #tpu.memory_space<hbm>>
        tpu.wait_indirect_dma semaphore(%arg13 : memref<!tpu.dma_semaphore, #tpu.memory_space<semaphore_mem>>) src(%dma_wait3A_100 : memref<10240x128xf32, #tpu.memory_space<hbm>>) dst(%arg11 : memref<125x128xf32, #tpu.memory_space<vmem>>)
        %gt3A = arith.constant 0 : i32
        %gt3A_101 = arith.cmpi sgt, %scan3A_54, %gt3A : i32
        %convert_element_type3A_102 = arith.extui %gt3A_101 : i1 to i32
        %cond3A_103 = arith.constant 0 : i32
        %cond3A_104 = arith.cmpi ne, %convert_element_type3A_102, %cond3A_103 : i32
        scf.if %cond3A_104 {
          %dma_wait3A_210 = arith.constant 0 : i32
          %dma_wait3A_211 = arith.constant 0 : i32
          %dma_wait3A_212 = tpu.memref_slice %arg8[%dma_wait3A_210, %dma_wait3A_211] : memref<16x125xi32, #tpu.memory_space<vmem>> -> memref<1x125xi32, #tpu.memory_space<vmem>>
          %dma_wait3A_213 = tpu.memref_squeeze %dma_wait3A_212 : memref<1x125xi32, #tpu.memory_space<vmem>> -> memref<125xi32, #tpu.memory_space<vmem>>
          %dma_wait3A_214 = arith.constant 0 : i32
          %dma_wait3A_215 = arith.constant 0 : i32
          %dma_wait3A_216 = tpu.memref_slice %arg6[%dma_wait3A_214, %dma_wait3A_215] : memref<10240x128xf32, #tpu.memory_space<vmem_shared>> -> memref<10240x128xf32, #tpu.memory_space<vmem_shared>>
          tpu.wait_indirect_dma semaphore(%arg16 : memref<!tpu.dma_semaphore, #tpu.memory_space<semaphore_mem>>) src(%arg12 : memref<125x128xf32, #tpu.memory_space<vmem>>) dst(%dma_wait3A_216 : memref<10240x128xf32, #tpu.memory_space<vmem_shared>>)
        } else {
        }
        %eq3A_105 = arith.constant 0 : i32
        %eq3A_106 = arith.cmpi eq, %select_n3A_86, %eq3A_105 : i32
        %convert_element_type3A_107 = arith.extui %eq3A_106 : i1 to i32
        %cond3A_108 = arith.constant 0 : i32
        %cond3A_109 = arith.cmpi ne, %convert_element_type3A_107, %cond3A_108 : i32
        scf.if %cond3A_109 {
          %dma_start3A_210 = arith.constant 0 : i32
          %dma_start3A_211 = tpu.memref_slice %arg8[%sub3A_89, %dma_start3A_210] : memref<16x125xi32, #tpu.memory_space<vmem>> -> memref<1x125xi32, #tpu.memory_space<vmem>>
          %dma_start3A_212 = tpu.memref_squeeze %dma_start3A_211 : memref<1x125xi32, #tpu.memory_space<vmem>> -> memref<125xi32, #tpu.memory_space<vmem>>
          %dma_start3A_213 = arith.constant 0 : i32
          %dma_start3A_214 = arith.constant 0 : i32
          %dma_start3A_215 = tpu.memref_slice %arg6[%dma_start3A_213, %dma_start3A_214] : memref<10240x128xf32, #tpu.memory_space<vmem_shared>> -> memref<10240x128xf32, #tpu.memory_space<vmem_shared>>
          tpu.enqueue_indirect_dma source(%arg11 : memref<125x128xf32, #tpu.memory_space<vmem>>) target(%dma_start3A_215 : memref<10240x128xf32, #tpu.memory_space<vmem_shared>>) offsets(%dma_start3A_212 : memref<125xi32, #tpu.memory_space<vmem>>) semaphore(%arg15 : memref<!tpu.dma_semaphore, #tpu.memory_space<semaphore_mem>>) {add = true}
        } else {
        }
        %eq3A_110 = arith.constant 1 : i32
        %eq3A_111 = arith.cmpi eq, %select_n3A_86, %eq3A_110 : i32
        %convert_element_type3A_112 = arith.extui %eq3A_111 : i1 to i32
        %cond3A_113 = arith.constant 0 : i32
        %cond3A_114 = arith.cmpi ne, %convert_element_type3A_112, %cond3A_113 : i32
        scf.if %cond3A_114 {
          %dma_start3A_210 = arith.constant 0 : i32
          %dma_start3A_211 = tpu.memref_slice %arg10[%sub3A_89, %dma_start3A_210] : memref<16x125xi32, #tpu.memory_space<vmem>> -> memref<1x125xi32, #tpu.memory_space<vmem>>
          %dma_start3A_212 = tpu.memref_squeeze %dma_start3A_211 : memref<1x125xi32, #tpu.memory_space<vmem>> -> memref<125xi32, #tpu.memory_space<vmem>>
          %dma_start3A_213 = arith.constant 0 : i32
          %dma_start3A_214 = arith.constant 0 : i32
          %dma_start3A_215 = tpu.memref_slice %arg6[%dma_start3A_213, %dma_start3A_214] : memref<10240x128xf32, #tpu.memory_space<vmem_shared>> -> memref<10240x128xf32, #tpu.memory_space<vmem_shared>>
          tpu.enqueue_indirect_dma source(%arg11 : memref<125x128xf32, #tpu.memory_space<vmem>>) target(%dma_start3A_215 : memref<10240x128xf32, #tpu.memory_space<vmem_shared>>) offsets(%dma_start3A_212 : memref<125xi32, #tpu.memory_space<vmem>>) semaphore(%arg15 : memref<!tpu.dma_semaphore, #tpu.memory_space<semaphore_mem>>) {add = true}
        } else {
        }
        %add3A_115 = arith.constant 1 : i32
        %add3A_116 = arith.addi %sub3A_89, %add3A_115 : i32
        %eq3A_117 = arith.constant 0 : i32
        %eq3A_118 = arith.cmpi eq, %select_n3A_86, %eq3A_117 : i32
        %convert_element_type3A_119 = arith.extui %eq3A_118 : i1 to i32
        %cond3A_120 = arith.constant 0 : i32
        %cond3A_121 = arith.cmpi ne, %convert_element_type3A_119, %cond3A_120 : i32
        scf.if %cond3A_121 {
          %dma_start3A_210 = arith.constant 0 : i32
          %dma_start3A_211 = tpu.memref_slice %arg7[%add3A_116, %dma_start3A_210] : memref<16x125xi32, #tpu.memory_space<vmem>> -> memref<1x125xi32, #tpu.memory_space<vmem>>
          %dma_start3A_212 = tpu.memref_squeeze %dma_start3A_211 : memref<1x125xi32, #tpu.memory_space<vmem>> -> memref<125xi32, #tpu.memory_space<vmem>>
          %dma_start3A_213 = arith.constant 0 : i32
          %dma_start3A_214 = arith.constant 0 : i32
          %dma_start3A_215 = tpu.memref_slice %arg2[%scan3A_42, %dma_start3A_213, %dma_start3A_214] : memref<2x10240x128xf32, #tpu.memory_space<hbm>> -> memref<1x10240x128xf32, #tpu.memory_space<hbm>>
          %dma_start3A_216 = tpu.memref_squeeze %dma_start3A_215 : memref<1x10240x128xf32, #tpu.memory_space<hbm>> -> memref<10240x128xf32, #tpu.memory_space<hbm>>
          %dma_start3A_217 = arith.constant 0 : i32
          %dma_start3A_218 = arith.constant 0 : i32
          %dma_start3A_219 = tpu.memref_slice %dma_start3A_216[%dma_start3A_217, %dma_start3A_218] : memref<10240x128xf32, #tpu.memory_space<hbm>> -> memref<10240x128xf32, #tpu.memory_space<hbm>>
          tpu.enqueue_indirect_dma source(%dma_start3A_219 : memref<10240x128xf32, #tpu.memory_space<hbm>>) target(%arg12 : memref<125x128xf32, #tpu.memory_space<vmem>>) offsets(%dma_start3A_212 : memref<125xi32, #tpu.memory_space<vmem>>) semaphore(%arg14 : memref<!tpu.dma_semaphore, #tpu.memory_space<semaphore_mem>>)
        } else {
        }
        %eq3A_122 = arith.constant 1 : i32
        %eq3A_123 = arith.cmpi eq, %select_n3A_86, %eq3A_122 : i32
        %convert_element_type3A_124 = arith.extui %eq3A_123 : i1 to i32
        %cond3A_125 = arith.constant 0 : i32
        %cond3A_126 = arith.cmpi ne, %convert_element_type3A_124, %cond3A_125 : i32
        scf.if %cond3A_126 {
          %dma_start3A_210 = arith.constant 0 : i32
          %dma_start3A_211 = tpu.memref_slice %arg9[%add3A_116, %dma_start3A_210] : memref<16x125xi32, #tpu.memory_space<vmem>> -> memref<1x125xi32, #tpu.memory_space<vmem>>
          %dma_start3A_212 = tpu.memref_squeeze %dma_start3A_211 : memref<1x125xi32, #tpu.memory_space<vmem>> -> memref<125xi32, #tpu.memory_space<vmem>>
          %dma_start3A_213 = arith.constant 0 : i32
          %dma_start3A_214 = arith.constant 0 : i32
          %dma_start3A_215 = tpu.memref_slice %arg2[%scan3A_42, %dma_start3A_213, %dma_start3A_214] : memref<2x10240x128xf32, #tpu.memory_space<hbm>> -> memref<1x10240x128xf32, #tpu.memory_space<hbm>>
          %dma_start3A_216 = tpu.memref_squeeze %dma_start3A_215 : memref<1x10240x128xf32, #tpu.memory_space<hbm>> -> memref<10240x128xf32, #tpu.memory_space<hbm>>
          %dma_start3A_217 = arith.constant 0 : i32
          %dma_start3A_218 = arith.constant 0 : i32
          %dma_start3A_219 = tpu.memref_slice %dma_start3A_216[%dma_start3A_217, %dma_start3A_218] : memref<10240x128xf32, #tpu.memory_space<hbm>> -> memref<10240x128xf32, #tpu.memory_space<hbm>>
          tpu.enqueue_indirect_dma source(%dma_start3A_219 : memref<10240x128xf32, #tpu.memory_space<hbm>>) target(%arg12 : memref<125x128xf32, #tpu.memory_space<vmem>>) offsets(%dma_start3A_212 : memref<125xi32, #tpu.memory_space<vmem>>) semaphore(%arg14 : memref<!tpu.dma_semaphore, #tpu.memory_space<semaphore_mem>>)
        } else {
        }
        %jit3A_127 = arith.constant 8 : i32
        %eq3A_128 = arith.constant 0 : i32
        %eq3A_129 = arith.cmpi eq, %jit3A_127, %eq3A_128 : i32
        %jit3A_130 = arith.constant 1 : i32
        %select_n3A_131 = arith.select %eq3A_129, %jit3A_130, %jit3A_127 : i32
        %rem3A_132 = arith.remsi %scan3A_54, %select_n3A_131 : i32
        %ne3A_133 = arith.constant 0 : i32
        %ne3A_134 = arith.cmpi ne, %rem3A_132, %ne3A_133 : i32
        %lt3A_135 = arith.constant 0 : i32
        %lt3A_136 = arith.cmpi slt, %rem3A_132, %lt3A_135 : i32
        %lt3A_137 = arith.constant 0 : i32
        %lt3A_138 = arith.cmpi slt, %select_n3A_131, %lt3A_137 : i32
        %ne3A_139 = arith.xori %lt3A_136, %lt3A_138 : i1
        %and3A_140 = arith.andi %ne3A_139, %ne3A_134 : i1
        %add3A_141 = arith.addi %rem3A_132, %select_n3A_131 : i32
        %select_n3A_142 = arith.select %and3A_140, %add3A_141, %rem3A_132 : i32
        %eq3A_143 = arith.constant 1 : i32
        %eq3A_144 = arith.cmpi eq, %select_n3A_142, %eq3A_143 : i32
        %lt3A_145 = arith.constant 9 : i32
        %lt3A_146 = arith.cmpi slt, %select_n3A, %lt3A_145 : i32
        %and3A_147 = arith.andi %eq3A_144, %lt3A_146 : i1
        %convert_element_type3A_148 = arith.extui %and3A_147 : i1 to i32
        %cond3A_149 = arith.constant 0 : i32
        %cond3A_150 = arith.cmpi ne, %convert_element_type3A_148, %cond3A_149 : i32
        scf.if %cond3A_150 {
          %add3A_210 = arith.constant 1 : i32
          %add3A_211 = arith.addi %select_n3A, %add3A_210 : i32
          %mul3A_212 = arith.constant 16 : i32
          %mul3A_213 = arith.muli %add3A_211, %mul3A_212 : i32
          %add3A_214 = arith.addi %mul3A_2, %mul3A_213 : i32
          %jit3A_215 = arith.constant 2 : i32
          %eq3A_216 = arith.constant 0 : i32
          %eq3A_217 = arith.cmpi eq, %jit3A_215, %eq3A_216 : i32
          %jit3A_218 = arith.constant 1 : i32
          %select_n3A_219 = arith.select %eq3A_217, %jit3A_218, %jit3A_215 : i32
          %rem3A_220 = arith.remsi %add3A_211, %select_n3A_219 : i32
          %ne3A_221 = arith.constant 0 : i32
          %ne3A_222 = arith.cmpi ne, %rem3A_220, %ne3A_221 : i32
          %lt3A_223 = arith.constant 0 : i32
          %lt3A_224 = arith.cmpi slt, %rem3A_220, %lt3A_223 : i32
          %lt3A_225 = arith.constant 0 : i32
          %lt3A_226 = arith.cmpi slt, %select_n3A_219, %lt3A_225 : i32
          %ne3A_227 = arith.xori %lt3A_224, %lt3A_226 : i1
          %and3A_228 = arith.andi %ne3A_227, %ne3A_222 : i1
          %add3A_229 = arith.addi %rem3A_220, %select_n3A_219 : i32
          %select_n3A_230 = arith.select %and3A_228, %add3A_229, %rem3A_220 : i32
          %eq3A_231 = arith.constant 0 : i32
          %eq3A_232 = arith.cmpi eq, %select_n3A_230, %eq3A_231 : i32
          %convert_element_type3A_233 = arith.extui %eq3A_232 : i1 to i32
          %cond3A_234 = arith.constant 0 : i32
          %cond3A_235 = arith.cmpi ne, %convert_element_type3A_233, %cond3A_234 : i32
          scf.if %cond3A_235 {
            %dma_start3A_257 = arith.constant 0 : i32
            %dma_start3A_258 = tpu.memref_slice %arg3[%add3A_214, %dma_start3A_257] : memref<2560x125xi32, #tpu.memory_space<hbm>> -> memref<16x125xi32, #tpu.memory_space<hbm>>
            %dma_start3A_259 = arith.constant 0 : i32
            %dma_start3A_260 = tpu.memref_slice %arg3[%add3A_214, %dma_start3A_259] : memref<2560x125xi32, #tpu.memory_space<hbm>> -> memref<16x125xi32, #tpu.memory_space<hbm>>
            tpu.enqueue_dma source(%dma_start3A_260 : memref<16x125xi32, #tpu.memory_space<hbm>>) target(%arg7 : memref<16x125xi32, #tpu.memory_space<vmem>>) target_semaphore(%arg17 : memref<!tpu.dma_semaphore, #tpu.memory_space<semaphore_mem>>)
            %dma_start3A_261 = arith.constant 0 : i32
            %dma_start3A_262 = tpu.memref_slice %arg4[%add3A_214, %dma_start3A_261] : memref<2560x125xi32, #tpu.memory_space<hbm>> -> memref<16x125xi32, #tpu.memory_space<hbm>>
            %dma_start3A_263 = arith.constant 0 : i32
            %dma_start3A_264 = tpu.memref_slice %arg4[%add3A_214, %dma_start3A_263] : memref<2560x125xi32, #tpu.memory_space<hbm>> -> memref<16x125xi32, #tpu.memory_space<hbm>>
            tpu.enqueue_dma source(%dma_start3A_264 : memref<16x125xi32, #tpu.memory_space<hbm>>) target(%arg8 : memref<16x125xi32, #tpu.memory_space<vmem>>) target_semaphore(%arg17 : memref<!tpu.dma_semaphore, #tpu.memory_space<semaphore_mem>>)
          } else {
          }
          %jit3A_236 = arith.constant 2 : i32
          %eq3A_237 = arith.constant 0 : i32
          %eq3A_238 = arith.cmpi eq, %jit3A_236, %eq3A_237 : i32
          %jit3A_239 = arith.constant 1 : i32
          %select_n3A_240 = arith.select %eq3A_238, %jit3A_239, %jit3A_236 : i32
          %rem3A_241 = arith.remsi %add3A_211, %select_n3A_240 : i32
          %ne3A_242 = arith.constant 0 : i32
          %ne3A_243 = arith.cmpi ne, %rem3A_241, %ne3A_242 : i32
          %lt3A_244 = arith.constant 0 : i32
          %lt3A_245 = arith.cmpi slt, %rem3A_241, %lt3A_244 : i32
          %lt3A_246 = arith.constant 0 : i32
          %lt3A_247 = arith.cmpi slt, %select_n3A_240, %lt3A_246 : i32
          %ne3A_248 = arith.xori %lt3A_245, %lt3A_247 : i1
          %and3A_249 = arith.andi %ne3A_248, %ne3A_243 : i1
          %add3A_250 = arith.addi %rem3A_241, %select_n3A_240 : i32
          %select_n3A_251 = arith.select %and3A_249, %add3A_250, %rem3A_241 : i32
          %eq3A_252 = arith.constant 1 : i32
          %eq3A_253 = arith.cmpi eq, %select_n3A_251, %eq3A_252 : i32
          %convert_element_type3A_254 = arith.extui %eq3A_253 : i1 to i32
          %cond3A_255 = arith.constant 0 : i32
          %cond3A_256 = arith.cmpi ne, %convert_element_type3A_254, %cond3A_255 : i32
          scf.if %cond3A_256 {
            %dma_start3A_257 = arith.constant 0 : i32
            %dma_start3A_258 = tpu.memref_slice %arg3[%add3A_214, %dma_start3A_257] : memref<2560x125xi32, #tpu.memory_space<hbm>> -> memref<16x125xi32, #tpu.memory_space<hbm>>
            %dma_start3A_259 = arith.constant 0 : i32
            %dma_start3A_260 = tpu.memref_slice %arg3[%add3A_214, %dma_start3A_259] : memref<2560x125xi32, #tpu.memory_space<hbm>> -> memref<16x125xi32, #tpu.memory_space<hbm>>
            tpu.enqueue_dma source(%dma_start3A_260 : memref<16x125xi32, #tpu.memory_space<hbm>>) target(%arg9 : memref<16x125xi32, #tpu.memory_space<vmem>>) target_semaphore(%arg17 : memref<!tpu.dma_semaphore, #tpu.memory_space<semaphore_mem>>)
            %dma_start3A_261 = arith.constant 0 : i32
            %dma_start3A_262 = tpu.memref_slice %arg4[%add3A_214, %dma_start3A_261] : memref<2560x125xi32, #tpu.memory_space<hbm>> -> memref<16x125xi32, #tpu.memory_space<hbm>>
            %dma_start3A_263 = arith.constant 0 : i32
            %dma_start3A_264 = tpu.memref_slice %arg4[%add3A_214, %dma_start3A_263] : memref<2560x125xi32, #tpu.memory_space<hbm>> -> memref<16x125xi32, #tpu.memory_space<hbm>>
            tpu.enqueue_dma source(%dma_start3A_264 : memref<16x125xi32, #tpu.memory_space<hbm>>) target(%arg10 : memref<16x125xi32, #tpu.memory_space<vmem>>) target_semaphore(%arg17 : memref<!tpu.dma_semaphore, #tpu.memory_space<semaphore_mem>>)
          } else {
          }
        } else {
        }
        %dma_wait3A_151 = arith.constant 0 : i32
        %dma_wait3A_152 = arith.constant 0 : i32
        %dma_wait3A_153 = tpu.memref_slice %arg7[%dma_wait3A_151, %dma_wait3A_152] : memref<16x125xi32, #tpu.memory_space<vmem>> -> memref<1x125xi32, #tpu.memory_space<vmem>>
        %dma_wait3A_154 = tpu.memref_squeeze %dma_wait3A_153 : memref<1x125xi32, #tpu.memory_space<vmem>> -> memref<125xi32, #tpu.memory_space<vmem>>
        %dma_wait3A_155 = arith.constant 0 : i32
        %dma_wait3A_156 = arith.constant 0 : i32
        %dma_wait3A_157 = tpu.memref_slice %arg2[%scan3A_42, %dma_wait3A_155, %dma_wait3A_156] : memref<2x10240x128xf32, #tpu.memory_space<hbm>> -> memref<1x10240x128xf32, #tpu.memory_space<hbm>>
        %dma_wait3A_158 = tpu.memref_squeeze %dma_wait3A_157 : memref<1x10240x128xf32, #tpu.memory_space<hbm>> -> memref<10240x128xf32, #tpu.memory_space<hbm>>
        %dma_wait3A_159 = arith.constant 0 : i32
        %dma_wait3A_160 = arith.constant 0 : i32
        %dma_wait3A_161 = tpu.memref_slice %dma_wait3A_158[%dma_wait3A_159, %dma_wait3A_160] : memref<10240x128xf32, #tpu.memory_space<hbm>> -> memref<10240x128xf32, #tpu.memory_space<hbm>>
        tpu.wait_indirect_dma semaphore(%arg14 : memref<!tpu.dma_semaphore, #tpu.memory_space<semaphore_mem>>) src(%dma_wait3A_161 : memref<10240x128xf32, #tpu.memory_space<hbm>>) dst(%arg12 : memref<125x128xf32, #tpu.memory_space<vmem>>)
        %dma_wait3A_162 = arith.constant 0 : i32
        %dma_wait3A_163 = arith.constant 0 : i32
        %dma_wait3A_164 = tpu.memref_slice %arg8[%dma_wait3A_162, %dma_wait3A_163] : memref<16x125xi32, #tpu.memory_space<vmem>> -> memref<1x125xi32, #tpu.memory_space<vmem>>
        %dma_wait3A_165 = tpu.memref_squeeze %dma_wait3A_164 : memref<1x125xi32, #tpu.memory_space<vmem>> -> memref<125xi32, #tpu.memory_space<vmem>>
        %dma_wait3A_166 = arith.constant 0 : i32
        %dma_wait3A_167 = arith.constant 0 : i32
        %dma_wait3A_168 = tpu.memref_slice %arg6[%dma_wait3A_166, %dma_wait3A_167] : memref<10240x128xf32, #tpu.memory_space<vmem_shared>> -> memref<10240x128xf32, #tpu.memory_space<vmem_shared>>
        tpu.wait_indirect_dma semaphore(%arg15 : memref<!tpu.dma_semaphore, #tpu.memory_space<semaphore_mem>>) src(%arg11 : memref<125x128xf32, #tpu.memory_space<vmem>>) dst(%dma_wait3A_168 : memref<10240x128xf32, #tpu.memory_space<vmem_shared>>)
        %add3A_169 = arith.constant 1 : i32
        %add3A_170 = arith.addi %sub3A_89, %add3A_169 : i32
        %eq3A_171 = arith.constant 0 : i32
        %eq3A_172 = arith.cmpi eq, %select_n3A_86, %eq3A_171 : i32
        %convert_element_type3A_173 = arith.extui %eq3A_172 : i1 to i32
        %cond3A_174 = arith.constant 0 : i32
        %cond3A_175 = arith.cmpi ne, %convert_element_type3A_173, %cond3A_174 : i32
        scf.if %cond3A_175 {
          %dma_start3A_210 = arith.constant 0 : i32
          %dma_start3A_211 = tpu.memref_slice %arg8[%add3A_170, %dma_start3A_210] : memref<16x125xi32, #tpu.memory_space<vmem>> -> memref<1x125xi32, #tpu.memory_space<vmem>>
          %dma_start3A_212 = tpu.memref_squeeze %dma_start3A_211 : memref<1x125xi32, #tpu.memory_space<vmem>> -> memref<125xi32, #tpu.memory_space<vmem>>
          %dma_start3A_213 = arith.constant 0 : i32
          %dma_start3A_214 = arith.constant 0 : i32
          %dma_start3A_215 = tpu.memref_slice %arg6[%dma_start3A_213, %dma_start3A_214] : memref<10240x128xf32, #tpu.memory_space<vmem_shared>> -> memref<10240x128xf32, #tpu.memory_space<vmem_shared>>
          tpu.enqueue_indirect_dma source(%arg12 : memref<125x128xf32, #tpu.memory_space<vmem>>) target(%dma_start3A_215 : memref<10240x128xf32, #tpu.memory_space<vmem_shared>>) offsets(%dma_start3A_212 : memref<125xi32, #tpu.memory_space<vmem>>) semaphore(%arg16 : memref<!tpu.dma_semaphore, #tpu.memory_space<semaphore_mem>>) {add = true}
        } else {
        }
        %eq3A_176 = arith.constant 1 : i32
        %eq3A_177 = arith.cmpi eq, %select_n3A_86, %eq3A_176 : i32
        %convert_element_type3A_178 = arith.extui %eq3A_177 : i1 to i32
        %cond3A_179 = arith.constant 0 : i32
        %cond3A_180 = arith.cmpi ne, %convert_element_type3A_178, %cond3A_179 : i32
        scf.if %cond3A_180 {
          %dma_start3A_210 = arith.constant 0 : i32
          %dma_start3A_211 = tpu.memref_slice %arg10[%add3A_170, %dma_start3A_210] : memref<16x125xi32, #tpu.memory_space<vmem>> -> memref<1x125xi32, #tpu.memory_space<vmem>>
          %dma_start3A_212 = tpu.memref_squeeze %dma_start3A_211 : memref<1x125xi32, #tpu.memory_space<vmem>> -> memref<125xi32, #tpu.memory_space<vmem>>
          %dma_start3A_213 = arith.constant 0 : i32
          %dma_start3A_214 = arith.constant 0 : i32
          %dma_start3A_215 = tpu.memref_slice %arg6[%dma_start3A_213, %dma_start3A_214] : memref<10240x128xf32, #tpu.memory_space<vmem_shared>> -> memref<10240x128xf32, #tpu.memory_space<vmem_shared>>
          tpu.enqueue_indirect_dma source(%arg12 : memref<125x128xf32, #tpu.memory_space<vmem>>) target(%dma_start3A_215 : memref<10240x128xf32, #tpu.memory_space<vmem_shared>>) offsets(%dma_start3A_212 : memref<125xi32, #tpu.memory_space<vmem>>) semaphore(%arg16 : memref<!tpu.dma_semaphore, #tpu.memory_space<semaphore_mem>>) {add = true}
        } else {
        }
        %jit3A_181 = arith.constant 8 : i32
        %eq3A_182 = arith.constant 0 : i32
        %eq3A_183 = arith.cmpi eq, %jit3A_181, %eq3A_182 : i32
        %jit3A_184 = arith.constant 1 : i32
        %select_n3A_185 = arith.select %eq3A_183, %jit3A_184, %jit3A_181 : i32
        %rem3A_186 = arith.remsi %scan3A_54, %select_n3A_185 : i32
        %ne3A_187 = arith.constant 0 : i32
        %ne3A_188 = arith.cmpi ne, %rem3A_186, %ne3A_187 : i32
        %lt3A_189 = arith.constant 0 : i32
        %lt3A_190 = arith.cmpi slt, %rem3A_186, %lt3A_189 : i32
        %lt3A_191 = arith.constant 0 : i32
        %lt3A_192 = arith.cmpi slt, %select_n3A_185, %lt3A_191 : i32
        %ne3A_193 = arith.xori %lt3A_190, %lt3A_192 : i1
        %and3A_194 = arith.andi %ne3A_193, %ne3A_188 : i1
        %add3A_195 = arith.addi %rem3A_186, %select_n3A_185 : i32
        %select_n3A_196 = arith.select %and3A_194, %add3A_195, %rem3A_186 : i32
        %eq3A_197 = arith.constant 7 : i32
        %eq3A_198 = arith.cmpi eq, %select_n3A_196, %eq3A_197 : i32
        %lt3A_199 = arith.constant 72 : i32
        %lt3A_200 = arith.cmpi slt, %scan3A_54, %lt3A_199 : i32
        %and3A_201 = arith.andi %eq3A_198, %lt3A_200 : i1
        %convert_element_type3A_202 = arith.extui %and3A_201 : i1 to i32
        %cond3A_203 = arith.constant 0 : i32
        %cond3A_204 = arith.cmpi ne, %convert_element_type3A_202, %cond3A_203 : i32
        scf.if %cond3A_204 {
          %dma_wait3A_210 = arith.constant 0 : i32
          %dma_wait3A_211 = arith.constant 0 : i32
          %dma_wait3A_212 = tpu.memref_slice %arg3[%dma_wait3A_210, %dma_wait3A_211] : memref<2560x125xi32, #tpu.memory_space<hbm>> -> memref<16x125xi32, #tpu.memory_space<hbm>>
          %dma_wait3A_213 = arith.constant 0 : i32
          %dma_wait3A_214 = arith.constant 0 : i32
          %dma_wait3A_215 = tpu.memref_slice %arg3[%dma_wait3A_213, %dma_wait3A_214] : memref<2560x125xi32, #tpu.memory_space<hbm>> -> memref<16x125xi32, #tpu.memory_space<hbm>>
          tpu.wait_dma2 semaphore(%arg17 : memref<!tpu.dma_semaphore, #tpu.memory_space<semaphore_mem>>) src(%dma_wait3A_215 : memref<16x125xi32, #tpu.memory_space<hbm>>) dst(%arg7 : memref<16x125xi32, #tpu.memory_space<vmem>>)
          %dma_wait3A_216 = arith.constant 0 : i32
          %dma_wait3A_217 = arith.constant 0 : i32
          %dma_wait3A_218 = tpu.memref_slice %arg4[%dma_wait3A_216, %dma_wait3A_217] : memref<2560x125xi32, #tpu.memory_space<hbm>> -> memref<16x125xi32, #tpu.memory_space<hbm>>
          %dma_wait3A_219 = arith.constant 0 : i32
          %dma_wait3A_220 = arith.constant 0 : i32
          %dma_wait3A_221 = tpu.memref_slice %arg4[%dma_wait3A_219, %dma_wait3A_220] : memref<2560x125xi32, #tpu.memory_space<hbm>> -> memref<16x125xi32, #tpu.memory_space<hbm>>
          tpu.wait_dma2 semaphore(%arg17 : memref<!tpu.dma_semaphore, #tpu.memory_space<semaphore_mem>>) src(%dma_wait3A_221 : memref<16x125xi32, #tpu.memory_space<hbm>>) dst(%arg8 : memref<16x125xi32, #tpu.memory_space<vmem>>)
        } else {
        }
        %lt3A_205 = arith.constant 79 : i32
        %lt3A_206 = arith.cmpi slt, %scan3A_54, %lt3A_205 : i32
        %convert_element_type3A_207 = arith.extui %lt3A_206 : i1 to i32
        %cond3A_208 = arith.constant 0 : i32
        %cond3A_209 = arith.cmpi ne, %convert_element_type3A_207, %cond3A_208 : i32
        scf.if %cond3A_209 {
          %add3A_210 = arith.constant 2 : i32
          %add3A_211 = arith.addi %mul3A_56, %add3A_210 : i32
          %jit3A_212 = arith.constant 16 : i32
          %div3A_213 = arith.divsi %add3A_211, %jit3A_212 : i32
          %sign3A_214 = arith.constant 0 : i32
          %sign3A_215 = arith.cmpi sgt, %add3A_211, %sign3A_214 : i32
          %sign3A_216 = arith.extui %sign3A_215 : i1 to i32
          %sign3A_217 = arith.constant 0 : i32
          %sign3A_218 = arith.cmpi slt, %add3A_211, %sign3A_217 : i32
          %sign3A_219 = arith.extui %sign3A_218 : i1 to i32
          %sign3A_220 = arith.subi %sign3A_216, %sign3A_219 : i32
          %sign3A_221 = arith.constant 0 : i32
          %sign3A_222 = arith.cmpi sgt, %jit3A_212, %sign3A_221 : i32
          %sign3A_223 = arith.extui %sign3A_222 : i1 to i32
          %sign3A_224 = arith.constant 0 : i32
          %sign3A_225 = arith.cmpi slt, %jit3A_212, %sign3A_224 : i32
          %sign3A_226 = arith.extui %sign3A_225 : i1 to i32
          %sign3A_227 = arith.subi %sign3A_223, %sign3A_226 : i32
          %ne3A_228 = arith.cmpi ne, %sign3A_220, %sign3A_227 : i32
          %rem3A_229 = arith.remsi %add3A_211, %jit3A_212 : i32
          %ne3A_230 = arith.constant 0 : i32
          %ne3A_231 = arith.cmpi ne, %rem3A_229, %ne3A_230 : i32
          %and3A_232 = arith.andi %ne3A_228, %ne3A_231 : i1
          %sub3A_233 = arith.constant 1 : i32
          %sub3A_234 = arith.subi %div3A_213, %sub3A_233 : i32
          %select_n3A_235 = arith.select %and3A_232, %sub3A_234, %div3A_213 : i32
          %jit3A_236 = arith.constant 2 : i32
          %eq3A_237 = arith.constant 0 : i32
          %eq3A_238 = arith.cmpi eq, %jit3A_236, %eq3A_237 : i32
          %jit3A_239 = arith.constant 1 : i32
          %select_n3A_240 = arith.select %eq3A_238, %jit3A_239, %jit3A_236 : i32
          %rem3A_241 = arith.remsi %select_n3A_235, %select_n3A_240 : i32
          %ne3A_242 = arith.constant 0 : i32
          %ne3A_243 = arith.cmpi ne, %rem3A_241, %ne3A_242 : i32
          %lt3A_244 = arith.constant 0 : i32
          %lt3A_245 = arith.cmpi slt, %rem3A_241, %lt3A_244 : i32
          %lt3A_246 = arith.constant 0 : i32
          %lt3A_247 = arith.cmpi slt, %select_n3A_240, %lt3A_246 : i32
          %ne3A_248 = arith.xori %lt3A_245, %lt3A_247 : i1
          %and3A_249 = arith.andi %ne3A_248, %ne3A_243 : i1
          %add3A_250 = arith.addi %rem3A_241, %select_n3A_240 : i32
          %select_n3A_251 = arith.select %and3A_249, %add3A_250, %rem3A_241 : i32
          %jit3A_252 = arith.constant 16 : i32
          %eq3A_253 = arith.constant 0 : i32
          %eq3A_254 = arith.cmpi eq, %jit3A_252, %eq3A_253 : i32
          %jit3A_255 = arith.constant 1 : i32
          %select_n3A_256 = arith.select %eq3A_254, %jit3A_255, %jit3A_252 : i32
          %rem3A_257 = arith.remsi %add3A_211, %select_n3A_256 : i32
          %ne3A_258 = arith.constant 0 : i32
          %ne3A_259 = arith.cmpi ne, %rem3A_257, %ne3A_258 : i32
          %lt3A_260 = arith.constant 0 : i32
          %lt3A_261 = arith.cmpi slt, %rem3A_257, %lt3A_260 : i32
          %lt3A_262 = arith.constant 0 : i32
          %lt3A_263 = arith.cmpi slt, %select_n3A_256, %lt3A_262 : i32
          %ne3A_264 = arith.xori %lt3A_261, %lt3A_263 : i1
          %and3A_265 = arith.andi %ne3A_264, %ne3A_259 : i1
          %add3A_266 = arith.addi %rem3A_257, %select_n3A_256 : i32
          %select_n3A_267 = arith.select %and3A_265, %add3A_266, %rem3A_257 : i32
          %eq3A_268 = arith.constant 0 : i32
          %eq3A_269 = arith.cmpi eq, %select_n3A_251, %eq3A_268 : i32
          %convert_element_type3A_270 = arith.extui %eq3A_269 : i1 to i32
          %cond3A_271 = arith.constant 0 : i32
          %cond3A_272 = arith.cmpi ne, %convert_element_type3A_270, %cond3A_271 : i32
          scf.if %cond3A_272 {
            %dma_start3A_278 = arith.constant 0 : i32
            %dma_start3A_279 = tpu.memref_slice %arg7[%select_n3A_267, %dma_start3A_278] : memref<16x125xi32, #tpu.memory_space<vmem>> -> memref<1x125xi32, #tpu.memory_space<vmem>>
            %dma_start3A_280 = tpu.memref_squeeze %dma_start3A_279 : memref<1x125xi32, #tpu.memory_space<vmem>> -> memref<125xi32, #tpu.memory_space<vmem>>
            %dma_start3A_281 = arith.constant 0 : i32
            %dma_start3A_282 = arith.constant 0 : i32
            %dma_start3A_283 = tpu.memref_slice %arg2[%scan3A_42, %dma_start3A_281, %dma_start3A_282] : memref<2x10240x128xf32, #tpu.memory_space<hbm>> -> memref<1x10240x128xf32, #tpu.memory_space<hbm>>
            %dma_start3A_284 = tpu.memref_squeeze %dma_start3A_283 : memref<1x10240x128xf32, #tpu.memory_space<hbm>> -> memref<10240x128xf32, #tpu.memory_space<hbm>>
            %dma_start3A_285 = arith.constant 0 : i32
            %dma_start3A_286 = arith.constant 0 : i32
            %dma_start3A_287 = tpu.memref_slice %dma_start3A_284[%dma_start3A_285, %dma_start3A_286] : memref<10240x128xf32, #tpu.memory_space<hbm>> -> memref<10240x128xf32, #tpu.memory_space<hbm>>
            tpu.enqueue_indirect_dma source(%dma_start3A_287 : memref<10240x128xf32, #tpu.memory_space<hbm>>) target(%arg11 : memref<125x128xf32, #tpu.memory_space<vmem>>) offsets(%dma_start3A_280 : memref<125xi32, #tpu.memory_space<vmem>>) semaphore(%arg13 : memref<!tpu.dma_semaphore, #tpu.memory_space<semaphore_mem>>)
          } else {
          }
          %eq3A_273 = arith.constant 1 : i32
          %eq3A_274 = arith.cmpi eq, %select_n3A_251, %eq3A_273 : i32
          %convert_element_type3A_275 = arith.extui %eq3A_274 : i1 to i32
          %cond3A_276 = arith.constant 0 : i32
          %cond3A_277 = arith.cmpi ne, %convert_element_type3A_275, %cond3A_276 : i32
          scf.if %cond3A_277 {
            %dma_start3A_278 = arith.constant 0 : i32
            %dma_start3A_279 = tpu.memref_slice %arg9[%select_n3A_267, %dma_start3A_278] : memref<16x125xi32, #tpu.memory_space<vmem>> -> memref<1x125xi32, #tpu.memory_space<vmem>>
            %dma_start3A_280 = tpu.memref_squeeze %dma_start3A_279 : memref<1x125xi32, #tpu.memory_space<vmem>> -> memref<125xi32, #tpu.memory_space<vmem>>
            %dma_start3A_281 = arith.constant 0 : i32
            %dma_start3A_282 = arith.constant 0 : i32
            %dma_start3A_283 = tpu.memref_slice %arg2[%scan3A_42, %dma_start3A_281, %dma_start3A_282] : memref<2x10240x128xf32, #tpu.memory_space<hbm>> -> memref<1x10240x128xf32, #tpu.memory_space<hbm>>
            %dma_start3A_284 = tpu.memref_squeeze %dma_start3A_283 : memref<1x10240x128xf32, #tpu.memory_space<hbm>> -> memref<10240x128xf32, #tpu.memory_space<hbm>>
            %dma_start3A_285 = arith.constant 0 : i32
            %dma_start3A_286 = arith.constant 0 : i32
            %dma_start3A_287 = tpu.memref_slice %dma_start3A_284[%dma_start3A_285, %dma_start3A_286] : memref<10240x128xf32, #tpu.memory_space<hbm>> -> memref<10240x128xf32, #tpu.memory_space<hbm>>
            tpu.enqueue_indirect_dma source(%dma_start3A_287 : memref<10240x128xf32, #tpu.memory_space<hbm>>) target(%arg11 : memref<125x128xf32, #tpu.memory_space<vmem>>) offsets(%dma_start3A_280 : memref<125xi32, #tpu.memory_space<vmem>>) semaphore(%arg13 : memref<!tpu.dma_semaphore, #tpu.memory_space<semaphore_mem>>)
          } else {
          }
        } else {
        }
      }
      %scan3A_47 = arith.constant 80 : i32
      %dma_wait3A = arith.constant 0 : i32
      %dma_wait3A_48 = arith.constant 0 : i32
      %dma_wait3A_49 = tpu.memref_slice %arg8[%dma_wait3A, %dma_wait3A_48] : memref<16x125xi32, #tpu.memory_space<vmem>> -> memref<1x125xi32, #tpu.memory_space<vmem>>
      %dma_wait3A_50 = tpu.memref_squeeze %dma_wait3A_49 : memref<1x125xi32, #tpu.memory_space<vmem>> -> memref<125xi32, #tpu.memory_space<vmem>>
      %dma_wait3A_51 = arith.constant 0 : i32
      %dma_wait3A_52 = arith.constant 0 : i32
      %dma_wait3A_53 = tpu.memref_slice %arg6[%dma_wait3A_51, %dma_wait3A_52] : memref<10240x128xf32, #tpu.memory_space<vmem_shared>> -> memref<10240x128xf32, #tpu.memory_space<vmem_shared>>
      tpu.wait_indirect_dma semaphore(%arg16 : memref<!tpu.dma_semaphore, #tpu.memory_space<semaphore_mem>>) src(%arg12 : memref<125x128xf32, #tpu.memory_space<vmem>>) dst(%dma_wait3A_53 : memref<10240x128xf32, #tpu.memory_space<vmem_shared>>)
    } else {
    }
    %eq3A_15 = arith.constant 1 : i32
    %eq3A_16 = arith.cmpi eq, %arg0, %eq3A_15 : i32
    %convert_element_type3A_17 = arith.extui %eq3A_16 : i1 to i32
    %cond3A_18 = arith.constant 0 : i32
    %cond3A_19 = arith.cmpi ne, %convert_element_type3A_17, %cond3A_18 : i32
    scf.if %cond3A_19 {
      "tpu.region"() ({
        %run_scoped3A = tpu.sem_alloc : memref<!tpu.dma_semaphore, #tpu.memory_space<semaphore_mem>>
        %dma_start3A_54 = arith.constant 0 : i32
        %dma_start3A_55 = tpu.memref_slice %arg3[%mul3A_2, %dma_start3A_54] : memref<2560x125xi32, #tpu.memory_space<hbm>> -> memref<16x125xi32, #tpu.memory_space<hbm>>
        %dma_start3A_56 = arith.constant 0 : i32
        %dma_start3A_57 = tpu.memref_slice %arg3[%mul3A_2, %dma_start3A_56] : memref<2560x125xi32, #tpu.memory_space<hbm>> -> memref<16x125xi32, #tpu.memory_space<hbm>>
        tpu.enqueue_dma source(%dma_start3A_57 : memref<16x125xi32, #tpu.memory_space<hbm>>) target(%arg7 : memref<16x125xi32, #tpu.memory_space<vmem>>) target_semaphore(%run_scoped3A : memref<!tpu.dma_semaphore, #tpu.memory_space<semaphore_mem>>)
        %dma_wait3A_58 = arith.constant 0 : i32
        %dma_wait3A_59 = tpu.memref_slice %arg3[%mul3A_2, %dma_wait3A_58] : memref<2560x125xi32, #tpu.memory_space<hbm>> -> memref<16x125xi32, #tpu.memory_space<hbm>>
        %dma_wait3A_60 = arith.constant 0 : i32
        %dma_wait3A_61 = tpu.memref_slice %arg3[%mul3A_2, %dma_wait3A_60] : memref<2560x125xi32, #tpu.memory_space<hbm>> -> memref<16x125xi32, #tpu.memory_space<hbm>>
        tpu.wait_dma2 semaphore(%run_scoped3A : memref<!tpu.dma_semaphore, #tpu.memory_space<semaphore_mem>>) src(%dma_wait3A_61 : memref<16x125xi32, #tpu.memory_space<hbm>>) dst(%arg7 : memref<16x125xi32, #tpu.memory_space<vmem>>)
        tpu.yield
      }) : () -> ()
      "tpu.region"() ({
        %run_scoped3A = tpu.sem_alloc : memref<!tpu.dma_semaphore, #tpu.memory_space<semaphore_mem>>
        %dma_start3A_54 = arith.constant 0 : i32
        %dma_start3A_55 = tpu.memref_slice %arg4[%mul3A_2, %dma_start3A_54] : memref<2560x125xi32, #tpu.memory_space<hbm>> -> memref<16x125xi32, #tpu.memory_space<hbm>>
        %dma_start3A_56 = arith.constant 0 : i32
        %dma_start3A_57 = tpu.memref_slice %arg4[%mul3A_2, %dma_start3A_56] : memref<2560x125xi32, #tpu.memory_space<hbm>> -> memref<16x125xi32, #tpu.memory_space<hbm>>
        tpu.enqueue_dma source(%dma_start3A_57 : memref<16x125xi32, #tpu.memory_space<hbm>>) target(%arg8 : memref<16x125xi32, #tpu.memory_space<vmem>>) target_semaphore(%run_scoped3A : memref<!tpu.dma_semaphore, #tpu.memory_space<semaphore_mem>>)
        %dma_wait3A_58 = arith.constant 0 : i32
        %dma_wait3A_59 = tpu.memref_slice %arg4[%mul3A_2, %dma_wait3A_58] : memref<2560x125xi32, #tpu.memory_space<hbm>> -> memref<16x125xi32, #tpu.memory_space<hbm>>
        %dma_wait3A_60 = arith.constant 0 : i32
        %dma_wait3A_61 = tpu.memref_slice %arg4[%mul3A_2, %dma_wait3A_60] : memref<2560x125xi32, #tpu.memory_space<hbm>> -> memref<16x125xi32, #tpu.memory_space<hbm>>
        tpu.wait_dma2 semaphore(%run_scoped3A : memref<!tpu.dma_semaphore, #tpu.memory_space<semaphore_mem>>) src(%dma_wait3A_61 : memref<16x125xi32, #tpu.memory_space<hbm>>) dst(%arg8 : memref<16x125xi32, #tpu.memory_space<vmem>>)
        tpu.yield
      }) : () -> ()
      %dma_start3A = arith.constant 1 : i32
      %dma_start3A_31 = arith.constant 0 : i32
      %dma_start3A_32 = arith.constant 0 : i32
      %dma_start3A_33 = tpu.memref_slice %arg7[%dma_start3A_31, %dma_start3A_32] : memref<16x125xi32, #tpu.memory_space<vmem>> -> memref<1x125xi32, #tpu.memory_space<vmem>>
      %dma_start3A_34 = tpu.memref_squeeze %dma_start3A_33 : memref<1x125xi32, #tpu.memory_space<vmem>> -> memref<125xi32, #tpu.memory_space<vmem>>
      %dma_start3A_35 = arith.constant 0 : i32
      %dma_start3A_36 = arith.constant 0 : i32
      %dma_start3A_37 = tpu.memref_slice %arg2[%dma_start3A, %dma_start3A_35, %dma_start3A_36] : memref<2x10240x128xf32, #tpu.memory_space<hbm>> -> memref<1x10240x128xf32, #tpu.memory_space<hbm>>
      %dma_start3A_38 = tpu.memref_squeeze %dma_start3A_37 : memref<1x10240x128xf32, #tpu.memory_space<hbm>> -> memref<10240x128xf32, #tpu.memory_space<hbm>>
      %dma_start3A_39 = arith.constant 0 : i32
      %dma_start3A_40 = arith.constant 0 : i32
      %dma_start3A_41 = tpu.memref_slice %dma_start3A_38[%dma_start3A_39, %dma_start3A_40] : memref<10240x128xf32, #tpu.memory_space<hbm>> -> memref<10240x128xf32, #tpu.memory_space<hbm>>
      tpu.enqueue_indirect_dma source(%dma_start3A_41 : memref<10240x128xf32, #tpu.memory_space<hbm>>) target(%arg11 : memref<125x128xf32, #tpu.memory_space<vmem>>) offsets(%dma_start3A_34 : memref<125xi32, #tpu.memory_space<vmem>>) semaphore(%arg13 : memref<!tpu.dma_semaphore, #tpu.memory_space<semaphore_mem>>)
      %scan3A = arith.constant 0 : i32
      %scan3A_42 = arith.constant 1 : i32
      %scan3A_43 = arith.constant 0 : i32
      %scan3A_44 = arith.constant 80 : i32
      %scan3A_45 = arith.addi %scan3A_43, %scan3A_44 : i32
      %scan3A_46 = arith.constant 1 : i32
      scf.for %scan3A_54 = %scan3A_43 to %scan3A_45 step %scan3A_46  : i32 {
        %mul3A_55 = arith.constant 2 : i32
        %mul3A_56 = arith.muli %mul3A_55, %scan3A_54 : i32
        %jit3A = arith.constant 16 : i32
        %div3A = arith.divsi %mul3A_56, %jit3A : i32
        %sign3A = arith.constant 0 : i32
        %sign3A_57 = arith.cmpi sgt, %mul3A_56, %sign3A : i32
        %sign3A_58 = arith.extui %sign3A_57 : i1 to i32
        %sign3A_59 = arith.constant 0 : i32
        %sign3A_60 = arith.cmpi slt, %mul3A_56, %sign3A_59 : i32
        %sign3A_61 = arith.extui %sign3A_60 : i1 to i32
        %sign3A_62 = arith.subi %sign3A_58, %sign3A_61 : i32
        %sign3A_63 = arith.constant 0 : i32
        %sign3A_64 = arith.cmpi sgt, %jit3A, %sign3A_63 : i32
        %sign3A_65 = arith.extui %sign3A_64 : i1 to i32
        %sign3A_66 = arith.constant 0 : i32
        %sign3A_67 = arith.cmpi slt, %jit3A, %sign3A_66 : i32
        %sign3A_68 = arith.extui %sign3A_67 : i1 to i32
        %sign3A_69 = arith.subi %sign3A_65, %sign3A_68 : i32
        %ne3A = arith.cmpi ne, %sign3A_62, %sign3A_69 : i32
        %rem3A = arith.remsi %mul3A_56, %jit3A : i32
        %ne3A_70 = arith.constant 0 : i32
        %ne3A_71 = arith.cmpi ne, %rem3A, %ne3A_70 : i32
        %and3A = arith.andi %ne3A, %ne3A_71 : i1
        %sub3A = arith.constant 1 : i32
        %sub3A_72 = arith.subi %div3A, %sub3A : i32
        %select_n3A = arith.select %and3A, %sub3A_72, %div3A : i32
        %jit3A_73 = arith.constant 2 : i32
        %eq3A_74 = arith.constant 0 : i32
        %eq3A_75 = arith.cmpi eq, %jit3A_73, %eq3A_74 : i32
        %jit3A_76 = arith.constant 1 : i32
        %select_n3A_77 = arith.select %eq3A_75, %jit3A_76, %jit3A_73 : i32
        %rem3A_78 = arith.remsi %select_n3A, %select_n3A_77 : i32
        %ne3A_79 = arith.constant 0 : i32
        %ne3A_80 = arith.cmpi ne, %rem3A_78, %ne3A_79 : i32
        %lt3A = arith.constant 0 : i32
        %lt3A_81 = arith.cmpi slt, %rem3A_78, %lt3A : i32
        %lt3A_82 = arith.constant 0 : i32
        %lt3A_83 = arith.cmpi slt, %select_n3A_77, %lt3A_82 : i32
        %ne3A_84 = arith.xori %lt3A_81, %lt3A_83 : i1
        %and3A_85 = arith.andi %ne3A_84, %ne3A_80 : i1
        %add3A = arith.addi %rem3A_78, %select_n3A_77 : i32
        %select_n3A_86 = arith.select %and3A_85, %add3A, %rem3A_78 : i32
        %mul3A_87 = arith.constant 16 : i32
        %mul3A_88 = arith.muli %select_n3A, %mul3A_87 : i32
        %sub3A_89 = arith.subi %mul3A_56, %mul3A_88 : i32
        %dma_wait3A_90 = arith.constant 0 : i32
        %dma_wait3A_91 = arith.constant 0 : i32
        %dma_wait3A_92 = tpu.memref_slice %arg7[%dma_wait3A_90, %dma_wait3A_91] : memref<16x125xi32, #tpu.memory_space<vmem>> -> memref<1x125xi32, #tpu.memory_space<vmem>>
        %dma_wait3A_93 = tpu.memref_squeeze %dma_wait3A_92 : memref<1x125xi32, #tpu.memory_space<vmem>> -> memref<125xi32, #tpu.memory_space<vmem>>
        %dma_wait3A_94 = arith.constant 0 : i32
        %dma_wait3A_95 = arith.constant 0 : i32
        %dma_wait3A_96 = tpu.memref_slice %arg2[%scan3A_42, %dma_wait3A_94, %dma_wait3A_95] : memref<2x10240x128xf32, #tpu.memory_space<hbm>> -> memref<1x10240x128xf32, #tpu.memory_space<hbm>>
        %dma_wait3A_97 = tpu.memref_squeeze %dma_wait3A_96 : memref<1x10240x128xf32, #tpu.memory_space<hbm>> -> memref<10240x128xf32, #tpu.memory_space<hbm>>
        %dma_wait3A_98 = arith.constant 0 : i32
        %dma_wait3A_99 = arith.constant 0 : i32
        %dma_wait3A_100 = tpu.memref_slice %dma_wait3A_97[%dma_wait3A_98, %dma_wait3A_99] : memref<10240x128xf32, #tpu.memory_space<hbm>> -> memref<10240x128xf32, #tpu.memory_space<hbm>>
        tpu.wait_indirect_dma semaphore(%arg13 : memref<!tpu.dma_semaphore, #tpu.memory_space<semaphore_mem>>) src(%dma_wait3A_100 : memref<10240x128xf32, #tpu.memory_space<hbm>>) dst(%arg11 : memref<125x128xf32, #tpu.memory_space<vmem>>)
        %gt3A = arith.constant 0 : i32
        %gt3A_101 = arith.cmpi sgt, %scan3A_54, %gt3A : i32
        %convert_element_type3A_102 = arith.extui %gt3A_101 : i1 to i32
        %cond3A_103 = arith.constant 0 : i32
        %cond3A_104 = arith.cmpi ne, %convert_element_type3A_102, %cond3A_103 : i32
        scf.if %cond3A_104 {
          %dma_wait3A_210 = arith.constant 0 : i32
          %dma_wait3A_211 = arith.constant 0 : i32
          %dma_wait3A_212 = tpu.memref_slice %arg8[%dma_wait3A_210, %dma_wait3A_211] : memref<16x125xi32, #tpu.memory_space<vmem>> -> memref<1x125xi32, #tpu.memory_space<vmem>>
          %dma_wait3A_213 = tpu.memref_squeeze %dma_wait3A_212 : memref<1x125xi32, #tpu.memory_space<vmem>> -> memref<125xi32, #tpu.memory_space<vmem>>
          %dma_wait3A_214 = arith.constant 0 : i32
          %dma_wait3A_215 = arith.constant 0 : i32
          %dma_wait3A_216 = tpu.memref_slice %arg6[%dma_wait3A_214, %dma_wait3A_215] : memref<10240x128xf32, #tpu.memory_space<vmem_shared>> -> memref<10240x128xf32, #tpu.memory_space<vmem_shared>>
          tpu.wait_indirect_dma semaphore(%arg16 : memref<!tpu.dma_semaphore, #tpu.memory_space<semaphore_mem>>) src(%arg12 : memref<125x128xf32, #tpu.memory_space<vmem>>) dst(%dma_wait3A_216 : memref<10240x128xf32, #tpu.memory_space<vmem_shared>>)
        } else {
        }
        %eq3A_105 = arith.constant 0 : i32
        %eq3A_106 = arith.cmpi eq, %select_n3A_86, %eq3A_105 : i32
        %convert_element_type3A_107 = arith.extui %eq3A_106 : i1 to i32
        %cond3A_108 = arith.constant 0 : i32
        %cond3A_109 = arith.cmpi ne, %convert_element_type3A_107, %cond3A_108 : i32
        scf.if %cond3A_109 {
          %dma_start3A_210 = arith.constant 0 : i32
          %dma_start3A_211 = tpu.memref_slice %arg8[%sub3A_89, %dma_start3A_210] : memref<16x125xi32, #tpu.memory_space<vmem>> -> memref<1x125xi32, #tpu.memory_space<vmem>>
          %dma_start3A_212 = tpu.memref_squeeze %dma_start3A_211 : memref<1x125xi32, #tpu.memory_space<vmem>> -> memref<125xi32, #tpu.memory_space<vmem>>
          %dma_start3A_213 = arith.constant 0 : i32
          %dma_start3A_214 = arith.constant 0 : i32
          %dma_start3A_215 = tpu.memref_slice %arg6[%dma_start3A_213, %dma_start3A_214] : memref<10240x128xf32, #tpu.memory_space<vmem_shared>> -> memref<10240x128xf32, #tpu.memory_space<vmem_shared>>
          tpu.enqueue_indirect_dma source(%arg11 : memref<125x128xf32, #tpu.memory_space<vmem>>) target(%dma_start3A_215 : memref<10240x128xf32, #tpu.memory_space<vmem_shared>>) offsets(%dma_start3A_212 : memref<125xi32, #tpu.memory_space<vmem>>) semaphore(%arg15 : memref<!tpu.dma_semaphore, #tpu.memory_space<semaphore_mem>>) {add = true}
        } else {
        }
        %eq3A_110 = arith.constant 1 : i32
        %eq3A_111 = arith.cmpi eq, %select_n3A_86, %eq3A_110 : i32
        %convert_element_type3A_112 = arith.extui %eq3A_111 : i1 to i32
        %cond3A_113 = arith.constant 0 : i32
        %cond3A_114 = arith.cmpi ne, %convert_element_type3A_112, %cond3A_113 : i32
        scf.if %cond3A_114 {
          %dma_start3A_210 = arith.constant 0 : i32
          %dma_start3A_211 = tpu.memref_slice %arg10[%sub3A_89, %dma_start3A_210] : memref<16x125xi32, #tpu.memory_space<vmem>> -> memref<1x125xi32, #tpu.memory_space<vmem>>
          %dma_start3A_212 = tpu.memref_squeeze %dma_start3A_211 : memref<1x125xi32, #tpu.memory_space<vmem>> -> memref<125xi32, #tpu.memory_space<vmem>>
          %dma_start3A_213 = arith.constant 0 : i32
          %dma_start3A_214 = arith.constant 0 : i32
          %dma_start3A_215 = tpu.memref_slice %arg6[%dma_start3A_213, %dma_start3A_214] : memref<10240x128xf32, #tpu.memory_space<vmem_shared>> -> memref<10240x128xf32, #tpu.memory_space<vmem_shared>>
          tpu.enqueue_indirect_dma source(%arg11 : memref<125x128xf32, #tpu.memory_space<vmem>>) target(%dma_start3A_215 : memref<10240x128xf32, #tpu.memory_space<vmem_shared>>) offsets(%dma_start3A_212 : memref<125xi32, #tpu.memory_space<vmem>>) semaphore(%arg15 : memref<!tpu.dma_semaphore, #tpu.memory_space<semaphore_mem>>) {add = true}
        } else {
        }
        %add3A_115 = arith.constant 1 : i32
        %add3A_116 = arith.addi %sub3A_89, %add3A_115 : i32
        %eq3A_117 = arith.constant 0 : i32
        %eq3A_118 = arith.cmpi eq, %select_n3A_86, %eq3A_117 : i32
        %convert_element_type3A_119 = arith.extui %eq3A_118 : i1 to i32
        %cond3A_120 = arith.constant 0 : i32
        %cond3A_121 = arith.cmpi ne, %convert_element_type3A_119, %cond3A_120 : i32
        scf.if %cond3A_121 {
          %dma_start3A_210 = arith.constant 0 : i32
          %dma_start3A_211 = tpu.memref_slice %arg7[%add3A_116, %dma_start3A_210] : memref<16x125xi32, #tpu.memory_space<vmem>> -> memref<1x125xi32, #tpu.memory_space<vmem>>
          %dma_start3A_212 = tpu.memref_squeeze %dma_start3A_211 : memref<1x125xi32, #tpu.memory_space<vmem>> -> memref<125xi32, #tpu.memory_space<vmem>>
          %dma_start3A_213 = arith.constant 0 : i32
          %dma_start3A_214 = arith.constant 0 : i32
          %dma_start3A_215 = tpu.memref_slice %arg2[%scan3A_42, %dma_start3A_213, %dma_start3A_214] : memref<2x10240x128xf32, #tpu.memory_space<hbm>> -> memref<1x10240x128xf32, #tpu.memory_space<hbm>>
          %dma_start3A_216 = tpu.memref_squeeze %dma_start3A_215 : memref<1x10240x128xf32, #tpu.memory_space<hbm>> -> memref<10240x128xf32, #tpu.memory_space<hbm>>
          %dma_start3A_217 = arith.constant 0 : i32
          %dma_start3A_218 = arith.constant 0 : i32
          %dma_start3A_219 = tpu.memref_slice %dma_start3A_216[%dma_start3A_217, %dma_start3A_218] : memref<10240x128xf32, #tpu.memory_space<hbm>> -> memref<10240x128xf32, #tpu.memory_space<hbm>>
          tpu.enqueue_indirect_dma source(%dma_start3A_219 : memref<10240x128xf32, #tpu.memory_space<hbm>>) target(%arg12 : memref<125x128xf32, #tpu.memory_space<vmem>>) offsets(%dma_start3A_212 : memref<125xi32, #tpu.memory_space<vmem>>) semaphore(%arg14 : memref<!tpu.dma_semaphore, #tpu.memory_space<semaphore_mem>>)
        } else {
        }
        %eq3A_122 = arith.constant 1 : i32
        %eq3A_123 = arith.cmpi eq, %select_n3A_86, %eq3A_122 : i32
        %convert_element_type3A_124 = arith.extui %eq3A_123 : i1 to i32
        %cond3A_125 = arith.constant 0 : i32
        %cond3A_126 = arith.cmpi ne, %convert_element_type3A_124, %cond3A_125 : i32
        scf.if %cond3A_126 {
          %dma_start3A_210 = arith.constant 0 : i32
          %dma_start3A_211 = tpu.memref_slice %arg9[%add3A_116, %dma_start3A_210] : memref<16x125xi32, #tpu.memory_space<vmem>> -> memref<1x125xi32, #tpu.memory_space<vmem>>
          %dma_start3A_212 = tpu.memref_squeeze %dma_start3A_211 : memref<1x125xi32, #tpu.memory_space<vmem>> -> memref<125xi32, #tpu.memory_space<vmem>>
          %dma_start3A_213 = arith.constant 0 : i32
          %dma_start3A_214 = arith.constant 0 : i32
          %dma_start3A_215 = tpu.memref_slice %arg2[%scan3A_42, %dma_start3A_213, %dma_start3A_214] : memref<2x10240x128xf32, #tpu.memory_space<hbm>> -> memref<1x10240x128xf32, #tpu.memory_space<hbm>>
          %dma_start3A_216 = tpu.memref_squeeze %dma_start3A_215 : memref<1x10240x128xf32, #tpu.memory_space<hbm>> -> memref<10240x128xf32, #tpu.memory_space<hbm>>
          %dma_start3A_217 = arith.constant 0 : i32
          %dma_start3A_218 = arith.constant 0 : i32
          %dma_start3A_219 = tpu.memref_slice %dma_start3A_216[%dma_start3A_217, %dma_start3A_218] : memref<10240x128xf32, #tpu.memory_space<hbm>> -> memref<10240x128xf32, #tpu.memory_space<hbm>>
          tpu.enqueue_indirect_dma source(%dma_start3A_219 : memref<10240x128xf32, #tpu.memory_space<hbm>>) target(%arg12 : memref<125x128xf32, #tpu.memory_space<vmem>>) offsets(%dma_start3A_212 : memref<125xi32, #tpu.memory_space<vmem>>) semaphore(%arg14 : memref<!tpu.dma_semaphore, #tpu.memory_space<semaphore_mem>>)
        } else {
        }
        %jit3A_127 = arith.constant 8 : i32
        %eq3A_128 = arith.constant 0 : i32
        %eq3A_129 = arith.cmpi eq, %jit3A_127, %eq3A_128 : i32
        %jit3A_130 = arith.constant 1 : i32
        %select_n3A_131 = arith.select %eq3A_129, %jit3A_130, %jit3A_127 : i32
        %rem3A_132 = arith.remsi %scan3A_54, %select_n3A_131 : i32
        %ne3A_133 = arith.constant 0 : i32
        %ne3A_134 = arith.cmpi ne, %rem3A_132, %ne3A_133 : i32
        %lt3A_135 = arith.constant 0 : i32
        %lt3A_136 = arith.cmpi slt, %rem3A_132, %lt3A_135 : i32
        %lt3A_137 = arith.constant 0 : i32
        %lt3A_138 = arith.cmpi slt, %select_n3A_131, %lt3A_137 : i32
        %ne3A_139 = arith.xori %lt3A_136, %lt3A_138 : i1
        %and3A_140 = arith.andi %ne3A_139, %ne3A_134 : i1
        %add3A_141 = arith.addi %rem3A_132, %select_n3A_131 : i32
        %select_n3A_142 = arith.select %and3A_140, %add3A_141, %rem3A_132 : i32
        %eq3A_143 = arith.constant 1 : i32
        %eq3A_144 = arith.cmpi eq, %select_n3A_142, %eq3A_143 : i32
        %lt3A_145 = arith.constant 9 : i32
        %lt3A_146 = arith.cmpi slt, %select_n3A, %lt3A_145 : i32
        %and3A_147 = arith.andi %eq3A_144, %lt3A_146 : i1
        %convert_element_type3A_148 = arith.extui %and3A_147 : i1 to i32
        %cond3A_149 = arith.constant 0 : i32
        %cond3A_150 = arith.cmpi ne, %convert_element_type3A_148, %cond3A_149 : i32
        scf.if %cond3A_150 {
          %add3A_210 = arith.constant 1 : i32
          %add3A_211 = arith.addi %select_n3A, %add3A_210 : i32
          %mul3A_212 = arith.constant 16 : i32
          %mul3A_213 = arith.muli %add3A_211, %mul3A_212 : i32
          %add3A_214 = arith.addi %mul3A_2, %mul3A_213 : i32
          %jit3A_215 = arith.constant 2 : i32
          %eq3A_216 = arith.constant 0 : i32
          %eq3A_217 = arith.cmpi eq, %jit3A_215, %eq3A_216 : i32
          %jit3A_218 = arith.constant 1 : i32
          %select_n3A_219 = arith.select %eq3A_217, %jit3A_218, %jit3A_215 : i32
          %rem3A_220 = arith.remsi %add3A_211, %select_n3A_219 : i32
          %ne3A_221 = arith.constant 0 : i32
          %ne3A_222 = arith.cmpi ne, %rem3A_220, %ne3A_221 : i32
          %lt3A_223 = arith.constant 0 : i32
          %lt3A_224 = arith.cmpi slt, %rem3A_220, %lt3A_223 : i32
          %lt3A_225 = arith.constant 0 : i32
          %lt3A_226 = arith.cmpi slt, %select_n3A_219, %lt3A_225 : i32
          %ne3A_227 = arith.xori %lt3A_224, %lt3A_226 : i1
          %and3A_228 = arith.andi %ne3A_227, %ne3A_222 : i1
          %add3A_229 = arith.addi %rem3A_220, %select_n3A_219 : i32
          %select_n3A_230 = arith.select %and3A_228, %add3A_229, %rem3A_220 : i32
          %eq3A_231 = arith.constant 0 : i32
          %eq3A_232 = arith.cmpi eq, %select_n3A_230, %eq3A_231 : i32
          %convert_element_type3A_233 = arith.extui %eq3A_232 : i1 to i32
          %cond3A_234 = arith.constant 0 : i32
          %cond3A_235 = arith.cmpi ne, %convert_element_type3A_233, %cond3A_234 : i32
          scf.if %cond3A_235 {
            %dma_start3A_257 = arith.constant 0 : i32
            %dma_start3A_258 = tpu.memref_slice %arg3[%add3A_214, %dma_start3A_257] : memref<2560x125xi32, #tpu.memory_space<hbm>> -> memref<16x125xi32, #tpu.memory_space<hbm>>
            %dma_start3A_259 = arith.constant 0 : i32
            %dma_start3A_260 = tpu.memref_slice %arg3[%add3A_214, %dma_start3A_259] : memref<2560x125xi32, #tpu.memory_space<hbm>> -> memref<16x125xi32, #tpu.memory_space<hbm>>
            tpu.enqueue_dma source(%dma_start3A_260 : memref<16x125xi32, #tpu.memory_space<hbm>>) target(%arg7 : memref<16x125xi32, #tpu.memory_space<vmem>>) target_semaphore(%arg17 : memref<!tpu.dma_semaphore, #tpu.memory_space<semaphore_mem>>)
            %dma_start3A_261 = arith.constant 0 : i32
            %dma_start3A_262 = tpu.memref_slice %arg4[%add3A_214, %dma_start3A_261] : memref<2560x125xi32, #tpu.memory_space<hbm>> -> memref<16x125xi32, #tpu.memory_space<hbm>>
            %dma_start3A_263 = arith.constant 0 : i32
            %dma_start3A_264 = tpu.memref_slice %arg4[%add3A_214, %dma_start3A_263] : memref<2560x125xi32, #tpu.memory_space<hbm>> -> memref<16x125xi32, #tpu.memory_space<hbm>>
            tpu.enqueue_dma source(%dma_start3A_264 : memref<16x125xi32, #tpu.memory_space<hbm>>) target(%arg8 : memref<16x125xi32, #tpu.memory_space<vmem>>) target_semaphore(%arg17 : memref<!tpu.dma_semaphore, #tpu.memory_space<semaphore_mem>>)
          } else {
          }
          %jit3A_236 = arith.constant 2 : i32
          %eq3A_237 = arith.constant 0 : i32
          %eq3A_238 = arith.cmpi eq, %jit3A_236, %eq3A_237 : i32
          %jit3A_239 = arith.constant 1 : i32
          %select_n3A_240 = arith.select %eq3A_238, %jit3A_239, %jit3A_236 : i32
          %rem3A_241 = arith.remsi %add3A_211, %select_n3A_240 : i32
          %ne3A_242 = arith.constant 0 : i32
          %ne3A_243 = arith.cmpi ne, %rem3A_241, %ne3A_242 : i32
          %lt3A_244 = arith.constant 0 : i32
          %lt3A_245 = arith.cmpi slt, %rem3A_241, %lt3A_244 : i32
          %lt3A_246 = arith.constant 0 : i32
          %lt3A_247 = arith.cmpi slt, %select_n3A_240, %lt3A_246 : i32
          %ne3A_248 = arith.xori %lt3A_245, %lt3A_247 : i1
          %and3A_249 = arith.andi %ne3A_248, %ne3A_243 : i1
          %add3A_250 = arith.addi %rem3A_241, %select_n3A_240 : i32
          %select_n3A_251 = arith.select %and3A_249, %add3A_250, %rem3A_241 : i32
          %eq3A_252 = arith.constant 1 : i32
          %eq3A_253 = arith.cmpi eq, %select_n3A_251, %eq3A_252 : i32
          %convert_element_type3A_254 = arith.extui %eq3A_253 : i1 to i32
          %cond3A_255 = arith.constant 0 : i32
          %cond3A_256 = arith.cmpi ne, %convert_element_type3A_254, %cond3A_255 : i32
          scf.if %cond3A_256 {
            %dma_start3A_257 = arith.constant 0 : i32
            %dma_start3A_258 = tpu.memref_slice %arg3[%add3A_214, %dma_start3A_257] : memref<2560x125xi32, #tpu.memory_space<hbm>> -> memref<16x125xi32, #tpu.memory_space<hbm>>
            %dma_start3A_259 = arith.constant 0 : i32
            %dma_start3A_260 = tpu.memref_slice %arg3[%add3A_214, %dma_start3A_259] : memref<2560x125xi32, #tpu.memory_space<hbm>> -> memref<16x125xi32, #tpu.memory_space<hbm>>
            tpu.enqueue_dma source(%dma_start3A_260 : memref<16x125xi32, #tpu.memory_space<hbm>>) target(%arg9 : memref<16x125xi32, #tpu.memory_space<vmem>>) target_semaphore(%arg17 : memref<!tpu.dma_semaphore, #tpu.memory_space<semaphore_mem>>)
            %dma_start3A_261 = arith.constant 0 : i32
            %dma_start3A_262 = tpu.memref_slice %arg4[%add3A_214, %dma_start3A_261] : memref<2560x125xi32, #tpu.memory_space<hbm>> -> memref<16x125xi32, #tpu.memory_space<hbm>>
            %dma_start3A_263 = arith.constant 0 : i32
            %dma_start3A_264 = tpu.memref_slice %arg4[%add3A_214, %dma_start3A_263] : memref<2560x125xi32, #tpu.memory_space<hbm>> -> memref<16x125xi32, #tpu.memory_space<hbm>>
            tpu.enqueue_dma source(%dma_start3A_264 : memref<16x125xi32, #tpu.memory_space<hbm>>) target(%arg10 : memref<16x125xi32, #tpu.memory_space<vmem>>) target_semaphore(%arg17 : memref<!tpu.dma_semaphore, #tpu.memory_space<semaphore_mem>>)
          } else {
          }
        } else {
        }
        %dma_wait3A_151 = arith.constant 0 : i32
        %dma_wait3A_152 = arith.constant 0 : i32
        %dma_wait3A_153 = tpu.memref_slice %arg7[%dma_wait3A_151, %dma_wait3A_152] : memref<16x125xi32, #tpu.memory_space<vmem>> -> memref<1x125xi32, #tpu.memory_space<vmem>>
        %dma_wait3A_154 = tpu.memref_squeeze %dma_wait3A_153 : memref<1x125xi32, #tpu.memory_space<vmem>> -> memref<125xi32, #tpu.memory_space<vmem>>
        %dma_wait3A_155 = arith.constant 0 : i32
        %dma_wait3A_156 = arith.constant 0 : i32
        %dma_wait3A_157 = tpu.memref_slice %arg2[%scan3A_42, %dma_wait3A_155, %dma_wait3A_156] : memref<2x10240x128xf32, #tpu.memory_space<hbm>> -> memref<1x10240x128xf32, #tpu.memory_space<hbm>>
        %dma_wait3A_158 = tpu.memref_squeeze %dma_wait3A_157 : memref<1x10240x128xf32, #tpu.memory_space<hbm>> -> memref<10240x128xf32, #tpu.memory_space<hbm>>
        %dma_wait3A_159 = arith.constant 0 : i32
        %dma_wait3A_160 = arith.constant 0 : i32
        %dma_wait3A_161 = tpu.memref_slice %dma_wait3A_158[%dma_wait3A_159, %dma_wait3A_160] : memref<10240x128xf32, #tpu.memory_space<hbm>> -> memref<10240x128xf32, #tpu.memory_space<hbm>>
        tpu.wait_indirect_dma semaphore(%arg14 : memref<!tpu.dma_semaphore, #tpu.memory_space<semaphore_mem>>) src(%dma_wait3A_161 : memref<10240x128xf32, #tpu.memory_space<hbm>>) dst(%arg12 : memref<125x128xf32, #tpu.memory_space<vmem>>)
        %dma_wait3A_162 = arith.constant 0 : i32
        %dma_wait3A_163 = arith.constant 0 : i32
        %dma_wait3A_164 = tpu.memref_slice %arg8[%dma_wait3A_162, %dma_wait3A_163] : memref<16x125xi32, #tpu.memory_space<vmem>> -> memref<1x125xi32, #tpu.memory_space<vmem>>
        %dma_wait3A_165 = tpu.memref_squeeze %dma_wait3A_164 : memref<1x125xi32, #tpu.memory_space<vmem>> -> memref<125xi32, #tpu.memory_space<vmem>>
        %dma_wait3A_166 = arith.constant 0 : i32
        %dma_wait3A_167 = arith.constant 0 : i32
        %dma_wait3A_168 = tpu.memref_slice %arg6[%dma_wait3A_166, %dma_wait3A_167] : memref<10240x128xf32, #tpu.memory_space<vmem_shared>> -> memref<10240x128xf32, #tpu.memory_space<vmem_shared>>
        tpu.wait_indirect_dma semaphore(%arg15 : memref<!tpu.dma_semaphore, #tpu.memory_space<semaphore_mem>>) src(%arg11 : memref<125x128xf32, #tpu.memory_space<vmem>>) dst(%dma_wait3A_168 : memref<10240x128xf32, #tpu.memory_space<vmem_shared>>)
        %add3A_169 = arith.constant 1 : i32
        %add3A_170 = arith.addi %sub3A_89, %add3A_169 : i32
        %eq3A_171 = arith.constant 0 : i32
        %eq3A_172 = arith.cmpi eq, %select_n3A_86, %eq3A_171 : i32
        %convert_element_type3A_173 = arith.extui %eq3A_172 : i1 to i32
        %cond3A_174 = arith.constant 0 : i32
        %cond3A_175 = arith.cmpi ne, %convert_element_type3A_173, %cond3A_174 : i32
        scf.if %cond3A_175 {
          %dma_start3A_210 = arith.constant 0 : i32
          %dma_start3A_211 = tpu.memref_slice %arg8[%add3A_170, %dma_start3A_210] : memref<16x125xi32, #tpu.memory_space<vmem>> -> memref<1x125xi32, #tpu.memory_space<vmem>>
          %dma_start3A_212 = tpu.memref_squeeze %dma_start3A_211 : memref<1x125xi32, #tpu.memory_space<vmem>> -> memref<125xi32, #tpu.memory_space<vmem>>
          %dma_start3A_213 = arith.constant 0 : i32
          %dma_start3A_214 = arith.constant 0 : i32
          %dma_start3A_215 = tpu.memref_slice %arg6[%dma_start3A_213, %dma_start3A_214] : memref<10240x128xf32, #tpu.memory_space<vmem_shared>> -> memref<10240x128xf32, #tpu.memory_space<vmem_shared>>
          tpu.enqueue_indirect_dma source(%arg12 : memref<125x128xf32, #tpu.memory_space<vmem>>) target(%dma_start3A_215 : memref<10240x128xf32, #tpu.memory_space<vmem_shared>>) offsets(%dma_start3A_212 : memref<125xi32, #tpu.memory_space<vmem>>) semaphore(%arg16 : memref<!tpu.dma_semaphore, #tpu.memory_space<semaphore_mem>>) {add = true}
        } else {
        }
        %eq3A_176 = arith.constant 1 : i32
        %eq3A_177 = arith.cmpi eq, %select_n3A_86, %eq3A_176 : i32
        %convert_element_type3A_178 = arith.extui %eq3A_177 : i1 to i32
        %cond3A_179 = arith.constant 0 : i32
        %cond3A_180 = arith.cmpi ne, %convert_element_type3A_178, %cond3A_179 : i32
        scf.if %cond3A_180 {
          %dma_start3A_210 = arith.constant 0 : i32
          %dma_start3A_211 = tpu.memref_slice %arg10[%add3A_170, %dma_start3A_210] : memref<16x125xi32, #tpu.memory_space<vmem>> -> memref<1x125xi32, #tpu.memory_space<vmem>>
          %dma_start3A_212 = tpu.memref_squeeze %dma_start3A_211 : memref<1x125xi32, #tpu.memory_space<vmem>> -> memref<125xi32, #tpu.memory_space<vmem>>
          %dma_start3A_213 = arith.constant 0 : i32
          %dma_start3A_214 = arith.constant 0 : i32
          %dma_start3A_215 = tpu.memref_slice %arg6[%dma_start3A_213, %dma_start3A_214] : memref<10240x128xf32, #tpu.memory_space<vmem_shared>> -> memref<10240x128xf32, #tpu.memory_space<vmem_shared>>
          tpu.enqueue_indirect_dma source(%arg12 : memref<125x128xf32, #tpu.memory_space<vmem>>) target(%dma_start3A_215 : memref<10240x128xf32, #tpu.memory_space<vmem_shared>>) offsets(%dma_start3A_212 : memref<125xi32, #tpu.memory_space<vmem>>) semaphore(%arg16 : memref<!tpu.dma_semaphore, #tpu.memory_space<semaphore_mem>>) {add = true}
        } else {
        }
        %jit3A_181 = arith.constant 8 : i32
        %eq3A_182 = arith.constant 0 : i32
        %eq3A_183 = arith.cmpi eq, %jit3A_181, %eq3A_182 : i32
        %jit3A_184 = arith.constant 1 : i32
        %select_n3A_185 = arith.select %eq3A_183, %jit3A_184, %jit3A_181 : i32
        %rem3A_186 = arith.remsi %scan3A_54, %select_n3A_185 : i32
        %ne3A_187 = arith.constant 0 : i32
        %ne3A_188 = arith.cmpi ne, %rem3A_186, %ne3A_187 : i32
        %lt3A_189 = arith.constant 0 : i32
        %lt3A_190 = arith.cmpi slt, %rem3A_186, %lt3A_189 : i32
        %lt3A_191 = arith.constant 0 : i32
        %lt3A_192 = arith.cmpi slt, %select_n3A_185, %lt3A_191 : i32
        %ne3A_193 = arith.xori %lt3A_190, %lt3A_192 : i1
        %and3A_194 = arith.andi %ne3A_193, %ne3A_188 : i1
        %add3A_195 = arith.addi %rem3A_186, %select_n3A_185 : i32
        %select_n3A_196 = arith.select %and3A_194, %add3A_195, %rem3A_186 : i32
        %eq3A_197 = arith.constant 7 : i32
        %eq3A_198 = arith.cmpi eq, %select_n3A_196, %eq3A_197 : i32
        %lt3A_199 = arith.constant 72 : i32
        %lt3A_200 = arith.cmpi slt, %scan3A_54, %lt3A_199 : i32
        %and3A_201 = arith.andi %eq3A_198, %lt3A_200 : i1
        %convert_element_type3A_202 = arith.extui %and3A_201 : i1 to i32
        %cond3A_203 = arith.constant 0 : i32
        %cond3A_204 = arith.cmpi ne, %convert_element_type3A_202, %cond3A_203 : i32
        scf.if %cond3A_204 {
          %dma_wait3A_210 = arith.constant 0 : i32
          %dma_wait3A_211 = arith.constant 0 : i32
          %dma_wait3A_212 = tpu.memref_slice %arg3[%dma_wait3A_210, %dma_wait3A_211] : memref<2560x125xi32, #tpu.memory_space<hbm>> -> memref<16x125xi32, #tpu.memory_space<hbm>>
          %dma_wait3A_213 = arith.constant 0 : i32
          %dma_wait3A_214 = arith.constant 0 : i32
          %dma_wait3A_215 = tpu.memref_slice %arg3[%dma_wait3A_213, %dma_wait3A_214] : memref<2560x125xi32, #tpu.memory_space<hbm>> -> memref<16x125xi32, #tpu.memory_space<hbm>>
          tpu.wait_dma2 semaphore(%arg17 : memref<!tpu.dma_semaphore, #tpu.memory_space<semaphore_mem>>) src(%dma_wait3A_215 : memref<16x125xi32, #tpu.memory_space<hbm>>) dst(%arg7 : memref<16x125xi32, #tpu.memory_space<vmem>>)
          %dma_wait3A_216 = arith.constant 0 : i32
          %dma_wait3A_217 = arith.constant 0 : i32
          %dma_wait3A_218 = tpu.memref_slice %arg4[%dma_wait3A_216, %dma_wait3A_217] : memref<2560x125xi32, #tpu.memory_space<hbm>> -> memref<16x125xi32, #tpu.memory_space<hbm>>
          %dma_wait3A_219 = arith.constant 0 : i32
          %dma_wait3A_220 = arith.constant 0 : i32
          %dma_wait3A_221 = tpu.memref_slice %arg4[%dma_wait3A_219, %dma_wait3A_220] : memref<2560x125xi32, #tpu.memory_space<hbm>> -> memref<16x125xi32, #tpu.memory_space<hbm>>
          tpu.wait_dma2 semaphore(%arg17 : memref<!tpu.dma_semaphore, #tpu.memory_space<semaphore_mem>>) src(%dma_wait3A_221 : memref<16x125xi32, #tpu.memory_space<hbm>>) dst(%arg8 : memref<16x125xi32, #tpu.memory_space<vmem>>)
        } else {
        }
        %lt3A_205 = arith.constant 79 : i32
        %lt3A_206 = arith.cmpi slt, %scan3A_54, %lt3A_205 : i32
        %convert_element_type3A_207 = arith.extui %lt3A_206 : i1 to i32
        %cond3A_208 = arith.constant 0 : i32
        %cond3A_209 = arith.cmpi ne, %convert_element_type3A_207, %cond3A_208 : i32
        scf.if %cond3A_209 {
          %add3A_210 = arith.constant 2 : i32
          %add3A_211 = arith.addi %mul3A_56, %add3A_210 : i32
          %jit3A_212 = arith.constant 16 : i32
          %div3A_213 = arith.divsi %add3A_211, %jit3A_212 : i32
          %sign3A_214 = arith.constant 0 : i32
          %sign3A_215 = arith.cmpi sgt, %add3A_211, %sign3A_214 : i32
          %sign3A_216 = arith.extui %sign3A_215 : i1 to i32
          %sign3A_217 = arith.constant 0 : i32
          %sign3A_218 = arith.cmpi slt, %add3A_211, %sign3A_217 : i32
          %sign3A_219 = arith.extui %sign3A_218 : i1 to i32
          %sign3A_220 = arith.subi %sign3A_216, %sign3A_219 : i32
          %sign3A_221 = arith.constant 0 : i32
          %sign3A_222 = arith.cmpi sgt, %jit3A_212, %sign3A_221 : i32
          %sign3A_223 = arith.extui %sign3A_222 : i1 to i32
          %sign3A_224 = arith.constant 0 : i32
          %sign3A_225 = arith.cmpi slt, %jit3A_212, %sign3A_224 : i32
          %sign3A_226 = arith.extui %sign3A_225 : i1 to i32
          %sign3A_227 = arith.subi %sign3A_223, %sign3A_226 : i32
          %ne3A_228 = arith.cmpi ne, %sign3A_220, %sign3A_227 : i32
          %rem3A_229 = arith.remsi %add3A_211, %jit3A_212 : i32
          %ne3A_230 = arith.constant 0 : i32
          %ne3A_231 = arith.cmpi ne, %rem3A_229, %ne3A_230 : i32
          %and3A_232 = arith.andi %ne3A_228, %ne3A_231 : i1
          %sub3A_233 = arith.constant 1 : i32
          %sub3A_234 = arith.subi %div3A_213, %sub3A_233 : i32
          %select_n3A_235 = arith.select %and3A_232, %sub3A_234, %div3A_213 : i32
          %jit3A_236 = arith.constant 2 : i32
          %eq3A_237 = arith.constant 0 : i32
          %eq3A_238 = arith.cmpi eq, %jit3A_236, %eq3A_237 : i32
          %jit3A_239 = arith.constant 1 : i32
          %select_n3A_240 = arith.select %eq3A_238, %jit3A_239, %jit3A_236 : i32
          %rem3A_241 = arith.remsi %select_n3A_235, %select_n3A_240 : i32
          %ne3A_242 = arith.constant 0 : i32
          %ne3A_243 = arith.cmpi ne, %rem3A_241, %ne3A_242 : i32
          %lt3A_244 = arith.constant 0 : i32
          %lt3A_245 = arith.cmpi slt, %rem3A_241, %lt3A_244 : i32
          %lt3A_246 = arith.constant 0 : i32
          %lt3A_247 = arith.cmpi slt, %select_n3A_240, %lt3A_246 : i32
          %ne3A_248 = arith.xori %lt3A_245, %lt3A_247 : i1
          %and3A_249 = arith.andi %ne3A_248, %ne3A_243 : i1
          %add3A_250 = arith.addi %rem3A_241, %select_n3A_240 : i32
          %select_n3A_251 = arith.select %and3A_249, %add3A_250, %rem3A_241 : i32
          %jit3A_252 = arith.constant 16 : i32
          %eq3A_253 = arith.constant 0 : i32
          %eq3A_254 = arith.cmpi eq, %jit3A_252, %eq3A_253 : i32
          %jit3A_255 = arith.constant 1 : i32
          %select_n3A_256 = arith.select %eq3A_254, %jit3A_255, %jit3A_252 : i32
          %rem3A_257 = arith.remsi %add3A_211, %select_n3A_256 : i32
          %ne3A_258 = arith.constant 0 : i32
          %ne3A_259 = arith.cmpi ne, %rem3A_257, %ne3A_258 : i32
          %lt3A_260 = arith.constant 0 : i32
          %lt3A_261 = arith.cmpi slt, %rem3A_257, %lt3A_260 : i32
          %lt3A_262 = arith.constant 0 : i32
          %lt3A_263 = arith.cmpi slt, %select_n3A_256, %lt3A_262 : i32
          %ne3A_264 = arith.xori %lt3A_261, %lt3A_263 : i1
          %and3A_265 = arith.andi %ne3A_264, %ne3A_259 : i1
          %add3A_266 = arith.addi %rem3A_257, %select_n3A_256 : i32
          %select_n3A_267 = arith.select %and3A_265, %add3A_266, %rem3A_257 : i32
          %eq3A_268 = arith.constant 0 : i32
          %eq3A_269 = arith.cmpi eq, %select_n3A_251, %eq3A_268 : i32
          %convert_element_type3A_270 = arith.extui %eq3A_269 : i1 to i32
          %cond3A_271 = arith.constant 0 : i32
          %cond3A_272 = arith.cmpi ne, %convert_element_type3A_270, %cond3A_271 : i32
          scf.if %cond3A_272 {
            %dma_start3A_278 = arith.constant 0 : i32
            %dma_start3A_279 = tpu.memref_slice %arg7[%select_n3A_267, %dma_start3A_278] : memref<16x125xi32, #tpu.memory_space<vmem>> -> memref<1x125xi32, #tpu.memory_space<vmem>>
            %dma_start3A_280 = tpu.memref_squeeze %dma_start3A_279 : memref<1x125xi32, #tpu.memory_space<vmem>> -> memref<125xi32, #tpu.memory_space<vmem>>
            %dma_start3A_281 = arith.constant 0 : i32
            %dma_start3A_282 = arith.constant 0 : i32
            %dma_start3A_283 = tpu.memref_slice %arg2[%scan3A_42, %dma_start3A_281, %dma_start3A_282] : memref<2x10240x128xf32, #tpu.memory_space<hbm>> -> memref<1x10240x128xf32, #tpu.memory_space<hbm>>
            %dma_start3A_284 = tpu.memref_squeeze %dma_start3A_283 : memref<1x10240x128xf32, #tpu.memory_space<hbm>> -> memref<10240x128xf32, #tpu.memory_space<hbm>>
            %dma_start3A_285 = arith.constant 0 : i32
            %dma_start3A_286 = arith.constant 0 : i32
            %dma_start3A_287 = tpu.memref_slice %dma_start3A_284[%dma_start3A_285, %dma_start3A_286] : memref<10240x128xf32, #tpu.memory_space<hbm>> -> memref<10240x128xf32, #tpu.memory_space<hbm>>
            tpu.enqueue_indirect_dma source(%dma_start3A_287 : memref<10240x128xf32, #tpu.memory_space<hbm>>) target(%arg11 : memref<125x128xf32, #tpu.memory_space<vmem>>) offsets(%dma_start3A_280 : memref<125xi32, #tpu.memory_space<vmem>>) semaphore(%arg13 : memref<!tpu.dma_semaphore, #tpu.memory_space<semaphore_mem>>)
          } else {
          }
          %eq3A_273 = arith.constant 1 : i32
          %eq3A_274 = arith.cmpi eq, %select_n3A_251, %eq3A_273 : i32
          %convert_element_type3A_275 = arith.extui %eq3A_274 : i1 to i32
          %cond3A_276 = arith.constant 0 : i32
          %cond3A_277 = arith.cmpi ne, %convert_element_type3A_275, %cond3A_276 : i32
          scf.if %cond3A_277 {
            %dma_start3A_278 = arith.constant 0 : i32
            %dma_start3A_279 = tpu.memref_slice %arg9[%select_n3A_267, %dma_start3A_278] : memref<16x125xi32, #tpu.memory_space<vmem>> -> memref<1x125xi32, #tpu.memory_space<vmem>>
            %dma_start3A_280 = tpu.memref_squeeze %dma_start3A_279 : memref<1x125xi32, #tpu.memory_space<vmem>> -> memref<125xi32, #tpu.memory_space<vmem>>
            %dma_start3A_281 = arith.constant 0 : i32
            %dma_start3A_282 = arith.constant 0 : i32
            %dma_start3A_283 = tpu.memref_slice %arg2[%scan3A_42, %dma_start3A_281, %dma_start3A_282] : memref<2x10240x128xf32, #tpu.memory_space<hbm>> -> memref<1x10240x128xf32, #tpu.memory_space<hbm>>
            %dma_start3A_284 = tpu.memref_squeeze %dma_start3A_283 : memref<1x10240x128xf32, #tpu.memory_space<hbm>> -> memref<10240x128xf32, #tpu.memory_space<hbm>>
            %dma_start3A_285 = arith.constant 0 : i32
            %dma_start3A_286 = arith.constant 0 : i32
            %dma_start3A_287 = tpu.memref_slice %dma_start3A_284[%dma_start3A_285, %dma_start3A_286] : memref<10240x128xf32, #tpu.memory_space<hbm>> -> memref<10240x128xf32, #tpu.memory_space<hbm>>
            tpu.enqueue_indirect_dma source(%dma_start3A_287 : memref<10240x128xf32, #tpu.memory_space<hbm>>) target(%arg11 : memref<125x128xf32, #tpu.memory_space<vmem>>) offsets(%dma_start3A_280 : memref<125xi32, #tpu.memory_space<vmem>>) semaphore(%arg13 : memref<!tpu.dma_semaphore, #tpu.memory_space<semaphore_mem>>)
          } else {
          }
        } else {
        }
      }
      %scan3A_47 = arith.constant 80 : i32
      %dma_wait3A = arith.constant 0 : i32
      %dma_wait3A_48 = arith.constant 0 : i32
      %dma_wait3A_49 = tpu.memref_slice %arg8[%dma_wait3A, %dma_wait3A_48] : memref<16x125xi32, #tpu.memory_space<vmem>> -> memref<1x125xi32, #tpu.memory_space<vmem>>
      %dma_wait3A_50 = tpu.memref_squeeze %dma_wait3A_49 : memref<1x125xi32, #tpu.memory_space<vmem>> -> memref<125xi32, #tpu.memory_space<vmem>>
      %dma_wait3A_51 = arith.constant 0 : i32
      %dma_wait3A_52 = arith.constant 0 : i32
      %dma_wait3A_53 = tpu.memref_slice %arg6[%dma_wait3A_51, %dma_wait3A_52] : memref<10240x128xf32, #tpu.memory_space<vmem_shared>> -> memref<10240x128xf32, #tpu.memory_space<vmem_shared>>
      tpu.wait_indirect_dma semaphore(%arg16 : memref<!tpu.dma_semaphore, #tpu.memory_space<semaphore_mem>>) src(%arg12 : memref<125x128xf32, #tpu.memory_space<vmem>>) dst(%dma_wait3A_53 : memref<10240x128xf32, #tpu.memory_space<vmem_shared>>)
    } else {
    }
    %barrier3A_20 = arith.constant 0 : index
    tpu.barrier barrier_id(%barrier3A_20)
    %eq3A_21 = arith.constant 0 : i32
    %eq3A_22 = arith.cmpi eq, %arg0, %eq3A_21 : i32
    %convert_element_type3A_23 = arith.extui %eq3A_22 : i1 to i32
    %cond3A_24 = arith.constant 0 : i32
    %cond3A_25 = arith.cmpi ne, %convert_element_type3A_23, %cond3A_24 : i32
    scf.if %cond3A_25 {
      %run_scoped3A = arith.constant 0 : i32
      "tpu.region"() ({
        %run_scoped3A_31 = tpu.sem_alloc : memref<!tpu.dma_semaphore, #tpu.memory_space<semaphore_mem>>
        %dma_start3A = arith.constant 0 : i32
        %dma_start3A_32 = arith.constant 0 : i32
        %dma_start3A_33 = tpu.memref_slice %arg5[%run_scoped3A, %dma_start3A, %dma_start3A_32] : memref<2x10240x128xf32, #tpu.memory_space<hbm>> -> memref<1x10240x128xf32, #tpu.memory_space<hbm>>
        %dma_start3A_34 = tpu.memref_squeeze %dma_start3A_33 : memref<1x10240x128xf32, #tpu.memory_space<hbm>> -> memref<10240x128xf32, #tpu.memory_space<hbm>>
        %dma_start3A_35 = arith.constant 0 : i32
        %dma_start3A_36 = tpu.memref_slice %dma_start3A_34[%mul3A_0, %dma_start3A_35] : memref<10240x128xf32, #tpu.memory_space<hbm>> -> memref<640x128xf32, #tpu.memory_space<hbm>>
        %dma_start3A_37 = arith.constant 0 : i32
        %dma_start3A_38 = tpu.memref_slice %arg6[%mul3A_0, %dma_start3A_37] : memref<10240x128xf32, #tpu.memory_space<vmem_shared>> -> memref<640x128xf32, #tpu.memory_space<vmem_shared>>
        tpu.enqueue_dma source(%dma_start3A_38 : memref<640x128xf32, #tpu.memory_space<vmem_shared>>) target(%dma_start3A_36 : memref<640x128xf32, #tpu.memory_space<hbm>>) target_semaphore(%run_scoped3A_31 : memref<!tpu.dma_semaphore, #tpu.memory_space<semaphore_mem>>)
        %dma_wait3A = arith.constant 0 : i32
        %dma_wait3A_39 = arith.constant 0 : i32
        %dma_wait3A_40 = tpu.memref_slice %arg5[%run_scoped3A, %dma_wait3A, %dma_wait3A_39] : memref<2x10240x128xf32, #tpu.memory_space<hbm>> -> memref<1x10240x128xf32, #tpu.memory_space<hbm>>
        %dma_wait3A_41 = tpu.memref_squeeze %dma_wait3A_40 : memref<1x10240x128xf32, #tpu.memory_space<hbm>> -> memref<10240x128xf32, #tpu.memory_space<hbm>>
        %dma_wait3A_42 = arith.constant 0 : i32
        %dma_wait3A_43 = tpu.memref_slice %dma_wait3A_41[%mul3A_0, %dma_wait3A_42] : memref<10240x128xf32, #tpu.memory_space<hbm>> -> memref<640x128xf32, #tpu.memory_space<hbm>>
        %dma_wait3A_44 = arith.constant 0 : i32
        %dma_wait3A_45 = tpu.memref_slice %arg6[%mul3A_0, %dma_wait3A_44] : memref<10240x128xf32, #tpu.memory_space<vmem_shared>> -> memref<640x128xf32, #tpu.memory_space<vmem_shared>>
        tpu.wait_dma2 semaphore(%run_scoped3A_31 : memref<!tpu.dma_semaphore, #tpu.memory_space<semaphore_mem>>) src(%dma_wait3A_45 : memref<640x128xf32, #tpu.memory_space<vmem_shared>>) dst(%dma_wait3A_43 : memref<640x128xf32, #tpu.memory_space<hbm>>)
        tpu.yield
      }) : () -> ()
    } else {
    }
    %eq3A_26 = arith.constant 1 : i32
    %eq3A_27 = arith.cmpi eq, %arg0, %eq3A_26 : i32
    %convert_element_type3A_28 = arith.extui %eq3A_27 : i1 to i32
    %cond3A_29 = arith.constant 0 : i32
    %cond3A_30 = arith.cmpi ne, %convert_element_type3A_28, %cond3A_29 : i32
    scf.if %cond3A_30 {
      %run_scoped3A = arith.constant 1 : i32
      "tpu.region"() ({
        %run_scoped3A_31 = tpu.sem_alloc : memref<!tpu.dma_semaphore, #tpu.memory_space<semaphore_mem>>
        %dma_start3A = arith.constant 0 : i32
        %dma_start3A_32 = arith.constant 0 : i32
        %dma_start3A_33 = tpu.memref_slice %arg5[%run_scoped3A, %dma_start3A, %dma_start3A_32] : memref<2x10240x128xf32, #tpu.memory_space<hbm>> -> memref<1x10240x128xf32, #tpu.memory_space<hbm>>
        %dma_start3A_34 = tpu.memref_squeeze %dma_start3A_33 : memref<1x10240x128xf32, #tpu.memory_space<hbm>> -> memref<10240x128xf32, #tpu.memory_space<hbm>>
        %dma_start3A_35 = arith.constant 0 : i32
        %dma_start3A_36 = tpu.memref_slice %dma_start3A_34[%mul3A_0, %dma_start3A_35] : memref<10240x128xf32, #tpu.memory_space<hbm>> -> memref<640x128xf32, #tpu.memory_space<hbm>>
        %dma_start3A_37 = arith.constant 0 : i32
        %dma_start3A_38 = tpu.memref_slice %arg6[%mul3A_0, %dma_start3A_37] : memref<10240x128xf32, #tpu.memory_space<vmem_shared>> -> memref<640x128xf32, #tpu.memory_space<vmem_shared>>
        tpu.enqueue_dma source(%dma_start3A_38 : memref<640x128xf32, #tpu.memory_space<vmem_shared>>) target(%dma_start3A_36 : memref<640x128xf32, #tpu.memory_space<hbm>>) target_semaphore(%run_scoped3A_31 : memref<!tpu.dma_semaphore, #tpu.memory_space<semaphore_mem>>)
        %dma_wait3A = arith.constant 0 : i32
        %dma_wait3A_39 = arith.constant 0 : i32
        %dma_wait3A_40 = tpu.memref_slice %arg5[%run_scoped3A, %dma_wait3A, %dma_wait3A_39] : memref<2x10240x128xf32, #tpu.memory_space<hbm>> -> memref<1x10240x128xf32, #tpu.memory_space<hbm>>
        %dma_wait3A_41 = tpu.memref_squeeze %dma_wait3A_40 : memref<1x10240x128xf32, #tpu.memory_space<hbm>> -> memref<10240x128xf32, #tpu.memory_space<hbm>>
        %dma_wait3A_42 = arith.constant 0 : i32
        %dma_wait3A_43 = tpu.memref_slice %dma_wait3A_41[%mul3A_0, %dma_wait3A_42] : memref<10240x128xf32, #tpu.memory_space<hbm>> -> memref<640x128xf32, #tpu.memory_space<hbm>>
        %dma_wait3A_44 = arith.constant 0 : i32
        %dma_wait3A_45 = tpu.memref_slice %arg6[%mul3A_0, %dma_wait3A_44] : memref<10240x128xf32, #tpu.memory_space<vmem_shared>> -> memref<640x128xf32, #tpu.memory_space<vmem_shared>>
        tpu.wait_dma2 semaphore(%run_scoped3A_31 : memref<!tpu.dma_semaphore, #tpu.memory_space<semaphore_mem>>) src(%dma_wait3A_45 : memref<640x128xf32, #tpu.memory_space<vmem_shared>>) dst(%dma_wait3A_43 : memref<640x128xf32, #tpu.memory_space<hbm>>)
        tpu.yield
      }) : () -> ()
    } else {
    }
    return
  }
}

#map = affine_map<(d0, d1) -> (0, 0, 0)>
#map1 = affine_map<(d0, d1) -> (0, 0)>
module attributes {stable_mosaic.version = 14 : i64} {
  func.func @_gs_body(%arg0: i32, %arg1: i32, %arg2: memref<2x10240x128xf32, #tpu.memory_space<hbm>>, %arg3: memref<2560x125xi32, #tpu.memory_space<hbm>>, %arg4: memref<2560x125xi32, #tpu.memory_space<hbm>>, %arg5: memref<2x10240x128xf32, #tpu.memory_space<hbm>>, %arg6: memref<10240x128xf32, #tpu.memory_space<vmem_shared>>, %arg7: memref<16x125xi32, #tpu.memory_space<vmem>>, %arg8: memref<16x125xi32, #tpu.memory_space<vmem>>, %arg9: memref<16x125xi32, #tpu.memory_space<vmem>>, %arg10: memref<16x125xi32, #tpu.memory_space<vmem>>, %arg11: memref<125x128xf32, #tpu.memory_space<vmem>>, %arg12: memref<125x128xf32, #tpu.memory_space<vmem>>, %arg13: memref<!tpu.dma_semaphore, #tpu.memory_space<semaphore_mem>>, %arg14: memref<!tpu.dma_semaphore, #tpu.memory_space<semaphore_mem>>, %arg15: memref<!tpu.dma_semaphore, #tpu.memory_space<semaphore_mem>>, %arg16: memref<!tpu.dma_semaphore, #tpu.memory_space<semaphore_mem>>, %arg17: memref<!tpu.dma_semaphore, #tpu.memory_space<semaphore_mem>>) attributes {dimension_semantics = [#tpu.dimension_semantics<core_parallel>, #tpu.dimension_semantics<subcore_parallel>], iteration_bounds = array<i64: 2, 16>, scalar_prefetch = 0 : i64, scratch_operands = 12 : i64, tpu.core_type = #tpu.core_type<sc_vector_subcore>, window_params = [{transform_indices = #map}, {transform_indices = #map1}, {transform_indices = #map1}, {transform_indices = #map}]} {
    %mul3A = arith.constant 640 : i32
    %mul3A_0 = arith.muli %arg1, %mul3A : i32
    %mul3A_1 = arith.constant 160 : i32
    %mul3A_2 = arith.muli %arg1, %mul3A_1 : i32
    %eq3A = arith.constant 0 : i32
    %eq3A_3 = arith.cmpi eq, %arg0, %eq3A : i32
    %convert_element_type3A = arith.extui %eq3A_3 : i1 to i32
    %cond3A = arith.constant 0 : i32
    %cond3A_4 = arith.cmpi ne, %convert_element_type3A, %cond3A : i32
    scf.if %cond3A_4 {
      %run_scoped3A = arith.constant 0 : i32
      "tpu.region"() ({
        %run_scoped3A_31 = tpu.sem_alloc : memref<!tpu.dma_semaphore, #tpu.memory_space<semaphore_mem>>
        %dma_start3A = arith.constant 0 : i32
        %dma_start3A_32 = tpu.memref_slice %arg6[%mul3A_0, %dma_start3A] : memref<10240x128xf32, #tpu.memory_space<vmem_shared>> -> memref<640x128xf32, #tpu.memory_space<vmem_shared>>
        %dma_start3A_33 = arith.constant 0 : i32
        %dma_start3A_34 = arith.constant 0 : i32
        %dma_start3A_35 = tpu.memref_slice %arg2[%run_scoped3A, %dma_start3A_33, %dma_start3A_34] : memref<2x10240x128xf32, #tpu.memory_space<hbm>> -> memref<1x10240x128xf32, #tpu.memory_space<hbm>>
        %dma_start3A_36 = tpu.memref_squeeze %dma_start3A_35 : memref<1x10240x128xf32, #tpu.memory_space<hbm>> -> memref<10240x128xf32, #tpu.memory_space<hbm>>
        %dma_start3A_37 = arith.constant 0 : i32
        %dma_start3A_38 = tpu.memref_slice %dma_start3A_36[%mul3A_0, %dma_start3A_37] : memref<10240x128xf32, #tpu.memory_space<hbm>> -> memref<640x128xf32, #tpu.memory_space<hbm>>
        tpu.enqueue_dma source(%dma_start3A_38 : memref<640x128xf32, #tpu.memory_space<hbm>>) target(%dma_start3A_32 : memref<640x128xf32, #tpu.memory_space<vmem_shared>>) target_semaphore(%run_scoped3A_31 : memref<!tpu.dma_semaphore, #tpu.memory_space<semaphore_mem>>)
        %dma_wait3A = arith.constant 0 : i32
        %dma_wait3A_39 = tpu.memref_slice %arg6[%mul3A_0, %dma_wait3A] : memref<10240x128xf32, #tpu.memory_space<vmem_shared>> -> memref<640x128xf32, #tpu.memory_space<vmem_shared>>
        %dma_wait3A_40 = arith.constant 0 : i32
        %dma_wait3A_41 = arith.constant 0 : i32
        %dma_wait3A_42 = tpu.memref_slice %arg2[%run_scoped3A, %dma_wait3A_40, %dma_wait3A_41] : memref<2x10240x128xf32, #tpu.memory_space<hbm>> -> memref<1x10240x128xf32, #tpu.memory_space<hbm>>
        %dma_wait3A_43 = tpu.memref_squeeze %dma_wait3A_42 : memref<1x10240x128xf32, #tpu.memory_space<hbm>> -> memref<10240x128xf32, #tpu.memory_space<hbm>>
        %dma_wait3A_44 = arith.constant 0 : i32
        %dma_wait3A_45 = tpu.memref_slice %dma_wait3A_43[%mul3A_0, %dma_wait3A_44] : memref<10240x128xf32, #tpu.memory_space<hbm>> -> memref<640x128xf32, #tpu.memory_space<hbm>>
        tpu.wait_dma2 semaphore(%run_scoped3A_31 : memref<!tpu.dma_semaphore, #tpu.memory_space<semaphore_mem>>) src(%dma_wait3A_45 : memref<640x128xf32, #tpu.memory_space<hbm>>) dst(%dma_wait3A_39 : memref<640x128xf32, #tpu.memory_space<vmem_shared>>)
        tpu.yield
      }) : () -> ()
    } else {
    }
    %eq3A_5 = arith.constant 1 : i32
    %eq3A_6 = arith.cmpi eq, %arg0, %eq3A_5 : i32
    %convert_element_type3A_7 = arith.extui %eq3A_6 : i1 to i32
    %cond3A_8 = arith.constant 0 : i32
    %cond3A_9 = arith.cmpi ne, %convert_element_type3A_7, %cond3A_8 : i32
    scf.if %cond3A_9 {
      %run_scoped3A = arith.constant 1 : i32
      "tpu.region"() ({
        %run_scoped3A_31 = tpu.sem_alloc : memref<!tpu.dma_semaphore, #tpu.memory_space<semaphore_mem>>
        %dma_start3A = arith.constant 0 : i32
        %dma_start3A_32 = tpu.memref_slice %arg6[%mul3A_0, %dma_start3A] : memref<10240x128xf32, #tpu.memory_space<vmem_shared>> -> memref<640x128xf32, #tpu.memory_space<vmem_shared>>
        %dma_start3A_33 = arith.constant 0 : i32
        %dma_start3A_34 = arith.constant 0 : i32
        %dma_start3A_35 = tpu.memref_slice %arg2[%run_scoped3A, %dma_start3A_33, %dma_start3A_34] : memref<2x10240x128xf32, #tpu.memory_space<hbm>> -> memref<1x10240x128xf32, #tpu.memory_space<hbm>>
        %dma_start3A_36 = tpu.memref_squeeze %dma_start3A_35 : memref<1x10240x128xf32, #tpu.memory_space<hbm>> -> memref<10240x128xf32, #tpu.memory_space<hbm>>
        %dma_start3A_37 = arith.constant 0 : i32
        %dma_start3A_38 = tpu.memref_slice %dma_start3A_36[%mul3A_0, %dma_start3A_37] : memref<10240x128xf32, #tpu.memory_space<hbm>> -> memref<640x128xf32, #tpu.memory_space<hbm>>
        tpu.enqueue_dma source(%dma_start3A_38 : memref<640x128xf32, #tpu.memory_space<hbm>>) target(%dma_start3A_32 : memref<640x128xf32, #tpu.memory_space<vmem_shared>>) target_semaphore(%run_scoped3A_31 : memref<!tpu.dma_semaphore, #tpu.memory_space<semaphore_mem>>)
        %dma_wait3A = arith.constant 0 : i32
        %dma_wait3A_39 = tpu.memref_slice %arg6[%mul3A_0, %dma_wait3A] : memref<10240x128xf32, #tpu.memory_space<vmem_shared>> -> memref<640x128xf32, #tpu.memory_space<vmem_shared>>
        %dma_wait3A_40 = arith.constant 0 : i32
        %dma_wait3A_41 = arith.constant 0 : i32
        %dma_wait3A_42 = tpu.memref_slice %arg2[%run_scoped3A, %dma_wait3A_40, %dma_wait3A_41] : memref<2x10240x128xf32, #tpu.memory_space<hbm>> -> memref<1x10240x128xf32, #tpu.memory_space<hbm>>
        %dma_wait3A_43 = tpu.memref_squeeze %dma_wait3A_42 : memref<1x10240x128xf32, #tpu.memory_space<hbm>> -> memref<10240x128xf32, #tpu.memory_space<hbm>>
        %dma_wait3A_44 = arith.constant 0 : i32
        %dma_wait3A_45 = tpu.memref_slice %dma_wait3A_43[%mul3A_0, %dma_wait3A_44] : memref<10240x128xf32, #tpu.memory_space<hbm>> -> memref<640x128xf32, #tpu.memory_space<hbm>>
        tpu.wait_dma2 semaphore(%run_scoped3A_31 : memref<!tpu.dma_semaphore, #tpu.memory_space<semaphore_mem>>) src(%dma_wait3A_45 : memref<640x128xf32, #tpu.memory_space<hbm>>) dst(%dma_wait3A_39 : memref<640x128xf32, #tpu.memory_space<vmem_shared>>)
        tpu.yield
      }) : () -> ()
    } else {
    }
    %barrier3A = arith.constant 0 : index
    tpu.barrier barrier_id(%barrier3A)
    %eq3A_10 = arith.constant 0 : i32
    %eq3A_11 = arith.cmpi eq, %arg0, %eq3A_10 : i32
    %convert_element_type3A_12 = arith.extui %eq3A_11 : i1 to i32
    %cond3A_13 = arith.constant 0 : i32
    %cond3A_14 = arith.cmpi ne, %convert_element_type3A_12, %cond3A_13 : i32
    scf.if %cond3A_14 {
      "tpu.region"() ({
        %run_scoped3A = tpu.sem_alloc : memref<!tpu.dma_semaphore, #tpu.memory_space<semaphore_mem>>
        %dma_start3A_54 = arith.constant 0 : i32
        %dma_start3A_55 = tpu.memref_slice %arg3[%mul3A_2, %dma_start3A_54] : memref<2560x125xi32, #tpu.memory_space<hbm>> -> memref<16x125xi32, #tpu.memory_space<hbm>>
        %dma_start3A_56 = arith.constant 0 : i32
        %dma_start3A_57 = tpu.memref_slice %arg3[%mul3A_2, %dma_start3A_56] : memref<2560x125xi32, #tpu.memory_space<hbm>> -> memref<16x125xi32, #tpu.memory_space<hbm>>
        tpu.enqueue_dma source(%dma_start3A_57 : memref<16x125xi32, #tpu.memory_space<hbm>>) target(%arg7 : memref<16x125xi32, #tpu.memory_space<vmem>>) target_semaphore(%run_scoped3A : memref<!tpu.dma_semaphore, #tpu.memory_space<semaphore_mem>>)
        %dma_wait3A_58 = arith.constant 0 : i32
        %dma_wait3A_59 = tpu.memref_slice %arg3[%mul3A_2, %dma_wait3A_58] : memref<2560x125xi32, #tpu.memory_space<hbm>> -> memref<16x125xi32, #tpu.memory_space<hbm>>
        %dma_wait3A_60 = arith.constant 0 : i32
        %dma_wait3A_61 = tpu.memref_slice %arg3[%mul3A_2, %dma_wait3A_60] : memref<2560x125xi32, #tpu.memory_space<hbm>> -> memref<16x125xi32, #tpu.memory_space<hbm>>
        tpu.wait_dma2 semaphore(%run_scoped3A : memref<!tpu.dma_semaphore, #tpu.memory_space<semaphore_mem>>) src(%dma_wait3A_61 : memref<16x125xi32, #tpu.memory_space<hbm>>) dst(%arg7 : memref<16x125xi32, #tpu.memory_space<vmem>>)
        tpu.yield
      }) : () -> ()
      "tpu.region"() ({
        %run_scoped3A = tpu.sem_alloc : memref<!tpu.dma_semaphore, #tpu.memory_space<semaphore_mem>>
        %dma_start3A_54 = arith.constant 0 : i32
        %dma_start3A_55 = tpu.memref_slice %arg4[%mul3A_2, %dma_start3A_54] : memref<2560x125xi32, #tpu.memory_space<hbm>> -> memref<16x125xi32, #tpu.memory_space<hbm>>
        %dma_start3A_56 = arith.constant 0 : i32
        %dma_start3A_57 = tpu.memref_slice %arg4[%mul3A_2, %dma_start3A_56] : memref<2560x125xi32, #tpu.memory_space<hbm>> -> memref<16x125xi32, #tpu.memory_space<hbm>>
        tpu.enqueue_dma source(%dma_start3A_57 : memref<16x125xi32, #tpu.memory_space<hbm>>) target(%arg8 : memref<16x125xi32, #tpu.memory_space<vmem>>) target_semaphore(%run_scoped3A : memref<!tpu.dma_semaphore, #tpu.memory_space<semaphore_mem>>)
        %dma_wait3A_58 = arith.constant 0 : i32
        %dma_wait3A_59 = tpu.memref_slice %arg4[%mul3A_2, %dma_wait3A_58] : memref<2560x125xi32, #tpu.memory_space<hbm>> -> memref<16x125xi32, #tpu.memory_space<hbm>>
        %dma_wait3A_60 = arith.constant 0 : i32
        %dma_wait3A_61 = tpu.memref_slice %arg4[%mul3A_2, %dma_wait3A_60] : memref<2560x125xi32, #tpu.memory_space<hbm>> -> memref<16x125xi32, #tpu.memory_space<hbm>>
        tpu.wait_dma2 semaphore(%run_scoped3A : memref<!tpu.dma_semaphore, #tpu.memory_space<semaphore_mem>>) src(%dma_wait3A_61 : memref<16x125xi32, #tpu.memory_space<hbm>>) dst(%arg8 : memref<16x125xi32, #tpu.memory_space<vmem>>)
        tpu.yield
      }) : () -> ()
      %dma_start3A = arith.constant 0 : i32
      %dma_start3A_31 = arith.constant 0 : i32
      %dma_start3A_32 = arith.constant 0 : i32
      %dma_start3A_33 = tpu.memref_slice %arg7[%dma_start3A_31, %dma_start3A_32] : memref<16x125xi32, #tpu.memory_space<vmem>> -> memref<1x125xi32, #tpu.memory_space<vmem>>
      %dma_start3A_34 = tpu.memref_squeeze %dma_start3A_33 : memref<1x125xi32, #tpu.memory_space<vmem>> -> memref<125xi32, #tpu.memory_space<vmem>>
      %dma_start3A_35 = arith.constant 0 : i32
      %dma_start3A_36 = arith.constant 0 : i32
      %dma_start3A_37 = tpu.memref_slice %arg2[%dma_start3A, %dma_start3A_35, %dma_start3A_36] : memref<2x10240x128xf32, #tpu.memory_space<hbm>> -> memref<1x10240x128xf32, #tpu.memory_space<hbm>>
      %dma_start3A_38 = tpu.memref_squeeze %dma_start3A_37 : memref<1x10240x128xf32, #tpu.memory_space<hbm>> -> memref<10240x128xf32, #tpu.memory_space<hbm>>
      %dma_start3A_39 = arith.constant 0 : i32
      %dma_start3A_40 = arith.constant 0 : i32
      %dma_start3A_41 = tpu.memref_slice %dma_start3A_38[%dma_start3A_39, %dma_start3A_40] : memref<10240x128xf32, #tpu.memory_space<hbm>> -> memref<10240x128xf32, #tpu.memory_space<hbm>>
      tpu.enqueue_indirect_dma source(%dma_start3A_41 : memref<10240x128xf32, #tpu.memory_space<hbm>>) target(%arg11 : memref<125x128xf32, #tpu.memory_space<vmem>>) offsets(%dma_start3A_34 : memref<125xi32, #tpu.memory_space<vmem>>) semaphore(%arg13 : memref<!tpu.dma_semaphore, #tpu.memory_space<semaphore_mem>>)
      %scan3A = arith.constant 0 : i32
      %scan3A_42 = arith.constant 0 : i32
      %scan3A_43 = arith.constant 0 : i32
      %scan3A_44 = arith.constant 80 : i32
      %scan3A_45 = arith.addi %scan3A_43, %scan3A_44 : i32
      %scan3A_46 = arith.constant 1 : i32
      scf.for %scan3A_54 = %scan3A_43 to %scan3A_45 step %scan3A_46  : i32 {
        %mul3A_55 = arith.constant 2 : i32
        %mul3A_56 = arith.muli %mul3A_55, %scan3A_54 : i32
        %jit3A = arith.constant 16 : i32
        %div3A = arith.divsi %mul3A_56, %jit3A : i32
        %sign3A = arith.constant 0 : i32
        %sign3A_57 = arith.cmpi sgt, %mul3A_56, %sign3A : i32
        %sign3A_58 = arith.extui %sign3A_57 : i1 to i32
        %sign3A_59 = arith.constant 0 : i32
        %sign3A_60 = arith.cmpi slt, %mul3A_56, %sign3A_59 : i32
        %sign3A_61 = arith.extui %sign3A_60 : i1 to i32
        %sign3A_62 = arith.subi %sign3A_58, %sign3A_61 : i32
        %sign3A_63 = arith.constant 0 : i32
        %sign3A_64 = arith.cmpi sgt, %jit3A, %sign3A_63 : i32
        %sign3A_65 = arith.extui %sign3A_64 : i1 to i32
        %sign3A_66 = arith.constant 0 : i32
        %sign3A_67 = arith.cmpi slt, %jit3A, %sign3A_66 : i32
        %sign3A_68 = arith.extui %sign3A_67 : i1 to i32
        %sign3A_69 = arith.subi %sign3A_65, %sign3A_68 : i32
        %ne3A = arith.cmpi ne, %sign3A_62, %sign3A_69 : i32
        %rem3A = arith.remsi %mul3A_56, %jit3A : i32
        %ne3A_70 = arith.constant 0 : i32
        %ne3A_71 = arith.cmpi ne, %rem3A, %ne3A_70 : i32
        %and3A = arith.andi %ne3A, %ne3A_71 : i1
        %sub3A = arith.constant 1 : i32
        %sub3A_72 = arith.subi %div3A, %sub3A : i32
        %select_n3A = arith.select %and3A, %sub3A_72, %div3A : i32
        %jit3A_73 = arith.constant 2 : i32
        %eq3A_74 = arith.constant 0 : i32
        %eq3A_75 = arith.cmpi eq, %jit3A_73, %eq3A_74 : i32
        %jit3A_76 = arith.constant 1 : i32
        %select_n3A_77 = arith.select %eq3A_75, %jit3A_76, %jit3A_73 : i32
        %rem3A_78 = arith.remsi %select_n3A, %select_n3A_77 : i32
        %ne3A_79 = arith.constant 0 : i32
        %ne3A_80 = arith.cmpi ne, %rem3A_78, %ne3A_79 : i32
        %lt3A = arith.constant 0 : i32
        %lt3A_81 = arith.cmpi slt, %rem3A_78, %lt3A : i32
        %lt3A_82 = arith.constant 0 : i32
        %lt3A_83 = arith.cmpi slt, %select_n3A_77, %lt3A_82 : i32
        %ne3A_84 = arith.xori %lt3A_81, %lt3A_83 : i1
        %and3A_85 = arith.andi %ne3A_84, %ne3A_80 : i1
        %add3A = arith.addi %rem3A_78, %select_n3A_77 : i32
        %select_n3A_86 = arith.select %and3A_85, %add3A, %rem3A_78 : i32
        %mul3A_87 = arith.constant 16 : i32
        %mul3A_88 = arith.muli %select_n3A, %mul3A_87 : i32
        %sub3A_89 = arith.subi %mul3A_56, %mul3A_88 : i32
        %dma_wait3A_90 = arith.constant 0 : i32
        %dma_wait3A_91 = arith.constant 0 : i32
        %dma_wait3A_92 = tpu.memref_slice %arg7[%dma_wait3A_90, %dma_wait3A_91] : memref<16x125xi32, #tpu.memory_space<vmem>> -> memref<1x125xi32, #tpu.memory_space<vmem>>
        %dma_wait3A_93 = tpu.memref_squeeze %dma_wait3A_92 : memref<1x125xi32, #tpu.memory_space<vmem>> -> memref<125xi32, #tpu.memory_space<vmem>>
        %dma_wait3A_94 = arith.constant 0 : i32
        %dma_wait3A_95 = arith.constant 0 : i32
        %dma_wait3A_96 = tpu.memref_slice %arg2[%scan3A_42, %dma_wait3A_94, %dma_wait3A_95] : memref<2x10240x128xf32, #tpu.memory_space<hbm>> -> memref<1x10240x128xf32, #tpu.memory_space<hbm>>
        %dma_wait3A_97 = tpu.memref_squeeze %dma_wait3A_96 : memref<1x10240x128xf32, #tpu.memory_space<hbm>> -> memref<10240x128xf32, #tpu.memory_space<hbm>>
        %dma_wait3A_98 = arith.constant 0 : i32
        %dma_wait3A_99 = arith.constant 0 : i32
        %dma_wait3A_100 = tpu.memref_slice %dma_wait3A_97[%dma_wait3A_98, %dma_wait3A_99] : memref<10240x128xf32, #tpu.memory_space<hbm>> -> memref<10240x128xf32, #tpu.memory_space<hbm>>
        tpu.wait_indirect_dma semaphore(%arg13 : memref<!tpu.dma_semaphore, #tpu.memory_space<semaphore_mem>>) src(%dma_wait3A_100 : memref<10240x128xf32, #tpu.memory_space<hbm>>) dst(%arg11 : memref<125x128xf32, #tpu.memory_space<vmem>>)
        %gt3A = arith.constant 0 : i32
        %gt3A_101 = arith.cmpi sgt, %scan3A_54, %gt3A : i32
        %convert_element_type3A_102 = arith.extui %gt3A_101 : i1 to i32
        %cond3A_103 = arith.constant 0 : i32
        %cond3A_104 = arith.cmpi ne, %convert_element_type3A_102, %cond3A_103 : i32
        scf.if %cond3A_104 {
          %dma_wait3A_210 = arith.constant 0 : i32
          %dma_wait3A_211 = arith.constant 0 : i32
          %dma_wait3A_212 = tpu.memref_slice %arg8[%dma_wait3A_210, %dma_wait3A_211] : memref<16x125xi32, #tpu.memory_space<vmem>> -> memref<1x125xi32, #tpu.memory_space<vmem>>
          %dma_wait3A_213 = tpu.memref_squeeze %dma_wait3A_212 : memref<1x125xi32, #tpu.memory_space<vmem>> -> memref<125xi32, #tpu.memory_space<vmem>>
          %dma_wait3A_214 = arith.constant 0 : i32
          %dma_wait3A_215 = arith.constant 0 : i32
          %dma_wait3A_216 = tpu.memref_slice %arg6[%dma_wait3A_214, %dma_wait3A_215] : memref<10240x128xf32, #tpu.memory_space<vmem_shared>> -> memref<10240x128xf32, #tpu.memory_space<vmem_shared>>
          tpu.wait_indirect_dma semaphore(%arg16 : memref<!tpu.dma_semaphore, #tpu.memory_space<semaphore_mem>>) src(%arg12 : memref<125x128xf32, #tpu.memory_space<vmem>>) dst(%dma_wait3A_216 : memref<10240x128xf32, #tpu.memory_space<vmem_shared>>)
        } else {
        }
        %eq3A_105 = arith.constant 0 : i32
        %eq3A_106 = arith.cmpi eq, %select_n3A_86, %eq3A_105 : i32
        %convert_element_type3A_107 = arith.extui %eq3A_106 : i1 to i32
        %cond3A_108 = arith.constant 0 : i32
        %cond3A_109 = arith.cmpi ne, %convert_element_type3A_107, %cond3A_108 : i32
        scf.if %cond3A_109 {
          %dma_start3A_210 = arith.constant 0 : i32
          %dma_start3A_211 = tpu.memref_slice %arg8[%sub3A_89, %dma_start3A_210] : memref<16x125xi32, #tpu.memory_space<vmem>> -> memref<1x125xi32, #tpu.memory_space<vmem>>
          %dma_start3A_212 = tpu.memref_squeeze %dma_start3A_211 : memref<1x125xi32, #tpu.memory_space<vmem>> -> memref<125xi32, #tpu.memory_space<vmem>>
          %dma_start3A_213 = arith.constant 0 : i32
          %dma_start3A_214 = arith.constant 0 : i32
          %dma_start3A_215 = tpu.memref_slice %arg6[%dma_start3A_213, %dma_start3A_214] : memref<10240x128xf32, #tpu.memory_space<vmem_shared>> -> memref<10240x128xf32, #tpu.memory_space<vmem_shared>>
          tpu.enqueue_indirect_dma source(%arg11 : memref<125x128xf32, #tpu.memory_space<vmem>>) target(%dma_start3A_215 : memref<10240x128xf32, #tpu.memory_space<vmem_shared>>) offsets(%dma_start3A_212 : memref<125xi32, #tpu.memory_space<vmem>>) semaphore(%arg15 : memref<!tpu.dma_semaphore, #tpu.memory_space<semaphore_mem>>) {add = true}
        } else {
        }
        %eq3A_110 = arith.constant 1 : i32
        %eq3A_111 = arith.cmpi eq, %select_n3A_86, %eq3A_110 : i32
        %convert_element_type3A_112 = arith.extui %eq3A_111 : i1 to i32
        %cond3A_113 = arith.constant 0 : i32
        %cond3A_114 = arith.cmpi ne, %convert_element_type3A_112, %cond3A_113 : i32
        scf.if %cond3A_114 {
          %dma_start3A_210 = arith.constant 0 : i32
          %dma_start3A_211 = tpu.memref_slice %arg10[%sub3A_89, %dma_start3A_210] : memref<16x125xi32, #tpu.memory_space<vmem>> -> memref<1x125xi32, #tpu.memory_space<vmem>>
          %dma_start3A_212 = tpu.memref_squeeze %dma_start3A_211 : memref<1x125xi32, #tpu.memory_space<vmem>> -> memref<125xi32, #tpu.memory_space<vmem>>
          %dma_start3A_213 = arith.constant 0 : i32
          %dma_start3A_214 = arith.constant 0 : i32
          %dma_start3A_215 = tpu.memref_slice %arg6[%dma_start3A_213, %dma_start3A_214] : memref<10240x128xf32, #tpu.memory_space<vmem_shared>> -> memref<10240x128xf32, #tpu.memory_space<vmem_shared>>
          tpu.enqueue_indirect_dma source(%arg11 : memref<125x128xf32, #tpu.memory_space<vmem>>) target(%dma_start3A_215 : memref<10240x128xf32, #tpu.memory_space<vmem_shared>>) offsets(%dma_start3A_212 : memref<125xi32, #tpu.memory_space<vmem>>) semaphore(%arg15 : memref<!tpu.dma_semaphore, #tpu.memory_space<semaphore_mem>>) {add = true}
        } else {
        }
        %add3A_115 = arith.constant 1 : i32
        %add3A_116 = arith.addi %sub3A_89, %add3A_115 : i32
        %eq3A_117 = arith.constant 0 : i32
        %eq3A_118 = arith.cmpi eq, %select_n3A_86, %eq3A_117 : i32
        %convert_element_type3A_119 = arith.extui %eq3A_118 : i1 to i32
        %cond3A_120 = arith.constant 0 : i32
        %cond3A_121 = arith.cmpi ne, %convert_element_type3A_119, %cond3A_120 : i32
        scf.if %cond3A_121 {
          %dma_start3A_210 = arith.constant 0 : i32
          %dma_start3A_211 = tpu.memref_slice %arg7[%add3A_116, %dma_start3A_210] : memref<16x125xi32, #tpu.memory_space<vmem>> -> memref<1x125xi32, #tpu.memory_space<vmem>>
          %dma_start3A_212 = tpu.memref_squeeze %dma_start3A_211 : memref<1x125xi32, #tpu.memory_space<vmem>> -> memref<125xi32, #tpu.memory_space<vmem>>
          %dma_start3A_213 = arith.constant 0 : i32
          %dma_start3A_214 = arith.constant 0 : i32
          %dma_start3A_215 = tpu.memref_slice %arg2[%scan3A_42, %dma_start3A_213, %dma_start3A_214] : memref<2x10240x128xf32, #tpu.memory_space<hbm>> -> memref<1x10240x128xf32, #tpu.memory_space<hbm>>
          %dma_start3A_216 = tpu.memref_squeeze %dma_start3A_215 : memref<1x10240x128xf32, #tpu.memory_space<hbm>> -> memref<10240x128xf32, #tpu.memory_space<hbm>>
          %dma_start3A_217 = arith.constant 0 : i32
          %dma_start3A_218 = arith.constant 0 : i32
          %dma_start3A_219 = tpu.memref_slice %dma_start3A_216[%dma_start3A_217, %dma_start3A_218] : memref<10240x128xf32, #tpu.memory_space<hbm>> -> memref<10240x128xf32, #tpu.memory_space<hbm>>
          tpu.enqueue_indirect_dma source(%dma_start3A_219 : memref<10240x128xf32, #tpu.memory_space<hbm>>) target(%arg12 : memref<125x128xf32, #tpu.memory_space<vmem>>) offsets(%dma_start3A_212 : memref<125xi32, #tpu.memory_space<vmem>>) semaphore(%arg14 : memref<!tpu.dma_semaphore, #tpu.memory_space<semaphore_mem>>)
        } else {
        }
        %eq3A_122 = arith.constant 1 : i32
        %eq3A_123 = arith.cmpi eq, %select_n3A_86, %eq3A_122 : i32
        %convert_element_type3A_124 = arith.extui %eq3A_123 : i1 to i32
        %cond3A_125 = arith.constant 0 : i32
        %cond3A_126 = arith.cmpi ne, %convert_element_type3A_124, %cond3A_125 : i32
        scf.if %cond3A_126 {
          %dma_start3A_210 = arith.constant 0 : i32
          %dma_start3A_211 = tpu.memref_slice %arg9[%add3A_116, %dma_start3A_210] : memref<16x125xi32, #tpu.memory_space<vmem>> -> memref<1x125xi32, #tpu.memory_space<vmem>>
          %dma_start3A_212 = tpu.memref_squeeze %dma_start3A_211 : memref<1x125xi32, #tpu.memory_space<vmem>> -> memref<125xi32, #tpu.memory_space<vmem>>
          %dma_start3A_213 = arith.constant 0 : i32
          %dma_start3A_214 = arith.constant 0 : i32
          %dma_start3A_215 = tpu.memref_slice %arg2[%scan3A_42, %dma_start3A_213, %dma_start3A_214] : memref<2x10240x128xf32, #tpu.memory_space<hbm>> -> memref<1x10240x128xf32, #tpu.memory_space<hbm>>
          %dma_start3A_216 = tpu.memref_squeeze %dma_start3A_215 : memref<1x10240x128xf32, #tpu.memory_space<hbm>> -> memref<10240x128xf32, #tpu.memory_space<hbm>>
          %dma_start3A_217 = arith.constant 0 : i32
          %dma_start3A_218 = arith.constant 0 : i32
          %dma_start3A_219 = tpu.memref_slice %dma_start3A_216[%dma_start3A_217, %dma_start3A_218] : memref<10240x128xf32, #tpu.memory_space<hbm>> -> memref<10240x128xf32, #tpu.memory_space<hbm>>
          tpu.enqueue_indirect_dma source(%dma_start3A_219 : memref<10240x128xf32, #tpu.memory_space<hbm>>) target(%arg12 : memref<125x128xf32, #tpu.memory_space<vmem>>) offsets(%dma_start3A_212 : memref<125xi32, #tpu.memory_space<vmem>>) semaphore(%arg14 : memref<!tpu.dma_semaphore, #tpu.memory_space<semaphore_mem>>)
        } else {
        }
        %jit3A_127 = arith.constant 8 : i32
        %eq3A_128 = arith.constant 0 : i32
        %eq3A_129 = arith.cmpi eq, %jit3A_127, %eq3A_128 : i32
        %jit3A_130 = arith.constant 1 : i32
        %select_n3A_131 = arith.select %eq3A_129, %jit3A_130, %jit3A_127 : i32
        %rem3A_132 = arith.remsi %scan3A_54, %select_n3A_131 : i32
        %ne3A_133 = arith.constant 0 : i32
        %ne3A_134 = arith.cmpi ne, %rem3A_132, %ne3A_133 : i32
        %lt3A_135 = arith.constant 0 : i32
        %lt3A_136 = arith.cmpi slt, %rem3A_132, %lt3A_135 : i32
        %lt3A_137 = arith.constant 0 : i32
        %lt3A_138 = arith.cmpi slt, %select_n3A_131, %lt3A_137 : i32
        %ne3A_139 = arith.xori %lt3A_136, %lt3A_138 : i1
        %and3A_140 = arith.andi %ne3A_139, %ne3A_134 : i1
        %add3A_141 = arith.addi %rem3A_132, %select_n3A_131 : i32
        %select_n3A_142 = arith.select %and3A_140, %add3A_141, %rem3A_132 : i32
        %eq3A_143 = arith.constant 1 : i32
        %eq3A_144 = arith.cmpi eq, %select_n3A_142, %eq3A_143 : i32
        %lt3A_145 = arith.constant 9 : i32
        %lt3A_146 = arith.cmpi slt, %select_n3A, %lt3A_145 : i32
        %and3A_147 = arith.andi %eq3A_144, %lt3A_146 : i1
        %convert_element_type3A_148 = arith.extui %and3A_147 : i1 to i32
        %cond3A_149 = arith.constant 0 : i32
        %cond3A_150 = arith.cmpi ne, %convert_element_type3A_148, %cond3A_149 : i32
        scf.if %cond3A_150 {
          %add3A_210 = arith.constant 1 : i32
          %add3A_211 = arith.addi %select_n3A, %add3A_210 : i32
          %mul3A_212 = arith.constant 16 : i32
          %mul3A_213 = arith.muli %add3A_211, %mul3A_212 : i32
          %add3A_214 = arith.addi %mul3A_2, %mul3A_213 : i32
          %jit3A_215 = arith.constant 2 : i32
          %eq3A_216 = arith.constant 0 : i32
          %eq3A_217 = arith.cmpi eq, %jit3A_215, %eq3A_216 : i32
          %jit3A_218 = arith.constant 1 : i32
          %select_n3A_219 = arith.select %eq3A_217, %jit3A_218, %jit3A_215 : i32
          %rem3A_220 = arith.remsi %add3A_211, %select_n3A_219 : i32
          %ne3A_221 = arith.constant 0 : i32
          %ne3A_222 = arith.cmpi ne, %rem3A_220, %ne3A_221 : i32
          %lt3A_223 = arith.constant 0 : i32
          %lt3A_224 = arith.cmpi slt, %rem3A_220, %lt3A_223 : i32
          %lt3A_225 = arith.constant 0 : i32
          %lt3A_226 = arith.cmpi slt, %select_n3A_219, %lt3A_225 : i32
          %ne3A_227 = arith.xori %lt3A_224, %lt3A_226 : i1
          %and3A_228 = arith.andi %ne3A_227, %ne3A_222 : i1
          %add3A_229 = arith.addi %rem3A_220, %select_n3A_219 : i32
          %select_n3A_230 = arith.select %and3A_228, %add3A_229, %rem3A_220 : i32
          %eq3A_231 = arith.constant 0 : i32
          %eq3A_232 = arith.cmpi eq, %select_n3A_230, %eq3A_231 : i32
          %convert_element_type3A_233 = arith.extui %eq3A_232 : i1 to i32
          %cond3A_234 = arith.constant 0 : i32
          %cond3A_235 = arith.cmpi ne, %convert_element_type3A_233, %cond3A_234 : i32
          scf.if %cond3A_235 {
            %dma_start3A_257 = arith.constant 0 : i32
            %dma_start3A_258 = tpu.memref_slice %arg3[%add3A_214, %dma_start3A_257] : memref<2560x125xi32, #tpu.memory_space<hbm>> -> memref<16x125xi32, #tpu.memory_space<hbm>>
            %dma_start3A_259 = arith.constant 0 : i32
            %dma_start3A_260 = tpu.memref_slice %arg3[%add3A_214, %dma_start3A_259] : memref<2560x125xi32, #tpu.memory_space<hbm>> -> memref<16x125xi32, #tpu.memory_space<hbm>>
            tpu.enqueue_dma source(%dma_start3A_260 : memref<16x125xi32, #tpu.memory_space<hbm>>) target(%arg7 : memref<16x125xi32, #tpu.memory_space<vmem>>) target_semaphore(%arg17 : memref<!tpu.dma_semaphore, #tpu.memory_space<semaphore_mem>>)
            %dma_start3A_261 = arith.constant 0 : i32
            %dma_start3A_262 = tpu.memref_slice %arg4[%add3A_214, %dma_start3A_261] : memref<2560x125xi32, #tpu.memory_space<hbm>> -> memref<16x125xi32, #tpu.memory_space<hbm>>
            %dma_start3A_263 = arith.constant 0 : i32
            %dma_start3A_264 = tpu.memref_slice %arg4[%add3A_214, %dma_start3A_263] : memref<2560x125xi32, #tpu.memory_space<hbm>> -> memref<16x125xi32, #tpu.memory_space<hbm>>
            tpu.enqueue_dma source(%dma_start3A_264 : memref<16x125xi32, #tpu.memory_space<hbm>>) target(%arg8 : memref<16x125xi32, #tpu.memory_space<vmem>>) target_semaphore(%arg17 : memref<!tpu.dma_semaphore, #tpu.memory_space<semaphore_mem>>)
          } else {
          }
          %jit3A_236 = arith.constant 2 : i32
          %eq3A_237 = arith.constant 0 : i32
          %eq3A_238 = arith.cmpi eq, %jit3A_236, %eq3A_237 : i32
          %jit3A_239 = arith.constant 1 : i32
          %select_n3A_240 = arith.select %eq3A_238, %jit3A_239, %jit3A_236 : i32
          %rem3A_241 = arith.remsi %add3A_211, %select_n3A_240 : i32
          %ne3A_242 = arith.constant 0 : i32
          %ne3A_243 = arith.cmpi ne, %rem3A_241, %ne3A_242 : i32
          %lt3A_244 = arith.constant 0 : i32
          %lt3A_245 = arith.cmpi slt, %rem3A_241, %lt3A_244 : i32
          %lt3A_246 = arith.constant 0 : i32
          %lt3A_247 = arith.cmpi slt, %select_n3A_240, %lt3A_246 : i32
          %ne3A_248 = arith.xori %lt3A_245, %lt3A_247 : i1
          %and3A_249 = arith.andi %ne3A_248, %ne3A_243 : i1
          %add3A_250 = arith.addi %rem3A_241, %select_n3A_240 : i32
          %select_n3A_251 = arith.select %and3A_249, %add3A_250, %rem3A_241 : i32
          %eq3A_252 = arith.constant 1 : i32
          %eq3A_253 = arith.cmpi eq, %select_n3A_251, %eq3A_252 : i32
          %convert_element_type3A_254 = arith.extui %eq3A_253 : i1 to i32
          %cond3A_255 = arith.constant 0 : i32
          %cond3A_256 = arith.cmpi ne, %convert_element_type3A_254, %cond3A_255 : i32
          scf.if %cond3A_256 {
            %dma_start3A_257 = arith.constant 0 : i32
            %dma_start3A_258 = tpu.memref_slice %arg3[%add3A_214, %dma_start3A_257] : memref<2560x125xi32, #tpu.memory_space<hbm>> -> memref<16x125xi32, #tpu.memory_space<hbm>>
            %dma_start3A_259 = arith.constant 0 : i32
            %dma_start3A_260 = tpu.memref_slice %arg3[%add3A_214, %dma_start3A_259] : memref<2560x125xi32, #tpu.memory_space<hbm>> -> memref<16x125xi32, #tpu.memory_space<hbm>>
            tpu.enqueue_dma source(%dma_start3A_260 : memref<16x125xi32, #tpu.memory_space<hbm>>) target(%arg9 : memref<16x125xi32, #tpu.memory_space<vmem>>) target_semaphore(%arg17 : memref<!tpu.dma_semaphore, #tpu.memory_space<semaphore_mem>>)
            %dma_start3A_261 = arith.constant 0 : i32
            %dma_start3A_262 = tpu.memref_slice %arg4[%add3A_214, %dma_start3A_261] : memref<2560x125xi32, #tpu.memory_space<hbm>> -> memref<16x125xi32, #tpu.memory_space<hbm>>
            %dma_start3A_263 = arith.constant 0 : i32
            %dma_start3A_264 = tpu.memref_slice %arg4[%add3A_214, %dma_start3A_263] : memref<2560x125xi32, #tpu.memory_space<hbm>> -> memref<16x125xi32, #tpu.memory_space<hbm>>
            tpu.enqueue_dma source(%dma_start3A_264 : memref<16x125xi32, #tpu.memory_space<hbm>>) target(%arg10 : memref<16x125xi32, #tpu.memory_space<vmem>>) target_semaphore(%arg17 : memref<!tpu.dma_semaphore, #tpu.memory_space<semaphore_mem>>)
          } else {
          }
        } else {
        }
        %dma_wait3A_151 = arith.constant 0 : i32
        %dma_wait3A_152 = arith.constant 0 : i32
        %dma_wait3A_153 = tpu.memref_slice %arg7[%dma_wait3A_151, %dma_wait3A_152] : memref<16x125xi32, #tpu.memory_space<vmem>> -> memref<1x125xi32, #tpu.memory_space<vmem>>
        %dma_wait3A_154 = tpu.memref_squeeze %dma_wait3A_153 : memref<1x125xi32, #tpu.memory_space<vmem>> -> memref<125xi32, #tpu.memory_space<vmem>>
        %dma_wait3A_155 = arith.constant 0 : i32
        %dma_wait3A_156 = arith.constant 0 : i32
        %dma_wait3A_157 = tpu.memref_slice %arg2[%scan3A_42, %dma_wait3A_155, %dma_wait3A_156] : memref<2x10240x128xf32, #tpu.memory_space<hbm>> -> memref<1x10240x128xf32, #tpu.memory_space<hbm>>
        %dma_wait3A_158 = tpu.memref_squeeze %dma_wait3A_157 : memref<1x10240x128xf32, #tpu.memory_space<hbm>> -> memref<10240x128xf32, #tpu.memory_space<hbm>>
        %dma_wait3A_159 = arith.constant 0 : i32
        %dma_wait3A_160 = arith.constant 0 : i32
        %dma_wait3A_161 = tpu.memref_slice %dma_wait3A_158[%dma_wait3A_159, %dma_wait3A_160] : memref<10240x128xf32, #tpu.memory_space<hbm>> -> memref<10240x128xf32, #tpu.memory_space<hbm>>
        tpu.wait_indirect_dma semaphore(%arg14 : memref<!tpu.dma_semaphore, #tpu.memory_space<semaphore_mem>>) src(%dma_wait3A_161 : memref<10240x128xf32, #tpu.memory_space<hbm>>) dst(%arg12 : memref<125x128xf32, #tpu.memory_space<vmem>>)
        %dma_wait3A_162 = arith.constant 0 : i32
        %dma_wait3A_163 = arith.constant 0 : i32
        %dma_wait3A_164 = tpu.memref_slice %arg8[%dma_wait3A_162, %dma_wait3A_163] : memref<16x125xi32, #tpu.memory_space<vmem>> -> memref<1x125xi32, #tpu.memory_space<vmem>>
        %dma_wait3A_165 = tpu.memref_squeeze %dma_wait3A_164 : memref<1x125xi32, #tpu.memory_space<vmem>> -> memref<125xi32, #tpu.memory_space<vmem>>
        %dma_wait3A_166 = arith.constant 0 : i32
        %dma_wait3A_167 = arith.constant 0 : i32
        %dma_wait3A_168 = tpu.memref_slice %arg6[%dma_wait3A_166, %dma_wait3A_167] : memref<10240x128xf32, #tpu.memory_space<vmem_shared>> -> memref<10240x128xf32, #tpu.memory_space<vmem_shared>>
        tpu.wait_indirect_dma semaphore(%arg15 : memref<!tpu.dma_semaphore, #tpu.memory_space<semaphore_mem>>) src(%arg11 : memref<125x128xf32, #tpu.memory_space<vmem>>) dst(%dma_wait3A_168 : memref<10240x128xf32, #tpu.memory_space<vmem_shared>>)
        %add3A_169 = arith.constant 1 : i32
        %add3A_170 = arith.addi %sub3A_89, %add3A_169 : i32
        %eq3A_171 = arith.constant 0 : i32
        %eq3A_172 = arith.cmpi eq, %select_n3A_86, %eq3A_171 : i32
        %convert_element_type3A_173 = arith.extui %eq3A_172 : i1 to i32
        %cond3A_174 = arith.constant 0 : i32
        %cond3A_175 = arith.cmpi ne, %convert_element_type3A_173, %cond3A_174 : i32
        scf.if %cond3A_175 {
          %dma_start3A_210 = arith.constant 0 : i32
          %dma_start3A_211 = tpu.memref_slice %arg8[%add3A_170, %dma_start3A_210] : memref<16x125xi32, #tpu.memory_space<vmem>> -> memref<1x125xi32, #tpu.memory_space<vmem>>
          %dma_start3A_212 = tpu.memref_squeeze %dma_start3A_211 : memref<1x125xi32, #tpu.memory_space<vmem>> -> memref<125xi32, #tpu.memory_space<vmem>>
          %dma_start3A_213 = arith.constant 0 : i32
          %dma_start3A_214 = arith.constant 0 : i32
          %dma_start3A_215 = tpu.memref_slice %arg6[%dma_start3A_213, %dma_start3A_214] : memref<10240x128xf32, #tpu.memory_space<vmem_shared>> -> memref<10240x128xf32, #tpu.memory_space<vmem_shared>>
          tpu.enqueue_indirect_dma source(%arg12 : memref<125x128xf32, #tpu.memory_space<vmem>>) target(%dma_start3A_215 : memref<10240x128xf32, #tpu.memory_space<vmem_shared>>) offsets(%dma_start3A_212 : memref<125xi32, #tpu.memory_space<vmem>>) semaphore(%arg16 : memref<!tpu.dma_semaphore, #tpu.memory_space<semaphore_mem>>) {add = true}
        } else {
        }
        %eq3A_176 = arith.constant 1 : i32
        %eq3A_177 = arith.cmpi eq, %select_n3A_86, %eq3A_176 : i32
        %convert_element_type3A_178 = arith.extui %eq3A_177 : i1 to i32
        %cond3A_179 = arith.constant 0 : i32
        %cond3A_180 = arith.cmpi ne, %convert_element_type3A_178, %cond3A_179 : i32
        scf.if %cond3A_180 {
          %dma_start3A_210 = arith.constant 0 : i32
          %dma_start3A_211 = tpu.memref_slice %arg10[%add3A_170, %dma_start3A_210] : memref<16x125xi32, #tpu.memory_space<vmem>> -> memref<1x125xi32, #tpu.memory_space<vmem>>
          %dma_start3A_212 = tpu.memref_squeeze %dma_start3A_211 : memref<1x125xi32, #tpu.memory_space<vmem>> -> memref<125xi32, #tpu.memory_space<vmem>>
          %dma_start3A_213 = arith.constant 0 : i32
          %dma_start3A_214 = arith.constant 0 : i32
          %dma_start3A_215 = tpu.memref_slice %arg6[%dma_start3A_213, %dma_start3A_214] : memref<10240x128xf32, #tpu.memory_space<vmem_shared>> -> memref<10240x128xf32, #tpu.memory_space<vmem_shared>>
          tpu.enqueue_indirect_dma source(%arg12 : memref<125x128xf32, #tpu.memory_space<vmem>>) target(%dma_start3A_215 : memref<10240x128xf32, #tpu.memory_space<vmem_shared>>) offsets(%dma_start3A_212 : memref<125xi32, #tpu.memory_space<vmem>>) semaphore(%arg16 : memref<!tpu.dma_semaphore, #tpu.memory_space<semaphore_mem>>) {add = true}
        } else {
        }
        %jit3A_181 = arith.constant 8 : i32
        %eq3A_182 = arith.constant 0 : i32
        %eq3A_183 = arith.cmpi eq, %jit3A_181, %eq3A_182 : i32
        %jit3A_184 = arith.constant 1 : i32
        %select_n3A_185 = arith.select %eq3A_183, %jit3A_184, %jit3A_181 : i32
        %rem3A_186 = arith.remsi %scan3A_54, %select_n3A_185 : i32
        %ne3A_187 = arith.constant 0 : i32
        %ne3A_188 = arith.cmpi ne, %rem3A_186, %ne3A_187 : i32
        %lt3A_189 = arith.constant 0 : i32
        %lt3A_190 = arith.cmpi slt, %rem3A_186, %lt3A_189 : i32
        %lt3A_191 = arith.constant 0 : i32
        %lt3A_192 = arith.cmpi slt, %select_n3A_185, %lt3A_191 : i32
        %ne3A_193 = arith.xori %lt3A_190, %lt3A_192 : i1
        %and3A_194 = arith.andi %ne3A_193, %ne3A_188 : i1
        %add3A_195 = arith.addi %rem3A_186, %select_n3A_185 : i32
        %select_n3A_196 = arith.select %and3A_194, %add3A_195, %rem3A_186 : i32
        %eq3A_197 = arith.constant 7 : i32
        %eq3A_198 = arith.cmpi eq, %select_n3A_196, %eq3A_197 : i32
        %lt3A_199 = arith.constant 72 : i32
        %lt3A_200 = arith.cmpi slt, %scan3A_54, %lt3A_199 : i32
        %and3A_201 = arith.andi %eq3A_198, %lt3A_200 : i1
        %convert_element_type3A_202 = arith.extui %and3A_201 : i1 to i32
        %cond3A_203 = arith.constant 0 : i32
        %cond3A_204 = arith.cmpi ne, %convert_element_type3A_202, %cond3A_203 : i32
        scf.if %cond3A_204 {
          %dma_wait3A_210 = arith.constant 0 : i32
          %dma_wait3A_211 = arith.constant 0 : i32
          %dma_wait3A_212 = tpu.memref_slice %arg3[%dma_wait3A_210, %dma_wait3A_211] : memref<2560x125xi32, #tpu.memory_space<hbm>> -> memref<16x125xi32, #tpu.memory_space<hbm>>
          %dma_wait3A_213 = arith.constant 0 : i32
          %dma_wait3A_214 = arith.constant 0 : i32
          %dma_wait3A_215 = tpu.memref_slice %arg3[%dma_wait3A_213, %dma_wait3A_214] : memref<2560x125xi32, #tpu.memory_space<hbm>> -> memref<16x125xi32, #tpu.memory_space<hbm>>
          tpu.wait_dma2 semaphore(%arg17 : memref<!tpu.dma_semaphore, #tpu.memory_space<semaphore_mem>>) src(%dma_wait3A_215 : memref<16x125xi32, #tpu.memory_space<hbm>>) dst(%arg7 : memref<16x125xi32, #tpu.memory_space<vmem>>)
          %dma_wait3A_216 = arith.constant 0 : i32
          %dma_wait3A_217 = arith.constant 0 : i32
          %dma_wait3A_218 = tpu.memref_slice %arg4[%dma_wait3A_216, %dma_wait3A_217] : memref<2560x125xi32, #tpu.memory_space<hbm>> -> memref<16x125xi32, #tpu.memory_space<hbm>>
          %dma_wait3A_219 = arith.constant 0 : i32
          %dma_wait3A_220 = arith.constant 0 : i32
          %dma_wait3A_221 = tpu.memref_slice %arg4[%dma_wait3A_219, %dma_wait3A_220] : memref<2560x125xi32, #tpu.memory_space<hbm>> -> memref<16x125xi32, #tpu.memory_space<hbm>>
          tpu.wait_dma2 semaphore(%arg17 : memref<!tpu.dma_semaphore, #tpu.memory_space<semaphore_mem>>) src(%dma_wait3A_221 : memref<16x125xi32, #tpu.memory_space<hbm>>) dst(%arg8 : memref<16x125xi32, #tpu.memory_space<vmem>>)
        } else {
        }
        %lt3A_205 = arith.constant 79 : i32
        %lt3A_206 = arith.cmpi slt, %scan3A_54, %lt3A_205 : i32
        %convert_element_type3A_207 = arith.extui %lt3A_206 : i1 to i32
        %cond3A_208 = arith.constant 0 : i32
        %cond3A_209 = arith.cmpi ne, %convert_element_type3A_207, %cond3A_208 : i32
        scf.if %cond3A_209 {
          %add3A_210 = arith.constant 2 : i32
          %add3A_211 = arith.addi %mul3A_56, %add3A_210 : i32
          %jit3A_212 = arith.constant 16 : i32
          %div3A_213 = arith.divsi %add3A_211, %jit3A_212 : i32
          %sign3A_214 = arith.constant 0 : i32
          %sign3A_215 = arith.cmpi sgt, %add3A_211, %sign3A_214 : i32
          %sign3A_216 = arith.extui %sign3A_215 : i1 to i32
          %sign3A_217 = arith.constant 0 : i32
          %sign3A_218 = arith.cmpi slt, %add3A_211, %sign3A_217 : i32
          %sign3A_219 = arith.extui %sign3A_218 : i1 to i32
          %sign3A_220 = arith.subi %sign3A_216, %sign3A_219 : i32
          %sign3A_221 = arith.constant 0 : i32
          %sign3A_222 = arith.cmpi sgt, %jit3A_212, %sign3A_221 : i32
          %sign3A_223 = arith.extui %sign3A_222 : i1 to i32
          %sign3A_224 = arith.constant 0 : i32
          %sign3A_225 = arith.cmpi slt, %jit3A_212, %sign3A_224 : i32
          %sign3A_226 = arith.extui %sign3A_225 : i1 to i32
          %sign3A_227 = arith.subi %sign3A_223, %sign3A_226 : i32
          %ne3A_228 = arith.cmpi ne, %sign3A_220, %sign3A_227 : i32
          %rem3A_229 = arith.remsi %add3A_211, %jit3A_212 : i32
          %ne3A_230 = arith.constant 0 : i32
          %ne3A_231 = arith.cmpi ne, %rem3A_229, %ne3A_230 : i32
          %and3A_232 = arith.andi %ne3A_228, %ne3A_231 : i1
          %sub3A_233 = arith.constant 1 : i32
          %sub3A_234 = arith.subi %div3A_213, %sub3A_233 : i32
          %select_n3A_235 = arith.select %and3A_232, %sub3A_234, %div3A_213 : i32
          %jit3A_236 = arith.constant 2 : i32
          %eq3A_237 = arith.constant 0 : i32
          %eq3A_238 = arith.cmpi eq, %jit3A_236, %eq3A_237 : i32
          %jit3A_239 = arith.constant 1 : i32
          %select_n3A_240 = arith.select %eq3A_238, %jit3A_239, %jit3A_236 : i32
          %rem3A_241 = arith.remsi %select_n3A_235, %select_n3A_240 : i32
          %ne3A_242 = arith.constant 0 : i32
          %ne3A_243 = arith.cmpi ne, %rem3A_241, %ne3A_242 : i32
          %lt3A_244 = arith.constant 0 : i32
          %lt3A_245 = arith.cmpi slt, %rem3A_241, %lt3A_244 : i32
          %lt3A_246 = arith.constant 0 : i32
          %lt3A_247 = arith.cmpi slt, %select_n3A_240, %lt3A_246 : i32
          %ne3A_248 = arith.xori %lt3A_245, %lt3A_247 : i1
          %and3A_249 = arith.andi %ne3A_248, %ne3A_243 : i1
          %add3A_250 = arith.addi %rem3A_241, %select_n3A_240 : i32
          %select_n3A_251 = arith.select %and3A_249, %add3A_250, %rem3A_241 : i32
          %jit3A_252 = arith.constant 16 : i32
          %eq3A_253 = arith.constant 0 : i32
          %eq3A_254 = arith.cmpi eq, %jit3A_252, %eq3A_253 : i32
          %jit3A_255 = arith.constant 1 : i32
          %select_n3A_256 = arith.select %eq3A_254, %jit3A_255, %jit3A_252 : i32
          %rem3A_257 = arith.remsi %add3A_211, %select_n3A_256 : i32
          %ne3A_258 = arith.constant 0 : i32
          %ne3A_259 = arith.cmpi ne, %rem3A_257, %ne3A_258 : i32
          %lt3A_260 = arith.constant 0 : i32
          %lt3A_261 = arith.cmpi slt, %rem3A_257, %lt3A_260 : i32
          %lt3A_262 = arith.constant 0 : i32
          %lt3A_263 = arith.cmpi slt, %select_n3A_256, %lt3A_262 : i32
          %ne3A_264 = arith.xori %lt3A_261, %lt3A_263 : i1
          %and3A_265 = arith.andi %ne3A_264, %ne3A_259 : i1
          %add3A_266 = arith.addi %rem3A_257, %select_n3A_256 : i32
          %select_n3A_267 = arith.select %and3A_265, %add3A_266, %rem3A_257 : i32
          %eq3A_268 = arith.constant 0 : i32
          %eq3A_269 = arith.cmpi eq, %select_n3A_251, %eq3A_268 : i32
          %convert_element_type3A_270 = arith.extui %eq3A_269 : i1 to i32
          %cond3A_271 = arith.constant 0 : i32
          %cond3A_272 = arith.cmpi ne, %convert_element_type3A_270, %cond3A_271 : i32
          scf.if %cond3A_272 {
            %dma_start3A_278 = arith.constant 0 : i32
            %dma_start3A_279 = tpu.memref_slice %arg7[%select_n3A_267, %dma_start3A_278] : memref<16x125xi32, #tpu.memory_space<vmem>> -> memref<1x125xi32, #tpu.memory_space<vmem>>
            %dma_start3A_280 = tpu.memref_squeeze %dma_start3A_279 : memref<1x125xi32, #tpu.memory_space<vmem>> -> memref<125xi32, #tpu.memory_space<vmem>>
            %dma_start3A_281 = arith.constant 0 : i32
            %dma_start3A_282 = arith.constant 0 : i32
            %dma_start3A_283 = tpu.memref_slice %arg2[%scan3A_42, %dma_start3A_281, %dma_start3A_282] : memref<2x10240x128xf32, #tpu.memory_space<hbm>> -> memref<1x10240x128xf32, #tpu.memory_space<hbm>>
            %dma_start3A_284 = tpu.memref_squeeze %dma_start3A_283 : memref<1x10240x128xf32, #tpu.memory_space<hbm>> -> memref<10240x128xf32, #tpu.memory_space<hbm>>
            %dma_start3A_285 = arith.constant 0 : i32
            %dma_start3A_286 = arith.constant 0 : i32
            %dma_start3A_287 = tpu.memref_slice %dma_start3A_284[%dma_start3A_285, %dma_start3A_286] : memref<10240x128xf32, #tpu.memory_space<hbm>> -> memref<10240x128xf32, #tpu.memory_space<hbm>>
            tpu.enqueue_indirect_dma source(%dma_start3A_287 : memref<10240x128xf32, #tpu.memory_space<hbm>>) target(%arg11 : memref<125x128xf32, #tpu.memory_space<vmem>>) offsets(%dma_start3A_280 : memref<125xi32, #tpu.memory_space<vmem>>) semaphore(%arg13 : memref<!tpu.dma_semaphore, #tpu.memory_space<semaphore_mem>>)
          } else {
          }
          %eq3A_273 = arith.constant 1 : i32
          %eq3A_274 = arith.cmpi eq, %select_n3A_251, %eq3A_273 : i32
          %convert_element_type3A_275 = arith.extui %eq3A_274 : i1 to i32
          %cond3A_276 = arith.constant 0 : i32
          %cond3A_277 = arith.cmpi ne, %convert_element_type3A_275, %cond3A_276 : i32
          scf.if %cond3A_277 {
            %dma_start3A_278 = arith.constant 0 : i32
            %dma_start3A_279 = tpu.memref_slice %arg9[%select_n3A_267, %dma_start3A_278] : memref<16x125xi32, #tpu.memory_space<vmem>> -> memref<1x125xi32, #tpu.memory_space<vmem>>
            %dma_start3A_280 = tpu.memref_squeeze %dma_start3A_279 : memref<1x125xi32, #tpu.memory_space<vmem>> -> memref<125xi32, #tpu.memory_space<vmem>>
            %dma_start3A_281 = arith.constant 0 : i32
            %dma_start3A_282 = arith.constant 0 : i32
            %dma_start3A_283 = tpu.memref_slice %arg2[%scan3A_42, %dma_start3A_281, %dma_start3A_282] : memref<2x10240x128xf32, #tpu.memory_space<hbm>> -> memref<1x10240x128xf32, #tpu.memory_space<hbm>>
            %dma_start3A_284 = tpu.memref_squeeze %dma_start3A_283 : memref<1x10240x128xf32, #tpu.memory_space<hbm>> -> memref<10240x128xf32, #tpu.memory_space<hbm>>
            %dma_start3A_285 = arith.constant 0 : i32
            %dma_start3A_286 = arith.constant 0 : i32
            %dma_start3A_287 = tpu.memref_slice %dma_start3A_284[%dma_start3A_285, %dma_start3A_286] : memref<10240x128xf32, #tpu.memory_space<hbm>> -> memref<10240x128xf32, #tpu.memory_space<hbm>>
            tpu.enqueue_indirect_dma source(%dma_start3A_287 : memref<10240x128xf32, #tpu.memory_space<hbm>>) target(%arg11 : memref<125x128xf32, #tpu.memory_space<vmem>>) offsets(%dma_start3A_280 : memref<125xi32, #tpu.memory_space<vmem>>) semaphore(%arg13 : memref<!tpu.dma_semaphore, #tpu.memory_space<semaphore_mem>>)
          } else {
          }
        } else {
        }
      }
      %scan3A_47 = arith.constant 80 : i32
      %dma_wait3A = arith.constant 0 : i32
      %dma_wait3A_48 = arith.constant 0 : i32
      %dma_wait3A_49 = tpu.memref_slice %arg8[%dma_wait3A, %dma_wait3A_48] : memref<16x125xi32, #tpu.memory_space<vmem>> -> memref<1x125xi32, #tpu.memory_space<vmem>>
      %dma_wait3A_50 = tpu.memref_squeeze %dma_wait3A_49 : memref<1x125xi32, #tpu.memory_space<vmem>> -> memref<125xi32, #tpu.memory_space<vmem>>
      %dma_wait3A_51 = arith.constant 0 : i32
      %dma_wait3A_52 = arith.constant 0 : i32
      %dma_wait3A_53 = tpu.memref_slice %arg6[%dma_wait3A_51, %dma_wait3A_52] : memref<10240x128xf32, #tpu.memory_space<vmem_shared>> -> memref<10240x128xf32, #tpu.memory_space<vmem_shared>>
      tpu.wait_indirect_dma semaphore(%arg16 : memref<!tpu.dma_semaphore, #tpu.memory_space<semaphore_mem>>) src(%arg12 : memref<125x128xf32, #tpu.memory_space<vmem>>) dst(%dma_wait3A_53 : memref<10240x128xf32, #tpu.memory_space<vmem_shared>>)
    } else {
    }
    %eq3A_15 = arith.constant 1 : i32
    %eq3A_16 = arith.cmpi eq, %arg0, %eq3A_15 : i32
    %convert_element_type3A_17 = arith.extui %eq3A_16 : i1 to i32
    %cond3A_18 = arith.constant 0 : i32
    %cond3A_19 = arith.cmpi ne, %convert_element_type3A_17, %cond3A_18 : i32
    scf.if %cond3A_19 {
      "tpu.region"() ({
        %run_scoped3A = tpu.sem_alloc : memref<!tpu.dma_semaphore, #tpu.memory_space<semaphore_mem>>
        %dma_start3A_54 = arith.constant 0 : i32
        %dma_start3A_55 = tpu.memref_slice %arg3[%mul3A_2, %dma_start3A_54] : memref<2560x125xi32, #tpu.memory_space<hbm>> -> memref<16x125xi32, #tpu.memory_space<hbm>>
        %dma_start3A_56 = arith.constant 0 : i32
        %dma_start3A_57 = tpu.memref_slice %arg3[%mul3A_2, %dma_start3A_56] : memref<2560x125xi32, #tpu.memory_space<hbm>> -> memref<16x125xi32, #tpu.memory_space<hbm>>
        tpu.enqueue_dma source(%dma_start3A_57 : memref<16x125xi32, #tpu.memory_space<hbm>>) target(%arg7 : memref<16x125xi32, #tpu.memory_space<vmem>>) target_semaphore(%run_scoped3A : memref<!tpu.dma_semaphore, #tpu.memory_space<semaphore_mem>>)
        %dma_wait3A_58 = arith.constant 0 : i32
        %dma_wait3A_59 = tpu.memref_slice %arg3[%mul3A_2, %dma_wait3A_58] : memref<2560x125xi32, #tpu.memory_space<hbm>> -> memref<16x125xi32, #tpu.memory_space<hbm>>
        %dma_wait3A_60 = arith.constant 0 : i32
        %dma_wait3A_61 = tpu.memref_slice %arg3[%mul3A_2, %dma_wait3A_60] : memref<2560x125xi32, #tpu.memory_space<hbm>> -> memref<16x125xi32, #tpu.memory_space<hbm>>
        tpu.wait_dma2 semaphore(%run_scoped3A : memref<!tpu.dma_semaphore, #tpu.memory_space<semaphore_mem>>) src(%dma_wait3A_61 : memref<16x125xi32, #tpu.memory_space<hbm>>) dst(%arg7 : memref<16x125xi32, #tpu.memory_space<vmem>>)
        tpu.yield
      }) : () -> ()
      "tpu.region"() ({
        %run_scoped3A = tpu.sem_alloc : memref<!tpu.dma_semaphore, #tpu.memory_space<semaphore_mem>>
        %dma_start3A_54 = arith.constant 0 : i32
        %dma_start3A_55 = tpu.memref_slice %arg4[%mul3A_2, %dma_start3A_54] : memref<2560x125xi32, #tpu.memory_space<hbm>> -> memref<16x125xi32, #tpu.memory_space<hbm>>
        %dma_start3A_56 = arith.constant 0 : i32
        %dma_start3A_57 = tpu.memref_slice %arg4[%mul3A_2, %dma_start3A_56] : memref<2560x125xi32, #tpu.memory_space<hbm>> -> memref<16x125xi32, #tpu.memory_space<hbm>>
        tpu.enqueue_dma source(%dma_start3A_57 : memref<16x125xi32, #tpu.memory_space<hbm>>) target(%arg8 : memref<16x125xi32, #tpu.memory_space<vmem>>) target_semaphore(%run_scoped3A : memref<!tpu.dma_semaphore, #tpu.memory_space<semaphore_mem>>)
        %dma_wait3A_58 = arith.constant 0 : i32
        %dma_wait3A_59 = tpu.memref_slice %arg4[%mul3A_2, %dma_wait3A_58] : memref<2560x125xi32, #tpu.memory_space<hbm>> -> memref<16x125xi32, #tpu.memory_space<hbm>>
        %dma_wait3A_60 = arith.constant 0 : i32
        %dma_wait3A_61 = tpu.memref_slice %arg4[%mul3A_2, %dma_wait3A_60] : memref<2560x125xi32, #tpu.memory_space<hbm>> -> memref<16x125xi32, #tpu.memory_space<hbm>>
        tpu.wait_dma2 semaphore(%run_scoped3A : memref<!tpu.dma_semaphore, #tpu.memory_space<semaphore_mem>>) src(%dma_wait3A_61 : memref<16x125xi32, #tpu.memory_space<hbm>>) dst(%arg8 : memref<16x125xi32, #tpu.memory_space<vmem>>)
        tpu.yield
      }) : () -> ()
      %dma_start3A = arith.constant 1 : i32
      %dma_start3A_31 = arith.constant 0 : i32
      %dma_start3A_32 = arith.constant 0 : i32
      %dma_start3A_33 = tpu.memref_slice %arg7[%dma_start3A_31, %dma_start3A_32] : memref<16x125xi32, #tpu.memory_space<vmem>> -> memref<1x125xi32, #tpu.memory_space<vmem>>
      %dma_start3A_34 = tpu.memref_squeeze %dma_start3A_33 : memref<1x125xi32, #tpu.memory_space<vmem>> -> memref<125xi32, #tpu.memory_space<vmem>>
      %dma_start3A_35 = arith.constant 0 : i32
      %dma_start3A_36 = arith.constant 0 : i32
      %dma_start3A_37 = tpu.memref_slice %arg2[%dma_start3A, %dma_start3A_35, %dma_start3A_36] : memref<2x10240x128xf32, #tpu.memory_space<hbm>> -> memref<1x10240x128xf32, #tpu.memory_space<hbm>>
      %dma_start3A_38 = tpu.memref_squeeze %dma_start3A_37 : memref<1x10240x128xf32, #tpu.memory_space<hbm>> -> memref<10240x128xf32, #tpu.memory_space<hbm>>
      %dma_start3A_39 = arith.constant 0 : i32
      %dma_start3A_40 = arith.constant 0 : i32
      %dma_start3A_41 = tpu.memref_slice %dma_start3A_38[%dma_start3A_39, %dma_start3A_40] : memref<10240x128xf32, #tpu.memory_space<hbm>> -> memref<10240x128xf32, #tpu.memory_space<hbm>>
      tpu.enqueue_indirect_dma source(%dma_start3A_41 : memref<10240x128xf32, #tpu.memory_space<hbm>>) target(%arg11 : memref<125x128xf32, #tpu.memory_space<vmem>>) offsets(%dma_start3A_34 : memref<125xi32, #tpu.memory_space<vmem>>) semaphore(%arg13 : memref<!tpu.dma_semaphore, #tpu.memory_space<semaphore_mem>>)
      %scan3A = arith.constant 0 : i32
      %scan3A_42 = arith.constant 1 : i32
      %scan3A_43 = arith.constant 0 : i32
      %scan3A_44 = arith.constant 80 : i32
      %scan3A_45 = arith.addi %scan3A_43, %scan3A_44 : i32
      %scan3A_46 = arith.constant 1 : i32
      scf.for %scan3A_54 = %scan3A_43 to %scan3A_45 step %scan3A_46  : i32 {
        %mul3A_55 = arith.constant 2 : i32
        %mul3A_56 = arith.muli %mul3A_55, %scan3A_54 : i32
        %jit3A = arith.constant 16 : i32
        %div3A = arith.divsi %mul3A_56, %jit3A : i32
        %sign3A = arith.constant 0 : i32
        %sign3A_57 = arith.cmpi sgt, %mul3A_56, %sign3A : i32
        %sign3A_58 = arith.extui %sign3A_57 : i1 to i32
        %sign3A_59 = arith.constant 0 : i32
        %sign3A_60 = arith.cmpi slt, %mul3A_56, %sign3A_59 : i32
        %sign3A_61 = arith.extui %sign3A_60 : i1 to i32
        %sign3A_62 = arith.subi %sign3A_58, %sign3A_61 : i32
        %sign3A_63 = arith.constant 0 : i32
        %sign3A_64 = arith.cmpi sgt, %jit3A, %sign3A_63 : i32
        %sign3A_65 = arith.extui %sign3A_64 : i1 to i32
        %sign3A_66 = arith.constant 0 : i32
        %sign3A_67 = arith.cmpi slt, %jit3A, %sign3A_66 : i32
        %sign3A_68 = arith.extui %sign3A_67 : i1 to i32
        %sign3A_69 = arith.subi %sign3A_65, %sign3A_68 : i32
        %ne3A = arith.cmpi ne, %sign3A_62, %sign3A_69 : i32
        %rem3A = arith.remsi %mul3A_56, %jit3A : i32
        %ne3A_70 = arith.constant 0 : i32
        %ne3A_71 = arith.cmpi ne, %rem3A, %ne3A_70 : i32
        %and3A = arith.andi %ne3A, %ne3A_71 : i1
        %sub3A = arith.constant 1 : i32
        %sub3A_72 = arith.subi %div3A, %sub3A : i32
        %select_n3A = arith.select %and3A, %sub3A_72, %div3A : i32
        %jit3A_73 = arith.constant 2 : i32
        %eq3A_74 = arith.constant 0 : i32
        %eq3A_75 = arith.cmpi eq, %jit3A_73, %eq3A_74 : i32
        %jit3A_76 = arith.constant 1 : i32
        %select_n3A_77 = arith.select %eq3A_75, %jit3A_76, %jit3A_73 : i32
        %rem3A_78 = arith.remsi %select_n3A, %select_n3A_77 : i32
        %ne3A_79 = arith.constant 0 : i32
        %ne3A_80 = arith.cmpi ne, %rem3A_78, %ne3A_79 : i32
        %lt3A = arith.constant 0 : i32
        %lt3A_81 = arith.cmpi slt, %rem3A_78, %lt3A : i32
        %lt3A_82 = arith.constant 0 : i32
        %lt3A_83 = arith.cmpi slt, %select_n3A_77, %lt3A_82 : i32
        %ne3A_84 = arith.xori %lt3A_81, %lt3A_83 : i1
        %and3A_85 = arith.andi %ne3A_84, %ne3A_80 : i1
        %add3A = arith.addi %rem3A_78, %select_n3A_77 : i32
        %select_n3A_86 = arith.select %and3A_85, %add3A, %rem3A_78 : i32
        %mul3A_87 = arith.constant 16 : i32
        %mul3A_88 = arith.muli %select_n3A, %mul3A_87 : i32
        %sub3A_89 = arith.subi %mul3A_56, %mul3A_88 : i32
        %dma_wait3A_90 = arith.constant 0 : i32
        %dma_wait3A_91 = arith.constant 0 : i32
        %dma_wait3A_92 = tpu.memref_slice %arg7[%dma_wait3A_90, %dma_wait3A_91] : memref<16x125xi32, #tpu.memory_space<vmem>> -> memref<1x125xi32, #tpu.memory_space<vmem>>
        %dma_wait3A_93 = tpu.memref_squeeze %dma_wait3A_92 : memref<1x125xi32, #tpu.memory_space<vmem>> -> memref<125xi32, #tpu.memory_space<vmem>>
        %dma_wait3A_94 = arith.constant 0 : i32
        %dma_wait3A_95 = arith.constant 0 : i32
        %dma_wait3A_96 = tpu.memref_slice %arg2[%scan3A_42, %dma_wait3A_94, %dma_wait3A_95] : memref<2x10240x128xf32, #tpu.memory_space<hbm>> -> memref<1x10240x128xf32, #tpu.memory_space<hbm>>
        %dma_wait3A_97 = tpu.memref_squeeze %dma_wait3A_96 : memref<1x10240x128xf32, #tpu.memory_space<hbm>> -> memref<10240x128xf32, #tpu.memory_space<hbm>>
        %dma_wait3A_98 = arith.constant 0 : i32
        %dma_wait3A_99 = arith.constant 0 : i32
        %dma_wait3A_100 = tpu.memref_slice %dma_wait3A_97[%dma_wait3A_98, %dma_wait3A_99] : memref<10240x128xf32, #tpu.memory_space<hbm>> -> memref<10240x128xf32, #tpu.memory_space<hbm>>
        tpu.wait_indirect_dma semaphore(%arg13 : memref<!tpu.dma_semaphore, #tpu.memory_space<semaphore_mem>>) src(%dma_wait3A_100 : memref<10240x128xf32, #tpu.memory_space<hbm>>) dst(%arg11 : memref<125x128xf32, #tpu.memory_space<vmem>>)
        %gt3A = arith.constant 0 : i32
        %gt3A_101 = arith.cmpi sgt, %scan3A_54, %gt3A : i32
        %convert_element_type3A_102 = arith.extui %gt3A_101 : i1 to i32
        %cond3A_103 = arith.constant 0 : i32
        %cond3A_104 = arith.cmpi ne, %convert_element_type3A_102, %cond3A_103 : i32
        scf.if %cond3A_104 {
          %dma_wait3A_210 = arith.constant 0 : i32
          %dma_wait3A_211 = arith.constant 0 : i32
          %dma_wait3A_212 = tpu.memref_slice %arg8[%dma_wait3A_210, %dma_wait3A_211] : memref<16x125xi32, #tpu.memory_space<vmem>> -> memref<1x125xi32, #tpu.memory_space<vmem>>
          %dma_wait3A_213 = tpu.memref_squeeze %dma_wait3A_212 : memref<1x125xi32, #tpu.memory_space<vmem>> -> memref<125xi32, #tpu.memory_space<vmem>>
          %dma_wait3A_214 = arith.constant 0 : i32
          %dma_wait3A_215 = arith.constant 0 : i32
          %dma_wait3A_216 = tpu.memref_slice %arg6[%dma_wait3A_214, %dma_wait3A_215] : memref<10240x128xf32, #tpu.memory_space<vmem_shared>> -> memref<10240x128xf32, #tpu.memory_space<vmem_shared>>
          tpu.wait_indirect_dma semaphore(%arg16 : memref<!tpu.dma_semaphore, #tpu.memory_space<semaphore_mem>>) src(%arg12 : memref<125x128xf32, #tpu.memory_space<vmem>>) dst(%dma_wait3A_216 : memref<10240x128xf32, #tpu.memory_space<vmem_shared>>)
        } else {
        }
        %eq3A_105 = arith.constant 0 : i32
        %eq3A_106 = arith.cmpi eq, %select_n3A_86, %eq3A_105 : i32
        %convert_element_type3A_107 = arith.extui %eq3A_106 : i1 to i32
        %cond3A_108 = arith.constant 0 : i32
        %cond3A_109 = arith.cmpi ne, %convert_element_type3A_107, %cond3A_108 : i32
        scf.if %cond3A_109 {
          %dma_start3A_210 = arith.constant 0 : i32
          %dma_start3A_211 = tpu.memref_slice %arg8[%sub3A_89, %dma_start3A_210] : memref<16x125xi32, #tpu.memory_space<vmem>> -> memref<1x125xi32, #tpu.memory_space<vmem>>
          %dma_start3A_212 = tpu.memref_squeeze %dma_start3A_211 : memref<1x125xi32, #tpu.memory_space<vmem>> -> memref<125xi32, #tpu.memory_space<vmem>>
          %dma_start3A_213 = arith.constant 0 : i32
          %dma_start3A_214 = arith.constant 0 : i32
          %dma_start3A_215 = tpu.memref_slice %arg6[%dma_start3A_213, %dma_start3A_214] : memref<10240x128xf32, #tpu.memory_space<vmem_shared>> -> memref<10240x128xf32, #tpu.memory_space<vmem_shared>>
          tpu.enqueue_indirect_dma source(%arg11 : memref<125x128xf32, #tpu.memory_space<vmem>>) target(%dma_start3A_215 : memref<10240x128xf32, #tpu.memory_space<vmem_shared>>) offsets(%dma_start3A_212 : memref<125xi32, #tpu.memory_space<vmem>>) semaphore(%arg15 : memref<!tpu.dma_semaphore, #tpu.memory_space<semaphore_mem>>) {add = true}
        } else {
        }
        %eq3A_110 = arith.constant 1 : i32
        %eq3A_111 = arith.cmpi eq, %select_n3A_86, %eq3A_110 : i32
        %convert_element_type3A_112 = arith.extui %eq3A_111 : i1 to i32
        %cond3A_113 = arith.constant 0 : i32
        %cond3A_114 = arith.cmpi ne, %convert_element_type3A_112, %cond3A_113 : i32
        scf.if %cond3A_114 {
          %dma_start3A_210 = arith.constant 0 : i32
          %dma_start3A_211 = tpu.memref_slice %arg10[%sub3A_89, %dma_start3A_210] : memref<16x125xi32, #tpu.memory_space<vmem>> -> memref<1x125xi32, #tpu.memory_space<vmem>>
          %dma_start3A_212 = tpu.memref_squeeze %dma_start3A_211 : memref<1x125xi32, #tpu.memory_space<vmem>> -> memref<125xi32, #tpu.memory_space<vmem>>
          %dma_start3A_213 = arith.constant 0 : i32
          %dma_start3A_214 = arith.constant 0 : i32
          %dma_start3A_215 = tpu.memref_slice %arg6[%dma_start3A_213, %dma_start3A_214] : memref<10240x128xf32, #tpu.memory_space<vmem_shared>> -> memref<10240x128xf32, #tpu.memory_space<vmem_shared>>
          tpu.enqueue_indirect_dma source(%arg11 : memref<125x128xf32, #tpu.memory_space<vmem>>) target(%dma_start3A_215 : memref<10240x128xf32, #tpu.memory_space<vmem_shared>>) offsets(%dma_start3A_212 : memref<125xi32, #tpu.memory_space<vmem>>) semaphore(%arg15 : memref<!tpu.dma_semaphore, #tpu.memory_space<semaphore_mem>>) {add = true}
        } else {
        }
        %add3A_115 = arith.constant 1 : i32
        %add3A_116 = arith.addi %sub3A_89, %add3A_115 : i32
        %eq3A_117 = arith.constant 0 : i32
        %eq3A_118 = arith.cmpi eq, %select_n3A_86, %eq3A_117 : i32
        %convert_element_type3A_119 = arith.extui %eq3A_118 : i1 to i32
        %cond3A_120 = arith.constant 0 : i32
        %cond3A_121 = arith.cmpi ne, %convert_element_type3A_119, %cond3A_120 : i32
        scf.if %cond3A_121 {
          %dma_start3A_210 = arith.constant 0 : i32
          %dma_start3A_211 = tpu.memref_slice %arg7[%add3A_116, %dma_start3A_210] : memref<16x125xi32, #tpu.memory_space<vmem>> -> memref<1x125xi32, #tpu.memory_space<vmem>>
          %dma_start3A_212 = tpu.memref_squeeze %dma_start3A_211 : memref<1x125xi32, #tpu.memory_space<vmem>> -> memref<125xi32, #tpu.memory_space<vmem>>
          %dma_start3A_213 = arith.constant 0 : i32
          %dma_start3A_214 = arith.constant 0 : i32
          %dma_start3A_215 = tpu.memref_slice %arg2[%scan3A_42, %dma_start3A_213, %dma_start3A_214] : memref<2x10240x128xf32, #tpu.memory_space<hbm>> -> memref<1x10240x128xf32, #tpu.memory_space<hbm>>
          %dma_start3A_216 = tpu.memref_squeeze %dma_start3A_215 : memref<1x10240x128xf32, #tpu.memory_space<hbm>> -> memref<10240x128xf32, #tpu.memory_space<hbm>>
          %dma_start3A_217 = arith.constant 0 : i32
          %dma_start3A_218 = arith.constant 0 : i32
          %dma_start3A_219 = tpu.memref_slice %dma_start3A_216[%dma_start3A_217, %dma_start3A_218] : memref<10240x128xf32, #tpu.memory_space<hbm>> -> memref<10240x128xf32, #tpu.memory_space<hbm>>
          tpu.enqueue_indirect_dma source(%dma_start3A_219 : memref<10240x128xf32, #tpu.memory_space<hbm>>) target(%arg12 : memref<125x128xf32, #tpu.memory_space<vmem>>) offsets(%dma_start3A_212 : memref<125xi32, #tpu.memory_space<vmem>>) semaphore(%arg14 : memref<!tpu.dma_semaphore, #tpu.memory_space<semaphore_mem>>)
        } else {
        }
        %eq3A_122 = arith.constant 1 : i32
        %eq3A_123 = arith.cmpi eq, %select_n3A_86, %eq3A_122 : i32
        %convert_element_type3A_124 = arith.extui %eq3A_123 : i1 to i32
        %cond3A_125 = arith.constant 0 : i32
        %cond3A_126 = arith.cmpi ne, %convert_element_type3A_124, %cond3A_125 : i32
        scf.if %cond3A_126 {
          %dma_start3A_210 = arith.constant 0 : i32
          %dma_start3A_211 = tpu.memref_slice %arg9[%add3A_116, %dma_start3A_210] : memref<16x125xi32, #tpu.memory_space<vmem>> -> memref<1x125xi32, #tpu.memory_space<vmem>>
          %dma_start3A_212 = tpu.memref_squeeze %dma_start3A_211 : memref<1x125xi32, #tpu.memory_space<vmem>> -> memref<125xi32, #tpu.memory_space<vmem>>
          %dma_start3A_213 = arith.constant 0 : i32
          %dma_start3A_214 = arith.constant 0 : i32
          %dma_start3A_215 = tpu.memref_slice %arg2[%scan3A_42, %dma_start3A_213, %dma_start3A_214] : memref<2x10240x128xf32, #tpu.memory_space<hbm>> -> memref<1x10240x128xf32, #tpu.memory_space<hbm>>
          %dma_start3A_216 = tpu.memref_squeeze %dma_start3A_215 : memref<1x10240x128xf32, #tpu.memory_space<hbm>> -> memref<10240x128xf32, #tpu.memory_space<hbm>>
          %dma_start3A_217 = arith.constant 0 : i32
          %dma_start3A_218 = arith.constant 0 : i32
          %dma_start3A_219 = tpu.memref_slice %dma_start3A_216[%dma_start3A_217, %dma_start3A_218] : memref<10240x128xf32, #tpu.memory_space<hbm>> -> memref<10240x128xf32, #tpu.memory_space<hbm>>
          tpu.enqueue_indirect_dma source(%dma_start3A_219 : memref<10240x128xf32, #tpu.memory_space<hbm>>) target(%arg12 : memref<125x128xf32, #tpu.memory_space<vmem>>) offsets(%dma_start3A_212 : memref<125xi32, #tpu.memory_space<vmem>>) semaphore(%arg14 : memref<!tpu.dma_semaphore, #tpu.memory_space<semaphore_mem>>)
        } else {
        }
        %jit3A_127 = arith.constant 8 : i32
        %eq3A_128 = arith.constant 0 : i32
        %eq3A_129 = arith.cmpi eq, %jit3A_127, %eq3A_128 : i32
        %jit3A_130 = arith.constant 1 : i32
        %select_n3A_131 = arith.select %eq3A_129, %jit3A_130, %jit3A_127 : i32
        %rem3A_132 = arith.remsi %scan3A_54, %select_n3A_131 : i32
        %ne3A_133 = arith.constant 0 : i32
        %ne3A_134 = arith.cmpi ne, %rem3A_132, %ne3A_133 : i32
        %lt3A_135 = arith.constant 0 : i32
        %lt3A_136 = arith.cmpi slt, %rem3A_132, %lt3A_135 : i32
        %lt3A_137 = arith.constant 0 : i32
        %lt3A_138 = arith.cmpi slt, %select_n3A_131, %lt3A_137 : i32
        %ne3A_139 = arith.xori %lt3A_136, %lt3A_138 : i1
        %and3A_140 = arith.andi %ne3A_139, %ne3A_134 : i1
        %add3A_141 = arith.addi %rem3A_132, %select_n3A_131 : i32
        %select_n3A_142 = arith.select %and3A_140, %add3A_141, %rem3A_132 : i32
        %eq3A_143 = arith.constant 1 : i32
        %eq3A_144 = arith.cmpi eq, %select_n3A_142, %eq3A_143 : i32
        %lt3A_145 = arith.constant 9 : i32
        %lt3A_146 = arith.cmpi slt, %select_n3A, %lt3A_145 : i32
        %and3A_147 = arith.andi %eq3A_144, %lt3A_146 : i1
        %convert_element_type3A_148 = arith.extui %and3A_147 : i1 to i32
        %cond3A_149 = arith.constant 0 : i32
        %cond3A_150 = arith.cmpi ne, %convert_element_type3A_148, %cond3A_149 : i32
        scf.if %cond3A_150 {
          %add3A_210 = arith.constant 1 : i32
          %add3A_211 = arith.addi %select_n3A, %add3A_210 : i32
          %mul3A_212 = arith.constant 16 : i32
          %mul3A_213 = arith.muli %add3A_211, %mul3A_212 : i32
          %add3A_214 = arith.addi %mul3A_2, %mul3A_213 : i32
          %jit3A_215 = arith.constant 2 : i32
          %eq3A_216 = arith.constant 0 : i32
          %eq3A_217 = arith.cmpi eq, %jit3A_215, %eq3A_216 : i32
          %jit3A_218 = arith.constant 1 : i32
          %select_n3A_219 = arith.select %eq3A_217, %jit3A_218, %jit3A_215 : i32
          %rem3A_220 = arith.remsi %add3A_211, %select_n3A_219 : i32
          %ne3A_221 = arith.constant 0 : i32
          %ne3A_222 = arith.cmpi ne, %rem3A_220, %ne3A_221 : i32
          %lt3A_223 = arith.constant 0 : i32
          %lt3A_224 = arith.cmpi slt, %rem3A_220, %lt3A_223 : i32
          %lt3A_225 = arith.constant 0 : i32
          %lt3A_226 = arith.cmpi slt, %select_n3A_219, %lt3A_225 : i32
          %ne3A_227 = arith.xori %lt3A_224, %lt3A_226 : i1
          %and3A_228 = arith.andi %ne3A_227, %ne3A_222 : i1
          %add3A_229 = arith.addi %rem3A_220, %select_n3A_219 : i32
          %select_n3A_230 = arith.select %and3A_228, %add3A_229, %rem3A_220 : i32
          %eq3A_231 = arith.constant 0 : i32
          %eq3A_232 = arith.cmpi eq, %select_n3A_230, %eq3A_231 : i32
          %convert_element_type3A_233 = arith.extui %eq3A_232 : i1 to i32
          %cond3A_234 = arith.constant 0 : i32
          %cond3A_235 = arith.cmpi ne, %convert_element_type3A_233, %cond3A_234 : i32
          scf.if %cond3A_235 {
            %dma_start3A_257 = arith.constant 0 : i32
            %dma_start3A_258 = tpu.memref_slice %arg3[%add3A_214, %dma_start3A_257] : memref<2560x125xi32, #tpu.memory_space<hbm>> -> memref<16x125xi32, #tpu.memory_space<hbm>>
            %dma_start3A_259 = arith.constant 0 : i32
            %dma_start3A_260 = tpu.memref_slice %arg3[%add3A_214, %dma_start3A_259] : memref<2560x125xi32, #tpu.memory_space<hbm>> -> memref<16x125xi32, #tpu.memory_space<hbm>>
            tpu.enqueue_dma source(%dma_start3A_260 : memref<16x125xi32, #tpu.memory_space<hbm>>) target(%arg7 : memref<16x125xi32, #tpu.memory_space<vmem>>) target_semaphore(%arg17 : memref<!tpu.dma_semaphore, #tpu.memory_space<semaphore_mem>>)
            %dma_start3A_261 = arith.constant 0 : i32
            %dma_start3A_262 = tpu.memref_slice %arg4[%add3A_214, %dma_start3A_261] : memref<2560x125xi32, #tpu.memory_space<hbm>> -> memref<16x125xi32, #tpu.memory_space<hbm>>
            %dma_start3A_263 = arith.constant 0 : i32
            %dma_start3A_264 = tpu.memref_slice %arg4[%add3A_214, %dma_start3A_263] : memref<2560x125xi32, #tpu.memory_space<hbm>> -> memref<16x125xi32, #tpu.memory_space<hbm>>
            tpu.enqueue_dma source(%dma_start3A_264 : memref<16x125xi32, #tpu.memory_space<hbm>>) target(%arg8 : memref<16x125xi32, #tpu.memory_space<vmem>>) target_semaphore(%arg17 : memref<!tpu.dma_semaphore, #tpu.memory_space<semaphore_mem>>)
          } else {
          }
          %jit3A_236 = arith.constant 2 : i32
          %eq3A_237 = arith.constant 0 : i32
          %eq3A_238 = arith.cmpi eq, %jit3A_236, %eq3A_237 : i32
          %jit3A_239 = arith.constant 1 : i32
          %select_n3A_240 = arith.select %eq3A_238, %jit3A_239, %jit3A_236 : i32
          %rem3A_241 = arith.remsi %add3A_211, %select_n3A_240 : i32
          %ne3A_242 = arith.constant 0 : i32
          %ne3A_243 = arith.cmpi ne, %rem3A_241, %ne3A_242 : i32
          %lt3A_244 = arith.constant 0 : i32
          %lt3A_245 = arith.cmpi slt, %rem3A_241, %lt3A_244 : i32
          %lt3A_246 = arith.constant 0 : i32
          %lt3A_247 = arith.cmpi slt, %select_n3A_240, %lt3A_246 : i32
          %ne3A_248 = arith.xori %lt3A_245, %lt3A_247 : i1
          %and3A_249 = arith.andi %ne3A_248, %ne3A_243 : i1
          %add3A_250 = arith.addi %rem3A_241, %select_n3A_240 : i32
          %select_n3A_251 = arith.select %and3A_249, %add3A_250, %rem3A_241 : i32
          %eq3A_252 = arith.constant 1 : i32
          %eq3A_253 = arith.cmpi eq, %select_n3A_251, %eq3A_252 : i32
          %convert_element_type3A_254 = arith.extui %eq3A_253 : i1 to i32
          %cond3A_255 = arith.constant 0 : i32
          %cond3A_256 = arith.cmpi ne, %convert_element_type3A_254, %cond3A_255 : i32
          scf.if %cond3A_256 {
            %dma_start3A_257 = arith.constant 0 : i32
            %dma_start3A_258 = tpu.memref_slice %arg3[%add3A_214, %dma_start3A_257] : memref<2560x125xi32, #tpu.memory_space<hbm>> -> memref<16x125xi32, #tpu.memory_space<hbm>>
            %dma_start3A_259 = arith.constant 0 : i32
            %dma_start3A_260 = tpu.memref_slice %arg3[%add3A_214, %dma_start3A_259] : memref<2560x125xi32, #tpu.memory_space<hbm>> -> memref<16x125xi32, #tpu.memory_space<hbm>>
            tpu.enqueue_dma source(%dma_start3A_260 : memref<16x125xi32, #tpu.memory_space<hbm>>) target(%arg9 : memref<16x125xi32, #tpu.memory_space<vmem>>) target_semaphore(%arg17 : memref<!tpu.dma_semaphore, #tpu.memory_space<semaphore_mem>>)
            %dma_start3A_261 = arith.constant 0 : i32
            %dma_start3A_262 = tpu.memref_slice %arg4[%add3A_214, %dma_start3A_261] : memref<2560x125xi32, #tpu.memory_space<hbm>> -> memref<16x125xi32, #tpu.memory_space<hbm>>
            %dma_start3A_263 = arith.constant 0 : i32
            %dma_start3A_264 = tpu.memref_slice %arg4[%add3A_214, %dma_start3A_263] : memref<2560x125xi32, #tpu.memory_space<hbm>> -> memref<16x125xi32, #tpu.memory_space<hbm>>
            tpu.enqueue_dma source(%dma_start3A_264 : memref<16x125xi32, #tpu.memory_space<hbm>>) target(%arg10 : memref<16x125xi32, #tpu.memory_space<vmem>>) target_semaphore(%arg17 : memref<!tpu.dma_semaphore, #tpu.memory_space<semaphore_mem>>)
          } else {
          }
        } else {
        }
        %dma_wait3A_151 = arith.constant 0 : i32
        %dma_wait3A_152 = arith.constant 0 : i32
        %dma_wait3A_153 = tpu.memref_slice %arg7[%dma_wait3A_151, %dma_wait3A_152] : memref<16x125xi32, #tpu.memory_space<vmem>> -> memref<1x125xi32, #tpu.memory_space<vmem>>
        %dma_wait3A_154 = tpu.memref_squeeze %dma_wait3A_153 : memref<1x125xi32, #tpu.memory_space<vmem>> -> memref<125xi32, #tpu.memory_space<vmem>>
        %dma_wait3A_155 = arith.constant 0 : i32
        %dma_wait3A_156 = arith.constant 0 : i32
        %dma_wait3A_157 = tpu.memref_slice %arg2[%scan3A_42, %dma_wait3A_155, %dma_wait3A_156] : memref<2x10240x128xf32, #tpu.memory_space<hbm>> -> memref<1x10240x128xf32, #tpu.memory_space<hbm>>
        %dma_wait3A_158 = tpu.memref_squeeze %dma_wait3A_157 : memref<1x10240x128xf32, #tpu.memory_space<hbm>> -> memref<10240x128xf32, #tpu.memory_space<hbm>>
        %dma_wait3A_159 = arith.constant 0 : i32
        %dma_wait3A_160 = arith.constant 0 : i32
        %dma_wait3A_161 = tpu.memref_slice %dma_wait3A_158[%dma_wait3A_159, %dma_wait3A_160] : memref<10240x128xf32, #tpu.memory_space<hbm>> -> memref<10240x128xf32, #tpu.memory_space<hbm>>
        tpu.wait_indirect_dma semaphore(%arg14 : memref<!tpu.dma_semaphore, #tpu.memory_space<semaphore_mem>>) src(%dma_wait3A_161 : memref<10240x128xf32, #tpu.memory_space<hbm>>) dst(%arg12 : memref<125x128xf32, #tpu.memory_space<vmem>>)
        %dma_wait3A_162 = arith.constant 0 : i32
        %dma_wait3A_163 = arith.constant 0 : i32
        %dma_wait3A_164 = tpu.memref_slice %arg8[%dma_wait3A_162, %dma_wait3A_163] : memref<16x125xi32, #tpu.memory_space<vmem>> -> memref<1x125xi32, #tpu.memory_space<vmem>>
        %dma_wait3A_165 = tpu.memref_squeeze %dma_wait3A_164 : memref<1x125xi32, #tpu.memory_space<vmem>> -> memref<125xi32, #tpu.memory_space<vmem>>
        %dma_wait3A_166 = arith.constant 0 : i32
        %dma_wait3A_167 = arith.constant 0 : i32
        %dma_wait3A_168 = tpu.memref_slice %arg6[%dma_wait3A_166, %dma_wait3A_167] : memref<10240x128xf32, #tpu.memory_space<vmem_shared>> -> memref<10240x128xf32, #tpu.memory_space<vmem_shared>>
        tpu.wait_indirect_dma semaphore(%arg15 : memref<!tpu.dma_semaphore, #tpu.memory_space<semaphore_mem>>) src(%arg11 : memref<125x128xf32, #tpu.memory_space<vmem>>) dst(%dma_wait3A_168 : memref<10240x128xf32, #tpu.memory_space<vmem_shared>>)
        %add3A_169 = arith.constant 1 : i32
        %add3A_170 = arith.addi %sub3A_89, %add3A_169 : i32
        %eq3A_171 = arith.constant 0 : i32
        %eq3A_172 = arith.cmpi eq, %select_n3A_86, %eq3A_171 : i32
        %convert_element_type3A_173 = arith.extui %eq3A_172 : i1 to i32
        %cond3A_174 = arith.constant 0 : i32
        %cond3A_175 = arith.cmpi ne, %convert_element_type3A_173, %cond3A_174 : i32
        scf.if %cond3A_175 {
          %dma_start3A_210 = arith.constant 0 : i32
          %dma_start3A_211 = tpu.memref_slice %arg8[%add3A_170, %dma_start3A_210] : memref<16x125xi32, #tpu.memory_space<vmem>> -> memref<1x125xi32, #tpu.memory_space<vmem>>
          %dma_start3A_212 = tpu.memref_squeeze %dma_start3A_211 : memref<1x125xi32, #tpu.memory_space<vmem>> -> memref<125xi32, #tpu.memory_space<vmem>>
          %dma_start3A_213 = arith.constant 0 : i32
          %dma_start3A_214 = arith.constant 0 : i32
          %dma_start3A_215 = tpu.memref_slice %arg6[%dma_start3A_213, %dma_start3A_214] : memref<10240x128xf32, #tpu.memory_space<vmem_shared>> -> memref<10240x128xf32, #tpu.memory_space<vmem_shared>>
          tpu.enqueue_indirect_dma source(%arg12 : memref<125x128xf32, #tpu.memory_space<vmem>>) target(%dma_start3A_215 : memref<10240x128xf32, #tpu.memory_space<vmem_shared>>) offsets(%dma_start3A_212 : memref<125xi32, #tpu.memory_space<vmem>>) semaphore(%arg16 : memref<!tpu.dma_semaphore, #tpu.memory_space<semaphore_mem>>) {add = true}
        } else {
        }
        %eq3A_176 = arith.constant 1 : i32
        %eq3A_177 = arith.cmpi eq, %select_n3A_86, %eq3A_176 : i32
        %convert_element_type3A_178 = arith.extui %eq3A_177 : i1 to i32
        %cond3A_179 = arith.constant 0 : i32
        %cond3A_180 = arith.cmpi ne, %convert_element_type3A_178, %cond3A_179 : i32
        scf.if %cond3A_180 {
          %dma_start3A_210 = arith.constant 0 : i32
          %dma_start3A_211 = tpu.memref_slice %arg10[%add3A_170, %dma_start3A_210] : memref<16x125xi32, #tpu.memory_space<vmem>> -> memref<1x125xi32, #tpu.memory_space<vmem>>
          %dma_start3A_212 = tpu.memref_squeeze %dma_start3A_211 : memref<1x125xi32, #tpu.memory_space<vmem>> -> memref<125xi32, #tpu.memory_space<vmem>>
          %dma_start3A_213 = arith.constant 0 : i32
          %dma_start3A_214 = arith.constant 0 : i32
          %dma_start3A_215 = tpu.memref_slice %arg6[%dma_start3A_213, %dma_start3A_214] : memref<10240x128xf32, #tpu.memory_space<vmem_shared>> -> memref<10240x128xf32, #tpu.memory_space<vmem_shared>>
          tpu.enqueue_indirect_dma source(%arg12 : memref<125x128xf32, #tpu.memory_space<vmem>>) target(%dma_start3A_215 : memref<10240x128xf32, #tpu.memory_space<vmem_shared>>) offsets(%dma_start3A_212 : memref<125xi32, #tpu.memory_space<vmem>>) semaphore(%arg16 : memref<!tpu.dma_semaphore, #tpu.memory_space<semaphore_mem>>) {add = true}
        } else {
        }
        %jit3A_181 = arith.constant 8 : i32
        %eq3A_182 = arith.constant 0 : i32
        %eq3A_183 = arith.cmpi eq, %jit3A_181, %eq3A_182 : i32
        %jit3A_184 = arith.constant 1 : i32
        %select_n3A_185 = arith.select %eq3A_183, %jit3A_184, %jit3A_181 : i32
        %rem3A_186 = arith.remsi %scan3A_54, %select_n3A_185 : i32
        %ne3A_187 = arith.constant 0 : i32
        %ne3A_188 = arith.cmpi ne, %rem3A_186, %ne3A_187 : i32
        %lt3A_189 = arith.constant 0 : i32
        %lt3A_190 = arith.cmpi slt, %rem3A_186, %lt3A_189 : i32
        %lt3A_191 = arith.constant 0 : i32
        %lt3A_192 = arith.cmpi slt, %select_n3A_185, %lt3A_191 : i32
        %ne3A_193 = arith.xori %lt3A_190, %lt3A_192 : i1
        %and3A_194 = arith.andi %ne3A_193, %ne3A_188 : i1
        %add3A_195 = arith.addi %rem3A_186, %select_n3A_185 : i32
        %select_n3A_196 = arith.select %and3A_194, %add3A_195, %rem3A_186 : i32
        %eq3A_197 = arith.constant 7 : i32
        %eq3A_198 = arith.cmpi eq, %select_n3A_196, %eq3A_197 : i32
        %lt3A_199 = arith.constant 72 : i32
        %lt3A_200 = arith.cmpi slt, %scan3A_54, %lt3A_199 : i32
        %and3A_201 = arith.andi %eq3A_198, %lt3A_200 : i1
        %convert_element_type3A_202 = arith.extui %and3A_201 : i1 to i32
        %cond3A_203 = arith.constant 0 : i32
        %cond3A_204 = arith.cmpi ne, %convert_element_type3A_202, %cond3A_203 : i32
        scf.if %cond3A_204 {
          %dma_wait3A_210 = arith.constant 0 : i32
          %dma_wait3A_211 = arith.constant 0 : i32
          %dma_wait3A_212 = tpu.memref_slice %arg3[%dma_wait3A_210, %dma_wait3A_211] : memref<2560x125xi32, #tpu.memory_space<hbm>> -> memref<16x125xi32, #tpu.memory_space<hbm>>
          %dma_wait3A_213 = arith.constant 0 : i32
          %dma_wait3A_214 = arith.constant 0 : i32
          %dma_wait3A_215 = tpu.memref_slice %arg3[%dma_wait3A_213, %dma_wait3A_214] : memref<2560x125xi32, #tpu.memory_space<hbm>> -> memref<16x125xi32, #tpu.memory_space<hbm>>
          tpu.wait_dma2 semaphore(%arg17 : memref<!tpu.dma_semaphore, #tpu.memory_space<semaphore_mem>>) src(%dma_wait3A_215 : memref<16x125xi32, #tpu.memory_space<hbm>>) dst(%arg7 : memref<16x125xi32, #tpu.memory_space<vmem>>)
          %dma_wait3A_216 = arith.constant 0 : i32
          %dma_wait3A_217 = arith.constant 0 : i32
          %dma_wait3A_218 = tpu.memref_slice %arg4[%dma_wait3A_216, %dma_wait3A_217] : memref<2560x125xi32, #tpu.memory_space<hbm>> -> memref<16x125xi32, #tpu.memory_space<hbm>>
          %dma_wait3A_219 = arith.constant 0 : i32
          %dma_wait3A_220 = arith.constant 0 : i32
          %dma_wait3A_221 = tpu.memref_slice %arg4[%dma_wait3A_219, %dma_wait3A_220] : memref<2560x125xi32, #tpu.memory_space<hbm>> -> memref<16x125xi32, #tpu.memory_space<hbm>>
          tpu.wait_dma2 semaphore(%arg17 : memref<!tpu.dma_semaphore, #tpu.memory_space<semaphore_mem>>) src(%dma_wait3A_221 : memref<16x125xi32, #tpu.memory_space<hbm>>) dst(%arg8 : memref<16x125xi32, #tpu.memory_space<vmem>>)
        } else {
        }
        %lt3A_205 = arith.constant 79 : i32
        %lt3A_206 = arith.cmpi slt, %scan3A_54, %lt3A_205 : i32
        %convert_element_type3A_207 = arith.extui %lt3A_206 : i1 to i32
        %cond3A_208 = arith.constant 0 : i32
        %cond3A_209 = arith.cmpi ne, %convert_element_type3A_207, %cond3A_208 : i32
        scf.if %cond3A_209 {
          %add3A_210 = arith.constant 2 : i32
          %add3A_211 = arith.addi %mul3A_56, %add3A_210 : i32
          %jit3A_212 = arith.constant 16 : i32
          %div3A_213 = arith.divsi %add3A_211, %jit3A_212 : i32
          %sign3A_214 = arith.constant 0 : i32
          %sign3A_215 = arith.cmpi sgt, %add3A_211, %sign3A_214 : i32
          %sign3A_216 = arith.extui %sign3A_215 : i1 to i32
          %sign3A_217 = arith.constant 0 : i32
          %sign3A_218 = arith.cmpi slt, %add3A_211, %sign3A_217 : i32
          %sign3A_219 = arith.extui %sign3A_218 : i1 to i32
          %sign3A_220 = arith.subi %sign3A_216, %sign3A_219 : i32
          %sign3A_221 = arith.constant 0 : i32
          %sign3A_222 = arith.cmpi sgt, %jit3A_212, %sign3A_221 : i32
          %sign3A_223 = arith.extui %sign3A_222 : i1 to i32
          %sign3A_224 = arith.constant 0 : i32
          %sign3A_225 = arith.cmpi slt, %jit3A_212, %sign3A_224 : i32
          %sign3A_226 = arith.extui %sign3A_225 : i1 to i32
          %sign3A_227 = arith.subi %sign3A_223, %sign3A_226 : i32
          %ne3A_228 = arith.cmpi ne, %sign3A_220, %sign3A_227 : i32
          %rem3A_229 = arith.remsi %add3A_211, %jit3A_212 : i32
          %ne3A_230 = arith.constant 0 : i32
          %ne3A_231 = arith.cmpi ne, %rem3A_229, %ne3A_230 : i32
          %and3A_232 = arith.andi %ne3A_228, %ne3A_231 : i1
          %sub3A_233 = arith.constant 1 : i32
          %sub3A_234 = arith.subi %div3A_213, %sub3A_233 : i32
          %select_n3A_235 = arith.select %and3A_232, %sub3A_234, %div3A_213 : i32
          %jit3A_236 = arith.constant 2 : i32
          %eq3A_237 = arith.constant 0 : i32
          %eq3A_238 = arith.cmpi eq, %jit3A_236, %eq3A_237 : i32
          %jit3A_239 = arith.constant 1 : i32
          %select_n3A_240 = arith.select %eq3A_238, %jit3A_239, %jit3A_236 : i32
          %rem3A_241 = arith.remsi %select_n3A_235, %select_n3A_240 : i32
          %ne3A_242 = arith.constant 0 : i32
          %ne3A_243 = arith.cmpi ne, %rem3A_241, %ne3A_242 : i32
          %lt3A_244 = arith.constant 0 : i32
          %lt3A_245 = arith.cmpi slt, %rem3A_241, %lt3A_244 : i32
          %lt3A_246 = arith.constant 0 : i32
          %lt3A_247 = arith.cmpi slt, %select_n3A_240, %lt3A_246 : i32
          %ne3A_248 = arith.xori %lt3A_245, %lt3A_247 : i1
          %and3A_249 = arith.andi %ne3A_248, %ne3A_243 : i1
          %add3A_250 = arith.addi %rem3A_241, %select_n3A_240 : i32
          %select_n3A_251 = arith.select %and3A_249, %add3A_250, %rem3A_241 : i32
          %jit3A_252 = arith.constant 16 : i32
          %eq3A_253 = arith.constant 0 : i32
          %eq3A_254 = arith.cmpi eq, %jit3A_252, %eq3A_253 : i32
          %jit3A_255 = arith.constant 1 : i32
          %select_n3A_256 = arith.select %eq3A_254, %jit3A_255, %jit3A_252 : i32
          %rem3A_257 = arith.remsi %add3A_211, %select_n3A_256 : i32
          %ne3A_258 = arith.constant 0 : i32
          %ne3A_259 = arith.cmpi ne, %rem3A_257, %ne3A_258 : i32
          %lt3A_260 = arith.constant 0 : i32
          %lt3A_261 = arith.cmpi slt, %rem3A_257, %lt3A_260 : i32
          %lt3A_262 = arith.constant 0 : i32
          %lt3A_263 = arith.cmpi slt, %select_n3A_256, %lt3A_262 : i32
          %ne3A_264 = arith.xori %lt3A_261, %lt3A_263 : i1
          %and3A_265 = arith.andi %ne3A_264, %ne3A_259 : i1
          %add3A_266 = arith.addi %rem3A_257, %select_n3A_256 : i32
          %select_n3A_267 = arith.select %and3A_265, %add3A_266, %rem3A_257 : i32
          %eq3A_268 = arith.constant 0 : i32
          %eq3A_269 = arith.cmpi eq, %select_n3A_251, %eq3A_268 : i32
          %convert_element_type3A_270 = arith.extui %eq3A_269 : i1 to i32
          %cond3A_271 = arith.constant 0 : i32
          %cond3A_272 = arith.cmpi ne, %convert_element_type3A_270, %cond3A_271 : i32
          scf.if %cond3A_272 {
            %dma_start3A_278 = arith.constant 0 : i32
            %dma_start3A_279 = tpu.memref_slice %arg7[%select_n3A_267, %dma_start3A_278] : memref<16x125xi32, #tpu.memory_space<vmem>> -> memref<1x125xi32, #tpu.memory_space<vmem>>
            %dma_start3A_280 = tpu.memref_squeeze %dma_start3A_279 : memref<1x125xi32, #tpu.memory_space<vmem>> -> memref<125xi32, #tpu.memory_space<vmem>>
            %dma_start3A_281 = arith.constant 0 : i32
            %dma_start3A_282 = arith.constant 0 : i32
            %dma_start3A_283 = tpu.memref_slice %arg2[%scan3A_42, %dma_start3A_281, %dma_start3A_282] : memref<2x10240x128xf32, #tpu.memory_space<hbm>> -> memref<1x10240x128xf32, #tpu.memory_space<hbm>>
            %dma_start3A_284 = tpu.memref_squeeze %dma_start3A_283 : memref<1x10240x128xf32, #tpu.memory_space<hbm>> -> memref<10240x128xf32, #tpu.memory_space<hbm>>
            %dma_start3A_285 = arith.constant 0 : i32
            %dma_start3A_286 = arith.constant 0 : i32
            %dma_start3A_287 = tpu.memref_slice %dma_start3A_284[%dma_start3A_285, %dma_start3A_286] : memref<10240x128xf32, #tpu.memory_space<hbm>> -> memref<10240x128xf32, #tpu.memory_space<hbm>>
            tpu.enqueue_indirect_dma source(%dma_start3A_287 : memref<10240x128xf32, #tpu.memory_space<hbm>>) target(%arg11 : memref<125x128xf32, #tpu.memory_space<vmem>>) offsets(%dma_start3A_280 : memref<125xi32, #tpu.memory_space<vmem>>) semaphore(%arg13 : memref<!tpu.dma_semaphore, #tpu.memory_space<semaphore_mem>>)
          } else {
          }
          %eq3A_273 = arith.constant 1 : i32
          %eq3A_274 = arith.cmpi eq, %select_n3A_251, %eq3A_273 : i32
          %convert_element_type3A_275 = arith.extui %eq3A_274 : i1 to i32
          %cond3A_276 = arith.constant 0 : i32
          %cond3A_277 = arith.cmpi ne, %convert_element_type3A_275, %cond3A_276 : i32
          scf.if %cond3A_277 {
            %dma_start3A_278 = arith.constant 0 : i32
            %dma_start3A_279 = tpu.memref_slice %arg9[%select_n3A_267, %dma_start3A_278] : memref<16x125xi32, #tpu.memory_space<vmem>> -> memref<1x125xi32, #tpu.memory_space<vmem>>
            %dma_start3A_280 = tpu.memref_squeeze %dma_start3A_279 : memref<1x125xi32, #tpu.memory_space<vmem>> -> memref<125xi32, #tpu.memory_space<vmem>>
            %dma_start3A_281 = arith.constant 0 : i32
            %dma_start3A_282 = arith.constant 0 : i32
            %dma_start3A_283 = tpu.memref_slice %arg2[%scan3A_42, %dma_start3A_281, %dma_start3A_282] : memref<2x10240x128xf32, #tpu.memory_space<hbm>> -> memref<1x10240x128xf32, #tpu.memory_space<hbm>>
            %dma_start3A_284 = tpu.memref_squeeze %dma_start3A_283 : memref<1x10240x128xf32, #tpu.memory_space<hbm>> -> memref<10240x128xf32, #tpu.memory_space<hbm>>
            %dma_start3A_285 = arith.constant 0 : i32
            %dma_start3A_286 = arith.constant 0 : i32
            %dma_start3A_287 = tpu.memref_slice %dma_start3A_284[%dma_start3A_285, %dma_start3A_286] : memref<10240x128xf32, #tpu.memory_space<hbm>> -> memref<10240x128xf32, #tpu.memory_space<hbm>>
            tpu.enqueue_indirect_dma source(%dma_start3A_287 : memref<10240x128xf32, #tpu.memory_space<hbm>>) target(%arg11 : memref<125x128xf32, #tpu.memory_space<vmem>>) offsets(%dma_start3A_280 : memref<125xi32, #tpu.memory_space<vmem>>) semaphore(%arg13 : memref<!tpu.dma_semaphore, #tpu.memory_space<semaphore_mem>>)
          } else {
          }
        } else {
        }
      }
      %scan3A_47 = arith.constant 80 : i32
      %dma_wait3A = arith.constant 0 : i32
      %dma_wait3A_48 = arith.constant 0 : i32
      %dma_wait3A_49 = tpu.memref_slice %arg8[%dma_wait3A, %dma_wait3A_48] : memref<16x125xi32, #tpu.memory_space<vmem>> -> memref<1x125xi32, #tpu.memory_space<vmem>>
      %dma_wait3A_50 = tpu.memref_squeeze %dma_wait3A_49 : memref<1x125xi32, #tpu.memory_space<vmem>> -> memref<125xi32, #tpu.memory_space<vmem>>
      %dma_wait3A_51 = arith.constant 0 : i32
      %dma_wait3A_52 = arith.constant 0 : i32
      %dma_wait3A_53 = tpu.memref_slice %arg6[%dma_wait3A_51, %dma_wait3A_52] : memref<10240x128xf32, #tpu.memory_space<vmem_shared>> -> memref<10240x128xf32, #tpu.memory_space<vmem_shared>>
      tpu.wait_indirect_dma semaphore(%arg16 : memref<!tpu.dma_semaphore, #tpu.memory_space<semaphore_mem>>) src(%arg12 : memref<125x128xf32, #tpu.memory_space<vmem>>) dst(%dma_wait3A_53 : memref<10240x128xf32, #tpu.memory_space<vmem_shared>>)
    } else {
    }
    %barrier3A_20 = arith.constant 0 : index
    tpu.barrier barrier_id(%barrier3A_20)
    %eq3A_21 = arith.constant 0 : i32
    %eq3A_22 = arith.cmpi eq, %arg0, %eq3A_21 : i32
    %convert_element_type3A_23 = arith.extui %eq3A_22 : i1 to i32
    %cond3A_24 = arith.constant 0 : i32
    %cond3A_25 = arith.cmpi ne, %convert_element_type3A_23, %cond3A_24 : i32
    scf.if %cond3A_25 {
      %run_scoped3A = arith.constant 0 : i32
      "tpu.region"() ({
        %run_scoped3A_31 = tpu.sem_alloc : memref<!tpu.dma_semaphore, #tpu.memory_space<semaphore_mem>>
        %dma_start3A = arith.constant 0 : i32
        %dma_start3A_32 = arith.constant 0 : i32
        %dma_start3A_33 = tpu.memref_slice %arg5[%run_scoped3A, %dma_start3A, %dma_start3A_32] : memref<2x10240x128xf32, #tpu.memory_space<hbm>> -> memref<1x10240x128xf32, #tpu.memory_space<hbm>>
        %dma_start3A_34 = tpu.memref_squeeze %dma_start3A_33 : memref<1x10240x128xf32, #tpu.memory_space<hbm>> -> memref<10240x128xf32, #tpu.memory_space<hbm>>
        %dma_start3A_35 = arith.constant 0 : i32
        %dma_start3A_36 = tpu.memref_slice %dma_start3A_34[%mul3A_0, %dma_start3A_35] : memref<10240x128xf32, #tpu.memory_space<hbm>> -> memref<640x128xf32, #tpu.memory_space<hbm>>
        %dma_start3A_37 = arith.constant 0 : i32
        %dma_start3A_38 = tpu.memref_slice %arg6[%mul3A_0, %dma_start3A_37] : memref<10240x128xf32, #tpu.memory_space<vmem_shared>> -> memref<640x128xf32, #tpu.memory_space<vmem_shared>>
        tpu.enqueue_dma source(%dma_start3A_38 : memref<640x128xf32, #tpu.memory_space<vmem_shared>>) target(%dma_start3A_36 : memref<640x128xf32, #tpu.memory_space<hbm>>) target_semaphore(%run_scoped3A_31 : memref<!tpu.dma_semaphore, #tpu.memory_space<semaphore_mem>>)
        %dma_wait3A = arith.constant 0 : i32
        %dma_wait3A_39 = arith.constant 0 : i32
        %dma_wait3A_40 = tpu.memref_slice %arg5[%run_scoped3A, %dma_wait3A, %dma_wait3A_39] : memref<2x10240x128xf32, #tpu.memory_space<hbm>> -> memref<1x10240x128xf32, #tpu.memory_space<hbm>>
        %dma_wait3A_41 = tpu.memref_squeeze %dma_wait3A_40 : memref<1x10240x128xf32, #tpu.memory_space<hbm>> -> memref<10240x128xf32, #tpu.memory_space<hbm>>
        %dma_wait3A_42 = arith.constant 0 : i32
        %dma_wait3A_43 = tpu.memref_slice %dma_wait3A_41[%mul3A_0, %dma_wait3A_42] : memref<10240x128xf32, #tpu.memory_space<hbm>> -> memref<640x128xf32, #tpu.memory_space<hbm>>
        %dma_wait3A_44 = arith.constant 0 : i32
        %dma_wait3A_45 = tpu.memref_slice %arg6[%mul3A_0, %dma_wait3A_44] : memref<10240x128xf32, #tpu.memory_space<vmem_shared>> -> memref<640x128xf32, #tpu.memory_space<vmem_shared>>
        tpu.wait_dma2 semaphore(%run_scoped3A_31 : memref<!tpu.dma_semaphore, #tpu.memory_space<semaphore_mem>>) src(%dma_wait3A_45 : memref<640x128xf32, #tpu.memory_space<vmem_shared>>) dst(%dma_wait3A_43 : memref<640x128xf32, #tpu.memory_space<hbm>>)
        tpu.yield
      }) : () -> ()
    } else {
    }
    %eq3A_26 = arith.constant 1 : i32
    %eq3A_27 = arith.cmpi eq, %arg0, %eq3A_26 : i32
    %convert_element_type3A_28 = arith.extui %eq3A_27 : i1 to i32
    %cond3A_29 = arith.constant 0 : i32
    %cond3A_30 = arith.cmpi ne, %convert_element_type3A_28, %cond3A_29 : i32
    scf.if %cond3A_30 {
      %run_scoped3A = arith.constant 1 : i32
      "tpu.region"() ({
        %run_scoped3A_31 = tpu.sem_alloc : memref<!tpu.dma_semaphore, #tpu.memory_space<semaphore_mem>>
        %dma_start3A = arith.constant 0 : i32
        %dma_start3A_32 = arith.constant 0 : i32
        %dma_start3A_33 = tpu.memref_slice %arg5[%run_scoped3A, %dma_start3A, %dma_start3A_32] : memref<2x10240x128xf32, #tpu.memory_space<hbm>> -> memref<1x10240x128xf32, #tpu.memory_space<hbm>>
        %dma_start3A_34 = tpu.memref_squeeze %dma_start3A_33 : memref<1x10240x128xf32, #tpu.memory_space<hbm>> -> memref<10240x128xf32, #tpu.memory_space<hbm>>
        %dma_start3A_35 = arith.constant 0 : i32
        %dma_start3A_36 = tpu.memref_slice %dma_start3A_34[%mul3A_0, %dma_start3A_35] : memref<10240x128xf32, #tpu.memory_space<hbm>> -> memref<640x128xf32, #tpu.memory_space<hbm>>
        %dma_start3A_37 = arith.constant 0 : i32
        %dma_start3A_38 = tpu.memref_slice %arg6[%mul3A_0, %dma_start3A_37] : memref<10240x128xf32, #tpu.memory_space<vmem_shared>> -> memref<640x128xf32, #tpu.memory_space<vmem_shared>>
        tpu.enqueue_dma source(%dma_start3A_38 : memref<640x128xf32, #tpu.memory_space<vmem_shared>>) target(%dma_start3A_36 : memref<640x128xf32, #tpu.memory_space<hbm>>) target_semaphore(%run_scoped3A_31 : memref<!tpu.dma_semaphore, #tpu.memory_space<semaphore_mem>>)
        %dma_wait3A = arith.constant 0 : i32
        %dma_wait3A_39 = arith.constant 0 : i32
        %dma_wait3A_40 = tpu.memref_slice %arg5[%run_scoped3A, %dma_wait3A, %dma_wait3A_39] : memref<2x10240x128xf32, #tpu.memory_space<hbm>> -> memref<1x10240x128xf32, #tpu.memory_space<hbm>>
        %dma_wait3A_41 = tpu.memref_squeeze %dma_wait3A_40 : memref<1x10240x128xf32, #tpu.memory_space<hbm>> -> memref<10240x128xf32, #tpu.memory_space<hbm>>
        %dma_wait3A_42 = arith.constant 0 : i32
        %dma_wait3A_43 = tpu.memref_slice %dma_wait3A_41[%mul3A_0, %dma_wait3A_42] : memref<10240x128xf32, #tpu.memory_space<hbm>> -> memref<640x128xf32, #tpu.memory_space<hbm>>
        %dma_wait3A_44 = arith.constant 0 : i32
        %dma_wait3A_45 = tpu.memref_slice %arg6[%mul3A_0, %dma_wait3A_44] : memref<10240x128xf32, #tpu.memory_space<vmem_shared>> -> memref<640x128xf32, #tpu.memory_space<vmem_shared>>
        tpu.wait_dma2 semaphore(%run_scoped3A_31 : memref<!tpu.dma_semaphore, #tpu.memory_space<semaphore_mem>>) src(%dma_wait3A_45 : memref<640x128xf32, #tpu.memory_space<vmem_shared>>) dst(%dma_wait3A_43 : memref<640x128xf32, #tpu.memory_space<hbm>>)
        tpu.yield
      }) : () -> ()
    } else {
    }
    return
  }
}

#map = affine_map<(d0, d1) -> (0, 0)>
#map1 = affine_map<(d0, d1) -> (0, 0, 0)>
module attributes {stable_mosaic.version = 14 : i64} {
  func.func @_deg_body(%arg0: i32, %arg1: i32, %arg2: memref<2560x125xi32, #tpu.memory_space<hbm>>, %arg3: memref<2x10240x128xf32, #tpu.memory_space<hbm>>, %arg4: memref<10240x128xf32, #tpu.memory_space<vmem_shared>>, %arg5: memref<80x125xi32, #tpu.memory_space<vmem>>, %arg6: memref<125x128xf32, #tpu.memory_space<vmem>>, %arg7: memref<64x128xf32, #tpu.memory_space<vmem>>, %arg8: memref<!tpu.dma_semaphore, #tpu.memory_space<semaphore_mem>>) attributes {dimension_semantics = [#tpu.dimension_semantics<core_parallel>, #tpu.dimension_semantics<subcore_parallel>], iteration_bounds = array<i64: 2, 16>, scalar_prefetch = 0 : i64, scratch_operands = 5 : i64, tpu.core_type = #tpu.core_type<sc_vector_subcore>, window_params = [{transform_indices = #map}, {transform_indices = #map1}]} {
    %mul3A = arith.constant 16 : i32
    %mul3A_0 = arith.muli %arg0, %mul3A : i32
    %add3A = arith.addi %mul3A_0, %arg1 : i32
    %scan3A = arith.constant 0 : i32
    %scan3A_1 = arith.constant 0 : i32
    %scan3A_2 = arith.constant 125 : i32
    %scan3A_3 = arith.addi %scan3A_1, %scan3A_2 : i32
    %scan3A_4 = arith.constant 1 : i32
    scf.for %scan3A_40 = %scan3A_1 to %scan3A_3 step %scan3A_4  : i32 {
      %scan3A_41 = arith.constant 0 : i32
      %scan3A_42 = arith.constant 8 : i32
      %scan3A_43 = arith.addi %scan3A_41, %scan3A_42 : i32
      %scan3A_44 = arith.constant 1 : i32
      scf.for %scan3A_46 = %scan3A_41 to %scan3A_43 step %scan3A_44  : i32 {
        %broadcast_in_dim3A = arith.constant 1.000000e+00 : f32
        %broadcast_in_dim3A_47 = vector.broadcast %broadcast_in_dim3A : f32 to vector<16xf32>
        %mul3A_48 = arith.constant 16 : i32
        %mul3A_49 = arith.muli %scan3A_46, %mul3A_48 : i32
        %swap3A = arith.index_cast %scan3A_40 : i32 to index
        %swap3A_50 = arith.index_cast %mul3A_49 : i32 to index
        %swap3A_51 = tpu.vector_load %arg6[%swap3A, %swap3A_50] {strides = array<i32>} : memref<125x128xf32, #tpu.memory_space<vmem>>, vector<1x16xf32>,
        %swap3A_52 = vector.shape_cast %swap3A_51 : vector<1x16xf32> to vector<16xf32>
        %swap3A_53 = vector.shape_cast %broadcast_in_dim3A_47 : vector<16xf32> to vector<1x16xf32>
        tpu.vector_store %arg6[%swap3A, %swap3A_50], %swap3A_53 {strides = array<i32>} : memref<125x128xf32, #tpu.memory_space<vmem>>, vector<1x16xf32>,
      }
      %scan3A_45 = arith.constant 8 : i32
    }
    %scan3A_5 = arith.constant 125 : i32
    %scan3A_6 = arith.constant 0 : i32
    %scan3A_7 = arith.constant 0 : i32
    %scan3A_8 = arith.constant 64 : i32
    %scan3A_9 = arith.addi %scan3A_7, %scan3A_8 : i32
    %scan3A_10 = arith.constant 1 : i32
    scf.for %scan3A_40 = %scan3A_7 to %scan3A_9 step %scan3A_10  : i32 {
      %scan3A_41 = arith.constant 0 : i32
      %scan3A_42 = arith.constant 8 : i32
      %scan3A_43 = arith.addi %scan3A_41, %scan3A_42 : i32
      %scan3A_44 = arith.constant 1 : i32
      scf.for %scan3A_46 = %scan3A_41 to %scan3A_43 step %scan3A_44  : i32 {
        %broadcast_in_dim3A = arith.constant 0.000000e+00 : f32
        %broadcast_in_dim3A_47 = vector.broadcast %broadcast_in_dim3A : f32 to vector<16xf32>
        %mul3A_48 = arith.constant 16 : i32
        %mul3A_49 = arith.muli %scan3A_46, %mul3A_48 : i32
        %swap3A = arith.index_cast %scan3A_40 : i32 to index
        %swap3A_50 = arith.index_cast %mul3A_49 : i32 to index
        %swap3A_51 = tpu.vector_load %arg7[%swap3A, %swap3A_50] {strides = array<i32>} : memref<64x128xf32, #tpu.memory_space<vmem>>, vector<1x16xf32>,
        %swap3A_52 = vector.shape_cast %swap3A_51 : vector<1x16xf32> to vector<16xf32>
        %swap3A_53 = vector.shape_cast %broadcast_in_dim3A_47 : vector<16xf32> to vector<1x16xf32>
        tpu.vector_store %arg7[%swap3A, %swap3A_50], %swap3A_53 {strides = array<i32>} : memref<64x128xf32, #tpu.memory_space<vmem>>, vector<1x16xf32>,
      }
      %scan3A_45 = arith.constant 8 : i32
    }
    %scan3A_11 = arith.constant 64 : i32
    %scan3A_12 = arith.constant 0 : i32
    %scan3A_13 = arith.constant 0 : i32
    %scan3A_14 = arith.constant 10 : i32
    %scan3A_15 = arith.addi %scan3A_13, %scan3A_14 : i32
    %scan3A_16 = arith.constant 1 : i32
    scf.for %scan3A_40 = %scan3A_13 to %scan3A_15 step %scan3A_16  : i32 {
      %mul3A_41 = arith.constant 640 : i32
      %mul3A_42 = arith.muli %arg1, %mul3A_41 : i32
      %mul3A_43 = arith.constant 64 : i32
      %mul3A_44 = arith.muli %scan3A_40, %mul3A_43 : i32
      %add3A_45 = arith.addi %mul3A_42, %mul3A_44 : i32
      "tpu.region"() ({
        %run_scoped3A = tpu.sem_alloc : memref<!tpu.dma_semaphore, #tpu.memory_space<semaphore_mem>>
        %dma_start3A = arith.constant 0 : i32
        %dma_start3A_46 = tpu.memref_slice %arg4[%add3A_45, %dma_start3A] : memref<10240x128xf32, #tpu.memory_space<vmem_shared>> -> memref<64x128xf32, #tpu.memory_space<vmem_shared>>
        %dma_start3A_47 = arith.constant 0 : i32
        %dma_start3A_48 = tpu.memref_slice %arg4[%add3A_45, %dma_start3A_47] : memref<10240x128xf32, #tpu.memory_space<vmem_shared>> -> memref<64x128xf32, #tpu.memory_space<vmem_shared>>
        tpu.enqueue_dma source(%arg7 : memref<64x128xf32, #tpu.memory_space<vmem>>) target(%dma_start3A_48 : memref<64x128xf32, #tpu.memory_space<vmem_shared>>) target_semaphore(%run_scoped3A : memref<!tpu.dma_semaphore, #tpu.memory_space<semaphore_mem>>)
        %dma_wait3A = arith.constant 0 : i32
        %dma_wait3A_49 = tpu.memref_slice %arg4[%add3A_45, %dma_wait3A] : memref<10240x128xf32, #tpu.memory_space<vmem_shared>> -> memref<64x128xf32, #tpu.memory_space<vmem_shared>>
        %dma_wait3A_50 = arith.constant 0 : i32
        %dma_wait3A_51 = tpu.memref_slice %arg4[%add3A_45, %dma_wait3A_50] : memref<10240x128xf32, #tpu.memory_space<vmem_shared>> -> memref<64x128xf32, #tpu.memory_space<vmem_shared>>
        tpu.wait_dma2 semaphore(%run_scoped3A : memref<!tpu.dma_semaphore, #tpu.memory_space<semaphore_mem>>) src(%arg7 : memref<64x128xf32, #tpu.memory_space<vmem>>) dst(%dma_wait3A_51 : memref<64x128xf32, #tpu.memory_space<vmem_shared>>)
        tpu.yield
      }) : () -> ()
    }
    %scan3A_17 = arith.constant 10 : i32
    %mul3A_18 = arith.constant 80 : i32
    %mul3A_19 = arith.muli %add3A, %mul3A_18 : i32
    "tpu.region"() ({
      %run_scoped3A = tpu.sem_alloc : memref<!tpu.dma_semaphore, #tpu.memory_space<semaphore_mem>>
      %dma_start3A = arith.constant 0 : i32
      %dma_start3A_40 = tpu.memref_slice %arg2[%mul3A_19, %dma_start3A] : memref<2560x125xi32, #tpu.memory_space<hbm>> -> memref<80x125xi32, #tpu.memory_space<hbm>>
      %dma_start3A_41 = arith.constant 0 : i32
      %dma_start3A_42 = tpu.memref_slice %arg2[%mul3A_19, %dma_start3A_41] : memref<2560x125xi32, #tpu.memory_space<hbm>> -> memref<80x125xi32, #tpu.memory_space<hbm>>
      tpu.enqueue_dma source(%dma_start3A_42 : memref<80x125xi32, #tpu.memory_space<hbm>>) target(%arg5 : memref<80x125xi32, #tpu.memory_space<vmem>>) target_semaphore(%run_scoped3A : memref<!tpu.dma_semaphore, #tpu.memory_space<semaphore_mem>>)
      %dma_wait3A = arith.constant 0 : i32
      %dma_wait3A_43 = tpu.memref_slice %arg2[%mul3A_19, %dma_wait3A] : memref<2560x125xi32, #tpu.memory_space<hbm>> -> memref<80x125xi32, #tpu.memory_space<hbm>>
      %dma_wait3A_44 = arith.constant 0 : i32
      %dma_wait3A_45 = tpu.memref_slice %arg2[%mul3A_19, %dma_wait3A_44] : memref<2560x125xi32, #tpu.memory_space<hbm>> -> memref<80x125xi32, #tpu.memory_space<hbm>>
      tpu.wait_dma2 semaphore(%run_scoped3A : memref<!tpu.dma_semaphore, #tpu.memory_space<semaphore_mem>>) src(%dma_wait3A_45 : memref<80x125xi32, #tpu.memory_space<hbm>>) dst(%arg5 : memref<80x125xi32, #tpu.memory_space<vmem>>)
      tpu.yield
    }) : () -> ()
    %barrier3A = arith.constant 0 : index
    tpu.barrier barrier_id(%barrier3A)
    %scan3A_20 = arith.constant 0 : i32
    %scan3A_21 = arith.constant 0 : i32
    %scan3A_22 = arith.constant 80 : i32
    %scan3A_23 = arith.addi %scan3A_21, %scan3A_22 : i32
    %scan3A_24 = arith.constant 1 : i32
    scf.for %scan3A_40 = %scan3A_21 to %scan3A_23 step %scan3A_24  : i32 {
      %dma_start3A = arith.constant 0 : i32
      %dma_start3A_41 = tpu.memref_slice %arg5[%scan3A_40, %dma_start3A] : memref<80x125xi32, #tpu.memory_space<vmem>> -> memref<1x125xi32, #tpu.memory_space<vmem>>
      %dma_start3A_42 = tpu.memref_squeeze %dma_start3A_41 : memref<1x125xi32, #tpu.memory_space<vmem>> -> memref<125xi32, #tpu.memory_space<vmem>>
      %dma_start3A_43 = arith.constant 0 : i32
      %dma_start3A_44 = arith.constant 0 : i32
      %dma_start3A_45 = tpu.memref_slice %arg4[%dma_start3A_43, %dma_start3A_44] : memref<10240x128xf32, #tpu.memory_space<vmem_shared>> -> memref<10240x128xf32, #tpu.memory_space<vmem_shared>>
      tpu.enqueue_indirect_dma source(%arg6 : memref<125x128xf32, #tpu.memory_space<vmem>>) target(%dma_start3A_45 : memref<10240x128xf32, #tpu.memory_space<vmem_shared>>) offsets(%dma_start3A_42 : memref<125xi32, #tpu.memory_space<vmem>>) semaphore(%arg8 : memref<!tpu.dma_semaphore, #tpu.memory_space<semaphore_mem>>) {add = true}
    }
    %scan3A_25 = arith.constant 80 : i32
    %scan3A_26 = arith.constant 0 : i32
    %scan3A_27 = arith.constant 0 : i32
    %scan3A_28 = arith.constant 80 : i32
    %scan3A_29 = arith.addi %scan3A_27, %scan3A_28 : i32
    %scan3A_30 = arith.constant 1 : i32
    scf.for %scan3A_40 = %scan3A_27 to %scan3A_29 step %scan3A_30  : i32 {
      %dma_wait3A = arith.constant 0 : i32
      %dma_wait3A_41 = arith.constant 0 : i32
      %dma_wait3A_42 = tpu.memref_slice %arg5[%dma_wait3A, %dma_wait3A_41] : memref<80x125xi32, #tpu.memory_space<vmem>> -> memref<1x125xi32, #tpu.memory_space<vmem>>
      %dma_wait3A_43 = tpu.memref_squeeze %dma_wait3A_42 : memref<1x125xi32, #tpu.memory_space<vmem>> -> memref<125xi32, #tpu.memory_space<vmem>>
      %dma_wait3A_44 = arith.constant 0 : i32
      %dma_wait3A_45 = arith.constant 0 : i32
      %dma_wait3A_46 = tpu.memref_slice %arg4[%dma_wait3A_44, %dma_wait3A_45] : memref<10240x128xf32, #tpu.memory_space<vmem_shared>> -> memref<10240x128xf32, #tpu.memory_space<vmem_shared>>
      tpu.wait_indirect_dma semaphore(%arg8 : memref<!tpu.dma_semaphore, #tpu.memory_space<semaphore_mem>>) src(%arg6 : memref<125x128xf32, #tpu.memory_space<vmem>>) dst(%dma_wait3A_46 : memref<10240x128xf32, #tpu.memory_space<vmem_shared>>)
    }
    %scan3A_31 = arith.constant 80 : i32
    %barrier3A_32 = arith.constant 0 : index
    tpu.barrier barrier_id(%barrier3A_32)
    %eq3A = arith.constant 0 : i32
    %eq3A_33 = arith.cmpi eq, %arg0, %eq3A : i32
    %convert_element_type3A = arith.extui %eq3A_33 : i1 to i32
    %cond3A = arith.constant 0 : i32
    %cond3A_34 = arith.cmpi ne, %convert_element_type3A, %cond3A : i32
    scf.if %cond3A_34 {
      %scan3A_40 = arith.constant 0 : i32
      %scan3A_41 = arith.constant 0 : i32
      %scan3A_42 = arith.constant 10 : i32
      %scan3A_43 = arith.addi %scan3A_41, %scan3A_42 : i32
      %scan3A_44 = arith.constant 1 : i32
      scf.for %scan3A_46 = %scan3A_41 to %scan3A_43 step %scan3A_44  : i32 {
        %mul3A_47 = arith.constant 640 : i32
        %mul3A_48 = arith.muli %arg1, %mul3A_47 : i32
        %mul3A_49 = arith.constant 64 : i32
        %mul3A_50 = arith.muli %scan3A_46, %mul3A_49 : i32
        %add3A_51 = arith.addi %mul3A_48, %mul3A_50 : i32
        "tpu.region"() ({
          %run_scoped3A_52 = tpu.sem_alloc : memref<!tpu.dma_semaphore, #tpu.memory_space<semaphore_mem>>
          %dma_start3A = arith.constant 0 : i32
          %dma_start3A_53 = tpu.memref_slice %arg4[%add3A_51, %dma_start3A] : memref<10240x128xf32, #tpu.memory_space<vmem_shared>> -> memref<64x128xf32, #tpu.memory_space<vmem_shared>>
          %dma_start3A_54 = arith.constant 0 : i32
          %dma_start3A_55 = tpu.memref_slice %arg4[%add3A_51, %dma_start3A_54] : memref<10240x128xf32, #tpu.memory_space<vmem_shared>> -> memref<64x128xf32, #tpu.memory_space<vmem_shared>>
          tpu.enqueue_dma source(%dma_start3A_55 : memref<64x128xf32, #tpu.memory_space<vmem_shared>>) target(%arg7 : memref<64x128xf32, #tpu.memory_space<vmem>>) target_semaphore(%run_scoped3A_52 : memref<!tpu.dma_semaphore, #tpu.memory_space<semaphore_mem>>)
          %dma_wait3A = arith.constant 0 : i32
          %dma_wait3A_56 = tpu.memref_slice %arg4[%add3A_51, %dma_wait3A] : memref<10240x128xf32, #tpu.memory_space<vmem_shared>> -> memref<64x128xf32, #tpu.memory_space<vmem_shared>>
          %dma_wait3A_57 = arith.constant 0 : i32
          %dma_wait3A_58 = tpu.memref_slice %arg4[%add3A_51, %dma_wait3A_57] : memref<10240x128xf32, #tpu.memory_space<vmem_shared>> -> memref<64x128xf32, #tpu.memory_space<vmem_shared>>
          tpu.wait_dma2 semaphore(%run_scoped3A_52 : memref<!tpu.dma_semaphore, #tpu.memory_space<semaphore_mem>>) src(%dma_wait3A_58 : memref<64x128xf32, #tpu.memory_space<vmem_shared>>) dst(%arg7 : memref<64x128xf32, #tpu.memory_space<vmem>>)
          tpu.yield
        }) : () -> ()
        %run_scoped3A = arith.constant 0 : i32
        "tpu.region"() ({
          %run_scoped3A_52 = tpu.sem_alloc : memref<!tpu.dma_semaphore, #tpu.memory_space<semaphore_mem>>
          %dma_start3A = arith.constant 0 : i32
          %dma_start3A_53 = arith.constant 0 : i32
          %dma_start3A_54 = tpu.memref_slice %arg3[%run_scoped3A, %dma_start3A, %dma_start3A_53] : memref<2x10240x128xf32, #tpu.memory_space<hbm>> -> memref<1x10240x128xf32, #tpu.memory_space<hbm>>
          %dma_start3A_55 = tpu.memref_squeeze %dma_start3A_54 : memref<1x10240x128xf32, #tpu.memory_space<hbm>> -> memref<10240x128xf32, #tpu.memory_space<hbm>>
          %dma_start3A_56 = arith.constant 0 : i32
          %dma_start3A_57 = tpu.memref_slice %dma_start3A_55[%add3A_51, %dma_start3A_56] : memref<10240x128xf32, #tpu.memory_space<hbm>> -> memref<64x128xf32, #tpu.memory_space<hbm>>
          %dma_start3A_58 = arith.constant 0 : i32
          %dma_start3A_59 = arith.constant 0 : i32
          %dma_start3A_60 = tpu.memref_slice %arg3[%run_scoped3A, %dma_start3A_58, %dma_start3A_59] : memref<2x10240x128xf32, #tpu.memory_space<hbm>> -> memref<1x10240x128xf32, #tpu.memory_space<hbm>>
          %dma_start3A_61 = tpu.memref_squeeze %dma_start3A_60 : memref<1x10240x128xf32, #tpu.memory_space<hbm>> -> memref<10240x128xf32, #tpu.memory_space<hbm>>
          %dma_start3A_62 = arith.constant 0 : i32
          %dma_start3A_63 = tpu.memref_slice %dma_start3A_61[%add3A_51, %dma_start3A_62] : memref<10240x128xf32, #tpu.memory_space<hbm>> -> memref<64x128xf32, #tpu.memory_space<hbm>>
          tpu.enqueue_dma source(%arg7 : memref<64x128xf32, #tpu.memory_space<vmem>>) target(%dma_start3A_63 : memref<64x128xf32, #tpu.memory_space<hbm>>) target_semaphore(%run_scoped3A_52 : memref<!tpu.dma_semaphore, #tpu.memory_space<semaphore_mem>>)
          %dma_wait3A = arith.constant 0 : i32
          %dma_wait3A_64 = arith.constant 0 : i32
          %dma_wait3A_65 = tpu.memref_slice %arg3[%run_scoped3A, %dma_wait3A, %dma_wait3A_64] : memref<2x10240x128xf32, #tpu.memory_space<hbm>> -> memref<1x10240x128xf32, #tpu.memory_space<hbm>>
          %dma_wait3A_66 = tpu.memref_squeeze %dma_wait3A_65 : memref<1x10240x128xf32, #tpu.memory_space<hbm>> -> memref<10240x128xf32, #tpu.memory_space<hbm>>
          %dma_wait3A_67 = arith.constant 0 : i32
          %dma_wait3A_68 = tpu.memref_slice %dma_wait3A_66[%add3A_51, %dma_wait3A_67] : memref<10240x128xf32, #tpu.memory_space<hbm>> -> memref<64x128xf32, #tpu.memory_space<hbm>>
          %dma_wait3A_69 = arith.constant 0 : i32
          %dma_wait3A_70 = arith.constant 0 : i32
          %dma_wait3A_71 = tpu.memref_slice %arg3[%run_scoped3A, %dma_wait3A_69, %dma_wait3A_70] : memref<2x10240x128xf32, #tpu.memory_space<hbm>> -> memref<1x10240x128xf32, #tpu.memory_space<hbm>>
          %dma_wait3A_72 = tpu.memref_squeeze %dma_wait3A_71 : memref<1x10240x128xf32, #tpu.memory_space<hbm>> -> memref<10240x128xf32, #tpu.memory_space<hbm>>
          %dma_wait3A_73 = arith.constant 0 : i32
          %dma_wait3A_74 = tpu.memref_slice %dma_wait3A_72[%add3A_51, %dma_wait3A_73] : memref<10240x128xf32, #tpu.memory_space<hbm>> -> memref<64x128xf32, #tpu.memory_space<hbm>>
          tpu.wait_dma2 semaphore(%run_scoped3A_52 : memref<!tpu.dma_semaphore, #tpu.memory_space<semaphore_mem>>) src(%arg7 : memref<64x128xf32, #tpu.memory_space<vmem>>) dst(%dma_wait3A_74 : memref<64x128xf32, #tpu.memory_space<hbm>>)
          tpu.yield
        }) : () -> ()
      }
      %scan3A_45 = arith.constant 10 : i32
    } else {
    }
    %eq3A_35 = arith.constant 1 : i32
    %eq3A_36 = arith.cmpi eq, %arg0, %eq3A_35 : i32
    %convert_element_type3A_37 = arith.extui %eq3A_36 : i1 to i32
    %cond3A_38 = arith.constant 0 : i32
    %cond3A_39 = arith.cmpi ne, %convert_element_type3A_37, %cond3A_38 : i32
    scf.if %cond3A_39 {
      %scan3A_40 = arith.constant 0 : i32
      %scan3A_41 = arith.constant 0 : i32
      %scan3A_42 = arith.constant 10 : i32
      %scan3A_43 = arith.addi %scan3A_41, %scan3A_42 : i32
      %scan3A_44 = arith.constant 1 : i32
      scf.for %scan3A_46 = %scan3A_41 to %scan3A_43 step %scan3A_44  : i32 {
        %mul3A_47 = arith.constant 640 : i32
        %mul3A_48 = arith.muli %arg1, %mul3A_47 : i32
        %mul3A_49 = arith.constant 64 : i32
        %mul3A_50 = arith.muli %scan3A_46, %mul3A_49 : i32
        %add3A_51 = arith.addi %mul3A_48, %mul3A_50 : i32
        "tpu.region"() ({
          %run_scoped3A_52 = tpu.sem_alloc : memref<!tpu.dma_semaphore, #tpu.memory_space<semaphore_mem>>
          %dma_start3A = arith.constant 0 : i32
          %dma_start3A_53 = tpu.memref_slice %arg4[%add3A_51, %dma_start3A] : memref<10240x128xf32, #tpu.memory_space<vmem_shared>> -> memref<64x128xf32, #tpu.memory_space<vmem_shared>>
          %dma_start3A_54 = arith.constant 0 : i32
          %dma_start3A_55 = tpu.memref_slice %arg4[%add3A_51, %dma_start3A_54] : memref<10240x128xf32, #tpu.memory_space<vmem_shared>> -> memref<64x128xf32, #tpu.memory_space<vmem_shared>>
          tpu.enqueue_dma source(%dma_start3A_55 : memref<64x128xf32, #tpu.memory_space<vmem_shared>>) target(%arg7 : memref<64x128xf32, #tpu.memory_space<vmem>>) target_semaphore(%run_scoped3A_52 : memref<!tpu.dma_semaphore, #tpu.memory_space<semaphore_mem>>)
          %dma_wait3A = arith.constant 0 : i32
          %dma_wait3A_56 = tpu.memref_slice %arg4[%add3A_51, %dma_wait3A] : memref<10240x128xf32, #tpu.memory_space<vmem_shared>> -> memref<64x128xf32, #tpu.memory_space<vmem_shared>>
          %dma_wait3A_57 = arith.constant 0 : i32
          %dma_wait3A_58 = tpu.memref_slice %arg4[%add3A_51, %dma_wait3A_57] : memref<10240x128xf32, #tpu.memory_space<vmem_shared>> -> memref<64x128xf32, #tpu.memory_space<vmem_shared>>
          tpu.wait_dma2 semaphore(%run_scoped3A_52 : memref<!tpu.dma_semaphore, #tpu.memory_space<semaphore_mem>>) src(%dma_wait3A_58 : memref<64x128xf32, #tpu.memory_space<vmem_shared>>) dst(%arg7 : memref<64x128xf32, #tpu.memory_space<vmem>>)
          tpu.yield
        }) : () -> ()
        %run_scoped3A = arith.constant 1 : i32
        "tpu.region"() ({
          %run_scoped3A_52 = tpu.sem_alloc : memref<!tpu.dma_semaphore, #tpu.memory_space<semaphore_mem>>
          %dma_start3A = arith.constant 0 : i32
          %dma_start3A_53 = arith.constant 0 : i32
          %dma_start3A_54 = tpu.memref_slice %arg3[%run_scoped3A, %dma_start3A, %dma_start3A_53] : memref<2x10240x128xf32, #tpu.memory_space<hbm>> -> memref<1x10240x128xf32, #tpu.memory_space<hbm>>
          %dma_start3A_55 = tpu.memref_squeeze %dma_start3A_54 : memref<1x10240x128xf32, #tpu.memory_space<hbm>> -> memref<10240x128xf32, #tpu.memory_space<hbm>>
          %dma_start3A_56 = arith.constant 0 : i32
          %dma_start3A_57 = tpu.memref_slice %dma_start3A_55[%add3A_51, %dma_start3A_56] : memref<10240x128xf32, #tpu.memory_space<hbm>> -> memref<64x128xf32, #tpu.memory_space<hbm>>
          %dma_start3A_58 = arith.constant 0 : i32
          %dma_start3A_59 = arith.constant 0 : i32
          %dma_start3A_60 = tpu.memref_slice %arg3[%run_scoped3A, %dma_start3A_58, %dma_start3A_59] : memref<2x10240x128xf32, #tpu.memory_space<hbm>> -> memref<1x10240x128xf32, #tpu.memory_space<hbm>>
          %dma_start3A_61 = tpu.memref_squeeze %dma_start3A_60 : memref<1x10240x128xf32, #tpu.memory_space<hbm>> -> memref<10240x128xf32, #tpu.memory_space<hbm>>
          %dma_start3A_62 = arith.constant 0 : i32
          %dma_start3A_63 = tpu.memref_slice %dma_start3A_61[%add3A_51, %dma_start3A_62] : memref<10240x128xf32, #tpu.memory_space<hbm>> -> memref<64x128xf32, #tpu.memory_space<hbm>>
          tpu.enqueue_dma source(%arg7 : memref<64x128xf32, #tpu.memory_space<vmem>>) target(%dma_start3A_63 : memref<64x128xf32, #tpu.memory_space<hbm>>) target_semaphore(%run_scoped3A_52 : memref<!tpu.dma_semaphore, #tpu.memory_space<semaphore_mem>>)
          %dma_wait3A = arith.constant 0 : i32
          %dma_wait3A_64 = arith.constant 0 : i32
          %dma_wait3A_65 = tpu.memref_slice %arg3[%run_scoped3A, %dma_wait3A, %dma_wait3A_64] : memref<2x10240x128xf32, #tpu.memory_space<hbm>> -> memref<1x10240x128xf32, #tpu.memory_space<hbm>>
          %dma_wait3A_66 = tpu.memref_squeeze %dma_wait3A_65 : memref<1x10240x128xf32, #tpu.memory_space<hbm>> -> memref<10240x128xf32, #tpu.memory_space<hbm>>
          %dma_wait3A_67 = arith.constant 0 : i32
          %dma_wait3A_68 = tpu.memref_slice %dma_wait3A_66[%add3A_51, %dma_wait3A_67] : memref<10240x128xf32, #tpu.memory_space<hbm>> -> memref<64x128xf32, #tpu.memory_space<hbm>>
          %dma_wait3A_69 = arith.constant 0 : i32
          %dma_wait3A_70 = arith.constant 0 : i32
          %dma_wait3A_71 = tpu.memref_slice %arg3[%run_scoped3A, %dma_wait3A_69, %dma_wait3A_70] : memref<2x10240x128xf32, #tpu.memory_space<hbm>> -> memref<1x10240x128xf32, #tpu.memory_space<hbm>>
          %dma_wait3A_72 = tpu.memref_squeeze %dma_wait3A_71 : memref<1x10240x128xf32, #tpu.memory_space<hbm>> -> memref<10240x128xf32, #tpu.memory_space<hbm>>
          %dma_wait3A_73 = arith.constant 0 : i32
          %dma_wait3A_74 = tpu.memref_slice %dma_wait3A_72[%add3A_51, %dma_wait3A_73] : memref<10240x128xf32, #tpu.memory_space<hbm>> -> memref<64x128xf32, #tpu.memory_space<hbm>>
          tpu.wait_dma2 semaphore(%run_scoped3A_52 : memref<!tpu.dma_semaphore, #tpu.memory_space<semaphore_mem>>) src(%arg7 : memref<64x128xf32, #tpu.memory_space<vmem>>) dst(%dma_wait3A_74 : memref<64x128xf32, #tpu.memory_space<hbm>>)
          tpu.yield
        }) : () -> ()
      }
      %scan3A_45 = arith.constant 10 : i32
    } else {
    }
    return
  }
}

#map = affine_map<(d0, d1) -> (0, 0, 0)>
#map1 = affine_map<(d0, d1) -> (0, 0)>
module attributes {stable_mosaic.version = 14 : i64} {
  func.func @_gs_body(%arg0: i32, %arg1: i32, %arg2: memref<2x10240x128xf32, #tpu.memory_space<hbm>>, %arg3: memref<2560x125xi32, #tpu.memory_space<hbm>>, %arg4: memref<2560x125xi32, #tpu.memory_space<hbm>>, %arg5: memref<2x10240x128xf32, #tpu.memory_space<hbm>>, %arg6: memref<10240x128xf32, #tpu.memory_space<vmem_shared>>, %arg7: memref<16x125xi32, #tpu.memory_space<vmem>>, %arg8: memref<16x125xi32, #tpu.memory_space<vmem>>, %arg9: memref<16x125xi32, #tpu.memory_space<vmem>>, %arg10: memref<16x125xi32, #tpu.memory_space<vmem>>, %arg11: memref<125x128xf32, #tpu.memory_space<vmem>>, %arg12: memref<125x128xf32, #tpu.memory_space<vmem>>, %arg13: memref<!tpu.dma_semaphore, #tpu.memory_space<semaphore_mem>>, %arg14: memref<!tpu.dma_semaphore, #tpu.memory_space<semaphore_mem>>, %arg15: memref<!tpu.dma_semaphore, #tpu.memory_space<semaphore_mem>>, %arg16: memref<!tpu.dma_semaphore, #tpu.memory_space<semaphore_mem>>, %arg17: memref<!tpu.dma_semaphore, #tpu.memory_space<semaphore_mem>>) attributes {dimension_semantics = [#tpu.dimension_semantics<core_parallel>, #tpu.dimension_semantics<subcore_parallel>], iteration_bounds = array<i64: 2, 16>, scalar_prefetch = 0 : i64, scratch_operands = 12 : i64, tpu.core_type = #tpu.core_type<sc_vector_subcore>, window_params = [{transform_indices = #map}, {transform_indices = #map1}, {transform_indices = #map1}, {transform_indices = #map}]} {
    %mul3A = arith.constant 640 : i32
    %mul3A_0 = arith.muli %arg1, %mul3A : i32
    %mul3A_1 = arith.constant 160 : i32
    %mul3A_2 = arith.muli %arg1, %mul3A_1 : i32
    %eq3A = arith.constant 0 : i32
    %eq3A_3 = arith.cmpi eq, %arg0, %eq3A : i32
    %convert_element_type3A = arith.extui %eq3A_3 : i1 to i32
    %cond3A = arith.constant 0 : i32
    %cond3A_4 = arith.cmpi ne, %convert_element_type3A, %cond3A : i32
    scf.if %cond3A_4 {
      %run_scoped3A = arith.constant 0 : i32
      "tpu.region"() ({
        %run_scoped3A_31 = tpu.sem_alloc : memref<!tpu.dma_semaphore, #tpu.memory_space<semaphore_mem>>
        %dma_start3A = arith.constant 0 : i32
        %dma_start3A_32 = tpu.memref_slice %arg6[%mul3A_0, %dma_start3A] : memref<10240x128xf32, #tpu.memory_space<vmem_shared>> -> memref<640x128xf32, #tpu.memory_space<vmem_shared>>
        %dma_start3A_33 = arith.constant 0 : i32
        %dma_start3A_34 = arith.constant 0 : i32
        %dma_start3A_35 = tpu.memref_slice %arg2[%run_scoped3A, %dma_start3A_33, %dma_start3A_34] : memref<2x10240x128xf32, #tpu.memory_space<hbm>> -> memref<1x10240x128xf32, #tpu.memory_space<hbm>>
        %dma_start3A_36 = tpu.memref_squeeze %dma_start3A_35 : memref<1x10240x128xf32, #tpu.memory_space<hbm>> -> memref<10240x128xf32, #tpu.memory_space<hbm>>
        %dma_start3A_37 = arith.constant 0 : i32
        %dma_start3A_38 = tpu.memref_slice %dma_start3A_36[%mul3A_0, %dma_start3A_37] : memref<10240x128xf32, #tpu.memory_space<hbm>> -> memref<640x128xf32, #tpu.memory_space<hbm>>
        tpu.enqueue_dma source(%dma_start3A_38 : memref<640x128xf32, #tpu.memory_space<hbm>>) target(%dma_start3A_32 : memref<640x128xf32, #tpu.memory_space<vmem_shared>>) target_semaphore(%run_scoped3A_31 : memref<!tpu.dma_semaphore, #tpu.memory_space<semaphore_mem>>)
        %dma_wait3A = arith.constant 0 : i32
        %dma_wait3A_39 = tpu.memref_slice %arg6[%mul3A_0, %dma_wait3A] : memref<10240x128xf32, #tpu.memory_space<vmem_shared>> -> memref<640x128xf32, #tpu.memory_space<vmem_shared>>
        %dma_wait3A_40 = arith.constant 0 : i32
        %dma_wait3A_41 = arith.constant 0 : i32
        %dma_wait3A_42 = tpu.memref_slice %arg2[%run_scoped3A, %dma_wait3A_40, %dma_wait3A_41] : memref<2x10240x128xf32, #tpu.memory_space<hbm>> -> memref<1x10240x128xf32, #tpu.memory_space<hbm>>
        %dma_wait3A_43 = tpu.memref_squeeze %dma_wait3A_42 : memref<1x10240x128xf32, #tpu.memory_space<hbm>> -> memref<10240x128xf32, #tpu.memory_space<hbm>>
        %dma_wait3A_44 = arith.constant 0 : i32
        %dma_wait3A_45 = tpu.memref_slice %dma_wait3A_43[%mul3A_0, %dma_wait3A_44] : memref<10240x128xf32, #tpu.memory_space<hbm>> -> memref<640x128xf32, #tpu.memory_space<hbm>>
        tpu.wait_dma2 semaphore(%run_scoped3A_31 : memref<!tpu.dma_semaphore, #tpu.memory_space<semaphore_mem>>) src(%dma_wait3A_45 : memref<640x128xf32, #tpu.memory_space<hbm>>) dst(%dma_wait3A_39 : memref<640x128xf32, #tpu.memory_space<vmem_shared>>)
        tpu.yield
      }) : () -> ()
    } else {
    }
    %eq3A_5 = arith.constant 1 : i32
    %eq3A_6 = arith.cmpi eq, %arg0, %eq3A_5 : i32
    %convert_element_type3A_7 = arith.extui %eq3A_6 : i1 to i32
    %cond3A_8 = arith.constant 0 : i32
    %cond3A_9 = arith.cmpi ne, %convert_element_type3A_7, %cond3A_8 : i32
    scf.if %cond3A_9 {
      %run_scoped3A = arith.constant 1 : i32
      "tpu.region"() ({
        %run_scoped3A_31 = tpu.sem_alloc : memref<!tpu.dma_semaphore, #tpu.memory_space<semaphore_mem>>
        %dma_start3A = arith.constant 0 : i32
        %dma_start3A_32 = tpu.memref_slice %arg6[%mul3A_0, %dma_start3A] : memref<10240x128xf32, #tpu.memory_space<vmem_shared>> -> memref<640x128xf32, #tpu.memory_space<vmem_shared>>
        %dma_start3A_33 = arith.constant 0 : i32
        %dma_start3A_34 = arith.constant 0 : i32
        %dma_start3A_35 = tpu.memref_slice %arg2[%run_scoped3A, %dma_start3A_33, %dma_start3A_34] : memref<2x10240x128xf32, #tpu.memory_space<hbm>> -> memref<1x10240x128xf32, #tpu.memory_space<hbm>>
        %dma_start3A_36 = tpu.memref_squeeze %dma_start3A_35 : memref<1x10240x128xf32, #tpu.memory_space<hbm>> -> memref<10240x128xf32, #tpu.memory_space<hbm>>
        %dma_start3A_37 = arith.constant 0 : i32
        %dma_start3A_38 = tpu.memref_slice %dma_start3A_36[%mul3A_0, %dma_start3A_37] : memref<10240x128xf32, #tpu.memory_space<hbm>> -> memref<640x128xf32, #tpu.memory_space<hbm>>
        tpu.enqueue_dma source(%dma_start3A_38 : memref<640x128xf32, #tpu.memory_space<hbm>>) target(%dma_start3A_32 : memref<640x128xf32, #tpu.memory_space<vmem_shared>>) target_semaphore(%run_scoped3A_31 : memref<!tpu.dma_semaphore, #tpu.memory_space<semaphore_mem>>)
        %dma_wait3A = arith.constant 0 : i32
        %dma_wait3A_39 = tpu.memref_slice %arg6[%mul3A_0, %dma_wait3A] : memref<10240x128xf32, #tpu.memory_space<vmem_shared>> -> memref<640x128xf32, #tpu.memory_space<vmem_shared>>
        %dma_wait3A_40 = arith.constant 0 : i32
        %dma_wait3A_41 = arith.constant 0 : i32
        %dma_wait3A_42 = tpu.memref_slice %arg2[%run_scoped3A, %dma_wait3A_40, %dma_wait3A_41] : memref<2x10240x128xf32, #tpu.memory_space<hbm>> -> memref<1x10240x128xf32, #tpu.memory_space<hbm>>
        %dma_wait3A_43 = tpu.memref_squeeze %dma_wait3A_42 : memref<1x10240x128xf32, #tpu.memory_space<hbm>> -> memref<10240x128xf32, #tpu.memory_space<hbm>>
        %dma_wait3A_44 = arith.constant 0 : i32
        %dma_wait3A_45 = tpu.memref_slice %dma_wait3A_43[%mul3A_0, %dma_wait3A_44] : memref<10240x128xf32, #tpu.memory_space<hbm>> -> memref<640x128xf32, #tpu.memory_space<hbm>>
        tpu.wait_dma2 semaphore(%run_scoped3A_31 : memref<!tpu.dma_semaphore, #tpu.memory_space<semaphore_mem>>) src(%dma_wait3A_45 : memref<640x128xf32, #tpu.memory_space<hbm>>) dst(%dma_wait3A_39 : memref<640x128xf32, #tpu.memory_space<vmem_shared>>)
        tpu.yield
      }) : () -> ()
    } else {
    }
    %barrier3A = arith.constant 0 : index
    tpu.barrier barrier_id(%barrier3A)
    %eq3A_10 = arith.constant 0 : i32
    %eq3A_11 = arith.cmpi eq, %arg0, %eq3A_10 : i32
    %convert_element_type3A_12 = arith.extui %eq3A_11 : i1 to i32
    %cond3A_13 = arith.constant 0 : i32
    %cond3A_14 = arith.cmpi ne, %convert_element_type3A_12, %cond3A_13 : i32
    scf.if %cond3A_14 {
      "tpu.region"() ({
        %run_scoped3A = tpu.sem_alloc : memref<!tpu.dma_semaphore, #tpu.memory_space<semaphore_mem>>
        %dma_start3A_54 = arith.constant 0 : i32
        %dma_start3A_55 = tpu.memref_slice %arg3[%mul3A_2, %dma_start3A_54] : memref<2560x125xi32, #tpu.memory_space<hbm>> -> memref<16x125xi32, #tpu.memory_space<hbm>>
        %dma_start3A_56 = arith.constant 0 : i32
        %dma_start3A_57 = tpu.memref_slice %arg3[%mul3A_2, %dma_start3A_56] : memref<2560x125xi32, #tpu.memory_space<hbm>> -> memref<16x125xi32, #tpu.memory_space<hbm>>
        tpu.enqueue_dma source(%dma_start3A_57 : memref<16x125xi32, #tpu.memory_space<hbm>>) target(%arg7 : memref<16x125xi32, #tpu.memory_space<vmem>>) target_semaphore(%run_scoped3A : memref<!tpu.dma_semaphore, #tpu.memory_space<semaphore_mem>>)
        %dma_wait3A_58 = arith.constant 0 : i32
        %dma_wait3A_59 = tpu.memref_slice %arg3[%mul3A_2, %dma_wait3A_58] : memref<2560x125xi32, #tpu.memory_space<hbm>> -> memref<16x125xi32, #tpu.memory_space<hbm>>
        %dma_wait3A_60 = arith.constant 0 : i32
        %dma_wait3A_61 = tpu.memref_slice %arg3[%mul3A_2, %dma_wait3A_60] : memref<2560x125xi32, #tpu.memory_space<hbm>> -> memref<16x125xi32, #tpu.memory_space<hbm>>
        tpu.wait_dma2 semaphore(%run_scoped3A : memref<!tpu.dma_semaphore, #tpu.memory_space<semaphore_mem>>) src(%dma_wait3A_61 : memref<16x125xi32, #tpu.memory_space<hbm>>) dst(%arg7 : memref<16x125xi32, #tpu.memory_space<vmem>>)
        tpu.yield
      }) : () -> ()
      "tpu.region"() ({
        %run_scoped3A = tpu.sem_alloc : memref<!tpu.dma_semaphore, #tpu.memory_space<semaphore_mem>>
        %dma_start3A_54 = arith.constant 0 : i32
        %dma_start3A_55 = tpu.memref_slice %arg4[%mul3A_2, %dma_start3A_54] : memref<2560x125xi32, #tpu.memory_space<hbm>> -> memref<16x125xi32, #tpu.memory_space<hbm>>
        %dma_start3A_56 = arith.constant 0 : i32
        %dma_start3A_57 = tpu.memref_slice %arg4[%mul3A_2, %dma_start3A_56] : memref<2560x125xi32, #tpu.memory_space<hbm>> -> memref<16x125xi32, #tpu.memory_space<hbm>>
        tpu.enqueue_dma source(%dma_start3A_57 : memref<16x125xi32, #tpu.memory_space<hbm>>) target(%arg8 : memref<16x125xi32, #tpu.memory_space<vmem>>) target_semaphore(%run_scoped3A : memref<!tpu.dma_semaphore, #tpu.memory_space<semaphore_mem>>)
        %dma_wait3A_58 = arith.constant 0 : i32
        %dma_wait3A_59 = tpu.memref_slice %arg4[%mul3A_2, %dma_wait3A_58] : memref<2560x125xi32, #tpu.memory_space<hbm>> -> memref<16x125xi32, #tpu.memory_space<hbm>>
        %dma_wait3A_60 = arith.constant 0 : i32
        %dma_wait3A_61 = tpu.memref_slice %arg4[%mul3A_2, %dma_wait3A_60] : memref<2560x125xi32, #tpu.memory_space<hbm>> -> memref<16x125xi32, #tpu.memory_space<hbm>>
        tpu.wait_dma2 semaphore(%run_scoped3A : memref<!tpu.dma_semaphore, #tpu.memory_space<semaphore_mem>>) src(%dma_wait3A_61 : memref<16x125xi32, #tpu.memory_space<hbm>>) dst(%arg8 : memref<16x125xi32, #tpu.memory_space<vmem>>)
        tpu.yield
      }) : () -> ()
      %dma_start3A = arith.constant 0 : i32
      %dma_start3A_31 = arith.constant 0 : i32
      %dma_start3A_32 = arith.constant 0 : i32
      %dma_start3A_33 = tpu.memref_slice %arg7[%dma_start3A_31, %dma_start3A_32] : memref<16x125xi32, #tpu.memory_space<vmem>> -> memref<1x125xi32, #tpu.memory_space<vmem>>
      %dma_start3A_34 = tpu.memref_squeeze %dma_start3A_33 : memref<1x125xi32, #tpu.memory_space<vmem>> -> memref<125xi32, #tpu.memory_space<vmem>>
      %dma_start3A_35 = arith.constant 0 : i32
      %dma_start3A_36 = arith.constant 0 : i32
      %dma_start3A_37 = tpu.memref_slice %arg2[%dma_start3A, %dma_start3A_35, %dma_start3A_36] : memref<2x10240x128xf32, #tpu.memory_space<hbm>> -> memref<1x10240x128xf32, #tpu.memory_space<hbm>>
      %dma_start3A_38 = tpu.memref_squeeze %dma_start3A_37 : memref<1x10240x128xf32, #tpu.memory_space<hbm>> -> memref<10240x128xf32, #tpu.memory_space<hbm>>
      %dma_start3A_39 = arith.constant 0 : i32
      %dma_start3A_40 = arith.constant 0 : i32
      %dma_start3A_41 = tpu.memref_slice %dma_start3A_38[%dma_start3A_39, %dma_start3A_40] : memref<10240x128xf32, #tpu.memory_space<hbm>> -> memref<10240x128xf32, #tpu.memory_space<hbm>>
      tpu.enqueue_indirect_dma source(%dma_start3A_41 : memref<10240x128xf32, #tpu.memory_space<hbm>>) target(%arg11 : memref<125x128xf32, #tpu.memory_space<vmem>>) offsets(%dma_start3A_34 : memref<125xi32, #tpu.memory_space<vmem>>) semaphore(%arg13 : memref<!tpu.dma_semaphore, #tpu.memory_space<semaphore_mem>>)
      %scan3A = arith.constant 0 : i32
      %scan3A_42 = arith.constant 0 : i32
      %scan3A_43 = arith.constant 0 : i32
      %scan3A_44 = arith.constant 80 : i32
      %scan3A_45 = arith.addi %scan3A_43, %scan3A_44 : i32
      %scan3A_46 = arith.constant 1 : i32
      scf.for %scan3A_54 = %scan3A_43 to %scan3A_45 step %scan3A_46  : i32 {
        %mul3A_55 = arith.constant 2 : i32
        %mul3A_56 = arith.muli %mul3A_55, %scan3A_54 : i32
        %jit3A = arith.constant 16 : i32
        %div3A = arith.divsi %mul3A_56, %jit3A : i32
        %sign3A = arith.constant 0 : i32
        %sign3A_57 = arith.cmpi sgt, %mul3A_56, %sign3A : i32
        %sign3A_58 = arith.extui %sign3A_57 : i1 to i32
        %sign3A_59 = arith.constant 0 : i32
        %sign3A_60 = arith.cmpi slt, %mul3A_56, %sign3A_59 : i32
        %sign3A_61 = arith.extui %sign3A_60 : i1 to i32
        %sign3A_62 = arith.subi %sign3A_58, %sign3A_61 : i32
        %sign3A_63 = arith.constant 0 : i32
        %sign3A_64 = arith.cmpi sgt, %jit3A, %sign3A_63 : i32
        %sign3A_65 = arith.extui %sign3A_64 : i1 to i32
        %sign3A_66 = arith.constant 0 : i32
        %sign3A_67 = arith.cmpi slt, %jit3A, %sign3A_66 : i32
        %sign3A_68 = arith.extui %sign3A_67 : i1 to i32
        %sign3A_69 = arith.subi %sign3A_65, %sign3A_68 : i32
        %ne3A = arith.cmpi ne, %sign3A_62, %sign3A_69 : i32
        %rem3A = arith.remsi %mul3A_56, %jit3A : i32
        %ne3A_70 = arith.constant 0 : i32
        %ne3A_71 = arith.cmpi ne, %rem3A, %ne3A_70 : i32
        %and3A = arith.andi %ne3A, %ne3A_71 : i1
        %sub3A = arith.constant 1 : i32
        %sub3A_72 = arith.subi %div3A, %sub3A : i32
        %select_n3A = arith.select %and3A, %sub3A_72, %div3A : i32
        %jit3A_73 = arith.constant 2 : i32
        %eq3A_74 = arith.constant 0 : i32
        %eq3A_75 = arith.cmpi eq, %jit3A_73, %eq3A_74 : i32
        %jit3A_76 = arith.constant 1 : i32
        %select_n3A_77 = arith.select %eq3A_75, %jit3A_76, %jit3A_73 : i32
        %rem3A_78 = arith.remsi %select_n3A, %select_n3A_77 : i32
        %ne3A_79 = arith.constant 0 : i32
        %ne3A_80 = arith.cmpi ne, %rem3A_78, %ne3A_79 : i32
        %lt3A = arith.constant 0 : i32
        %lt3A_81 = arith.cmpi slt, %rem3A_78, %lt3A : i32
        %lt3A_82 = arith.constant 0 : i32
        %lt3A_83 = arith.cmpi slt, %select_n3A_77, %lt3A_82 : i32
        %ne3A_84 = arith.xori %lt3A_81, %lt3A_83 : i1
        %and3A_85 = arith.andi %ne3A_84, %ne3A_80 : i1
        %add3A = arith.addi %rem3A_78, %select_n3A_77 : i32
        %select_n3A_86 = arith.select %and3A_85, %add3A, %rem3A_78 : i32
        %mul3A_87 = arith.constant 16 : i32
        %mul3A_88 = arith.muli %select_n3A, %mul3A_87 : i32
        %sub3A_89 = arith.subi %mul3A_56, %mul3A_88 : i32
        %dma_wait3A_90 = arith.constant 0 : i32
        %dma_wait3A_91 = arith.constant 0 : i32
        %dma_wait3A_92 = tpu.memref_slice %arg7[%dma_wait3A_90, %dma_wait3A_91] : memref<16x125xi32, #tpu.memory_space<vmem>> -> memref<1x125xi32, #tpu.memory_space<vmem>>
        %dma_wait3A_93 = tpu.memref_squeeze %dma_wait3A_92 : memref<1x125xi32, #tpu.memory_space<vmem>> -> memref<125xi32, #tpu.memory_space<vmem>>
        %dma_wait3A_94 = arith.constant 0 : i32
        %dma_wait3A_95 = arith.constant 0 : i32
        %dma_wait3A_96 = tpu.memref_slice %arg2[%scan3A_42, %dma_wait3A_94, %dma_wait3A_95] : memref<2x10240x128xf32, #tpu.memory_space<hbm>> -> memref<1x10240x128xf32, #tpu.memory_space<hbm>>
        %dma_wait3A_97 = tpu.memref_squeeze %dma_wait3A_96 : memref<1x10240x128xf32, #tpu.memory_space<hbm>> -> memref<10240x128xf32, #tpu.memory_space<hbm>>
        %dma_wait3A_98 = arith.constant 0 : i32
        %dma_wait3A_99 = arith.constant 0 : i32
        %dma_wait3A_100 = tpu.memref_slice %dma_wait3A_97[%dma_wait3A_98, %dma_wait3A_99] : memref<10240x128xf32, #tpu.memory_space<hbm>> -> memref<10240x128xf32, #tpu.memory_space<hbm>>
        tpu.wait_indirect_dma semaphore(%arg13 : memref<!tpu.dma_semaphore, #tpu.memory_space<semaphore_mem>>) src(%dma_wait3A_100 : memref<10240x128xf32, #tpu.memory_space<hbm>>) dst(%arg11 : memref<125x128xf32, #tpu.memory_space<vmem>>)
        %gt3A = arith.constant 0 : i32
        %gt3A_101 = arith.cmpi sgt, %scan3A_54, %gt3A : i32
        %convert_element_type3A_102 = arith.extui %gt3A_101 : i1 to i32
        %cond3A_103 = arith.constant 0 : i32
        %cond3A_104 = arith.cmpi ne, %convert_element_type3A_102, %cond3A_103 : i32
        scf.if %cond3A_104 {
          %dma_wait3A_210 = arith.constant 0 : i32
          %dma_wait3A_211 = arith.constant 0 : i32
          %dma_wait3A_212 = tpu.memref_slice %arg8[%dma_wait3A_210, %dma_wait3A_211] : memref<16x125xi32, #tpu.memory_space<vmem>> -> memref<1x125xi32, #tpu.memory_space<vmem>>
          %dma_wait3A_213 = tpu.memref_squeeze %dma_wait3A_212 : memref<1x125xi32, #tpu.memory_space<vmem>> -> memref<125xi32, #tpu.memory_space<vmem>>
          %dma_wait3A_214 = arith.constant 0 : i32
          %dma_wait3A_215 = arith.constant 0 : i32
          %dma_wait3A_216 = tpu.memref_slice %arg6[%dma_wait3A_214, %dma_wait3A_215] : memref<10240x128xf32, #tpu.memory_space<vmem_shared>> -> memref<10240x128xf32, #tpu.memory_space<vmem_shared>>
          tpu.wait_indirect_dma semaphore(%arg16 : memref<!tpu.dma_semaphore, #tpu.memory_space<semaphore_mem>>) src(%arg12 : memref<125x128xf32, #tpu.memory_space<vmem>>) dst(%dma_wait3A_216 : memref<10240x128xf32, #tpu.memory_space<vmem_shared>>)
        } else {
        }
        %eq3A_105 = arith.constant 0 : i32
        %eq3A_106 = arith.cmpi eq, %select_n3A_86, %eq3A_105 : i32
        %convert_element_type3A_107 = arith.extui %eq3A_106 : i1 to i32
        %cond3A_108 = arith.constant 0 : i32
        %cond3A_109 = arith.cmpi ne, %convert_element_type3A_107, %cond3A_108 : i32
        scf.if %cond3A_109 {
          %dma_start3A_210 = arith.constant 0 : i32
          %dma_start3A_211 = tpu.memref_slice %arg8[%sub3A_89, %dma_start3A_210] : memref<16x125xi32, #tpu.memory_space<vmem>> -> memref<1x125xi32, #tpu.memory_space<vmem>>
          %dma_start3A_212 = tpu.memref_squeeze %dma_start3A_211 : memref<1x125xi32, #tpu.memory_space<vmem>> -> memref<125xi32, #tpu.memory_space<vmem>>
          %dma_start3A_213 = arith.constant 0 : i32
          %dma_start3A_214 = arith.constant 0 : i32
          %dma_start3A_215 = tpu.memref_slice %arg6[%dma_start3A_213, %dma_start3A_214] : memref<10240x128xf32, #tpu.memory_space<vmem_shared>> -> memref<10240x128xf32, #tpu.memory_space<vmem_shared>>
          tpu.enqueue_indirect_dma source(%arg11 : memref<125x128xf32, #tpu.memory_space<vmem>>) target(%dma_start3A_215 : memref<10240x128xf32, #tpu.memory_space<vmem_shared>>) offsets(%dma_start3A_212 : memref<125xi32, #tpu.memory_space<vmem>>) semaphore(%arg15 : memref<!tpu.dma_semaphore, #tpu.memory_space<semaphore_mem>>) {add = true}
        } else {
        }
        %eq3A_110 = arith.constant 1 : i32
        %eq3A_111 = arith.cmpi eq, %select_n3A_86, %eq3A_110 : i32
        %convert_element_type3A_112 = arith.extui %eq3A_111 : i1 to i32
        %cond3A_113 = arith.constant 0 : i32
        %cond3A_114 = arith.cmpi ne, %convert_element_type3A_112, %cond3A_113 : i32
        scf.if %cond3A_114 {
          %dma_start3A_210 = arith.constant 0 : i32
          %dma_start3A_211 = tpu.memref_slice %arg10[%sub3A_89, %dma_start3A_210] : memref<16x125xi32, #tpu.memory_space<vmem>> -> memref<1x125xi32, #tpu.memory_space<vmem>>
          %dma_start3A_212 = tpu.memref_squeeze %dma_start3A_211 : memref<1x125xi32, #tpu.memory_space<vmem>> -> memref<125xi32, #tpu.memory_space<vmem>>
          %dma_start3A_213 = arith.constant 0 : i32
          %dma_start3A_214 = arith.constant 0 : i32
          %dma_start3A_215 = tpu.memref_slice %arg6[%dma_start3A_213, %dma_start3A_214] : memref<10240x128xf32, #tpu.memory_space<vmem_shared>> -> memref<10240x128xf32, #tpu.memory_space<vmem_shared>>
          tpu.enqueue_indirect_dma source(%arg11 : memref<125x128xf32, #tpu.memory_space<vmem>>) target(%dma_start3A_215 : memref<10240x128xf32, #tpu.memory_space<vmem_shared>>) offsets(%dma_start3A_212 : memref<125xi32, #tpu.memory_space<vmem>>) semaphore(%arg15 : memref<!tpu.dma_semaphore, #tpu.memory_space<semaphore_mem>>) {add = true}
        } else {
        }
        %add3A_115 = arith.constant 1 : i32
        %add3A_116 = arith.addi %sub3A_89, %add3A_115 : i32
        %eq3A_117 = arith.constant 0 : i32
        %eq3A_118 = arith.cmpi eq, %select_n3A_86, %eq3A_117 : i32
        %convert_element_type3A_119 = arith.extui %eq3A_118 : i1 to i32
        %cond3A_120 = arith.constant 0 : i32
        %cond3A_121 = arith.cmpi ne, %convert_element_type3A_119, %cond3A_120 : i32
        scf.if %cond3A_121 {
          %dma_start3A_210 = arith.constant 0 : i32
          %dma_start3A_211 = tpu.memref_slice %arg7[%add3A_116, %dma_start3A_210] : memref<16x125xi32, #tpu.memory_space<vmem>> -> memref<1x125xi32, #tpu.memory_space<vmem>>
          %dma_start3A_212 = tpu.memref_squeeze %dma_start3A_211 : memref<1x125xi32, #tpu.memory_space<vmem>> -> memref<125xi32, #tpu.memory_space<vmem>>
          %dma_start3A_213 = arith.constant 0 : i32
          %dma_start3A_214 = arith.constant 0 : i32
          %dma_start3A_215 = tpu.memref_slice %arg2[%scan3A_42, %dma_start3A_213, %dma_start3A_214] : memref<2x10240x128xf32, #tpu.memory_space<hbm>> -> memref<1x10240x128xf32, #tpu.memory_space<hbm>>
          %dma_start3A_216 = tpu.memref_squeeze %dma_start3A_215 : memref<1x10240x128xf32, #tpu.memory_space<hbm>> -> memref<10240x128xf32, #tpu.memory_space<hbm>>
          %dma_start3A_217 = arith.constant 0 : i32
          %dma_start3A_218 = arith.constant 0 : i32
          %dma_start3A_219 = tpu.memref_slice %dma_start3A_216[%dma_start3A_217, %dma_start3A_218] : memref<10240x128xf32, #tpu.memory_space<hbm>> -> memref<10240x128xf32, #tpu.memory_space<hbm>>
          tpu.enqueue_indirect_dma source(%dma_start3A_219 : memref<10240x128xf32, #tpu.memory_space<hbm>>) target(%arg12 : memref<125x128xf32, #tpu.memory_space<vmem>>) offsets(%dma_start3A_212 : memref<125xi32, #tpu.memory_space<vmem>>) semaphore(%arg14 : memref<!tpu.dma_semaphore, #tpu.memory_space<semaphore_mem>>)
        } else {
        }
        %eq3A_122 = arith.constant 1 : i32
        %eq3A_123 = arith.cmpi eq, %select_n3A_86, %eq3A_122 : i32
        %convert_element_type3A_124 = arith.extui %eq3A_123 : i1 to i32
        %cond3A_125 = arith.constant 0 : i32
        %cond3A_126 = arith.cmpi ne, %convert_element_type3A_124, %cond3A_125 : i32
        scf.if %cond3A_126 {
          %dma_start3A_210 = arith.constant 0 : i32
          %dma_start3A_211 = tpu.memref_slice %arg9[%add3A_116, %dma_start3A_210] : memref<16x125xi32, #tpu.memory_space<vmem>> -> memref<1x125xi32, #tpu.memory_space<vmem>>
          %dma_start3A_212 = tpu.memref_squeeze %dma_start3A_211 : memref<1x125xi32, #tpu.memory_space<vmem>> -> memref<125xi32, #tpu.memory_space<vmem>>
          %dma_start3A_213 = arith.constant 0 : i32
          %dma_start3A_214 = arith.constant 0 : i32
          %dma_start3A_215 = tpu.memref_slice %arg2[%scan3A_42, %dma_start3A_213, %dma_start3A_214] : memref<2x10240x128xf32, #tpu.memory_space<hbm>> -> memref<1x10240x128xf32, #tpu.memory_space<hbm>>
          %dma_start3A_216 = tpu.memref_squeeze %dma_start3A_215 : memref<1x10240x128xf32, #tpu.memory_space<hbm>> -> memref<10240x128xf32, #tpu.memory_space<hbm>>
          %dma_start3A_217 = arith.constant 0 : i32
          %dma_start3A_218 = arith.constant 0 : i32
          %dma_start3A_219 = tpu.memref_slice %dma_start3A_216[%dma_start3A_217, %dma_start3A_218] : memref<10240x128xf32, #tpu.memory_space<hbm>> -> memref<10240x128xf32, #tpu.memory_space<hbm>>
          tpu.enqueue_indirect_dma source(%dma_start3A_219 : memref<10240x128xf32, #tpu.memory_space<hbm>>) target(%arg12 : memref<125x128xf32, #tpu.memory_space<vmem>>) offsets(%dma_start3A_212 : memref<125xi32, #tpu.memory_space<vmem>>) semaphore(%arg14 : memref<!tpu.dma_semaphore, #tpu.memory_space<semaphore_mem>>)
        } else {
        }
        %jit3A_127 = arith.constant 8 : i32
        %eq3A_128 = arith.constant 0 : i32
        %eq3A_129 = arith.cmpi eq, %jit3A_127, %eq3A_128 : i32
        %jit3A_130 = arith.constant 1 : i32
        %select_n3A_131 = arith.select %eq3A_129, %jit3A_130, %jit3A_127 : i32
        %rem3A_132 = arith.remsi %scan3A_54, %select_n3A_131 : i32
        %ne3A_133 = arith.constant 0 : i32
        %ne3A_134 = arith.cmpi ne, %rem3A_132, %ne3A_133 : i32
        %lt3A_135 = arith.constant 0 : i32
        %lt3A_136 = arith.cmpi slt, %rem3A_132, %lt3A_135 : i32
        %lt3A_137 = arith.constant 0 : i32
        %lt3A_138 = arith.cmpi slt, %select_n3A_131, %lt3A_137 : i32
        %ne3A_139 = arith.xori %lt3A_136, %lt3A_138 : i1
        %and3A_140 = arith.andi %ne3A_139, %ne3A_134 : i1
        %add3A_141 = arith.addi %rem3A_132, %select_n3A_131 : i32
        %select_n3A_142 = arith.select %and3A_140, %add3A_141, %rem3A_132 : i32
        %eq3A_143 = arith.constant 1 : i32
        %eq3A_144 = arith.cmpi eq, %select_n3A_142, %eq3A_143 : i32
        %lt3A_145 = arith.constant 9 : i32
        %lt3A_146 = arith.cmpi slt, %select_n3A, %lt3A_145 : i32
        %and3A_147 = arith.andi %eq3A_144, %lt3A_146 : i1
        %convert_element_type3A_148 = arith.extui %and3A_147 : i1 to i32
        %cond3A_149 = arith.constant 0 : i32
        %cond3A_150 = arith.cmpi ne, %convert_element_type3A_148, %cond3A_149 : i32
        scf.if %cond3A_150 {
          %add3A_210 = arith.constant 1 : i32
          %add3A_211 = arith.addi %select_n3A, %add3A_210 : i32
          %mul3A_212 = arith.constant 16 : i32
          %mul3A_213 = arith.muli %add3A_211, %mul3A_212 : i32
          %add3A_214 = arith.addi %mul3A_2, %mul3A_213 : i32
          %jit3A_215 = arith.constant 2 : i32
          %eq3A_216 = arith.constant 0 : i32
          %eq3A_217 = arith.cmpi eq, %jit3A_215, %eq3A_216 : i32
          %jit3A_218 = arith.constant 1 : i32
          %select_n3A_219 = arith.select %eq3A_217, %jit3A_218, %jit3A_215 : i32
          %rem3A_220 = arith.remsi %add3A_211, %select_n3A_219 : i32
          %ne3A_221 = arith.constant 0 : i32
          %ne3A_222 = arith.cmpi ne, %rem3A_220, %ne3A_221 : i32
          %lt3A_223 = arith.constant 0 : i32
          %lt3A_224 = arith.cmpi slt, %rem3A_220, %lt3A_223 : i32
          %lt3A_225 = arith.constant 0 : i32
          %lt3A_226 = arith.cmpi slt, %select_n3A_219, %lt3A_225 : i32
          %ne3A_227 = arith.xori %lt3A_224, %lt3A_226 : i1
          %and3A_228 = arith.andi %ne3A_227, %ne3A_222 : i1
          %add3A_229 = arith.addi %rem3A_220, %select_n3A_219 : i32
          %select_n3A_230 = arith.select %and3A_228, %add3A_229, %rem3A_220 : i32
          %eq3A_231 = arith.constant 0 : i32
          %eq3A_232 = arith.cmpi eq, %select_n3A_230, %eq3A_231 : i32
          %convert_element_type3A_233 = arith.extui %eq3A_232 : i1 to i32
          %cond3A_234 = arith.constant 0 : i32
          %cond3A_235 = arith.cmpi ne, %convert_element_type3A_233, %cond3A_234 : i32
          scf.if %cond3A_235 {
            %dma_start3A_257 = arith.constant 0 : i32
            %dma_start3A_258 = tpu.memref_slice %arg3[%add3A_214, %dma_start3A_257] : memref<2560x125xi32, #tpu.memory_space<hbm>> -> memref<16x125xi32, #tpu.memory_space<hbm>>
            %dma_start3A_259 = arith.constant 0 : i32
            %dma_start3A_260 = tpu.memref_slice %arg3[%add3A_214, %dma_start3A_259] : memref<2560x125xi32, #tpu.memory_space<hbm>> -> memref<16x125xi32, #tpu.memory_space<hbm>>
            tpu.enqueue_dma source(%dma_start3A_260 : memref<16x125xi32, #tpu.memory_space<hbm>>) target(%arg7 : memref<16x125xi32, #tpu.memory_space<vmem>>) target_semaphore(%arg17 : memref<!tpu.dma_semaphore, #tpu.memory_space<semaphore_mem>>)
            %dma_start3A_261 = arith.constant 0 : i32
            %dma_start3A_262 = tpu.memref_slice %arg4[%add3A_214, %dma_start3A_261] : memref<2560x125xi32, #tpu.memory_space<hbm>> -> memref<16x125xi32, #tpu.memory_space<hbm>>
            %dma_start3A_263 = arith.constant 0 : i32
            %dma_start3A_264 = tpu.memref_slice %arg4[%add3A_214, %dma_start3A_263] : memref<2560x125xi32, #tpu.memory_space<hbm>> -> memref<16x125xi32, #tpu.memory_space<hbm>>
            tpu.enqueue_dma source(%dma_start3A_264 : memref<16x125xi32, #tpu.memory_space<hbm>>) target(%arg8 : memref<16x125xi32, #tpu.memory_space<vmem>>) target_semaphore(%arg17 : memref<!tpu.dma_semaphore, #tpu.memory_space<semaphore_mem>>)
          } else {
          }
          %jit3A_236 = arith.constant 2 : i32
          %eq3A_237 = arith.constant 0 : i32
          %eq3A_238 = arith.cmpi eq, %jit3A_236, %eq3A_237 : i32
          %jit3A_239 = arith.constant 1 : i32
          %select_n3A_240 = arith.select %eq3A_238, %jit3A_239, %jit3A_236 : i32
          %rem3A_241 = arith.remsi %add3A_211, %select_n3A_240 : i32
          %ne3A_242 = arith.constant 0 : i32
          %ne3A_243 = arith.cmpi ne, %rem3A_241, %ne3A_242 : i32
          %lt3A_244 = arith.constant 0 : i32
          %lt3A_245 = arith.cmpi slt, %rem3A_241, %lt3A_244 : i32
          %lt3A_246 = arith.constant 0 : i32
          %lt3A_247 = arith.cmpi slt, %select_n3A_240, %lt3A_246 : i32
          %ne3A_248 = arith.xori %lt3A_245, %lt3A_247 : i1
          %and3A_249 = arith.andi %ne3A_248, %ne3A_243 : i1
          %add3A_250 = arith.addi %rem3A_241, %select_n3A_240 : i32
          %select_n3A_251 = arith.select %and3A_249, %add3A_250, %rem3A_241 : i32
          %eq3A_252 = arith.constant 1 : i32
          %eq3A_253 = arith.cmpi eq, %select_n3A_251, %eq3A_252 : i32
          %convert_element_type3A_254 = arith.extui %eq3A_253 : i1 to i32
          %cond3A_255 = arith.constant 0 : i32
          %cond3A_256 = arith.cmpi ne, %convert_element_type3A_254, %cond3A_255 : i32
          scf.if %cond3A_256 {
            %dma_start3A_257 = arith.constant 0 : i32
            %dma_start3A_258 = tpu.memref_slice %arg3[%add3A_214, %dma_start3A_257] : memref<2560x125xi32, #tpu.memory_space<hbm>> -> memref<16x125xi32, #tpu.memory_space<hbm>>
            %dma_start3A_259 = arith.constant 0 : i32
            %dma_start3A_260 = tpu.memref_slice %arg3[%add3A_214, %dma_start3A_259] : memref<2560x125xi32, #tpu.memory_space<hbm>> -> memref<16x125xi32, #tpu.memory_space<hbm>>
            tpu.enqueue_dma source(%dma_start3A_260 : memref<16x125xi32, #tpu.memory_space<hbm>>) target(%arg9 : memref<16x125xi32, #tpu.memory_space<vmem>>) target_semaphore(%arg17 : memref<!tpu.dma_semaphore, #tpu.memory_space<semaphore_mem>>)
            %dma_start3A_261 = arith.constant 0 : i32
            %dma_start3A_262 = tpu.memref_slice %arg4[%add3A_214, %dma_start3A_261] : memref<2560x125xi32, #tpu.memory_space<hbm>> -> memref<16x125xi32, #tpu.memory_space<hbm>>
            %dma_start3A_263 = arith.constant 0 : i32
            %dma_start3A_264 = tpu.memref_slice %arg4[%add3A_214, %dma_start3A_263] : memref<2560x125xi32, #tpu.memory_space<hbm>> -> memref<16x125xi32, #tpu.memory_space<hbm>>
            tpu.enqueue_dma source(%dma_start3A_264 : memref<16x125xi32, #tpu.memory_space<hbm>>) target(%arg10 : memref<16x125xi32, #tpu.memory_space<vmem>>) target_semaphore(%arg17 : memref<!tpu.dma_semaphore, #tpu.memory_space<semaphore_mem>>)
          } else {
          }
        } else {
        }
        %dma_wait3A_151 = arith.constant 0 : i32
        %dma_wait3A_152 = arith.constant 0 : i32
        %dma_wait3A_153 = tpu.memref_slice %arg7[%dma_wait3A_151, %dma_wait3A_152] : memref<16x125xi32, #tpu.memory_space<vmem>> -> memref<1x125xi32, #tpu.memory_space<vmem>>
        %dma_wait3A_154 = tpu.memref_squeeze %dma_wait3A_153 : memref<1x125xi32, #tpu.memory_space<vmem>> -> memref<125xi32, #tpu.memory_space<vmem>>
        %dma_wait3A_155 = arith.constant 0 : i32
        %dma_wait3A_156 = arith.constant 0 : i32
        %dma_wait3A_157 = tpu.memref_slice %arg2[%scan3A_42, %dma_wait3A_155, %dma_wait3A_156] : memref<2x10240x128xf32, #tpu.memory_space<hbm>> -> memref<1x10240x128xf32, #tpu.memory_space<hbm>>
        %dma_wait3A_158 = tpu.memref_squeeze %dma_wait3A_157 : memref<1x10240x128xf32, #tpu.memory_space<hbm>> -> memref<10240x128xf32, #tpu.memory_space<hbm>>
        %dma_wait3A_159 = arith.constant 0 : i32
        %dma_wait3A_160 = arith.constant 0 : i32
        %dma_wait3A_161 = tpu.memref_slice %dma_wait3A_158[%dma_wait3A_159, %dma_wait3A_160] : memref<10240x128xf32, #tpu.memory_space<hbm>> -> memref<10240x128xf32, #tpu.memory_space<hbm>>
        tpu.wait_indirect_dma semaphore(%arg14 : memref<!tpu.dma_semaphore, #tpu.memory_space<semaphore_mem>>) src(%dma_wait3A_161 : memref<10240x128xf32, #tpu.memory_space<hbm>>) dst(%arg12 : memref<125x128xf32, #tpu.memory_space<vmem>>)
        %dma_wait3A_162 = arith.constant 0 : i32
        %dma_wait3A_163 = arith.constant 0 : i32
        %dma_wait3A_164 = tpu.memref_slice %arg8[%dma_wait3A_162, %dma_wait3A_163] : memref<16x125xi32, #tpu.memory_space<vmem>> -> memref<1x125xi32, #tpu.memory_space<vmem>>
        %dma_wait3A_165 = tpu.memref_squeeze %dma_wait3A_164 : memref<1x125xi32, #tpu.memory_space<vmem>> -> memref<125xi32, #tpu.memory_space<vmem>>
        %dma_wait3A_166 = arith.constant 0 : i32
        %dma_wait3A_167 = arith.constant 0 : i32
        %dma_wait3A_168 = tpu.memref_slice %arg6[%dma_wait3A_166, %dma_wait3A_167] : memref<10240x128xf32, #tpu.memory_space<vmem_shared>> -> memref<10240x128xf32, #tpu.memory_space<vmem_shared>>
        tpu.wait_indirect_dma semaphore(%arg15 : memref<!tpu.dma_semaphore, #tpu.memory_space<semaphore_mem>>) src(%arg11 : memref<125x128xf32, #tpu.memory_space<vmem>>) dst(%dma_wait3A_168 : memref<10240x128xf32, #tpu.memory_space<vmem_shared>>)
        %add3A_169 = arith.constant 1 : i32
        %add3A_170 = arith.addi %sub3A_89, %add3A_169 : i32
        %eq3A_171 = arith.constant 0 : i32
        %eq3A_172 = arith.cmpi eq, %select_n3A_86, %eq3A_171 : i32
        %convert_element_type3A_173 = arith.extui %eq3A_172 : i1 to i32
        %cond3A_174 = arith.constant 0 : i32
        %cond3A_175 = arith.cmpi ne, %convert_element_type3A_173, %cond3A_174 : i32
        scf.if %cond3A_175 {
          %dma_start3A_210 = arith.constant 0 : i32
          %dma_start3A_211 = tpu.memref_slice %arg8[%add3A_170, %dma_start3A_210] : memref<16x125xi32, #tpu.memory_space<vmem>> -> memref<1x125xi32, #tpu.memory_space<vmem>>
          %dma_start3A_212 = tpu.memref_squeeze %dma_start3A_211 : memref<1x125xi32, #tpu.memory_space<vmem>> -> memref<125xi32, #tpu.memory_space<vmem>>
          %dma_start3A_213 = arith.constant 0 : i32
          %dma_start3A_214 = arith.constant 0 : i32
          %dma_start3A_215 = tpu.memref_slice %arg6[%dma_start3A_213, %dma_start3A_214] : memref<10240x128xf32, #tpu.memory_space<vmem_shared>> -> memref<10240x128xf32, #tpu.memory_space<vmem_shared>>
          tpu.enqueue_indirect_dma source(%arg12 : memref<125x128xf32, #tpu.memory_space<vmem>>) target(%dma_start3A_215 : memref<10240x128xf32, #tpu.memory_space<vmem_shared>>) offsets(%dma_start3A_212 : memref<125xi32, #tpu.memory_space<vmem>>) semaphore(%arg16 : memref<!tpu.dma_semaphore, #tpu.memory_space<semaphore_mem>>) {add = true}
        } else {
        }
        %eq3A_176 = arith.constant 1 : i32
        %eq3A_177 = arith.cmpi eq, %select_n3A_86, %eq3A_176 : i32
        %convert_element_type3A_178 = arith.extui %eq3A_177 : i1 to i32
        %cond3A_179 = arith.constant 0 : i32
        %cond3A_180 = arith.cmpi ne, %convert_element_type3A_178, %cond3A_179 : i32
        scf.if %cond3A_180 {
          %dma_start3A_210 = arith.constant 0 : i32
          %dma_start3A_211 = tpu.memref_slice %arg10[%add3A_170, %dma_start3A_210] : memref<16x125xi32, #tpu.memory_space<vmem>> -> memref<1x125xi32, #tpu.memory_space<vmem>>
          %dma_start3A_212 = tpu.memref_squeeze %dma_start3A_211 : memref<1x125xi32, #tpu.memory_space<vmem>> -> memref<125xi32, #tpu.memory_space<vmem>>
          %dma_start3A_213 = arith.constant 0 : i32
          %dma_start3A_214 = arith.constant 0 : i32
          %dma_start3A_215 = tpu.memref_slice %arg6[%dma_start3A_213, %dma_start3A_214] : memref<10240x128xf32, #tpu.memory_space<vmem_shared>> -> memref<10240x128xf32, #tpu.memory_space<vmem_shared>>
          tpu.enqueue_indirect_dma source(%arg12 : memref<125x128xf32, #tpu.memory_space<vmem>>) target(%dma_start3A_215 : memref<10240x128xf32, #tpu.memory_space<vmem_shared>>) offsets(%dma_start3A_212 : memref<125xi32, #tpu.memory_space<vmem>>) semaphore(%arg16 : memref<!tpu.dma_semaphore, #tpu.memory_space<semaphore_mem>>) {add = true}
        } else {
        }
        %jit3A_181 = arith.constant 8 : i32
        %eq3A_182 = arith.constant 0 : i32
        %eq3A_183 = arith.cmpi eq, %jit3A_181, %eq3A_182 : i32
        %jit3A_184 = arith.constant 1 : i32
        %select_n3A_185 = arith.select %eq3A_183, %jit3A_184, %jit3A_181 : i32
        %rem3A_186 = arith.remsi %scan3A_54, %select_n3A_185 : i32
        %ne3A_187 = arith.constant 0 : i32
        %ne3A_188 = arith.cmpi ne, %rem3A_186, %ne3A_187 : i32
        %lt3A_189 = arith.constant 0 : i32
        %lt3A_190 = arith.cmpi slt, %rem3A_186, %lt3A_189 : i32
        %lt3A_191 = arith.constant 0 : i32
        %lt3A_192 = arith.cmpi slt, %select_n3A_185, %lt3A_191 : i32
        %ne3A_193 = arith.xori %lt3A_190, %lt3A_192 : i1
        %and3A_194 = arith.andi %ne3A_193, %ne3A_188 : i1
        %add3A_195 = arith.addi %rem3A_186, %select_n3A_185 : i32
        %select_n3A_196 = arith.select %and3A_194, %add3A_195, %rem3A_186 : i32
        %eq3A_197 = arith.constant 7 : i32
        %eq3A_198 = arith.cmpi eq, %select_n3A_196, %eq3A_197 : i32
        %lt3A_199 = arith.constant 72 : i32
        %lt3A_200 = arith.cmpi slt, %scan3A_54, %lt3A_199 : i32
        %and3A_201 = arith.andi %eq3A_198, %lt3A_200 : i1
        %convert_element_type3A_202 = arith.extui %and3A_201 : i1 to i32
        %cond3A_203 = arith.constant 0 : i32
        %cond3A_204 = arith.cmpi ne, %convert_element_type3A_202, %cond3A_203 : i32
        scf.if %cond3A_204 {
          %dma_wait3A_210 = arith.constant 0 : i32
          %dma_wait3A_211 = arith.constant 0 : i32
          %dma_wait3A_212 = tpu.memref_slice %arg3[%dma_wait3A_210, %dma_wait3A_211] : memref<2560x125xi32, #tpu.memory_space<hbm>> -> memref<16x125xi32, #tpu.memory_space<hbm>>
          %dma_wait3A_213 = arith.constant 0 : i32
          %dma_wait3A_214 = arith.constant 0 : i32
          %dma_wait3A_215 = tpu.memref_slice %arg3[%dma_wait3A_213, %dma_wait3A_214] : memref<2560x125xi32, #tpu.memory_space<hbm>> -> memref<16x125xi32, #tpu.memory_space<hbm>>
          tpu.wait_dma2 semaphore(%arg17 : memref<!tpu.dma_semaphore, #tpu.memory_space<semaphore_mem>>) src(%dma_wait3A_215 : memref<16x125xi32, #tpu.memory_space<hbm>>) dst(%arg7 : memref<16x125xi32, #tpu.memory_space<vmem>>)
          %dma_wait3A_216 = arith.constant 0 : i32
          %dma_wait3A_217 = arith.constant 0 : i32
          %dma_wait3A_218 = tpu.memref_slice %arg4[%dma_wait3A_216, %dma_wait3A_217] : memref<2560x125xi32, #tpu.memory_space<hbm>> -> memref<16x125xi32, #tpu.memory_space<hbm>>
          %dma_wait3A_219 = arith.constant 0 : i32
          %dma_wait3A_220 = arith.constant 0 : i32
          %dma_wait3A_221 = tpu.memref_slice %arg4[%dma_wait3A_219, %dma_wait3A_220] : memref<2560x125xi32, #tpu.memory_space<hbm>> -> memref<16x125xi32, #tpu.memory_space<hbm>>
          tpu.wait_dma2 semaphore(%arg17 : memref<!tpu.dma_semaphore, #tpu.memory_space<semaphore_mem>>) src(%dma_wait3A_221 : memref<16x125xi32, #tpu.memory_space<hbm>>) dst(%arg8 : memref<16x125xi32, #tpu.memory_space<vmem>>)
        } else {
        }
        %lt3A_205 = arith.constant 79 : i32
        %lt3A_206 = arith.cmpi slt, %scan3A_54, %lt3A_205 : i32
        %convert_element_type3A_207 = arith.extui %lt3A_206 : i1 to i32
        %cond3A_208 = arith.constant 0 : i32
        %cond3A_209 = arith.cmpi ne, %convert_element_type3A_207, %cond3A_208 : i32
        scf.if %cond3A_209 {
          %add3A_210 = arith.constant 2 : i32
          %add3A_211 = arith.addi %mul3A_56, %add3A_210 : i32
          %jit3A_212 = arith.constant 16 : i32
          %div3A_213 = arith.divsi %add3A_211, %jit3A_212 : i32
          %sign3A_214 = arith.constant 0 : i32
          %sign3A_215 = arith.cmpi sgt, %add3A_211, %sign3A_214 : i32
          %sign3A_216 = arith.extui %sign3A_215 : i1 to i32
          %sign3A_217 = arith.constant 0 : i32
          %sign3A_218 = arith.cmpi slt, %add3A_211, %sign3A_217 : i32
          %sign3A_219 = arith.extui %sign3A_218 : i1 to i32
          %sign3A_220 = arith.subi %sign3A_216, %sign3A_219 : i32
          %sign3A_221 = arith.constant 0 : i32
          %sign3A_222 = arith.cmpi sgt, %jit3A_212, %sign3A_221 : i32
          %sign3A_223 = arith.extui %sign3A_222 : i1 to i32
          %sign3A_224 = arith.constant 0 : i32
          %sign3A_225 = arith.cmpi slt, %jit3A_212, %sign3A_224 : i32
          %sign3A_226 = arith.extui %sign3A_225 : i1 to i32
          %sign3A_227 = arith.subi %sign3A_223, %sign3A_226 : i32
          %ne3A_228 = arith.cmpi ne, %sign3A_220, %sign3A_227 : i32
          %rem3A_229 = arith.remsi %add3A_211, %jit3A_212 : i32
          %ne3A_230 = arith.constant 0 : i32
          %ne3A_231 = arith.cmpi ne, %rem3A_229, %ne3A_230 : i32
          %and3A_232 = arith.andi %ne3A_228, %ne3A_231 : i1
          %sub3A_233 = arith.constant 1 : i32
          %sub3A_234 = arith.subi %div3A_213, %sub3A_233 : i32
          %select_n3A_235 = arith.select %and3A_232, %sub3A_234, %div3A_213 : i32
          %jit3A_236 = arith.constant 2 : i32
          %eq3A_237 = arith.constant 0 : i32
          %eq3A_238 = arith.cmpi eq, %jit3A_236, %eq3A_237 : i32
          %jit3A_239 = arith.constant 1 : i32
          %select_n3A_240 = arith.select %eq3A_238, %jit3A_239, %jit3A_236 : i32
          %rem3A_241 = arith.remsi %select_n3A_235, %select_n3A_240 : i32
          %ne3A_242 = arith.constant 0 : i32
          %ne3A_243 = arith.cmpi ne, %rem3A_241, %ne3A_242 : i32
          %lt3A_244 = arith.constant 0 : i32
          %lt3A_245 = arith.cmpi slt, %rem3A_241, %lt3A_244 : i32
          %lt3A_246 = arith.constant 0 : i32
          %lt3A_247 = arith.cmpi slt, %select_n3A_240, %lt3A_246 : i32
          %ne3A_248 = arith.xori %lt3A_245, %lt3A_247 : i1
          %and3A_249 = arith.andi %ne3A_248, %ne3A_243 : i1
          %add3A_250 = arith.addi %rem3A_241, %select_n3A_240 : i32
          %select_n3A_251 = arith.select %and3A_249, %add3A_250, %rem3A_241 : i32
          %jit3A_252 = arith.constant 16 : i32
          %eq3A_253 = arith.constant 0 : i32
          %eq3A_254 = arith.cmpi eq, %jit3A_252, %eq3A_253 : i32
          %jit3A_255 = arith.constant 1 : i32
          %select_n3A_256 = arith.select %eq3A_254, %jit3A_255, %jit3A_252 : i32
          %rem3A_257 = arith.remsi %add3A_211, %select_n3A_256 : i32
          %ne3A_258 = arith.constant 0 : i32
          %ne3A_259 = arith.cmpi ne, %rem3A_257, %ne3A_258 : i32
          %lt3A_260 = arith.constant 0 : i32
          %lt3A_261 = arith.cmpi slt, %rem3A_257, %lt3A_260 : i32
          %lt3A_262 = arith.constant 0 : i32
          %lt3A_263 = arith.cmpi slt, %select_n3A_256, %lt3A_262 : i32
          %ne3A_264 = arith.xori %lt3A_261, %lt3A_263 : i1
          %and3A_265 = arith.andi %ne3A_264, %ne3A_259 : i1
          %add3A_266 = arith.addi %rem3A_257, %select_n3A_256 : i32
          %select_n3A_267 = arith.select %and3A_265, %add3A_266, %rem3A_257 : i32
          %eq3A_268 = arith.constant 0 : i32
          %eq3A_269 = arith.cmpi eq, %select_n3A_251, %eq3A_268 : i32
          %convert_element_type3A_270 = arith.extui %eq3A_269 : i1 to i32
          %cond3A_271 = arith.constant 0 : i32
          %cond3A_272 = arith.cmpi ne, %convert_element_type3A_270, %cond3A_271 : i32
          scf.if %cond3A_272 {
            %dma_start3A_278 = arith.constant 0 : i32
            %dma_start3A_279 = tpu.memref_slice %arg7[%select_n3A_267, %dma_start3A_278] : memref<16x125xi32, #tpu.memory_space<vmem>> -> memref<1x125xi32, #tpu.memory_space<vmem>>
            %dma_start3A_280 = tpu.memref_squeeze %dma_start3A_279 : memref<1x125xi32, #tpu.memory_space<vmem>> -> memref<125xi32, #tpu.memory_space<vmem>>
            %dma_start3A_281 = arith.constant 0 : i32
            %dma_start3A_282 = arith.constant 0 : i32
            %dma_start3A_283 = tpu.memref_slice %arg2[%scan3A_42, %dma_start3A_281, %dma_start3A_282] : memref<2x10240x128xf32, #tpu.memory_space<hbm>> -> memref<1x10240x128xf32, #tpu.memory_space<hbm>>
            %dma_start3A_284 = tpu.memref_squeeze %dma_start3A_283 : memref<1x10240x128xf32, #tpu.memory_space<hbm>> -> memref<10240x128xf32, #tpu.memory_space<hbm>>
            %dma_start3A_285 = arith.constant 0 : i32
            %dma_start3A_286 = arith.constant 0 : i32
            %dma_start3A_287 = tpu.memref_slice %dma_start3A_284[%dma_start3A_285, %dma_start3A_286] : memref<10240x128xf32, #tpu.memory_space<hbm>> -> memref<10240x128xf32, #tpu.memory_space<hbm>>
            tpu.enqueue_indirect_dma source(%dma_start3A_287 : memref<10240x128xf32, #tpu.memory_space<hbm>>) target(%arg11 : memref<125x128xf32, #tpu.memory_space<vmem>>) offsets(%dma_start3A_280 : memref<125xi32, #tpu.memory_space<vmem>>) semaphore(%arg13 : memref<!tpu.dma_semaphore, #tpu.memory_space<semaphore_mem>>)
          } else {
          }
          %eq3A_273 = arith.constant 1 : i32
          %eq3A_274 = arith.cmpi eq, %select_n3A_251, %eq3A_273 : i32
          %convert_element_type3A_275 = arith.extui %eq3A_274 : i1 to i32
          %cond3A_276 = arith.constant 0 : i32
          %cond3A_277 = arith.cmpi ne, %convert_element_type3A_275, %cond3A_276 : i32
          scf.if %cond3A_277 {
            %dma_start3A_278 = arith.constant 0 : i32
            %dma_start3A_279 = tpu.memref_slice %arg9[%select_n3A_267, %dma_start3A_278] : memref<16x125xi32, #tpu.memory_space<vmem>> -> memref<1x125xi32, #tpu.memory_space<vmem>>
            %dma_start3A_280 = tpu.memref_squeeze %dma_start3A_279 : memref<1x125xi32, #tpu.memory_space<vmem>> -> memref<125xi32, #tpu.memory_space<vmem>>
            %dma_start3A_281 = arith.constant 0 : i32
            %dma_start3A_282 = arith.constant 0 : i32
            %dma_start3A_283 = tpu.memref_slice %arg2[%scan3A_42, %dma_start3A_281, %dma_start3A_282] : memref<2x10240x128xf32, #tpu.memory_space<hbm>> -> memref<1x10240x128xf32, #tpu.memory_space<hbm>>
            %dma_start3A_284 = tpu.memref_squeeze %dma_start3A_283 : memref<1x10240x128xf32, #tpu.memory_space<hbm>> -> memref<10240x128xf32, #tpu.memory_space<hbm>>
            %dma_start3A_285 = arith.constant 0 : i32
            %dma_start3A_286 = arith.constant 0 : i32
            %dma_start3A_287 = tpu.memref_slice %dma_start3A_284[%dma_start3A_285, %dma_start3A_286] : memref<10240x128xf32, #tpu.memory_space<hbm>> -> memref<10240x128xf32, #tpu.memory_space<hbm>>
            tpu.enqueue_indirect_dma source(%dma_start3A_287 : memref<10240x128xf32, #tpu.memory_space<hbm>>) target(%arg11 : memref<125x128xf32, #tpu.memory_space<vmem>>) offsets(%dma_start3A_280 : memref<125xi32, #tpu.memory_space<vmem>>) semaphore(%arg13 : memref<!tpu.dma_semaphore, #tpu.memory_space<semaphore_mem>>)
          } else {
          }
        } else {
        }
      }
      %scan3A_47 = arith.constant 80 : i32
      %dma_wait3A = arith.constant 0 : i32
      %dma_wait3A_48 = arith.constant 0 : i32
      %dma_wait3A_49 = tpu.memref_slice %arg8[%dma_wait3A, %dma_wait3A_48] : memref<16x125xi32, #tpu.memory_space<vmem>> -> memref<1x125xi32, #tpu.memory_space<vmem>>
      %dma_wait3A_50 = tpu.memref_squeeze %dma_wait3A_49 : memref<1x125xi32, #tpu.memory_space<vmem>> -> memref<125xi32, #tpu.memory_space<vmem>>
      %dma_wait3A_51 = arith.constant 0 : i32
      %dma_wait3A_52 = arith.constant 0 : i32
      %dma_wait3A_53 = tpu.memref_slice %arg6[%dma_wait3A_51, %dma_wait3A_52] : memref<10240x128xf32, #tpu.memory_space<vmem_shared>> -> memref<10240x128xf32, #tpu.memory_space<vmem_shared>>
      tpu.wait_indirect_dma semaphore(%arg16 : memref<!tpu.dma_semaphore, #tpu.memory_space<semaphore_mem>>) src(%arg12 : memref<125x128xf32, #tpu.memory_space<vmem>>) dst(%dma_wait3A_53 : memref<10240x128xf32, #tpu.memory_space<vmem_shared>>)
    } else {
    }
    %eq3A_15 = arith.constant 1 : i32
    %eq3A_16 = arith.cmpi eq, %arg0, %eq3A_15 : i32
    %convert_element_type3A_17 = arith.extui %eq3A_16 : i1 to i32
    %cond3A_18 = arith.constant 0 : i32
    %cond3A_19 = arith.cmpi ne, %convert_element_type3A_17, %cond3A_18 : i32
    scf.if %cond3A_19 {
      "tpu.region"() ({
        %run_scoped3A = tpu.sem_alloc : memref<!tpu.dma_semaphore, #tpu.memory_space<semaphore_mem>>
        %dma_start3A_54 = arith.constant 0 : i32
        %dma_start3A_55 = tpu.memref_slice %arg3[%mul3A_2, %dma_start3A_54] : memref<2560x125xi32, #tpu.memory_space<hbm>> -> memref<16x125xi32, #tpu.memory_space<hbm>>
        %dma_start3A_56 = arith.constant 0 : i32
        %dma_start3A_57 = tpu.memref_slice %arg3[%mul3A_2, %dma_start3A_56] : memref<2560x125xi32, #tpu.memory_space<hbm>> -> memref<16x125xi32, #tpu.memory_space<hbm>>
        tpu.enqueue_dma source(%dma_start3A_57 : memref<16x125xi32, #tpu.memory_space<hbm>>) target(%arg7 : memref<16x125xi32, #tpu.memory_space<vmem>>) target_semaphore(%run_scoped3A : memref<!tpu.dma_semaphore, #tpu.memory_space<semaphore_mem>>)
        %dma_wait3A_58 = arith.constant 0 : i32
        %dma_wait3A_59 = tpu.memref_slice %arg3[%mul3A_2, %dma_wait3A_58] : memref<2560x125xi32, #tpu.memory_space<hbm>> -> memref<16x125xi32, #tpu.memory_space<hbm>>
        %dma_wait3A_60 = arith.constant 0 : i32
        %dma_wait3A_61 = tpu.memref_slice %arg3[%mul3A_2, %dma_wait3A_60] : memref<2560x125xi32, #tpu.memory_space<hbm>> -> memref<16x125xi32, #tpu.memory_space<hbm>>
        tpu.wait_dma2 semaphore(%run_scoped3A : memref<!tpu.dma_semaphore, #tpu.memory_space<semaphore_mem>>) src(%dma_wait3A_61 : memref<16x125xi32, #tpu.memory_space<hbm>>) dst(%arg7 : memref<16x125xi32, #tpu.memory_space<vmem>>)
        tpu.yield
      }) : () -> ()
      "tpu.region"() ({
        %run_scoped3A = tpu.sem_alloc : memref<!tpu.dma_semaphore, #tpu.memory_space<semaphore_mem>>
        %dma_start3A_54 = arith.constant 0 : i32
        %dma_start3A_55 = tpu.memref_slice %arg4[%mul3A_2, %dma_start3A_54] : memref<2560x125xi32, #tpu.memory_space<hbm>> -> memref<16x125xi32, #tpu.memory_space<hbm>>
        %dma_start3A_56 = arith.constant 0 : i32
        %dma_start3A_57 = tpu.memref_slice %arg4[%mul3A_2, %dma_start3A_56] : memref<2560x125xi32, #tpu.memory_space<hbm>> -> memref<16x125xi32, #tpu.memory_space<hbm>>
        tpu.enqueue_dma source(%dma_start3A_57 : memref<16x125xi32, #tpu.memory_space<hbm>>) target(%arg8 : memref<16x125xi32, #tpu.memory_space<vmem>>) target_semaphore(%run_scoped3A : memref<!tpu.dma_semaphore, #tpu.memory_space<semaphore_mem>>)
        %dma_wait3A_58 = arith.constant 0 : i32
        %dma_wait3A_59 = tpu.memref_slice %arg4[%mul3A_2, %dma_wait3A_58] : memref<2560x125xi32, #tpu.memory_space<hbm>> -> memref<16x125xi32, #tpu.memory_space<hbm>>
        %dma_wait3A_60 = arith.constant 0 : i32
        %dma_wait3A_61 = tpu.memref_slice %arg4[%mul3A_2, %dma_wait3A_60] : memref<2560x125xi32, #tpu.memory_space<hbm>> -> memref<16x125xi32, #tpu.memory_space<hbm>>
        tpu.wait_dma2 semaphore(%run_scoped3A : memref<!tpu.dma_semaphore, #tpu.memory_space<semaphore_mem>>) src(%dma_wait3A_61 : memref<16x125xi32, #tpu.memory_space<hbm>>) dst(%arg8 : memref<16x125xi32, #tpu.memory_space<vmem>>)
        tpu.yield
      }) : () -> ()
      %dma_start3A = arith.constant 1 : i32
      %dma_start3A_31 = arith.constant 0 : i32
      %dma_start3A_32 = arith.constant 0 : i32
      %dma_start3A_33 = tpu.memref_slice %arg7[%dma_start3A_31, %dma_start3A_32] : memref<16x125xi32, #tpu.memory_space<vmem>> -> memref<1x125xi32, #tpu.memory_space<vmem>>
      %dma_start3A_34 = tpu.memref_squeeze %dma_start3A_33 : memref<1x125xi32, #tpu.memory_space<vmem>> -> memref<125xi32, #tpu.memory_space<vmem>>
      %dma_start3A_35 = arith.constant 0 : i32
      %dma_start3A_36 = arith.constant 0 : i32
      %dma_start3A_37 = tpu.memref_slice %arg2[%dma_start3A, %dma_start3A_35, %dma_start3A_36] : memref<2x10240x128xf32, #tpu.memory_space<hbm>> -> memref<1x10240x128xf32, #tpu.memory_space<hbm>>
      %dma_start3A_38 = tpu.memref_squeeze %dma_start3A_37 : memref<1x10240x128xf32, #tpu.memory_space<hbm>> -> memref<10240x128xf32, #tpu.memory_space<hbm>>
      %dma_start3A_39 = arith.constant 0 : i32
      %dma_start3A_40 = arith.constant 0 : i32
      %dma_start3A_41 = tpu.memref_slice %dma_start3A_38[%dma_start3A_39, %dma_start3A_40] : memref<10240x128xf32, #tpu.memory_space<hbm>> -> memref<10240x128xf32, #tpu.memory_space<hbm>>
      tpu.enqueue_indirect_dma source(%dma_start3A_41 : memref<10240x128xf32, #tpu.memory_space<hbm>>) target(%arg11 : memref<125x128xf32, #tpu.memory_space<vmem>>) offsets(%dma_start3A_34 : memref<125xi32, #tpu.memory_space<vmem>>) semaphore(%arg13 : memref<!tpu.dma_semaphore, #tpu.memory_space<semaphore_mem>>)
      %scan3A = arith.constant 0 : i32
      %scan3A_42 = arith.constant 1 : i32
      %scan3A_43 = arith.constant 0 : i32
      %scan3A_44 = arith.constant 80 : i32
      %scan3A_45 = arith.addi %scan3A_43, %scan3A_44 : i32
      %scan3A_46 = arith.constant 1 : i32
      scf.for %scan3A_54 = %scan3A_43 to %scan3A_45 step %scan3A_46  : i32 {
        %mul3A_55 = arith.constant 2 : i32
        %mul3A_56 = arith.muli %mul3A_55, %scan3A_54 : i32
        %jit3A = arith.constant 16 : i32
        %div3A = arith.divsi %mul3A_56, %jit3A : i32
        %sign3A = arith.constant 0 : i32
        %sign3A_57 = arith.cmpi sgt, %mul3A_56, %sign3A : i32
        %sign3A_58 = arith.extui %sign3A_57 : i1 to i32
        %sign3A_59 = arith.constant 0 : i32
        %sign3A_60 = arith.cmpi slt, %mul3A_56, %sign3A_59 : i32
        %sign3A_61 = arith.extui %sign3A_60 : i1 to i32
        %sign3A_62 = arith.subi %sign3A_58, %sign3A_61 : i32
        %sign3A_63 = arith.constant 0 : i32
        %sign3A_64 = arith.cmpi sgt, %jit3A, %sign3A_63 : i32
        %sign3A_65 = arith.extui %sign3A_64 : i1 to i32
        %sign3A_66 = arith.constant 0 : i32
        %sign3A_67 = arith.cmpi slt, %jit3A, %sign3A_66 : i32
        %sign3A_68 = arith.extui %sign3A_67 : i1 to i32
        %sign3A_69 = arith.subi %sign3A_65, %sign3A_68 : i32
        %ne3A = arith.cmpi ne, %sign3A_62, %sign3A_69 : i32
        %rem3A = arith.remsi %mul3A_56, %jit3A : i32
        %ne3A_70 = arith.constant 0 : i32
        %ne3A_71 = arith.cmpi ne, %rem3A, %ne3A_70 : i32
        %and3A = arith.andi %ne3A, %ne3A_71 : i1
        %sub3A = arith.constant 1 : i32
        %sub3A_72 = arith.subi %div3A, %sub3A : i32
        %select_n3A = arith.select %and3A, %sub3A_72, %div3A : i32
        %jit3A_73 = arith.constant 2 : i32
        %eq3A_74 = arith.constant 0 : i32
        %eq3A_75 = arith.cmpi eq, %jit3A_73, %eq3A_74 : i32
        %jit3A_76 = arith.constant 1 : i32
        %select_n3A_77 = arith.select %eq3A_75, %jit3A_76, %jit3A_73 : i32
        %rem3A_78 = arith.remsi %select_n3A, %select_n3A_77 : i32
        %ne3A_79 = arith.constant 0 : i32
        %ne3A_80 = arith.cmpi ne, %rem3A_78, %ne3A_79 : i32
        %lt3A = arith.constant 0 : i32
        %lt3A_81 = arith.cmpi slt, %rem3A_78, %lt3A : i32
        %lt3A_82 = arith.constant 0 : i32
        %lt3A_83 = arith.cmpi slt, %select_n3A_77, %lt3A_82 : i32
        %ne3A_84 = arith.xori %lt3A_81, %lt3A_83 : i1
        %and3A_85 = arith.andi %ne3A_84, %ne3A_80 : i1
        %add3A = arith.addi %rem3A_78, %select_n3A_77 : i32
        %select_n3A_86 = arith.select %and3A_85, %add3A, %rem3A_78 : i32
        %mul3A_87 = arith.constant 16 : i32
        %mul3A_88 = arith.muli %select_n3A, %mul3A_87 : i32
        %sub3A_89 = arith.subi %mul3A_56, %mul3A_88 : i32
        %dma_wait3A_90 = arith.constant 0 : i32
        %dma_wait3A_91 = arith.constant 0 : i32
        %dma_wait3A_92 = tpu.memref_slice %arg7[%dma_wait3A_90, %dma_wait3A_91] : memref<16x125xi32, #tpu.memory_space<vmem>> -> memref<1x125xi32, #tpu.memory_space<vmem>>
        %dma_wait3A_93 = tpu.memref_squeeze %dma_wait3A_92 : memref<1x125xi32, #tpu.memory_space<vmem>> -> memref<125xi32, #tpu.memory_space<vmem>>
        %dma_wait3A_94 = arith.constant 0 : i32
        %dma_wait3A_95 = arith.constant 0 : i32
        %dma_wait3A_96 = tpu.memref_slice %arg2[%scan3A_42, %dma_wait3A_94, %dma_wait3A_95] : memref<2x10240x128xf32, #tpu.memory_space<hbm>> -> memref<1x10240x128xf32, #tpu.memory_space<hbm>>
        %dma_wait3A_97 = tpu.memref_squeeze %dma_wait3A_96 : memref<1x10240x128xf32, #tpu.memory_space<hbm>> -> memref<10240x128xf32, #tpu.memory_space<hbm>>
        %dma_wait3A_98 = arith.constant 0 : i32
        %dma_wait3A_99 = arith.constant 0 : i32
        %dma_wait3A_100 = tpu.memref_slice %dma_wait3A_97[%dma_wait3A_98, %dma_wait3A_99] : memref<10240x128xf32, #tpu.memory_space<hbm>> -> memref<10240x128xf32, #tpu.memory_space<hbm>>
        tpu.wait_indirect_dma semaphore(%arg13 : memref<!tpu.dma_semaphore, #tpu.memory_space<semaphore_mem>>) src(%dma_wait3A_100 : memref<10240x128xf32, #tpu.memory_space<hbm>>) dst(%arg11 : memref<125x128xf32, #tpu.memory_space<vmem>>)
        %gt3A = arith.constant 0 : i32
        %gt3A_101 = arith.cmpi sgt, %scan3A_54, %gt3A : i32
        %convert_element_type3A_102 = arith.extui %gt3A_101 : i1 to i32
        %cond3A_103 = arith.constant 0 : i32
        %cond3A_104 = arith.cmpi ne, %convert_element_type3A_102, %cond3A_103 : i32
        scf.if %cond3A_104 {
          %dma_wait3A_210 = arith.constant 0 : i32
          %dma_wait3A_211 = arith.constant 0 : i32
          %dma_wait3A_212 = tpu.memref_slice %arg8[%dma_wait3A_210, %dma_wait3A_211] : memref<16x125xi32, #tpu.memory_space<vmem>> -> memref<1x125xi32, #tpu.memory_space<vmem>>
          %dma_wait3A_213 = tpu.memref_squeeze %dma_wait3A_212 : memref<1x125xi32, #tpu.memory_space<vmem>> -> memref<125xi32, #tpu.memory_space<vmem>>
          %dma_wait3A_214 = arith.constant 0 : i32
          %dma_wait3A_215 = arith.constant 0 : i32
          %dma_wait3A_216 = tpu.memref_slice %arg6[%dma_wait3A_214, %dma_wait3A_215] : memref<10240x128xf32, #tpu.memory_space<vmem_shared>> -> memref<10240x128xf32, #tpu.memory_space<vmem_shared>>
          tpu.wait_indirect_dma semaphore(%arg16 : memref<!tpu.dma_semaphore, #tpu.memory_space<semaphore_mem>>) src(%arg12 : memref<125x128xf32, #tpu.memory_space<vmem>>) dst(%dma_wait3A_216 : memref<10240x128xf32, #tpu.memory_space<vmem_shared>>)
        } else {
        }
        %eq3A_105 = arith.constant 0 : i32
        %eq3A_106 = arith.cmpi eq, %select_n3A_86, %eq3A_105 : i32
        %convert_element_type3A_107 = arith.extui %eq3A_106 : i1 to i32
        %cond3A_108 = arith.constant 0 : i32
        %cond3A_109 = arith.cmpi ne, %convert_element_type3A_107, %cond3A_108 : i32
        scf.if %cond3A_109 {
          %dma_start3A_210 = arith.constant 0 : i32
          %dma_start3A_211 = tpu.memref_slice %arg8[%sub3A_89, %dma_start3A_210] : memref<16x125xi32, #tpu.memory_space<vmem>> -> memref<1x125xi32, #tpu.memory_space<vmem>>
          %dma_start3A_212 = tpu.memref_squeeze %dma_start3A_211 : memref<1x125xi32, #tpu.memory_space<vmem>> -> memref<125xi32, #tpu.memory_space<vmem>>
          %dma_start3A_213 = arith.constant 0 : i32
          %dma_start3A_214 = arith.constant 0 : i32
          %dma_start3A_215 = tpu.memref_slice %arg6[%dma_start3A_213, %dma_start3A_214] : memref<10240x128xf32, #tpu.memory_space<vmem_shared>> -> memref<10240x128xf32, #tpu.memory_space<vmem_shared>>
          tpu.enqueue_indirect_dma source(%arg11 : memref<125x128xf32, #tpu.memory_space<vmem>>) target(%dma_start3A_215 : memref<10240x128xf32, #tpu.memory_space<vmem_shared>>) offsets(%dma_start3A_212 : memref<125xi32, #tpu.memory_space<vmem>>) semaphore(%arg15 : memref<!tpu.dma_semaphore, #tpu.memory_space<semaphore_mem>>) {add = true}
        } else {
        }
        %eq3A_110 = arith.constant 1 : i32
        %eq3A_111 = arith.cmpi eq, %select_n3A_86, %eq3A_110 : i32
        %convert_element_type3A_112 = arith.extui %eq3A_111 : i1 to i32
        %cond3A_113 = arith.constant 0 : i32
        %cond3A_114 = arith.cmpi ne, %convert_element_type3A_112, %cond3A_113 : i32
        scf.if %cond3A_114 {
          %dma_start3A_210 = arith.constant 0 : i32
          %dma_start3A_211 = tpu.memref_slice %arg10[%sub3A_89, %dma_start3A_210] : memref<16x125xi32, #tpu.memory_space<vmem>> -> memref<1x125xi32, #tpu.memory_space<vmem>>
          %dma_start3A_212 = tpu.memref_squeeze %dma_start3A_211 : memref<1x125xi32, #tpu.memory_space<vmem>> -> memref<125xi32, #tpu.memory_space<vmem>>
          %dma_start3A_213 = arith.constant 0 : i32
          %dma_start3A_214 = arith.constant 0 : i32
          %dma_start3A_215 = tpu.memref_slice %arg6[%dma_start3A_213, %dma_start3A_214] : memref<10240x128xf32, #tpu.memory_space<vmem_shared>> -> memref<10240x128xf32, #tpu.memory_space<vmem_shared>>
          tpu.enqueue_indirect_dma source(%arg11 : memref<125x128xf32, #tpu.memory_space<vmem>>) target(%dma_start3A_215 : memref<10240x128xf32, #tpu.memory_space<vmem_shared>>) offsets(%dma_start3A_212 : memref<125xi32, #tpu.memory_space<vmem>>) semaphore(%arg15 : memref<!tpu.dma_semaphore, #tpu.memory_space<semaphore_mem>>) {add = true}
        } else {
        }
        %add3A_115 = arith.constant 1 : i32
        %add3A_116 = arith.addi %sub3A_89, %add3A_115 : i32
        %eq3A_117 = arith.constant 0 : i32
        %eq3A_118 = arith.cmpi eq, %select_n3A_86, %eq3A_117 : i32
        %convert_element_type3A_119 = arith.extui %eq3A_118 : i1 to i32
        %cond3A_120 = arith.constant 0 : i32
        %cond3A_121 = arith.cmpi ne, %convert_element_type3A_119, %cond3A_120 : i32
        scf.if %cond3A_121 {
          %dma_start3A_210 = arith.constant 0 : i32
          %dma_start3A_211 = tpu.memref_slice %arg7[%add3A_116, %dma_start3A_210] : memref<16x125xi32, #tpu.memory_space<vmem>> -> memref<1x125xi32, #tpu.memory_space<vmem>>
          %dma_start3A_212 = tpu.memref_squeeze %dma_start3A_211 : memref<1x125xi32, #tpu.memory_space<vmem>> -> memref<125xi32, #tpu.memory_space<vmem>>
          %dma_start3A_213 = arith.constant 0 : i32
          %dma_start3A_214 = arith.constant 0 : i32
          %dma_start3A_215 = tpu.memref_slice %arg2[%scan3A_42, %dma_start3A_213, %dma_start3A_214] : memref<2x10240x128xf32, #tpu.memory_space<hbm>> -> memref<1x10240x128xf32, #tpu.memory_space<hbm>>
          %dma_start3A_216 = tpu.memref_squeeze %dma_start3A_215 : memref<1x10240x128xf32, #tpu.memory_space<hbm>> -> memref<10240x128xf32, #tpu.memory_space<hbm>>
          %dma_start3A_217 = arith.constant 0 : i32
          %dma_start3A_218 = arith.constant 0 : i32
          %dma_start3A_219 = tpu.memref_slice %dma_start3A_216[%dma_start3A_217, %dma_start3A_218] : memref<10240x128xf32, #tpu.memory_space<hbm>> -> memref<10240x128xf32, #tpu.memory_space<hbm>>
          tpu.enqueue_indirect_dma source(%dma_start3A_219 : memref<10240x128xf32, #tpu.memory_space<hbm>>) target(%arg12 : memref<125x128xf32, #tpu.memory_space<vmem>>) offsets(%dma_start3A_212 : memref<125xi32, #tpu.memory_space<vmem>>) semaphore(%arg14 : memref<!tpu.dma_semaphore, #tpu.memory_space<semaphore_mem>>)
        } else {
        }
        %eq3A_122 = arith.constant 1 : i32
        %eq3A_123 = arith.cmpi eq, %select_n3A_86, %eq3A_122 : i32
        %convert_element_type3A_124 = arith.extui %eq3A_123 : i1 to i32
        %cond3A_125 = arith.constant 0 : i32
        %cond3A_126 = arith.cmpi ne, %convert_element_type3A_124, %cond3A_125 : i32
        scf.if %cond3A_126 {
          %dma_start3A_210 = arith.constant 0 : i32
          %dma_start3A_211 = tpu.memref_slice %arg9[%add3A_116, %dma_start3A_210] : memref<16x125xi32, #tpu.memory_space<vmem>> -> memref<1x125xi32, #tpu.memory_space<vmem>>
          %dma_start3A_212 = tpu.memref_squeeze %dma_start3A_211 : memref<1x125xi32, #tpu.memory_space<vmem>> -> memref<125xi32, #tpu.memory_space<vmem>>
          %dma_start3A_213 = arith.constant 0 : i32
          %dma_start3A_214 = arith.constant 0 : i32
          %dma_start3A_215 = tpu.memref_slice %arg2[%scan3A_42, %dma_start3A_213, %dma_start3A_214] : memref<2x10240x128xf32, #tpu.memory_space<hbm>> -> memref<1x10240x128xf32, #tpu.memory_space<hbm>>
          %dma_start3A_216 = tpu.memref_squeeze %dma_start3A_215 : memref<1x10240x128xf32, #tpu.memory_space<hbm>> -> memref<10240x128xf32, #tpu.memory_space<hbm>>
          %dma_start3A_217 = arith.constant 0 : i32
          %dma_start3A_218 = arith.constant 0 : i32
          %dma_start3A_219 = tpu.memref_slice %dma_start3A_216[%dma_start3A_217, %dma_start3A_218] : memref<10240x128xf32, #tpu.memory_space<hbm>> -> memref<10240x128xf32, #tpu.memory_space<hbm>>
          tpu.enqueue_indirect_dma source(%dma_start3A_219 : memref<10240x128xf32, #tpu.memory_space<hbm>>) target(%arg12 : memref<125x128xf32, #tpu.memory_space<vmem>>) offsets(%dma_start3A_212 : memref<125xi32, #tpu.memory_space<vmem>>) semaphore(%arg14 : memref<!tpu.dma_semaphore, #tpu.memory_space<semaphore_mem>>)
        } else {
        }
        %jit3A_127 = arith.constant 8 : i32
        %eq3A_128 = arith.constant 0 : i32
        %eq3A_129 = arith.cmpi eq, %jit3A_127, %eq3A_128 : i32
        %jit3A_130 = arith.constant 1 : i32
        %select_n3A_131 = arith.select %eq3A_129, %jit3A_130, %jit3A_127 : i32
        %rem3A_132 = arith.remsi %scan3A_54, %select_n3A_131 : i32
        %ne3A_133 = arith.constant 0 : i32
        %ne3A_134 = arith.cmpi ne, %rem3A_132, %ne3A_133 : i32
        %lt3A_135 = arith.constant 0 : i32
        %lt3A_136 = arith.cmpi slt, %rem3A_132, %lt3A_135 : i32
        %lt3A_137 = arith.constant 0 : i32
        %lt3A_138 = arith.cmpi slt, %select_n3A_131, %lt3A_137 : i32
        %ne3A_139 = arith.xori %lt3A_136, %lt3A_138 : i1
        %and3A_140 = arith.andi %ne3A_139, %ne3A_134 : i1
        %add3A_141 = arith.addi %rem3A_132, %select_n3A_131 : i32
        %select_n3A_142 = arith.select %and3A_140, %add3A_141, %rem3A_132 : i32
        %eq3A_143 = arith.constant 1 : i32
        %eq3A_144 = arith.cmpi eq, %select_n3A_142, %eq3A_143 : i32
        %lt3A_145 = arith.constant 9 : i32
        %lt3A_146 = arith.cmpi slt, %select_n3A, %lt3A_145 : i32
        %and3A_147 = arith.andi %eq3A_144, %lt3A_146 : i1
        %convert_element_type3A_148 = arith.extui %and3A_147 : i1 to i32
        %cond3A_149 = arith.constant 0 : i32
        %cond3A_150 = arith.cmpi ne, %convert_element_type3A_148, %cond3A_149 : i32
        scf.if %cond3A_150 {
          %add3A_210 = arith.constant 1 : i32
          %add3A_211 = arith.addi %select_n3A, %add3A_210 : i32
          %mul3A_212 = arith.constant 16 : i32
          %mul3A_213 = arith.muli %add3A_211, %mul3A_212 : i32
          %add3A_214 = arith.addi %mul3A_2, %mul3A_213 : i32
          %jit3A_215 = arith.constant 2 : i32
          %eq3A_216 = arith.constant 0 : i32
          %eq3A_217 = arith.cmpi eq, %jit3A_215, %eq3A_216 : i32
          %jit3A_218 = arith.constant 1 : i32
          %select_n3A_219 = arith.select %eq3A_217, %jit3A_218, %jit3A_215 : i32
          %rem3A_220 = arith.remsi %add3A_211, %select_n3A_219 : i32
          %ne3A_221 = arith.constant 0 : i32
          %ne3A_222 = arith.cmpi ne, %rem3A_220, %ne3A_221 : i32
          %lt3A_223 = arith.constant 0 : i32
          %lt3A_224 = arith.cmpi slt, %rem3A_220, %lt3A_223 : i32
          %lt3A_225 = arith.constant 0 : i32
          %lt3A_226 = arith.cmpi slt, %select_n3A_219, %lt3A_225 : i32
          %ne3A_227 = arith.xori %lt3A_224, %lt3A_226 : i1
          %and3A_228 = arith.andi %ne3A_227, %ne3A_222 : i1
          %add3A_229 = arith.addi %rem3A_220, %select_n3A_219 : i32
          %select_n3A_230 = arith.select %and3A_228, %add3A_229, %rem3A_220 : i32
          %eq3A_231 = arith.constant 0 : i32
          %eq3A_232 = arith.cmpi eq, %select_n3A_230, %eq3A_231 : i32
          %convert_element_type3A_233 = arith.extui %eq3A_232 : i1 to i32
          %cond3A_234 = arith.constant 0 : i32
          %cond3A_235 = arith.cmpi ne, %convert_element_type3A_233, %cond3A_234 : i32
          scf.if %cond3A_235 {
            %dma_start3A_257 = arith.constant 0 : i32
            %dma_start3A_258 = tpu.memref_slice %arg3[%add3A_214, %dma_start3A_257] : memref<2560x125xi32, #tpu.memory_space<hbm>> -> memref<16x125xi32, #tpu.memory_space<hbm>>
            %dma_start3A_259 = arith.constant 0 : i32
            %dma_start3A_260 = tpu.memref_slice %arg3[%add3A_214, %dma_start3A_259] : memref<2560x125xi32, #tpu.memory_space<hbm>> -> memref<16x125xi32, #tpu.memory_space<hbm>>
            tpu.enqueue_dma source(%dma_start3A_260 : memref<16x125xi32, #tpu.memory_space<hbm>>) target(%arg7 : memref<16x125xi32, #tpu.memory_space<vmem>>) target_semaphore(%arg17 : memref<!tpu.dma_semaphore, #tpu.memory_space<semaphore_mem>>)
            %dma_start3A_261 = arith.constant 0 : i32
            %dma_start3A_262 = tpu.memref_slice %arg4[%add3A_214, %dma_start3A_261] : memref<2560x125xi32, #tpu.memory_space<hbm>> -> memref<16x125xi32, #tpu.memory_space<hbm>>
            %dma_start3A_263 = arith.constant 0 : i32
            %dma_start3A_264 = tpu.memref_slice %arg4[%add3A_214, %dma_start3A_263] : memref<2560x125xi32, #tpu.memory_space<hbm>> -> memref<16x125xi32, #tpu.memory_space<hbm>>
            tpu.enqueue_dma source(%dma_start3A_264 : memref<16x125xi32, #tpu.memory_space<hbm>>) target(%arg8 : memref<16x125xi32, #tpu.memory_space<vmem>>) target_semaphore(%arg17 : memref<!tpu.dma_semaphore, #tpu.memory_space<semaphore_mem>>)
          } else {
          }
          %jit3A_236 = arith.constant 2 : i32
          %eq3A_237 = arith.constant 0 : i32
          %eq3A_238 = arith.cmpi eq, %jit3A_236, %eq3A_237 : i32
          %jit3A_239 = arith.constant 1 : i32
          %select_n3A_240 = arith.select %eq3A_238, %jit3A_239, %jit3A_236 : i32
          %rem3A_241 = arith.remsi %add3A_211, %select_n3A_240 : i32
          %ne3A_242 = arith.constant 0 : i32
          %ne3A_243 = arith.cmpi ne, %rem3A_241, %ne3A_242 : i32
          %lt3A_244 = arith.constant 0 : i32
          %lt3A_245 = arith.cmpi slt, %rem3A_241, %lt3A_244 : i32
          %lt3A_246 = arith.constant 0 : i32
          %lt3A_247 = arith.cmpi slt, %select_n3A_240, %lt3A_246 : i32
          %ne3A_248 = arith.xori %lt3A_245, %lt3A_247 : i1
          %and3A_249 = arith.andi %ne3A_248, %ne3A_243 : i1
          %add3A_250 = arith.addi %rem3A_241, %select_n3A_240 : i32
          %select_n3A_251 = arith.select %and3A_249, %add3A_250, %rem3A_241 : i32
          %eq3A_252 = arith.constant 1 : i32
          %eq3A_253 = arith.cmpi eq, %select_n3A_251, %eq3A_252 : i32
          %convert_element_type3A_254 = arith.extui %eq3A_253 : i1 to i32
          %cond3A_255 = arith.constant 0 : i32
          %cond3A_256 = arith.cmpi ne, %convert_element_type3A_254, %cond3A_255 : i32
          scf.if %cond3A_256 {
            %dma_start3A_257 = arith.constant 0 : i32
            %dma_start3A_258 = tpu.memref_slice %arg3[%add3A_214, %dma_start3A_257] : memref<2560x125xi32, #tpu.memory_space<hbm>> -> memref<16x125xi32, #tpu.memory_space<hbm>>
            %dma_start3A_259 = arith.constant 0 : i32
            %dma_start3A_260 = tpu.memref_slice %arg3[%add3A_214, %dma_start3A_259] : memref<2560x125xi32, #tpu.memory_space<hbm>> -> memref<16x125xi32, #tpu.memory_space<hbm>>
            tpu.enqueue_dma source(%dma_start3A_260 : memref<16x125xi32, #tpu.memory_space<hbm>>) target(%arg9 : memref<16x125xi32, #tpu.memory_space<vmem>>) target_semaphore(%arg17 : memref<!tpu.dma_semaphore, #tpu.memory_space<semaphore_mem>>)
            %dma_start3A_261 = arith.constant 0 : i32
            %dma_start3A_262 = tpu.memref_slice %arg4[%add3A_214, %dma_start3A_261] : memref<2560x125xi32, #tpu.memory_space<hbm>> -> memref<16x125xi32, #tpu.memory_space<hbm>>
            %dma_start3A_263 = arith.constant 0 : i32
            %dma_start3A_264 = tpu.memref_slice %arg4[%add3A_214, %dma_start3A_263] : memref<2560x125xi32, #tpu.memory_space<hbm>> -> memref<16x125xi32, #tpu.memory_space<hbm>>
            tpu.enqueue_dma source(%dma_start3A_264 : memref<16x125xi32, #tpu.memory_space<hbm>>) target(%arg10 : memref<16x125xi32, #tpu.memory_space<vmem>>) target_semaphore(%arg17 : memref<!tpu.dma_semaphore, #tpu.memory_space<semaphore_mem>>)
          } else {
          }
        } else {
        }
        %dma_wait3A_151 = arith.constant 0 : i32
        %dma_wait3A_152 = arith.constant 0 : i32
        %dma_wait3A_153 = tpu.memref_slice %arg7[%dma_wait3A_151, %dma_wait3A_152] : memref<16x125xi32, #tpu.memory_space<vmem>> -> memref<1x125xi32, #tpu.memory_space<vmem>>
        %dma_wait3A_154 = tpu.memref_squeeze %dma_wait3A_153 : memref<1x125xi32, #tpu.memory_space<vmem>> -> memref<125xi32, #tpu.memory_space<vmem>>
        %dma_wait3A_155 = arith.constant 0 : i32
        %dma_wait3A_156 = arith.constant 0 : i32
        %dma_wait3A_157 = tpu.memref_slice %arg2[%scan3A_42, %dma_wait3A_155, %dma_wait3A_156] : memref<2x10240x128xf32, #tpu.memory_space<hbm>> -> memref<1x10240x128xf32, #tpu.memory_space<hbm>>
        %dma_wait3A_158 = tpu.memref_squeeze %dma_wait3A_157 : memref<1x10240x128xf32, #tpu.memory_space<hbm>> -> memref<10240x128xf32, #tpu.memory_space<hbm>>
        %dma_wait3A_159 = arith.constant 0 : i32
        %dma_wait3A_160 = arith.constant 0 : i32
        %dma_wait3A_161 = tpu.memref_slice %dma_wait3A_158[%dma_wait3A_159, %dma_wait3A_160] : memref<10240x128xf32, #tpu.memory_space<hbm>> -> memref<10240x128xf32, #tpu.memory_space<hbm>>
        tpu.wait_indirect_dma semaphore(%arg14 : memref<!tpu.dma_semaphore, #tpu.memory_space<semaphore_mem>>) src(%dma_wait3A_161 : memref<10240x128xf32, #tpu.memory_space<hbm>>) dst(%arg12 : memref<125x128xf32, #tpu.memory_space<vmem>>)
        %dma_wait3A_162 = arith.constant 0 : i32
        %dma_wait3A_163 = arith.constant 0 : i32
        %dma_wait3A_164 = tpu.memref_slice %arg8[%dma_wait3A_162, %dma_wait3A_163] : memref<16x125xi32, #tpu.memory_space<vmem>> -> memref<1x125xi32, #tpu.memory_space<vmem>>
        %dma_wait3A_165 = tpu.memref_squeeze %dma_wait3A_164 : memref<1x125xi32, #tpu.memory_space<vmem>> -> memref<125xi32, #tpu.memory_space<vmem>>
        %dma_wait3A_166 = arith.constant 0 : i32
        %dma_wait3A_167 = arith.constant 0 : i32
        %dma_wait3A_168 = tpu.memref_slice %arg6[%dma_wait3A_166, %dma_wait3A_167] : memref<10240x128xf32, #tpu.memory_space<vmem_shared>> -> memref<10240x128xf32, #tpu.memory_space<vmem_shared>>
        tpu.wait_indirect_dma semaphore(%arg15 : memref<!tpu.dma_semaphore, #tpu.memory_space<semaphore_mem>>) src(%arg11 : memref<125x128xf32, #tpu.memory_space<vmem>>) dst(%dma_wait3A_168 : memref<10240x128xf32, #tpu.memory_space<vmem_shared>>)
        %add3A_169 = arith.constant 1 : i32
        %add3A_170 = arith.addi %sub3A_89, %add3A_169 : i32
        %eq3A_171 = arith.constant 0 : i32
        %eq3A_172 = arith.cmpi eq, %select_n3A_86, %eq3A_171 : i32
        %convert_element_type3A_173 = arith.extui %eq3A_172 : i1 to i32
        %cond3A_174 = arith.constant 0 : i32
        %cond3A_175 = arith.cmpi ne, %convert_element_type3A_173, %cond3A_174 : i32
        scf.if %cond3A_175 {
          %dma_start3A_210 = arith.constant 0 : i32
          %dma_start3A_211 = tpu.memref_slice %arg8[%add3A_170, %dma_start3A_210] : memref<16x125xi32, #tpu.memory_space<vmem>> -> memref<1x125xi32, #tpu.memory_space<vmem>>
          %dma_start3A_212 = tpu.memref_squeeze %dma_start3A_211 : memref<1x125xi32, #tpu.memory_space<vmem>> -> memref<125xi32, #tpu.memory_space<vmem>>
          %dma_start3A_213 = arith.constant 0 : i32
          %dma_start3A_214 = arith.constant 0 : i32
          %dma_start3A_215 = tpu.memref_slice %arg6[%dma_start3A_213, %dma_start3A_214] : memref<10240x128xf32, #tpu.memory_space<vmem_shared>> -> memref<10240x128xf32, #tpu.memory_space<vmem_shared>>
          tpu.enqueue_indirect_dma source(%arg12 : memref<125x128xf32, #tpu.memory_space<vmem>>) target(%dma_start3A_215 : memref<10240x128xf32, #tpu.memory_space<vmem_shared>>) offsets(%dma_start3A_212 : memref<125xi32, #tpu.memory_space<vmem>>) semaphore(%arg16 : memref<!tpu.dma_semaphore, #tpu.memory_space<semaphore_mem>>) {add = true}
        } else {
        }
        %eq3A_176 = arith.constant 1 : i32
        %eq3A_177 = arith.cmpi eq, %select_n3A_86, %eq3A_176 : i32
        %convert_element_type3A_178 = arith.extui %eq3A_177 : i1 to i32
        %cond3A_179 = arith.constant 0 : i32
        %cond3A_180 = arith.cmpi ne, %convert_element_type3A_178, %cond3A_179 : i32
        scf.if %cond3A_180 {
          %dma_start3A_210 = arith.constant 0 : i32
          %dma_start3A_211 = tpu.memref_slice %arg10[%add3A_170, %dma_start3A_210] : memref<16x125xi32, #tpu.memory_space<vmem>> -> memref<1x125xi32, #tpu.memory_space<vmem>>
          %dma_start3A_212 = tpu.memref_squeeze %dma_start3A_211 : memref<1x125xi32, #tpu.memory_space<vmem>> -> memref<125xi32, #tpu.memory_space<vmem>>
          %dma_start3A_213 = arith.constant 0 : i32
          %dma_start3A_214 = arith.constant 0 : i32
          %dma_start3A_215 = tpu.memref_slice %arg6[%dma_start3A_213, %dma_start3A_214] : memref<10240x128xf32, #tpu.memory_space<vmem_shared>> -> memref<10240x128xf32, #tpu.memory_space<vmem_shared>>
          tpu.enqueue_indirect_dma source(%arg12 : memref<125x128xf32, #tpu.memory_space<vmem>>) target(%dma_start3A_215 : memref<10240x128xf32, #tpu.memory_space<vmem_shared>>) offsets(%dma_start3A_212 : memref<125xi32, #tpu.memory_space<vmem>>) semaphore(%arg16 : memref<!tpu.dma_semaphore, #tpu.memory_space<semaphore_mem>>) {add = true}
        } else {
        }
        %jit3A_181 = arith.constant 8 : i32
        %eq3A_182 = arith.constant 0 : i32
        %eq3A_183 = arith.cmpi eq, %jit3A_181, %eq3A_182 : i32
        %jit3A_184 = arith.constant 1 : i32
        %select_n3A_185 = arith.select %eq3A_183, %jit3A_184, %jit3A_181 : i32
        %rem3A_186 = arith.remsi %scan3A_54, %select_n3A_185 : i32
        %ne3A_187 = arith.constant 0 : i32
        %ne3A_188 = arith.cmpi ne, %rem3A_186, %ne3A_187 : i32
        %lt3A_189 = arith.constant 0 : i32
        %lt3A_190 = arith.cmpi slt, %rem3A_186, %lt3A_189 : i32
        %lt3A_191 = arith.constant 0 : i32
        %lt3A_192 = arith.cmpi slt, %select_n3A_185, %lt3A_191 : i32
        %ne3A_193 = arith.xori %lt3A_190, %lt3A_192 : i1
        %and3A_194 = arith.andi %ne3A_193, %ne3A_188 : i1
        %add3A_195 = arith.addi %rem3A_186, %select_n3A_185 : i32
        %select_n3A_196 = arith.select %and3A_194, %add3A_195, %rem3A_186 : i32
        %eq3A_197 = arith.constant 7 : i32
        %eq3A_198 = arith.cmpi eq, %select_n3A_196, %eq3A_197 : i32
        %lt3A_199 = arith.constant 72 : i32
        %lt3A_200 = arith.cmpi slt, %scan3A_54, %lt3A_199 : i32
        %and3A_201 = arith.andi %eq3A_198, %lt3A_200 : i1
        %convert_element_type3A_202 = arith.extui %and3A_201 : i1 to i32
        %cond3A_203 = arith.constant 0 : i32
        %cond3A_204 = arith.cmpi ne, %convert_element_type3A_202, %cond3A_203 : i32
        scf.if %cond3A_204 {
          %dma_wait3A_210 = arith.constant 0 : i32
          %dma_wait3A_211 = arith.constant 0 : i32
          %dma_wait3A_212 = tpu.memref_slice %arg3[%dma_wait3A_210, %dma_wait3A_211] : memref<2560x125xi32, #tpu.memory_space<hbm>> -> memref<16x125xi32, #tpu.memory_space<hbm>>
          %dma_wait3A_213 = arith.constant 0 : i32
          %dma_wait3A_214 = arith.constant 0 : i32
          %dma_wait3A_215 = tpu.memref_slice %arg3[%dma_wait3A_213, %dma_wait3A_214] : memref<2560x125xi32, #tpu.memory_space<hbm>> -> memref<16x125xi32, #tpu.memory_space<hbm>>
          tpu.wait_dma2 semaphore(%arg17 : memref<!tpu.dma_semaphore, #tpu.memory_space<semaphore_mem>>) src(%dma_wait3A_215 : memref<16x125xi32, #tpu.memory_space<hbm>>) dst(%arg7 : memref<16x125xi32, #tpu.memory_space<vmem>>)
          %dma_wait3A_216 = arith.constant 0 : i32
          %dma_wait3A_217 = arith.constant 0 : i32
          %dma_wait3A_218 = tpu.memref_slice %arg4[%dma_wait3A_216, %dma_wait3A_217] : memref<2560x125xi32, #tpu.memory_space<hbm>> -> memref<16x125xi32, #tpu.memory_space<hbm>>
          %dma_wait3A_219 = arith.constant 0 : i32
          %dma_wait3A_220 = arith.constant 0 : i32
          %dma_wait3A_221 = tpu.memref_slice %arg4[%dma_wait3A_219, %dma_wait3A_220] : memref<2560x125xi32, #tpu.memory_space<hbm>> -> memref<16x125xi32, #tpu.memory_space<hbm>>
          tpu.wait_dma2 semaphore(%arg17 : memref<!tpu.dma_semaphore, #tpu.memory_space<semaphore_mem>>) src(%dma_wait3A_221 : memref<16x125xi32, #tpu.memory_space<hbm>>) dst(%arg8 : memref<16x125xi32, #tpu.memory_space<vmem>>)
        } else {
        }
        %lt3A_205 = arith.constant 79 : i32
        %lt3A_206 = arith.cmpi slt, %scan3A_54, %lt3A_205 : i32
        %convert_element_type3A_207 = arith.extui %lt3A_206 : i1 to i32
        %cond3A_208 = arith.constant 0 : i32
        %cond3A_209 = arith.cmpi ne, %convert_element_type3A_207, %cond3A_208 : i32
        scf.if %cond3A_209 {
          %add3A_210 = arith.constant 2 : i32
          %add3A_211 = arith.addi %mul3A_56, %add3A_210 : i32
          %jit3A_212 = arith.constant 16 : i32
          %div3A_213 = arith.divsi %add3A_211, %jit3A_212 : i32
          %sign3A_214 = arith.constant 0 : i32
          %sign3A_215 = arith.cmpi sgt, %add3A_211, %sign3A_214 : i32
          %sign3A_216 = arith.extui %sign3A_215 : i1 to i32
          %sign3A_217 = arith.constant 0 : i32
          %sign3A_218 = arith.cmpi slt, %add3A_211, %sign3A_217 : i32
          %sign3A_219 = arith.extui %sign3A_218 : i1 to i32
          %sign3A_220 = arith.subi %sign3A_216, %sign3A_219 : i32
          %sign3A_221 = arith.constant 0 : i32
          %sign3A_222 = arith.cmpi sgt, %jit3A_212, %sign3A_221 : i32
          %sign3A_223 = arith.extui %sign3A_222 : i1 to i32
          %sign3A_224 = arith.constant 0 : i32
          %sign3A_225 = arith.cmpi slt, %jit3A_212, %sign3A_224 : i32
          %sign3A_226 = arith.extui %sign3A_225 : i1 to i32
          %sign3A_227 = arith.subi %sign3A_223, %sign3A_226 : i32
          %ne3A_228 = arith.cmpi ne, %sign3A_220, %sign3A_227 : i32
          %rem3A_229 = arith.remsi %add3A_211, %jit3A_212 : i32
          %ne3A_230 = arith.constant 0 : i32
          %ne3A_231 = arith.cmpi ne, %rem3A_229, %ne3A_230 : i32
          %and3A_232 = arith.andi %ne3A_228, %ne3A_231 : i1
          %sub3A_233 = arith.constant 1 : i32
          %sub3A_234 = arith.subi %div3A_213, %sub3A_233 : i32
          %select_n3A_235 = arith.select %and3A_232, %sub3A_234, %div3A_213 : i32
          %jit3A_236 = arith.constant 2 : i32
          %eq3A_237 = arith.constant 0 : i32
          %eq3A_238 = arith.cmpi eq, %jit3A_236, %eq3A_237 : i32
          %jit3A_239 = arith.constant 1 : i32
          %select_n3A_240 = arith.select %eq3A_238, %jit3A_239, %jit3A_236 : i32
          %rem3A_241 = arith.remsi %select_n3A_235, %select_n3A_240 : i32
          %ne3A_242 = arith.constant 0 : i32
          %ne3A_243 = arith.cmpi ne, %rem3A_241, %ne3A_242 : i32
          %lt3A_244 = arith.constant 0 : i32
          %lt3A_245 = arith.cmpi slt, %rem3A_241, %lt3A_244 : i32
          %lt3A_246 = arith.constant 0 : i32
          %lt3A_247 = arith.cmpi slt, %select_n3A_240, %lt3A_246 : i32
          %ne3A_248 = arith.xori %lt3A_245, %lt3A_247 : i1
          %and3A_249 = arith.andi %ne3A_248, %ne3A_243 : i1
          %add3A_250 = arith.addi %rem3A_241, %select_n3A_240 : i32
          %select_n3A_251 = arith.select %and3A_249, %add3A_250, %rem3A_241 : i32
          %jit3A_252 = arith.constant 16 : i32
          %eq3A_253 = arith.constant 0 : i32
          %eq3A_254 = arith.cmpi eq, %jit3A_252, %eq3A_253 : i32
          %jit3A_255 = arith.constant 1 : i32
          %select_n3A_256 = arith.select %eq3A_254, %jit3A_255, %jit3A_252 : i32
          %rem3A_257 = arith.remsi %add3A_211, %select_n3A_256 : i32
          %ne3A_258 = arith.constant 0 : i32
          %ne3A_259 = arith.cmpi ne, %rem3A_257, %ne3A_258 : i32
          %lt3A_260 = arith.constant 0 : i32
          %lt3A_261 = arith.cmpi slt, %rem3A_257, %lt3A_260 : i32
          %lt3A_262 = arith.constant 0 : i32
          %lt3A_263 = arith.cmpi slt, %select_n3A_256, %lt3A_262 : i32
          %ne3A_264 = arith.xori %lt3A_261, %lt3A_263 : i1
          %and3A_265 = arith.andi %ne3A_264, %ne3A_259 : i1
          %add3A_266 = arith.addi %rem3A_257, %select_n3A_256 : i32
          %select_n3A_267 = arith.select %and3A_265, %add3A_266, %rem3A_257 : i32
          %eq3A_268 = arith.constant 0 : i32
          %eq3A_269 = arith.cmpi eq, %select_n3A_251, %eq3A_268 : i32
          %convert_element_type3A_270 = arith.extui %eq3A_269 : i1 to i32
          %cond3A_271 = arith.constant 0 : i32
          %cond3A_272 = arith.cmpi ne, %convert_element_type3A_270, %cond3A_271 : i32
          scf.if %cond3A_272 {
            %dma_start3A_278 = arith.constant 0 : i32
            %dma_start3A_279 = tpu.memref_slice %arg7[%select_n3A_267, %dma_start3A_278] : memref<16x125xi32, #tpu.memory_space<vmem>> -> memref<1x125xi32, #tpu.memory_space<vmem>>
            %dma_start3A_280 = tpu.memref_squeeze %dma_start3A_279 : memref<1x125xi32, #tpu.memory_space<vmem>> -> memref<125xi32, #tpu.memory_space<vmem>>
            %dma_start3A_281 = arith.constant 0 : i32
            %dma_start3A_282 = arith.constant 0 : i32
            %dma_start3A_283 = tpu.memref_slice %arg2[%scan3A_42, %dma_start3A_281, %dma_start3A_282] : memref<2x10240x128xf32, #tpu.memory_space<hbm>> -> memref<1x10240x128xf32, #tpu.memory_space<hbm>>
            %dma_start3A_284 = tpu.memref_squeeze %dma_start3A_283 : memref<1x10240x128xf32, #tpu.memory_space<hbm>> -> memref<10240x128xf32, #tpu.memory_space<hbm>>
            %dma_start3A_285 = arith.constant 0 : i32
            %dma_start3A_286 = arith.constant 0 : i32
            %dma_start3A_287 = tpu.memref_slice %dma_start3A_284[%dma_start3A_285, %dma_start3A_286] : memref<10240x128xf32, #tpu.memory_space<hbm>> -> memref<10240x128xf32, #tpu.memory_space<hbm>>
            tpu.enqueue_indirect_dma source(%dma_start3A_287 : memref<10240x128xf32, #tpu.memory_space<hbm>>) target(%arg11 : memref<125x128xf32, #tpu.memory_space<vmem>>) offsets(%dma_start3A_280 : memref<125xi32, #tpu.memory_space<vmem>>) semaphore(%arg13 : memref<!tpu.dma_semaphore, #tpu.memory_space<semaphore_mem>>)
          } else {
          }
          %eq3A_273 = arith.constant 1 : i32
          %eq3A_274 = arith.cmpi eq, %select_n3A_251, %eq3A_273 : i32
          %convert_element_type3A_275 = arith.extui %eq3A_274 : i1 to i32
          %cond3A_276 = arith.constant 0 : i32
          %cond3A_277 = arith.cmpi ne, %convert_element_type3A_275, %cond3A_276 : i32
          scf.if %cond3A_277 {
            %dma_start3A_278 = arith.constant 0 : i32
            %dma_start3A_279 = tpu.memref_slice %arg9[%select_n3A_267, %dma_start3A_278] : memref<16x125xi32, #tpu.memory_space<vmem>> -> memref<1x125xi32, #tpu.memory_space<vmem>>
            %dma_start3A_280 = tpu.memref_squeeze %dma_start3A_279 : memref<1x125xi32, #tpu.memory_space<vmem>> -> memref<125xi32, #tpu.memory_space<vmem>>
            %dma_start3A_281 = arith.constant 0 : i32
            %dma_start3A_282 = arith.constant 0 : i32
            %dma_start3A_283 = tpu.memref_slice %arg2[%scan3A_42, %dma_start3A_281, %dma_start3A_282] : memref<2x10240x128xf32, #tpu.memory_space<hbm>> -> memref<1x10240x128xf32, #tpu.memory_space<hbm>>
            %dma_start3A_284 = tpu.memref_squeeze %dma_start3A_283 : memref<1x10240x128xf32, #tpu.memory_space<hbm>> -> memref<10240x128xf32, #tpu.memory_space<hbm>>
            %dma_start3A_285 = arith.constant 0 : i32
            %dma_start3A_286 = arith.constant 0 : i32
            %dma_start3A_287 = tpu.memref_slice %dma_start3A_284[%dma_start3A_285, %dma_start3A_286] : memref<10240x128xf32, #tpu.memory_space<hbm>> -> memref<10240x128xf32, #tpu.memory_space<hbm>>
            tpu.enqueue_indirect_dma source(%dma_start3A_287 : memref<10240x128xf32, #tpu.memory_space<hbm>>) target(%arg11 : memref<125x128xf32, #tpu.memory_space<vmem>>) offsets(%dma_start3A_280 : memref<125xi32, #tpu.memory_space<vmem>>) semaphore(%arg13 : memref<!tpu.dma_semaphore, #tpu.memory_space<semaphore_mem>>)
          } else {
          }
        } else {
        }
      }
      %scan3A_47 = arith.constant 80 : i32
      %dma_wait3A = arith.constant 0 : i32
      %dma_wait3A_48 = arith.constant 0 : i32
      %dma_wait3A_49 = tpu.memref_slice %arg8[%dma_wait3A, %dma_wait3A_48] : memref<16x125xi32, #tpu.memory_space<vmem>> -> memref<1x125xi32, #tpu.memory_space<vmem>>
      %dma_wait3A_50 = tpu.memref_squeeze %dma_wait3A_49 : memref<1x125xi32, #tpu.memory_space<vmem>> -> memref<125xi32, #tpu.memory_space<vmem>>
      %dma_wait3A_51 = arith.constant 0 : i32
      %dma_wait3A_52 = arith.constant 0 : i32
      %dma_wait3A_53 = tpu.memref_slice %arg6[%dma_wait3A_51, %dma_wait3A_52] : memref<10240x128xf32, #tpu.memory_space<vmem_shared>> -> memref<10240x128xf32, #tpu.memory_space<vmem_shared>>
      tpu.wait_indirect_dma semaphore(%arg16 : memref<!tpu.dma_semaphore, #tpu.memory_space<semaphore_mem>>) src(%arg12 : memref<125x128xf32, #tpu.memory_space<vmem>>) dst(%dma_wait3A_53 : memref<10240x128xf32, #tpu.memory_space<vmem_shared>>)
    } else {
    }
    %barrier3A_20 = arith.constant 0 : index
    tpu.barrier barrier_id(%barrier3A_20)
    %eq3A_21 = arith.constant 0 : i32
    %eq3A_22 = arith.cmpi eq, %arg0, %eq3A_21 : i32
    %convert_element_type3A_23 = arith.extui %eq3A_22 : i1 to i32
    %cond3A_24 = arith.constant 0 : i32
    %cond3A_25 = arith.cmpi ne, %convert_element_type3A_23, %cond3A_24 : i32
    scf.if %cond3A_25 {
      %run_scoped3A = arith.constant 0 : i32
      "tpu.region"() ({
        %run_scoped3A_31 = tpu.sem_alloc : memref<!tpu.dma_semaphore, #tpu.memory_space<semaphore_mem>>
        %dma_start3A = arith.constant 0 : i32
        %dma_start3A_32 = arith.constant 0 : i32
        %dma_start3A_33 = tpu.memref_slice %arg5[%run_scoped3A, %dma_start3A, %dma_start3A_32] : memref<2x10240x128xf32, #tpu.memory_space<hbm>> -> memref<1x10240x128xf32, #tpu.memory_space<hbm>>
        %dma_start3A_34 = tpu.memref_squeeze %dma_start3A_33 : memref<1x10240x128xf32, #tpu.memory_space<hbm>> -> memref<10240x128xf32, #tpu.memory_space<hbm>>
        %dma_start3A_35 = arith.constant 0 : i32
        %dma_start3A_36 = tpu.memref_slice %dma_start3A_34[%mul3A_0, %dma_start3A_35] : memref<10240x128xf32, #tpu.memory_space<hbm>> -> memref<640x128xf32, #tpu.memory_space<hbm>>
        %dma_start3A_37 = arith.constant 0 : i32
        %dma_start3A_38 = tpu.memref_slice %arg6[%mul3A_0, %dma_start3A_37] : memref<10240x128xf32, #tpu.memory_space<vmem_shared>> -> memref<640x128xf32, #tpu.memory_space<vmem_shared>>
        tpu.enqueue_dma source(%dma_start3A_38 : memref<640x128xf32, #tpu.memory_space<vmem_shared>>) target(%dma_start3A_36 : memref<640x128xf32, #tpu.memory_space<hbm>>) target_semaphore(%run_scoped3A_31 : memref<!tpu.dma_semaphore, #tpu.memory_space<semaphore_mem>>)
        %dma_wait3A = arith.constant 0 : i32
        %dma_wait3A_39 = arith.constant 0 : i32
        %dma_wait3A_40 = tpu.memref_slice %arg5[%run_scoped3A, %dma_wait3A, %dma_wait3A_39] : memref<2x10240x128xf32, #tpu.memory_space<hbm>> -> memref<1x10240x128xf32, #tpu.memory_space<hbm>>
        %dma_wait3A_41 = tpu.memref_squeeze %dma_wait3A_40 : memref<1x10240x128xf32, #tpu.memory_space<hbm>> -> memref<10240x128xf32, #tpu.memory_space<hbm>>
        %dma_wait3A_42 = arith.constant 0 : i32
        %dma_wait3A_43 = tpu.memref_slice %dma_wait3A_41[%mul3A_0, %dma_wait3A_42] : memref<10240x128xf32, #tpu.memory_space<hbm>> -> memref<640x128xf32, #tpu.memory_space<hbm>>
        %dma_wait3A_44 = arith.constant 0 : i32
        %dma_wait3A_45 = tpu.memref_slice %arg6[%mul3A_0, %dma_wait3A_44] : memref<10240x128xf32, #tpu.memory_space<vmem_shared>> -> memref<640x128xf32, #tpu.memory_space<vmem_shared>>
        tpu.wait_dma2 semaphore(%run_scoped3A_31 : memref<!tpu.dma_semaphore, #tpu.memory_space<semaphore_mem>>) src(%dma_wait3A_45 : memref<640x128xf32, #tpu.memory_space<vmem_shared>>) dst(%dma_wait3A_43 : memref<640x128xf32, #tpu.memory_space<hbm>>)
        tpu.yield
      }) : () -> ()
    } else {
    }
    %eq3A_26 = arith.constant 1 : i32
    %eq3A_27 = arith.cmpi eq, %arg0, %eq3A_26 : i32
    %convert_element_type3A_28 = arith.extui %eq3A_27 : i1 to i32
    %cond3A_29 = arith.constant 0 : i32
    %cond3A_30 = arith.cmpi ne, %convert_element_type3A_28, %cond3A_29 : i32
    scf.if %cond3A_30 {
      %run_scoped3A = arith.constant 1 : i32
      "tpu.region"() ({
        %run_scoped3A_31 = tpu.sem_alloc : memref<!tpu.dma_semaphore, #tpu.memory_space<semaphore_mem>>
        %dma_start3A = arith.constant 0 : i32
        %dma_start3A_32 = arith.constant 0 : i32
        %dma_start3A_33 = tpu.memref_slice %arg5[%run_scoped3A, %dma_start3A, %dma_start3A_32] : memref<2x10240x128xf32, #tpu.memory_space<hbm>> -> memref<1x10240x128xf32, #tpu.memory_space<hbm>>
        %dma_start3A_34 = tpu.memref_squeeze %dma_start3A_33 : memref<1x10240x128xf32, #tpu.memory_space<hbm>> -> memref<10240x128xf32, #tpu.memory_space<hbm>>
        %dma_start3A_35 = arith.constant 0 : i32
        %dma_start3A_36 = tpu.memref_slice %dma_start3A_34[%mul3A_0, %dma_start3A_35] : memref<10240x128xf32, #tpu.memory_space<hbm>> -> memref<640x128xf32, #tpu.memory_space<hbm>>
        %dma_start3A_37 = arith.constant 0 : i32
        %dma_start3A_38 = tpu.memref_slice %arg6[%mul3A_0, %dma_start3A_37] : memref<10240x128xf32, #tpu.memory_space<vmem_shared>> -> memref<640x128xf32, #tpu.memory_space<vmem_shared>>
        tpu.enqueue_dma source(%dma_start3A_38 : memref<640x128xf32, #tpu.memory_space<vmem_shared>>) target(%dma_start3A_36 : memref<640x128xf32, #tpu.memory_space<hbm>>) target_semaphore(%run_scoped3A_31 : memref<!tpu.dma_semaphore, #tpu.memory_space<semaphore_mem>>)
        %dma_wait3A = arith.constant 0 : i32
        %dma_wait3A_39 = arith.constant 0 : i32
        %dma_wait3A_40 = tpu.memref_slice %arg5[%run_scoped3A, %dma_wait3A, %dma_wait3A_39] : memref<2x10240x128xf32, #tpu.memory_space<hbm>> -> memref<1x10240x128xf32, #tpu.memory_space<hbm>>
        %dma_wait3A_41 = tpu.memref_squeeze %dma_wait3A_40 : memref<1x10240x128xf32, #tpu.memory_space<hbm>> -> memref<10240x128xf32, #tpu.memory_space<hbm>>
        %dma_wait3A_42 = arith.constant 0 : i32
        %dma_wait3A_43 = tpu.memref_slice %dma_wait3A_41[%mul3A_0, %dma_wait3A_42] : memref<10240x128xf32, #tpu.memory_space<hbm>> -> memref<640x128xf32, #tpu.memory_space<hbm>>
        %dma_wait3A_44 = arith.constant 0 : i32
        %dma_wait3A_45 = tpu.memref_slice %arg6[%mul3A_0, %dma_wait3A_44] : memref<10240x128xf32, #tpu.memory_space<vmem_shared>> -> memref<640x128xf32, #tpu.memory_space<vmem_shared>>
        tpu.wait_dma2 semaphore(%run_scoped3A_31 : memref<!tpu.dma_semaphore, #tpu.memory_space<semaphore_mem>>) src(%dma_wait3A_45 : memref<640x128xf32, #tpu.memory_space<vmem_shared>>) dst(%dma_wait3A_43 : memref<640x128xf32, #tpu.memory_space<hbm>>)
        tpu.yield
      }) : () -> ()
    } else {
    }
    return
  }
}

module attributes {stable_mosaic.version = 14 : i64} {
  func.func @body(%arg0: memref<2x10240x128xf32, #tpu.memory_space<vmem>>, %arg1: memref<10000x1xf32, #tpu.memory_space<vmem>>, %arg2: memref<1x256xf32, #tpu.memory_space<vmem>>, %arg3: memref<1x256xf32, #tpu.memory_space<vmem>>, %arg4: memref<1x256xf32, #tpu.memory_space<vmem>>, %arg5: memref<256x256xf32, #tpu.memory_space<vmem>>, %arg6: memref<10000x256xf32, #tpu.memory_space<vmem>>, %arg7: memref<2x10240x128xf32, #tpu.memory_space<vmem>>) attributes {dimension_semantics = [], scalar_prefetch = 0 : i64, scratch_operands = 0 : i64, tpu.core_type = #tpu.core_type<tc>} {
    %get3A = arith.constant 0 : index
    %get3A_0 = arith.constant 0 : index
    %get3A_1 = arith.constant 0 : index
    %get3A_2 = vector.load %arg0[%get3A, %get3A_0, %get3A_1] : memref<2x10240x128xf32, #tpu.memory_space<vmem>>, vector<1x10000x128xf32>
    %get3A_3 = vector.shape_cast %get3A_2 : vector<1x10000x128xf32> to vector<10000x128xf32>
    %get3A_4 = arith.constant 1 : index
    %get3A_5 = arith.constant 0 : index
    %get3A_6 = arith.constant 0 : index
    %get3A_7 = vector.load %arg0[%get3A_4, %get3A_5, %get3A_6] : memref<2x10240x128xf32, #tpu.memory_space<vmem>>, vector<1x10000x128xf32>
    %get3A_8 = vector.shape_cast %get3A_7 : vector<1x10000x128xf32> to vector<10000x128xf32>
    %concatenate3A = tpu.concatenate %get3A_3, %get3A_8 in 1 : vector<10000x128xf32>, vector<10000x128xf32> -> vector<10000x256xf32>
    %get3A_9 = arith.constant 0 : index
    %get3A_10 = arith.constant 0 : index
    %get3A_11 = vector.load %arg1[%get3A_9, %get3A_10] : memref<10000x1xf32, #tpu.memory_space<vmem>>, vector<10000x1xf32>
    %mul3A = vector.broadcast %get3A_11 : vector<10000x1xf32> to vector<10000x256xf32>
    %mul3A_12 = arith.mulf %concatenate3A, %mul3A : vector<10000x256xf32>
    %get3A_13 = arith.constant 0 : index
    %get3A_14 = arith.constant 0 : index
    %get3A_15 = vector.load %arg2[%get3A_13, %get3A_14] : memref<1x256xf32, #tpu.memory_space<vmem>>, vector<1x256xf32>
    %add3A = vector.broadcast %get3A_15 : vector<1x256xf32> to vector<10000x256xf32>
    %add3A_16 = arith.addf %mul3A_12, %add3A : vector<10000x256xf32>
    %reduce_sum3A = arith.constant dense<0.000000e+00> : vector<256xf32>
    %reduce_sum3A_17 = vector.multi_reduction <add>, %add3A_16, %reduce_sum3A [0] : vector<10000x256xf32> to vector<256xf32>
    %broadcast_in_dim3A = vector.shape_cast %reduce_sum3A_17 : vector<256xf32> to vector<1x256xf32>
    %div3A = arith.constant 1.000000e+04 : f32
    %div3A_18 = vector.broadcast %div3A : f32 to vector<1x256xf32>
    %div3A_19 = arith.divf %broadcast_in_dim3A, %div3A_18 : vector<1x256xf32>
    %sub3A = vector.broadcast %div3A_19 : vector<1x256xf32> to vector<10000x256xf32>
    %sub3A_20 = arith.subf %add3A_16, %sub3A : vector<10000x256xf32>
    %integer_pow3A = arith.mulf %sub3A_20, %sub3A_20 : vector<10000x256xf32>
    %reduce_sum3A_21 = arith.constant dense<0.000000e+00> : vector<256xf32>
    %reduce_sum3A_22 = vector.multi_reduction <add>, %integer_pow3A, %reduce_sum3A_21 [0] : vector<10000x256xf32> to vector<256xf32>
    %broadcast_in_dim3A_23 = vector.shape_cast %reduce_sum3A_22 : vector<256xf32> to vector<1x256xf32>
    %div3A_24 = arith.constant 1.000000e+04 : f32
    %div3A_25 = vector.broadcast %div3A_24 : f32 to vector<1x256xf32>
    %div3A_26 = arith.divf %broadcast_in_dim3A_23, %div3A_25 : vector<1x256xf32>
    %sub3A_27 = vector.broadcast %div3A_19 : vector<1x256xf32> to vector<10000x256xf32>
    %sub3A_28 = arith.subf %add3A_16, %sub3A_27 : vector<10000x256xf32>
    %add3A_29 = arith.constant 9.99999974E-6 : f32
    %add3A_30 = vector.broadcast %add3A_29 : f32 to vector<1x256xf32>
    %add3A_31 = arith.addf %div3A_26, %add3A_30 : vector<1x256xf32>
    %rsqrt3A = math.rsqrt %add3A_31 : vector<1x256xf32>
    %mul3A_32 = vector.broadcast %rsqrt3A : vector<1x256xf32> to vector<10000x256xf32>
    %mul3A_33 = arith.mulf %sub3A_28, %mul3A_32 : vector<10000x256xf32>
    %get3A_34 = arith.constant 0 : index
    %get3A_35 = arith.constant 0 : index
    %get3A_36 = vector.load %arg3[%get3A_34, %get3A_35] : memref<1x256xf32, #tpu.memory_space<vmem>>, vector<1x256xf32>
    %mul3A_37 = vector.broadcast %get3A_36 : vector<1x256xf32> to vector<10000x256xf32>
    %mul3A_38 = arith.mulf %mul3A_33, %mul3A_37 : vector<10000x256xf32>
    %get3A_39 = arith.constant 0 : index
    %get3A_40 = arith.constant 0 : index
    %get3A_41 = vector.load %arg4[%get3A_39, %get3A_40] : memref<1x256xf32, #tpu.memory_space<vmem>>, vector<1x256xf32>
    %add3A_42 = vector.broadcast %get3A_41 : vector<1x256xf32> to vector<10000x256xf32>
    %add3A_43 = arith.addf %mul3A_38, %add3A_42 : vector<10000x256xf32>
    %max3A = arith.constant 0.000000e+00 : f32
    %max3A_44 = vector.broadcast %max3A : f32 to vector<10000x256xf32>
    %max3A_45 = arith.maximumf %add3A_43, %max3A_44 : vector<10000x256xf32>
    %swap3A = arith.constant 0 : index
    %swap3A_46 = arith.constant 0 : index
    %swap3A_47 = vector.load %arg6[%swap3A, %swap3A_46] : memref<10000x256xf32, #tpu.memory_space<vmem>>, vector<10000x256xf32>
    tpu.vector_store %arg6[%swap3A, %swap3A_46], %max3A_45 {strides = array<i32>} : memref<10000x256xf32, #tpu.memory_space<vmem>>, vector<10000x256xf32>,
    %get3A_48 = arith.constant 0 : index
    %get3A_49 = arith.constant 0 : index
    %get3A_50 = vector.load %arg5[%get3A_48, %get3A_49] : memref<256x256xf32, #tpu.memory_space<vmem>>, vector<256x256xf32>
    %dot_general3A = arith.constant dense<0.000000e+00> : vector<10000x256xf32>
    %dot_general3A_51 = tpu.matmul %max3A_45, %get3A_50, %dot_general3A {dimension_numbers = #tpu.dot_dimension_numbers<[1], [0], [0], [1], [0, 0, 1, 1], [], []>, transpose_lhs_hint = false} : vector<10000x256xf32>, vector<256x256xf32>, vector<10000x256xf32> -> vector<10000x256xf32>
    %get3A_52 = arith.constant 0 : index
    %get3A_53 = arith.constant 0 : index
    %get3A_54 = vector.load %arg1[%get3A_52, %get3A_53] : memref<10000x1xf32, #tpu.memory_space<vmem>>, vector<10000x1xf32>
    %mul3A_55 = vector.broadcast %get3A_54 : vector<10000x1xf32> to vector<10000x256xf32>
    %mul3A_56 = arith.mulf %dot_general3A_51, %mul3A_55 : vector<10000x256xf32>
    %slice3A = vector.extract_strided_slice %mul3A_56 {offsets = [0, 0], sizes = [10000, 128], strides = [1, 1]} : vector<10000x256xf32> to vector<10000x128xf32>
    %swap3A_57 = arith.constant 0 : index
    %swap3A_58 = arith.constant 0 : index
    %swap3A_59 = arith.constant 0 : index
    %swap3A_60 = vector.load %arg7[%swap3A_57, %swap3A_58, %swap3A_59] : memref<2x10240x128xf32, #tpu.memory_space<vmem>>, vector<1x10000x128xf32>
    %swap3A_61 = vector.shape_cast %swap3A_60 : vector<1x10000x128xf32> to vector<10000x128xf32>
    %swap3A_62 = vector.shape_cast %slice3A : vector<10000x128xf32> to vector<1x10000x128xf32>
    tpu.vector_store %arg7[%swap3A_57, %swap3A_58, %swap3A_59], %swap3A_62 {strides = array<i32>} : memref<2x10240x128xf32, #tpu.memory_space<vmem>>, vector<1x10000x128xf32>,
    %slice3A_63 = vector.extract_strided_slice %mul3A_56 {offsets = [0, 128], sizes = [10000, 128], strides = [1, 1]} : vector<10000x256xf32> to vector<10000x128xf32>
    %swap3A_64 = arith.constant 1 : index
    %swap3A_65 = arith.constant 0 : index
    %swap3A_66 = arith.constant 0 : index
    %swap3A_67 = vector.load %arg7[%swap3A_64, %swap3A_65, %swap3A_66] : memref<2x10240x128xf32, #tpu.memory_space<vmem>>, vector<1x10000x128xf32>
    %swap3A_68 = vector.shape_cast %swap3A_67 : vector<1x10000x128xf32> to vector<10000x128xf32>
    %swap3A_69 = vector.shape_cast %slice3A_63 : vector<10000x128xf32> to vector<1x10000x128xf32>
    tpu.vector_store %arg7[%swap3A_64, %swap3A_65, %swap3A_66], %swap3A_69 {strides = array<i32>} : memref<2x10240x128xf32, #tpu.memory_space<vmem>>, vector<1x10000x128xf32>,
    %broadcast_in_dim3A_70 = arith.constant 0.000000e+00 : f32
    %broadcast_in_dim3A_71 = vector.broadcast %broadcast_in_dim3A_70 : f32 to vector<240x128xf32>
    %swap3A_72 = arith.constant 0 : index
    %swap3A_73 = arith.constant 10000 : index
    %swap3A_74 = arith.constant 0 : index
    %swap3A_75 = vector.load %arg7[%swap3A_72, %swap3A_73, %swap3A_74] : memref<2x10240x128xf32, #tpu.memory_space<vmem>>, vector<1x240x128xf32>
    %swap3A_76 = vector.shape_cast %swap3A_75 : vector<1x240x128xf32> to vector<240x128xf32>
    %swap3A_77 = vector.shape_cast %broadcast_in_dim3A_71 : vector<240x128xf32> to vector<1x240x128xf32>
    tpu.vector_store %arg7[%swap3A_72, %swap3A_73, %swap3A_74], %swap3A_77 {strides = array<i32>} : memref<2x10240x128xf32, #tpu.memory_space<vmem>>, vector<1x240x128xf32>,
    %broadcast_in_dim3A_78 = arith.constant 0.000000e+00 : f32
    %broadcast_in_dim3A_79 = vector.broadcast %broadcast_in_dim3A_78 : f32 to vector<240x128xf32>
    %swap3A_80 = arith.constant 1 : index
    %swap3A_81 = arith.constant 10000 : index
    %swap3A_82 = arith.constant 0 : index
    %swap3A_83 = vector.load %arg7[%swap3A_80, %swap3A_81, %swap3A_82] : memref<2x10240x128xf32, #tpu.memory_space<vmem>>, vector<1x240x128xf32>
    %swap3A_84 = vector.shape_cast %swap3A_83 : vector<1x240x128xf32> to vector<240x128xf32>
    %swap3A_85 = vector.shape_cast %broadcast_in_dim3A_79 : vector<240x128xf32> to vector<1x240x128xf32>
    tpu.vector_store %arg7[%swap3A_80, %swap3A_81, %swap3A_82], %swap3A_85 {strides = array<i32>} : memref<2x10240x128xf32, #tpu.memory_space<vmem>>, vector<1x240x128xf32>,
    return
  }
}

module attributes {stable_mosaic.version = 14 : i64} {
  func.func @_tc0_body(%arg0: memref<10000x128xf32, #tpu.memory_space<vmem>>, %arg1: memref<128x256xf32, #tpu.memory_space<vmem>>, %arg2: memref<2x10240x128xf32, #tpu.memory_space<vmem>>, %arg3: memref<2x10240x128xf32, #tpu.memory_space<vmem>>, %arg4: memref<10000x1xf32, #tpu.memory_space<vmem>>) attributes {dimension_semantics = [], scalar_prefetch = 0 : i64, scratch_operands = 0 : i64, tpu.core_type = #tpu.core_type<tc>} {
    %get3A = arith.constant 0 : index
    %get3A_0 = arith.constant 0 : index
    %get3A_1 = arith.constant 0 : index
    %get3A_2 = vector.load %arg2[%get3A, %get3A_0, %get3A_1] : memref<2x10240x128xf32, #tpu.memory_space<vmem>>, vector<1x10000x1xf32>
    %get3A_3 = vector.shape_cast %get3A_2 : vector<1x10000x1xf32> to vector<10000x1xf32>
    %add3A = arith.constant 1.000000e+00 : f32
    %add3A_4 = vector.broadcast %add3A : f32 to vector<10000x1xf32>
    %add3A_5 = arith.addf %add3A_4, %get3A_3 : vector<10000x1xf32>
    %get3A_6 = arith.constant 1 : index
    %get3A_7 = arith.constant 0 : index
    %get3A_8 = arith.constant 0 : index
    %get3A_9 = vector.load %arg2[%get3A_6, %get3A_7, %get3A_8] : memref<2x10240x128xf32, #tpu.memory_space<vmem>>, vector<1x10000x1xf32>
    %get3A_10 = vector.shape_cast %get3A_9 : vector<1x10000x1xf32> to vector<10000x1xf32>
    %add3A_11 = arith.addf %add3A_5, %get3A_10 : vector<10000x1xf32>
    %rsqrt3A = math.rsqrt %add3A_11 : vector<10000x1xf32>
    %swap3A = arith.constant 0 : index
    %swap3A_12 = arith.constant 0 : index
    %swap3A_13 = vector.load %arg4[%swap3A, %swap3A_12] : memref<10000x1xf32, #tpu.memory_space<vmem>>, vector<10000x1xf32>
    tpu.vector_store %arg4[%swap3A, %swap3A_12], %rsqrt3A {strides = array<i32>} : memref<10000x1xf32, #tpu.memory_space<vmem>>, vector<10000x1xf32>,
    %get3A_14 = arith.constant 0 : index
    %get3A_15 = arith.constant 0 : index
    %get3A_16 = vector.load %arg0[%get3A_14, %get3A_15] : memref<10000x128xf32, #tpu.memory_space<vmem>>, vector<10000x128xf32>
    %get3A_17 = arith.constant 0 : index
    %get3A_18 = arith.constant 0 : index
    %get3A_19 = vector.load %arg1[%get3A_17, %get3A_18] : memref<128x256xf32, #tpu.memory_space<vmem>>, vector<128x256xf32>
    %dot_general3A = arith.constant dense<0.000000e+00> : vector<10000x256xf32>
    %dot_general3A_20 = tpu.matmul %get3A_16, %get3A_19, %dot_general3A {dimension_numbers = #tpu.dot_dimension_numbers<[1], [0], [0], [1], [0, 0, 1, 1], [], []>, transpose_lhs_hint = false} : vector<10000x128xf32>, vector<128x256xf32>, vector<10000x256xf32> -> vector<10000x256xf32>
    %mul3A = vector.broadcast %rsqrt3A : vector<10000x1xf32> to vector<10000x256xf32>
    %mul3A_21 = arith.mulf %dot_general3A_20, %mul3A : vector<10000x256xf32>
    %slice3A = vector.extract_strided_slice %mul3A_21 {offsets = [0, 0], sizes = [10000, 128], strides = [1, 1]} : vector<10000x256xf32> to vector<10000x128xf32>
    %swap3A_22 = arith.constant 0 : index
    %swap3A_23 = arith.constant 0 : index
    %swap3A_24 = arith.constant 0 : index
    %swap3A_25 = vector.load %arg3[%swap3A_22, %swap3A_23, %swap3A_24] : memref<2x10240x128xf32, #tpu.memory_space<vmem>>, vector<1x10000x128xf32>
    %swap3A_26 = vector.shape_cast %swap3A_25 : vector<1x10000x128xf32> to vector<10000x128xf32>
    %swap3A_27 = vector.shape_cast %slice3A : vector<10000x128xf32> to vector<1x10000x128xf32>
    tpu.vector_store %arg3[%swap3A_22, %swap3A_23, %swap3A_24], %swap3A_27 {strides = array<i32>} : memref<2x10240x128xf32, #tpu.memory_space<vmem>>, vector<1x10000x128xf32>,
    %slice3A_28 = vector.extract_strided_slice %mul3A_21 {offsets = [0, 128], sizes = [10000, 128], strides = [1, 1]} : vector<10000x256xf32> to vector<10000x128xf32>
    %swap3A_29 = arith.constant 1 : index
    %swap3A_30 = arith.constant 0 : index
    %swap3A_31 = arith.constant 0 : index
    %swap3A_32 = vector.load %arg3[%swap3A_29, %swap3A_30, %swap3A_31] : memref<2x10240x128xf32, #tpu.memory_space<vmem>>, vector<1x10000x128xf32>
    %swap3A_33 = vector.shape_cast %swap3A_32 : vector<1x10000x128xf32> to vector<10000x128xf32>
    %swap3A_34 = vector.shape_cast %slice3A_28 : vector<10000x128xf32> to vector<1x10000x128xf32>
    tpu.vector_store %arg3[%swap3A_29, %swap3A_30, %swap3A_31], %swap3A_34 {strides = array<i32>} : memref<2x10240x128xf32, #tpu.memory_space<vmem>>, vector<1x10000x128xf32>,
    %broadcast_in_dim3A = arith.constant 0.000000e+00 : f32
    %broadcast_in_dim3A_35 = vector.broadcast %broadcast_in_dim3A : f32 to vector<240x128xf32>
    %swap3A_36 = arith.constant 0 : index
    %swap3A_37 = arith.constant 10000 : index
    %swap3A_38 = arith.constant 0 : index
    %swap3A_39 = vector.load %arg3[%swap3A_36, %swap3A_37, %swap3A_38] : memref<2x10240x128xf32, #tpu.memory_space<vmem>>, vector<1x240x128xf32>
    %swap3A_40 = vector.shape_cast %swap3A_39 : vector<1x240x128xf32> to vector<240x128xf32>
    %swap3A_41 = vector.shape_cast %broadcast_in_dim3A_35 : vector<240x128xf32> to vector<1x240x128xf32>
    tpu.vector_store %arg3[%swap3A_36, %swap3A_37, %swap3A_38], %swap3A_41 {strides = array<i32>} : memref<2x10240x128xf32, #tpu.memory_space<vmem>>, vector<1x240x128xf32>,
    %broadcast_in_dim3A_42 = arith.constant 0.000000e+00 : f32
    %broadcast_in_dim3A_43 = vector.broadcast %broadcast_in_dim3A_42 : f32 to vector<240x128xf32>
    %swap3A_44 = arith.constant 1 : index
    %swap3A_45 = arith.constant 10000 : index
    %swap3A_46 = arith.constant 0 : index
    %swap3A_47 = vector.load %arg3[%swap3A_44, %swap3A_45, %swap3A_46] : memref<2x10240x128xf32, #tpu.memory_space<vmem>>, vector<1x240x128xf32>
    %swap3A_48 = vector.shape_cast %swap3A_47 : vector<1x240x128xf32> to vector<240x128xf32>
    %swap3A_49 = vector.shape_cast %broadcast_in_dim3A_43 : vector<240x128xf32> to vector<1x240x128xf32>
    tpu.vector_store %arg3[%swap3A_44, %swap3A_45, %swap3A_46], %swap3A_49 {strides = array<i32>} : memref<2x10240x128xf32, #tpu.memory_space<vmem>>, vector<1x240x128xf32>,
    return
  }
}

module attributes {stable_mosaic.version = 14 : i64} {
  func.func @body(%arg0: memref<2x10240x128xf32, #tpu.memory_space<vmem>>, %arg1: memref<10000x1xf32, #tpu.memory_space<vmem>>, %arg2: memref<1x256xf32, #tpu.memory_space<vmem>>, %arg3: memref<1x256xf32, #tpu.memory_space<vmem>>, %arg4: memref<1x256xf32, #tpu.memory_space<vmem>>, %arg5: memref<10000x256xf32, #tpu.memory_space<vmem>>, %arg6: memref<256x256xf32, #tpu.memory_space<vmem>>, %arg7: memref<10000x256xf32, #tpu.memory_space<vmem>>, %arg8: memref<2x10240x128xf32, #tpu.memory_space<vmem>>) attributes {dimension_semantics = [], scalar_prefetch = 0 : i64, scratch_operands = 0 : i64, tpu.core_type = #tpu.core_type<tc>} {
    %get3A = arith.constant 0 : index
    %get3A_0 = arith.constant 0 : index
    %get3A_1 = arith.constant 0 : index
    %get3A_2 = vector.load %arg0[%get3A, %get3A_0, %get3A_1] : memref<2x10240x128xf32, #tpu.memory_space<vmem>>, vector<1x10000x128xf32>
    %get3A_3 = vector.shape_cast %get3A_2 : vector<1x10000x128xf32> to vector<10000x128xf32>
    %get3A_4 = arith.constant 1 : index
    %get3A_5 = arith.constant 0 : index
    %get3A_6 = arith.constant 0 : index
    %get3A_7 = vector.load %arg0[%get3A_4, %get3A_5, %get3A_6] : memref<2x10240x128xf32, #tpu.memory_space<vmem>>, vector<1x10000x128xf32>
    %get3A_8 = vector.shape_cast %get3A_7 : vector<1x10000x128xf32> to vector<10000x128xf32>
    %concatenate3A = tpu.concatenate %get3A_3, %get3A_8 in 1 : vector<10000x128xf32>, vector<10000x128xf32> -> vector<10000x256xf32>
    %get3A_9 = arith.constant 0 : index
    %get3A_10 = arith.constant 0 : index
    %get3A_11 = vector.load %arg1[%get3A_9, %get3A_10] : memref<10000x1xf32, #tpu.memory_space<vmem>>, vector<10000x1xf32>
    %mul3A = vector.broadcast %get3A_11 : vector<10000x1xf32> to vector<10000x256xf32>
    %mul3A_12 = arith.mulf %concatenate3A, %mul3A : vector<10000x256xf32>
    %get3A_13 = arith.constant 0 : index
    %get3A_14 = arith.constant 0 : index
    %get3A_15 = vector.load %arg2[%get3A_13, %get3A_14] : memref<1x256xf32, #tpu.memory_space<vmem>>, vector<1x256xf32>
    %add3A = vector.broadcast %get3A_15 : vector<1x256xf32> to vector<10000x256xf32>
    %add3A_16 = arith.addf %mul3A_12, %add3A : vector<10000x256xf32>
    %reduce_sum3A = arith.constant dense<0.000000e+00> : vector<256xf32>
    %reduce_sum3A_17 = vector.multi_reduction <add>, %add3A_16, %reduce_sum3A [0] : vector<10000x256xf32> to vector<256xf32>
    %broadcast_in_dim3A = vector.shape_cast %reduce_sum3A_17 : vector<256xf32> to vector<1x256xf32>
    %div3A = arith.constant 1.000000e+04 : f32
    %div3A_18 = vector.broadcast %div3A : f32 to vector<1x256xf32>
    %div3A_19 = arith.divf %broadcast_in_dim3A, %div3A_18 : vector<1x256xf32>
    %sub3A = vector.broadcast %div3A_19 : vector<1x256xf32> to vector<10000x256xf32>
    %sub3A_20 = arith.subf %add3A_16, %sub3A : vector<10000x256xf32>
    %integer_pow3A = arith.mulf %sub3A_20, %sub3A_20 : vector<10000x256xf32>
    %reduce_sum3A_21 = arith.constant dense<0.000000e+00> : vector<256xf32>
    %reduce_sum3A_22 = vector.multi_reduction <add>, %integer_pow3A, %reduce_sum3A_21 [0] : vector<10000x256xf32> to vector<256xf32>
    %broadcast_in_dim3A_23 = vector.shape_cast %reduce_sum3A_22 : vector<256xf32> to vector<1x256xf32>
    %div3A_24 = arith.constant 1.000000e+04 : f32
    %div3A_25 = vector.broadcast %div3A_24 : f32 to vector<1x256xf32>
    %div3A_26 = arith.divf %broadcast_in_dim3A_23, %div3A_25 : vector<1x256xf32>
    %sub3A_27 = vector.broadcast %div3A_19 : vector<1x256xf32> to vector<10000x256xf32>
    %sub3A_28 = arith.subf %add3A_16, %sub3A_27 : vector<10000x256xf32>
    %add3A_29 = arith.constant 9.99999974E-6 : f32
    %add3A_30 = vector.broadcast %add3A_29 : f32 to vector<1x256xf32>
    %add3A_31 = arith.addf %div3A_26, %add3A_30 : vector<1x256xf32>
    %rsqrt3A = math.rsqrt %add3A_31 : vector<1x256xf32>
    %mul3A_32 = vector.broadcast %rsqrt3A : vector<1x256xf32> to vector<10000x256xf32>
    %mul3A_33 = arith.mulf %sub3A_28, %mul3A_32 : vector<10000x256xf32>
    %get3A_34 = arith.constant 0 : index
    %get3A_35 = arith.constant 0 : index
    %get3A_36 = vector.load %arg3[%get3A_34, %get3A_35] : memref<1x256xf32, #tpu.memory_space<vmem>>, vector<1x256xf32>
    %mul3A_37 = vector.broadcast %get3A_36 : vector<1x256xf32> to vector<10000x256xf32>
    %mul3A_38 = arith.mulf %mul3A_33, %mul3A_37 : vector<10000x256xf32>
    %get3A_39 = arith.constant 0 : index
    %get3A_40 = arith.constant 0 : index
    %get3A_41 = vector.load %arg4[%get3A_39, %get3A_40] : memref<1x256xf32, #tpu.memory_space<vmem>>, vector<1x256xf32>
    %add3A_42 = vector.broadcast %get3A_41 : vector<1x256xf32> to vector<10000x256xf32>
    %add3A_43 = arith.addf %mul3A_38, %add3A_42 : vector<10000x256xf32>
    %max3A = arith.constant 0.000000e+00 : f32
    %max3A_44 = vector.broadcast %max3A : f32 to vector<10000x256xf32>
    %max3A_45 = arith.maximumf %add3A_43, %max3A_44 : vector<10000x256xf32>
    %get3A_46 = arith.constant 0 : index
    %get3A_47 = arith.constant 0 : index
    %get3A_48 = vector.load %arg5[%get3A_46, %get3A_47] : memref<10000x256xf32, #tpu.memory_space<vmem>>, vector<10000x256xf32>
    %add3A_49 = arith.addf %max3A_45, %get3A_48 : vector<10000x256xf32>
    %swap3A = arith.constant 0 : index
    %swap3A_50 = arith.constant 0 : index
    %swap3A_51 = vector.load %arg7[%swap3A, %swap3A_50] : memref<10000x256xf32, #tpu.memory_space<vmem>>, vector<10000x256xf32>
    tpu.vector_store %arg7[%swap3A, %swap3A_50], %add3A_49 {strides = array<i32>} : memref<10000x256xf32, #tpu.memory_space<vmem>>, vector<10000x256xf32>,
    %get3A_52 = arith.constant 0 : index
    %get3A_53 = arith.constant 0 : index
    %get3A_54 = vector.load %arg6[%get3A_52, %get3A_53] : memref<256x256xf32, #tpu.memory_space<vmem>>, vector<256x256xf32>
    %dot_general3A = arith.constant dense<0.000000e+00> : vector<10000x256xf32>
    %dot_general3A_55 = tpu.matmul %add3A_49, %get3A_54, %dot_general3A {dimension_numbers = #tpu.dot_dimension_numbers<[1], [0], [0], [1], [0, 0, 1, 1], [], []>, transpose_lhs_hint = false} : vector<10000x256xf32>, vector<256x256xf32>, vector<10000x256xf32> -> vector<10000x256xf32>
    %get3A_56 = arith.constant 0 : index
    %get3A_57 = arith.constant 0 : index
    %get3A_58 = vector.load %arg1[%get3A_56, %get3A_57] : memref<10000x1xf32, #tpu.memory_space<vmem>>, vector<10000x1xf32>
    %mul3A_59 = vector.broadcast %get3A_58 : vector<10000x1xf32> to vector<10000x256xf32>
    %mul3A_60 = arith.mulf %dot_general3A_55, %mul3A_59 : vector<10000x256xf32>
    %slice3A = vector.extract_strided_slice %mul3A_60 {offsets = [0, 0], sizes = [10000, 128], strides = [1, 1]} : vector<10000x256xf32> to vector<10000x128xf32>
    %swap3A_61 = arith.constant 0 : index
    %swap3A_62 = arith.constant 0 : index
    %swap3A_63 = arith.constant 0 : index
    %swap3A_64 = vector.load %arg8[%swap3A_61, %swap3A_62, %swap3A_63] : memref<2x10240x128xf32, #tpu.memory_space<vmem>>, vector<1x10000x128xf32>
    %swap3A_65 = vector.shape_cast %swap3A_64 : vector<1x10000x128xf32> to vector<10000x128xf32>
    %swap3A_66 = vector.shape_cast %slice3A : vector<10000x128xf32> to vector<1x10000x128xf32>
    tpu.vector_store %arg8[%swap3A_61, %swap3A_62, %swap3A_63], %swap3A_66 {strides = array<i32>} : memref<2x10240x128xf32, #tpu.memory_space<vmem>>, vector<1x10000x128xf32>,
    %slice3A_67 = vector.extract_strided_slice %mul3A_60 {offsets = [0, 128], sizes = [10000, 128], strides = [1, 1]} : vector<10000x256xf32> to vector<10000x128xf32>
    %swap3A_68 = arith.constant 1 : index
    %swap3A_69 = arith.constant 0 : index
    %swap3A_70 = arith.constant 0 : index
    %swap3A_71 = vector.load %arg8[%swap3A_68, %swap3A_69, %swap3A_70] : memref<2x10240x128xf32, #tpu.memory_space<vmem>>, vector<1x10000x128xf32>
    %swap3A_72 = vector.shape_cast %swap3A_71 : vector<1x10000x128xf32> to vector<10000x128xf32>
    %swap3A_73 = vector.shape_cast %slice3A_67 : vector<10000x128xf32> to vector<1x10000x128xf32>
    tpu.vector_store %arg8[%swap3A_68, %swap3A_69, %swap3A_70], %swap3A_73 {strides = array<i32>} : memref<2x10240x128xf32, #tpu.memory_space<vmem>>, vector<1x10000x128xf32>,
    %broadcast_in_dim3A_74 = arith.constant 0.000000e+00 : f32
    %broadcast_in_dim3A_75 = vector.broadcast %broadcast_in_dim3A_74 : f32 to vector<240x128xf32>
    %swap3A_76 = arith.constant 0 : index
    %swap3A_77 = arith.constant 10000 : index
    %swap3A_78 = arith.constant 0 : index
    %swap3A_79 = vector.load %arg8[%swap3A_76, %swap3A_77, %swap3A_78] : memref<2x10240x128xf32, #tpu.memory_space<vmem>>, vector<1x240x128xf32>
    %swap3A_80 = vector.shape_cast %swap3A_79 : vector<1x240x128xf32> to vector<240x128xf32>
    %swap3A_81 = vector.shape_cast %broadcast_in_dim3A_75 : vector<240x128xf32> to vector<1x240x128xf32>
    tpu.vector_store %arg8[%swap3A_76, %swap3A_77, %swap3A_78], %swap3A_81 {strides = array<i32>} : memref<2x10240x128xf32, #tpu.memory_space<vmem>>, vector<1x240x128xf32>,
    %broadcast_in_dim3A_82 = arith.constant 0.000000e+00 : f32
    %broadcast_in_dim3A_83 = vector.broadcast %broadcast_in_dim3A_82 : f32 to vector<240x128xf32>
    %swap3A_84 = arith.constant 1 : index
    %swap3A_85 = arith.constant 10000 : index
    %swap3A_86 = arith.constant 0 : index
    %swap3A_87 = vector.load %arg8[%swap3A_84, %swap3A_85, %swap3A_86] : memref<2x10240x128xf32, #tpu.memory_space<vmem>>, vector<1x240x128xf32>
    %swap3A_88 = vector.shape_cast %swap3A_87 : vector<1x240x128xf32> to vector<240x128xf32>
    %swap3A_89 = vector.shape_cast %broadcast_in_dim3A_83 : vector<240x128xf32> to vector<1x240x128xf32>
    tpu.vector_store %arg8[%swap3A_84, %swap3A_85, %swap3A_86], %swap3A_89 {strides = array<i32>} : memref<2x10240x128xf32, #tpu.memory_space<vmem>>, vector<1x240x128xf32>,
    return
  }
}

module attributes {stable_mosaic.version = 14 : i64} {
  func.func @_fin_body(%arg0: memref<2x10240x128xf32, #tpu.memory_space<vmem>>, %arg1: memref<10000x1xf32, #tpu.memory_space<vmem>>, %arg2: memref<1x256xf32, #tpu.memory_space<vmem>>, %arg3: memref<1x256xf32, #tpu.memory_space<vmem>>, %arg4: memref<1x256xf32, #tpu.memory_space<vmem>>, %arg5: memref<10000x256xf32, #tpu.memory_space<vmem>>, %arg6: memref<1x10000xi32, #tpu.memory_space<vmem>>, %arg7: memref<256x1xf32, #tpu.memory_space<vmem>>, %arg8: memref<1x1xf32, #tpu.memory_space<vmem>>, %arg9: memref<64x1xf32, #tpu.memory_space<vmem>>) attributes {dimension_semantics = [], scalar_prefetch = 0 : i64, scratch_operands = 0 : i64, tpu.core_type = #tpu.core_type<tc>} {
    %get3A = arith.constant 0 : index
    %get3A_0 = arith.constant 0 : index
    %get3A_1 = arith.constant 0 : index
    %get3A_2 = vector.load %arg0[%get3A, %get3A_0, %get3A_1] : memref<2x10240x128xf32, #tpu.memory_space<vmem>>, vector<1x10000x128xf32>
    %get3A_3 = vector.shape_cast %get3A_2 : vector<1x10000x128xf32> to vector<10000x128xf32>
    %get3A_4 = arith.constant 1 : index
    %get3A_5 = arith.constant 0 : index
    %get3A_6 = arith.constant 0 : index
    %get3A_7 = vector.load %arg0[%get3A_4, %get3A_5, %get3A_6] : memref<2x10240x128xf32, #tpu.memory_space<vmem>>, vector<1x10000x128xf32>
    %get3A_8 = vector.shape_cast %get3A_7 : vector<1x10000x128xf32> to vector<10000x128xf32>
    %concatenate3A = tpu.concatenate %get3A_3, %get3A_8 in 1 : vector<10000x128xf32>, vector<10000x128xf32> -> vector<10000x256xf32>
    %get3A_9 = arith.constant 0 : index
    %get3A_10 = arith.constant 0 : index
    %get3A_11 = vector.load %arg1[%get3A_9, %get3A_10] : memref<10000x1xf32, #tpu.memory_space<vmem>>, vector<10000x1xf32>
    %mul3A = vector.broadcast %get3A_11 : vector<10000x1xf32> to vector<10000x256xf32>
    %mul3A_12 = arith.mulf %concatenate3A, %mul3A : vector<10000x256xf32>
    %get3A_13 = arith.constant 0 : index
    %get3A_14 = arith.constant 0 : index
    %get3A_15 = vector.load %arg2[%get3A_13, %get3A_14] : memref<1x256xf32, #tpu.memory_space<vmem>>, vector<1x256xf32>
    %add3A = vector.broadcast %get3A_15 : vector<1x256xf32> to vector<10000x256xf32>
    %add3A_16 = arith.addf %mul3A_12, %add3A : vector<10000x256xf32>
    %reduce_sum3A = arith.constant dense<0.000000e+00> : vector<256xf32>
    %reduce_sum3A_17 = vector.multi_reduction <add>, %add3A_16, %reduce_sum3A [0] : vector<10000x256xf32> to vector<256xf32>
    %broadcast_in_dim3A = vector.shape_cast %reduce_sum3A_17 : vector<256xf32> to vector<1x256xf32>
    %div3A = arith.constant 1.000000e+04 : f32
    %div3A_18 = vector.broadcast %div3A : f32 to vector<1x256xf32>
    %div3A_19 = arith.divf %broadcast_in_dim3A, %div3A_18 : vector<1x256xf32>
    %sub3A = vector.broadcast %div3A_19 : vector<1x256xf32> to vector<10000x256xf32>
    %sub3A_20 = arith.subf %add3A_16, %sub3A : vector<10000x256xf32>
    %integer_pow3A = arith.mulf %sub3A_20, %sub3A_20 : vector<10000x256xf32>
    %reduce_sum3A_21 = arith.constant dense<0.000000e+00> : vector<256xf32>
    %reduce_sum3A_22 = vector.multi_reduction <add>, %integer_pow3A, %reduce_sum3A_21 [0] : vector<10000x256xf32> to vector<256xf32>
    %broadcast_in_dim3A_23 = vector.shape_cast %reduce_sum3A_22 : vector<256xf32> to vector<1x256xf32>
    %div3A_24 = arith.constant 1.000000e+04 : f32
    %div3A_25 = vector.broadcast %div3A_24 : f32 to vector<1x256xf32>
    %div3A_26 = arith.divf %broadcast_in_dim3A_23, %div3A_25 : vector<1x256xf32>
    %sub3A_27 = vector.broadcast %div3A_19 : vector<1x256xf32> to vector<10000x256xf32>
    %sub3A_28 = arith.subf %add3A_16, %sub3A_27 : vector<10000x256xf32>
    %add3A_29 = arith.constant 9.99999974E-6 : f32
    %add3A_30 = vector.broadcast %add3A_29 : f32 to vector<1x256xf32>
    %add3A_31 = arith.addf %div3A_26, %add3A_30 : vector<1x256xf32>
    %rsqrt3A = math.rsqrt %add3A_31 : vector<1x256xf32>
    %mul3A_32 = vector.broadcast %rsqrt3A : vector<1x256xf32> to vector<10000x256xf32>
    %mul3A_33 = arith.mulf %sub3A_28, %mul3A_32 : vector<10000x256xf32>
    %get3A_34 = arith.constant 0 : index
    %get3A_35 = arith.constant 0 : index
    %get3A_36 = vector.load %arg3[%get3A_34, %get3A_35] : memref<1x256xf32, #tpu.memory_space<vmem>>, vector<1x256xf32>
    %mul3A_37 = vector.broadcast %get3A_36 : vector<1x256xf32> to vector<10000x256xf32>
    %mul3A_38 = arith.mulf %mul3A_33, %mul3A_37 : vector<10000x256xf32>
    %get3A_39 = arith.constant 0 : index
    %get3A_40 = arith.constant 0 : index
    %get3A_41 = vector.load %arg4[%get3A_39, %get3A_40] : memref<1x256xf32, #tpu.memory_space<vmem>>, vector<1x256xf32>
    %add3A_42 = vector.broadcast %get3A_41 : vector<1x256xf32> to vector<10000x256xf32>
    %add3A_43 = arith.addf %mul3A_38, %add3A_42 : vector<10000x256xf32>
    %max3A = arith.constant 0.000000e+00 : f32
    %max3A_44 = vector.broadcast %max3A : f32 to vector<10000x256xf32>
    %max3A_45 = arith.maximumf %add3A_43, %max3A_44 : vector<10000x256xf32>
    %get3A_46 = arith.constant 0 : index
    %get3A_47 = arith.constant 0 : index
    %get3A_48 = vector.load %arg5[%get3A_46, %get3A_47] : memref<10000x256xf32, #tpu.memory_space<vmem>>, vector<10000x256xf32>
    %add3A_49 = arith.addf %max3A_45, %get3A_48 : vector<10000x256xf32>
    %get3A_50 = arith.constant 0 : index
    %get3A_51 = arith.constant 0 : index
    %get3A_52 = vector.load %arg7[%get3A_50, %get3A_51] : memref<256x1xf32, #tpu.memory_space<vmem>>, vector<256x1xf32>
    %dot_general3A = arith.constant dense<0.000000e+00> : vector<10000x1xf32>
    %dot_general3A_53 = tpu.matmul %add3A_49, %get3A_52, %dot_general3A {dimension_numbers = #tpu.dot_dimension_numbers<[1], [0], [0], [1], [0, 0, 1, 1], [], []>, transpose_lhs_hint = false} : vector<10000x256xf32>, vector<256x1xf32>, vector<10000x1xf32> -> vector<10000x1xf32>
    %broadcast_in_dim3A_54 = arith.constant 1.000000e+00 : f32
    %broadcast_in_dim3A_55 = vector.broadcast %broadcast_in_dim3A_54 : f32 to vector<10000x1xf32>
    %concatenate3A_56 = tpu.concatenate %dot_general3A_53, %broadcast_in_dim3A_55 in 1 : vector<10000x1xf32>, vector<10000x1xf32> -> vector<10000x2xf32>
    %iota3A = tpu.iota {dimensions = array<i32: 0>} : vector<64x10000xi32>
    %get3A_57 = arith.constant 0 : index
    %get3A_58 = arith.constant 0 : index
    %get3A_59 = vector.load %arg6[%get3A_57, %get3A_58] : memref<1x10000xi32, #tpu.memory_space<vmem>>, vector<1x10000xi32>
    %eq3A = vector.broadcast %get3A_59 : vector<1x10000xi32> to vector<64x10000xi32>
    %eq3A_60 = arith.cmpi eq, %iota3A, %eq3A : vector<64x10000xi32>
    %convert_element_type3A = arith.extui %eq3A_60 : vector<64x10000xi1> to vector<64x10000xi32>
    %convert_element_type3A_61 = arith.sitofp %convert_element_type3A : vector<64x10000xi32> to vector<64x10000xf32>
    %dot_general3A_62 = arith.constant dense<0.000000e+00> : vector<64x2xf32>
    %dot_general3A_63 = tpu.matmul %convert_element_type3A_61, %concatenate3A_56, %dot_general3A_62 {dimension_numbers = #tpu.dot_dimension_numbers<[1], [0], [0], [1], [0, 0, 1, 1], [], []>, transpose_lhs_hint = false} : vector<64x10000xf32>, vector<10000x2xf32>, vector<64x2xf32> -> vector<64x2xf32>
    %slice3A = vector.extract_strided_slice %dot_general3A_63 {offsets = [0, 0], sizes = [64, 1], strides = [1, 1]} : vector<64x2xf32> to vector<64x1xf32>
    %slice3A_64 = vector.extract_strided_slice %dot_general3A_63 {offsets = [0, 1], sizes = [64, 1], strides = [1, 1]} : vector<64x2xf32> to vector<64x1xf32>
    %max3A_65 = arith.constant 1.000000e+00 : f32
    %max3A_66 = vector.broadcast %max3A_65 : f32 to vector<64x1xf32>
    %max3A_67 = arith.maximumf %slice3A_64, %max3A_66 : vector<64x1xf32>
    %div3A_68 = arith.divf %slice3A, %max3A_67 : vector<64x1xf32>
    %get3A_69 = arith.constant 0 : index
    %get3A_70 = arith.constant 0 : index
    %get3A_71 = vector.load %arg8[%get3A_69, %get3A_70] : memref<1x1xf32, #tpu.memory_space<vmem>>, vector<1x1xf32>
    %add3A_72 = vector.broadcast %get3A_71 : vector<1x1xf32> to vector<64x1xf32>
    %add3A_73 = arith.addf %div3A_68, %add3A_72 : vector<64x1xf32>
    %swap3A = arith.constant 0 : index
    %swap3A_74 = arith.constant 0 : index
    %swap3A_75 = vector.load %arg9[%swap3A, %swap3A_74] : memref<64x1xf32, #tpu.memory_space<vmem>>, vector<64x1xf32>
    tpu.vector_store %arg9[%swap3A, %swap3A_74], %add3A_73 {strides = array<i32>} : memref<64x1xf32, #tpu.memory_space<vmem>>, vector<64x1xf32>,
    return
  }
}

</mosaic_0001>

<sc_bundles>
// kernel: kernel.10.cloned.1.call-start
scs
__scs_entry_jumppad:
0x0: {  	(pc) =	sbr.rel $0x88, $3  }
0x1: {  	(tag) =	ssettag $0x0;
	lr =	simm.s32 $0x1  }
0x2: {  	[smem:$0x3F90] =	sst lr;
	_ =	strace $0xD0000000  }
0x3: {  	_ = 	snop  }
0x4: {  	_ = 	snop  }
0x5: {  	_ = 	snop  }
0x6: {  	_ = 	snop  }
0x7: {  	_ = 	snop  }
__scs_overlays_trampoline_lowered:
0x8: {  	[smem:$0x3F9F] =	sst s0  }
0x9: {  	[smem:$0x3FA0] =	sst s1  }
0xa: {  	[smem:$0x3FA1] =	sst s2  }
0xb: {  	[smem:$0x3FA2] =	sst s3  }
0xc: {  	[smem:$0x3FA3] =	sst s4  }
0xd: {  	[smem:$0x3FA4] =	sst s5  }
0xe: {  	[smem:$0x3FA5] =	sst s6  }
0xf: {  	[smem:$0x3FA6] =	sst s7  }
0x10: {  	[smem:$0x3FA7] =	sst s8  }
0x11: {  	[smem:$0x3FA8] =	sst s9;
	s0 =	simm.s32 @!p0 $0x0  }
0x12: {  	s1 =	sld [smem:$0x3F8E];
	s0 =	simm.s32 @p0 $0x1  }
0x13: {  	[smem:$0x3FA9] =	sst s0;
	s0 =	simm.s32 @!p1 $0x0  }
0x14: {  	s2 =	sld [smem:$0x3F8D];
	s0 =	simm.s32 @p1 $0x1  }
0x15: {  	[smem:$0x3FAA] =	sst s0;
	s0 =	simm.s32 @!p2 $0x0  }
0x16: {  	s3 =	sld [smem:$0x3FDB];
	s0 =	simm.s32 @p2 $0x1  }
0x17: {  	s4 =	simm.s32 $0x1BF5;
	[smem:$0x3FAC] =	sst s0  }
0x18: {  	s0 =	sld [smem:$0x3F8F];
	_ =	swait.ge [sflag:s4], $0x0  }
0x19: {  	s7 =	sld [smem:$0x3F90]  }
0x1a: {  	s8 =	sadd.s32 $0xFFFFE003, lr  }
0x1b: {  	s9 =	sadd.s32 $0xFFFFFEF7, lr;
	s5 =	simm.s32 $0xFFFFFFFF;
	p2 =	slt.u32 s8, $0xFFFFF086  }
0x1c: {  	p1 =	slt.u32 s9, $0xF7A;
	s5 =	simm.s32 @!p2 $0x0  }
0x1d: {  	s5 =	simm.s32 @p1 $0x1;
	p0 =	seq.s32 s7, s2  }
0x1e: {  	s7 =	smul.u32 @!p0 $0xF7A, s2;
	p2 =	seq.s32 @!p0 s5, $0x0  }
0x1f: {  	s9 =	smul.u32 $0xF7A, s1;
	s8 =	simm.s32 @!p0 $0x1BF5;
	p2 =	por !p2, p0  }
0x20: {  	[sflag:s8] =	ssyncset.s32 @!p0 $0xFFFFF086;
	s6 =	sadd.s32 @!p0 s3, s7;
	s7 =	simm.s32 @!p0 $0x108  }
0x21: {  	s3 =	sadd.s32 s3, s9;
	s6 =	sadd.s32 @!p0 $0x88, s6;
	s7 =	simm.s32 @p2 $0x1082  }
0x22: {  	[simem:s7], [sflag:s8] =	dma.local @!p0 [hbm:s6], $0xF7A  }
0x23: {  	s9 =	sor.u32 $0xD0000000, s2;
	s6 =	simm.s32 $0x108;
	_ =	swait.ge @!p0 [sflag:s8], $0x0  }
0x24: {  	s3 =	sadd.s32 $0x88, s3;
	s6 =	simm.s32 @!p1 $0x1082;
	[sflag:s4] =	ssyncset.s32 $0xFFFFF086  }
0x25: {  	[simem:s6], [sflag:s4] =	dma.local [hbm:s3], $0xF7A  }
0x26: {  	[smem:$0x3F90] =	sst s1;
	(tag) =	ssettag s2;
	_ =	strace s9  }
0x27: {  	s1 =	sld [smem:$0x3FA0]  }
0x28: {  	s2 =	sld [smem:$0x3FA1]  }
0x29: {  	s4 =	sld [smem:$0x3FA3]  }
0x2a: {  	p0 =	seq.s32 s5, $0x0;
	s5 =	sld [smem:$0x3FA4]  }
0x2b: {  	s6 =	sld [smem:$0x3FA5]  }
0x2c: {  	s7 =	sld [smem:$0x3FA6]  }
0x2d: {  	s3 =	simm.s32 $0x108;
	s8 =	sld [smem:$0x3FA7]  }
0x2e: {  	s3 =	simm.s32 @!p0 $0x1082;
	s9 =	sld [smem:$0x3FA8]  }
0x2f: {  	lr =	sadd.s32 s0, s3;
	s0 =	sld [smem:$0x3F9F]  }
0x30: {  	s3 =	sld [smem:$0x3FA2]  }
0x31: {  	[smem:$0x3FAB] =	sst s10  }
0x32: {  	s10 =	sld [smem:$0x3FA9];
	_ =	sdelay $0x3  }
0x33: {  	p0 =	seq.s32 s10, $0x1;
	s10 =	sld [smem:$0x3FAB];
	_ =	sdelay $0x3  }
0x34: {  	[smem:$0x3FAB] =	sst s10  }
0x35: {  	s10 =	sld [smem:$0x3FAA];
	_ =	sdelay $0x3  }
0x36: {  	p1 =	seq.s32 s10, $0x1;
	s10 =	sld [smem:$0x3FAB];
	_ =	sdelay $0x3  }
0x37: {  	[smem:$0x3FAB] =	sst s10  }
0x38: {  	s10 =	sld [smem:$0x3FAC]  }
0x39: {  	_ = 	snop;
	(pc) =	sbr.ind lr, $3  }
0x3a: {  	_ = 	snop  }
0x3b: {  	_ = 	snop  }
0x3c: {  	p2 =	seq.s32 s10, $0x1;
	s10 =	sld [smem:$0x3FAB]  }
0x3d: {  	_ =	shalt  }
0x3e: {  	_ =	shalt  }
0x3f: {  	_ =	shalt  }
0x40: {  	_ =	shalt  }
0x41: {  	_ =	shalt  }
0x42: {  	_ =	shalt  }
0x43: {  	_ =	shalt  }
0x44: {  	_ =	shalt  }
0x45: {  	_ =	shalt  }
0x46: {  	_ =	shalt  }
0x47: {  	_ =	shalt  }
0x48: {  	_ =	shalt  }
0x49: {  	_ =	shalt  }
0x4a: {  	_ =	shalt  }
0x4b: {  	_ =	shalt  }
0x4c: {  	_ =	shalt  }
0x4d: {  	_ =	shalt  }
0x4e: {  	_ =	shalt  }
0x4f: {  	_ =	shalt  }
0x50: {  	_ =	shalt  }
0x51: {  	_ =	shalt  }
0x52: {  	_ =	shalt  }
0x53: {  	_ =	shalt  }
0x54: {  	_ =	shalt  }
0x55: {  	_ =	shalt  }
0x56: {  	_ =	shalt  }
0x57: {  	_ =	shalt  }
0x58: {  	_ =	shalt  }
0x59: {  	_ =	shalt  }
0x5a: {  	_ =	shalt  }
0x5b: {  	_ =	shalt  }
0x5c: {  	_ =	shalt  }
0x5d: {  	_ =	shalt  }
0x5e: {  	_ =	shalt  }
0x5f: {  	_ =	shalt  }
0x60: {  	_ =	shalt  }
0x61: {  	_ =	shalt  }
0x62: {  	_ =	shalt  }
0x63: {  	_ =	shalt  }
0x64: {  	_ =	shalt  }
0x65: {  	_ =	shalt  }
0x66: {  	_ =	shalt  }
0x67: {  	_ =	shalt  }
0x68: {  	_ =	shalt  }
0x69: {  	_ =	shalt  }
0x6a: {  	_ =	shalt  }
0x6b: {  	_ =	shalt  }
0x6c: {  	_ =	shalt  }
0x6d: {  	_ =	shalt  }
0x6e: {  	_ =	shalt  }
0x6f: {  	_ =	shalt  }
0x70: {  	_ =	shalt  }
0x71: {  	_ =	shalt  }
0x72: {  	_ =	shalt  }
0x73: {  	_ =	shalt  }
0x74: {  	_ =	shalt  }
0x75: {  	_ =	shalt  }
0x76: {  	_ =	shalt  }
0x77: {  	_ =	shalt  }
0x78: {  	_ =	shalt  }
0x79: {  	_ =	shalt  }
0x7a: {  	_ =	shalt  }
0x7b: {  	_ =	shalt  }
0x7c: {  	_ =	shalt  }
0x7d: {  	_ =	shalt  }
0x7e: {  	_ =	shalt  }
0x7f: {  	_ =	shalt  }
0x80: {  	_ =	shalt  }
0x81: {  	_ =	shalt  }
0x82: {  	_ =	shalt  }
0x83: {  	_ =	shalt  }
0x84: {  	_ =	shalt  }
0x85: {  	_ =	shalt  }
0x86: {  	_ =	shalt  }
0x87: {  	_ =	shalt  }
.Lfunc_end0:
.L_simem_size_0:
called_computation_lowered:
.L_overlay_start_0:
0x88: {  	s2 =	sld [smem:$0x3FD9]  }
0x89: {  	s3 =	sld [smem:$0x3FFE];
	_ =	sdelay $0x1  }
0x8a: {  	s1 =	srdreg.scid  }
0x8b: {  	s0 =	sand.u32 $0x1, s1  }
0x8c: {  	s16 =	sshll.u32 s0, $0xA;
	s2 =	sadd.s32 s3, s2  }
0x8d: {  	s2 =	sadd.s32 s2, s16  }
0x8e: {  	[smem:$0x3FB7] =	sst s2  }
0x8f: {  	_ = 	snop  }
0x90: {  	(tm) =	ssettm $0x1  }
0x91: {  	s17 =	sld [smem:$0x3FFB];
	_ =	sdelay $0x3  }
0x92: {  	_ =	strace s17  }
0x93: {  	s2 =	sld [smem:$0x3FFC];
	_ =	sdelay $0x3  }
0x94: {  	_ =	strace s2  }
0x95: {  	s2 =	sld [smem:$0x3FFD];
	_ =	sdelay $0x3  }
0x96: {  	_ =	strace s2  }
0x97: {  	_ =	strace $0x8FFFFFFF  }
0x98: {  	s18 =	sld [smem:$0x3FDB];
	_ =	sdelay $0x1  }
0x99: {  	s19 =	simm.s32 $_scs_section_size  }
0x9a: {  	s4 =	simm.s32 $_size__tile_overlayer_lowered;
	s5 =	simm.s32 $_tile_overlayer_lowered  }
0x9b: {  	s22 =	simm.s32 $0x1BFF;
	s21 =	sshll.u32 s5, $0x1;
	s2 =	sadd.s32 s19, s18  }
0x9c: {  	s6 =	simm.s32 $0x0;
	s20 =	sshll.u32 s4, $0x1;
	s4 =	sadd.s32 s21, s2  }
0x9d: {  	[timem:s6], [sflag:s22] =	dma.local [hbm:s4], s20  }
0x9e: {  	_ =	swait.ge [sflag:s22], s20  }
0x9f: {  	s3 =	ssub.s32 $0x0, s20;
	[sflag:s22] =	ssyncset.done $0x0  }
0xa0: {  	[sflag:s22] =	ssyncadd.s32 s3;
	_ =	sdelay $0x1  }
0xa1: {  	s23 =	simm.s32 $0x1B8B  }
0xa2: {  	_ =	swait.ge [sflag:s23], $0x1  }
0xa3: {  	[sflag:s23] =	ssyncset.done $0x0  }
0xa4: {  	s25 =	simm.s32 $0x1B8E;
	s24 =	sld [smem:$0x3FFE];
	[sflag:s23] =	ssyncadd.s32 $0xFFFFFFFF  }
0xa5: {  	s26 =	simm.s32 $execute0_lowered;
	[smem:$0x3FD2] =	sst s25  }
0xa6: {  	s4 =	sshll.u32 s26, $0x1;
	_ =	strace $0x80000046;
	[dreg:$0x1] =	wrdreg $0xFFFFFFFF  }
0xa7: {  	s28 =	simm.s32 $_size_execute0_lowered;
	s2 =	sadd.s32 s2, s4;
	[dreg:$0x0] =	wrdreg $0x0  }
0xa8: {  	s4 =	sshll.u32 s28, $0x1;
	[dreg:$0x2] =	wrdreg s2  }
0xa9: {  	[dreg:$0x3] =	wrdreg s4  }
0xaa: {  	[dreg:$0x4] =	wrdreg $0xC0  }
0xab: {  	_ =	task [dreg:s6], $0x5FFFF  }
0xac: {  	[dreg:$0x1] =	wrdreg $0xFFFFFFFF  }
0xad: {  	[dreg:$0x0] =	wrdreg $0x60  }
0xae: {  	[dreg:$0x2] =	wrdreg s24  }
0xaf: {  	[dreg:$0x3] =	wrdreg $0x0  }
0xb0: {  	[dreg:$0x4] =	wrdreg $0x9  }
0xb1: {  	_ =	task.clear_ibuf [dreg:s6], $0x5FFFF;
	_ =	strace $0x90000046  }
0xb2: {  	s29 =	simm.s32 $0x9;
	_ =	strace $0x80000048  }
0xb3: {  	_ =	swait.ge [sflag:s29], $0x1  }
0xb4: {  	[sflag:s29] =	ssyncadd.s32 $0xFFFFFFFF  }
0xb5: {  	_ =	strace $0x90000048  }
0xb6: {  	_ =	sfence  }
0xb7: {  	s30 =	sld [smem:$0x0];
	_ =	sdelay $0x2  }
0xb8: {  	s31 =	sshll.u32 s1, $0xD;
	s1 =	sshrl.u32 s1, $0x2  }
0xb9: {  	s3 =	sand.u32 $0x4000, s31;
	s1 =	sadd.s32 s1, s30  }
0xba: {  	s0 =	sor.u32 s3, s0;
	s1 =	sshll.u32 s1, $0x11  }
0xbb: {  	s0 =	sor.u32 s1, s0  }
0xbc: {  	s0 =	sadd.s32 $0x8F2B, s0  }
0xbd: {  	[sflag:s0] =	ssyncadd.remote.s32 $0x1  }
0xbe: {  	_ =	sfence.sel $0xFFFF  }
0xbf: {  	[dreg:$0x0] =	wrdreg $0xFFFFFFFF;
	(pc) =	sbr.abs _section_cstart, $3  }
0xc0: {  	[dreg:$0x1] =	wrdreg $0xFFFFFFFF  }
0xc1: {  	_ =	task.clear_ibuf [dreg:s6], $0x2FFFF;
	_ =	strace $0x9FFFFFFF  }
0xc2: {  	(tm) =	ssettm $0x7FFFFFFF  }
0xc3: {  	_ =	shalt  }
tec
execute0_lowered:
.L_overlay_start_1:
0x0: {  	(tag) =	ssettag $0x1  }
0x1: {  	s0 =	srdreg.scid  }
0x2: {  	s1 =	rddreg [dreg:$0x0];
	s9 =	stileid.u32  }
0x3: {  	s2 =	rddreg [dreg:$0x1];
	s5 =	smul.u32 $0x50000, s9  }
0x4: {  	s3 =	simm.s32 $0x0;
	s0 =	sand.u32 $0x1, s0;
	s10 =	smul.u32 $0x280, s9  }
0x5: {  	[smem:$0x7FF] =	sst s3;
	s8 =	sadd.s32 $0xB200, s1;
	s14 =	smul.u32 $0x2800, s9  }
0x6: {  	s4 =	sshll.u32 s0, $0x4;
	_ =	strace $0x80000047;
	s20 =	ssub.s32 $0x2, s0  }
0x7: {  	p0 =	seq.s32 s0, $0x1;
	s4 =	sor.u32 s9, s4;
	s7 =	sshrl.u32 s20, $0x1  }
0x8: {  	s5 =	sshrl.u32 s5, $0x2;
	s22 =	sor.u32 $0x40, s10;
	s25 =	sadd.s32 $0x80, s10  }
0x9: {  	s17 =	sadd.s32 $0x100, s10;
	s12 =	sadd.s32 $0x140, s10;
	[dreg:$0x4] =	wrdreg s14  }
0xa: {  	s4 =	smul.u32 $0x500, s4;
	s7 =	ssub.s32 s20, s7;
	s24 =	sshll.u32 s22, $0x7  }
0xb: {  	s26 =	sshll.u32 s25, $0x7;
	s16 =	sshll.u32 s22, $0x4;
	s18 =	sshll.u32 s25, $0x4  }
0xc: {  	s19 =	sshll.u32 s17, $0x7;
	s22 =	sshll.u32 s17, $0x4;
	s25 =	sadd.s32 $0x1C0, s10  }
0xd: {  	s23 =	smax.u32 s7, $0x1;
	s9 =	sadd.s32 s24, s2;
	[dreg:$0x5] =	wrdreg s16  }
0xe: {  	s11 =	sadd.s32 s26, s2;
	s7 =	sadd.s32 $0xC0, s10;
	[dreg:$0x6] =	wrdreg s18  }
0xf: {  	s26 =	sshll.u32 s25, $0x7;
	[dreg:$0x8] =	wrdreg s22;
	s6 =	sadd.s32 s4, s1  }
0x10: {  	s4 =	sadd.s32 s5, s2;
	[dreg:$0x18] =	wrdreg s23;
	s15 =	sshll.u32 s7, $0x7  }
0x11: {  	s20 =	sshll.u32 s7, $0x4;
	s23 =	sadd.s32 $0x180, s10;
	s7 =	sadd.s32 $0x240, s10  }
0x12: {  	s21 =	sadd.s32 $0x1200, s6;
	s6 =	sadd.s32 $0x33200, s1;
	s13 =	sadd.s32 s15, s2  }
0x13: {  	s15 =	sadd.s32 s19, s2;
	s24 =	sshll.u32 s23, $0x7;
	s1 =	sadd.s32 $0x200, s10  }
0x14: {  	s10 =	sshll.u32 s7, $0x7;
	[dreg:$0x7] =	wrdreg s20;
	s28 =	sadd.s32 $0x2000, s4  }
0x15: {  	[dreg:$0x3] =	wrdreg s21;
	s21 =	sshll.u32 s12, $0x7;
	s12 =	sshll.u32 s12, $0x4  }
0x16: {  	s19 =	sadd.s32 s24, s2;
	s24 =	sshll.u32 s23, $0x4;
	s0 =	sshll.u32 s1, $0x4  }
0x17: {  	s17 =	sadd.s32 s21, s2;
	s21 =	sadd.s32 s26, s2;
	[dreg:$0x9] =	wrdreg s12  }
0x18: {  	s26 =	sshll.u32 s25, $0x4;
	s25 =	sshll.u32 s1, $0x7;
	[dreg:$0xa] =	wrdreg s24  }
0x19: {  	s1 =	sshll.u32 s7, $0x4;
	s7 =	sadd.s32 s8, s14;
	[dreg:$0xc] =	wrdreg s0  }
0x1a: {  	s29 =	sadd.s32 $0x4000, s4;
	s14 =	sadd.s32 s8, s18;
	[dreg:$0xe] =	wrdreg s7  }
0x1b: {  	s30 =	sadd.s32 $0x6000, s4;
	s18 =	sadd.s32 s8, s22;
	[dreg:$0x10] =	wrdreg s14  }
0x1c: {  	s31 =	sadd.s32 $0xA000, s4;
	s22 =	sadd.s32 s8, s24;
	[dreg:$0x12] =	wrdreg s18  }
0x1d: {  	s0 =	sadd.s32 s8, s0;
	s23 =	sadd.s32 s25, s2;
	[dreg:$0x14] =	wrdreg s22  }
0x1e: {  	s25 =	sadd.s32 s10, s2;
	s10 =	sadd.s32 s8, s16;
	[dreg:$0xb] =	wrdreg s26  }
0x1f: {  	s16 =	sadd.s32 s8, s20;
	s20 =	sadd.s32 s8, s12;
	[dreg:$0x16] =	wrdreg s0  }
0x20: {  	s24 =	sadd.s32 s8, s26;
	[dreg:$0xd] =	wrdreg s1;
	s26 =	sadd.s32 s8, s1  }
0x21: {  	s0 =	sadd.s32 $0xC000, s4;
	s1 =	sadd.s32 $0xE000, s4;
	[dreg:$0xf] =	wrdreg s10  }
.Ltmp0:
0x22: {  	s18 =	sadd.s32 $0x10000, s4;
	[dreg:$0x11] =	wrdreg s16;
	(pc) =	sbr.rel .LBB2_1-.Ltmp0, $4  }
0x23: {  	s8 =	sadd.s32 $0x12000, s4;
	s12 =	simm.s32 $0x2;
	[dreg:$0x13] =	wrdreg s20  }
0x24: {  	s14 =	simm.s32 $0x16800;
	s22 =	simm.s32 $0x1;
	[dreg:$0x15] =	wrdreg s24  }
0x25: {  	s7 =	simm.s32 $0x14000;
	[dreg:$0x17] =	wrdreg s26;
	s16 =	sadd.s32 $0x8000, s4  }
0x26: {  	v0 =	vimm.f32 $1.000000000e+00;
	v1 =	vimm.f32 $0.0e+00;
	s10 =	simm.s32 $0x1A800;
	s20 =	simm.s32 $0x7D;
	s24 =	simm.s32 $0x0  }
.LBB2_11:
0x27: {  	[tilespmem:s10], [sflag:$0x2] =	stream.linear.gather [spmem:s4], $0x2000, $0x38;
	[tilespmem:$0x1C800] =	vst v63  }
0x28: {  	_ =	swait.ge [sflag:s12], $0x2000  }
0x29: {  	[sflag:s12] =	ssyncset.done $0x0;
	s5 =	rddreg [dreg:$0x4]  }
0x2a: {  	[sflag:s12] =	ssyncadd.s32 $0xFFFFE000;
	s5 =	sadd.s32 s5, s6  }
0x2b: {  	[hbm4b:s5+s3] =	stream.linear.scatter [tilespmem:s10], [sflag:$0x2], $0x2000, $0x38;
	[tilespmem:$0x1C800] =	vst v63  }
0x2c: {  	_ =	swait.ge [sflag:s12], $0x2000  }
0x2d: {  	[sflag:s12] =	ssyncset.done $0x0  }
0x2e: {  	[sflag:s12] =	ssyncadd.s32 $0xFFFFE000  }
0x2f: {  	[tilespmem:s10], [sflag:$0x2] =	stream.linear.gather [spmem:s9], $0x2000, $0x38;
	[tilespmem:$0x1C800] =	vst v63  }
0x30: {  	_ =	swait.ge [sflag:s12], $0x2000  }
0x31: {  	[sflag:s12] =	ssyncset.done $0x0;
	s26 =	rddreg [dreg:$0x5]  }
0x32: {  	[sflag:s12] =	ssyncadd.s32 $0xFFFFE000;
	s5 =	sadd.s32 s26, s6  }
0x33: {  	[hbm4b:s5+s3] =	stream.linear.scatter [tilespmem:s10], [sflag:$0x2], $0x2000, $0x38;
	[tilespmem:$0x1C800] =	vst v63  }
0x34: {  	_ =	swait.ge [sflag:s12], $0x2000  }
0x35: {  	[sflag:s12] =	ssyncset.done $0x0  }
0x36: {  	[sflag:s12] =	ssyncadd.s32 $0xFFFFE000  }
0x37: {  	[tilespmem:s10], [sflag:$0x2] =	stream.linear.gather [spmem:s11], $0x2000, $0x38;
	[tilespmem:$0x1C800] =	vst v63  }
0x38: {  	_ =	swait.ge [sflag:s12], $0x2000  }
0x39: {  	[sflag:s12] =	ssyncset.done $0x0;
	s26 =	rddreg [dreg:$0x6]  }
0x3a: {  	[sflag:s12] =	ssyncadd.s32 $0xFFFFE000;
	s5 =	sadd.s32 s26, s6  }
0x3b: {  	[hbm4b:s5+s3] =	stream.linear.scatter [tilespmem:s10], [sflag:$0x2], $0x2000, $0x38;
	[tilespmem:$0x1C800] =	vst v63  }
0x3c: {  	_ =	swait.ge [sflag:s12], $0x2000  }
0x3d: {  	[sflag:s12] =	ssyncset.done $0x0  }
0x3e: {  	[sflag:s12] =	ssyncadd.s32 $0xFFFFE000  }
0x3f: {  	[tilespmem:s10], [sflag:$0x2] =	stream.linear.gather [spmem:s13], $0x2000, $0x38;
	[tilespmem:$0x1C800] =	vst v63  }
0x40: {  	_ =	swait.ge [sflag:s12], $0x2000  }
0x41: {  	[sflag:s12] =	ssyncset.done $0x0;
	s26 =	rddreg [dreg:$0x7]  }
0x42: {  	[sflag:s12] =	ssyncadd.s32 $0xFFFFE000;
	s5 =	sadd.s32 s26, s6  }
0x43: {  	[hbm4b:s5+s3] =	stream.linear.scatter [tilespmem:s10], [sflag:$0x2], $0x2000, $0x38;
	[tilespmem:$0x1C800] =	vst v63  }
0x44: {  	_ =	swait.ge [sflag:s12], $0x2000  }
0x45: {  	[sflag:s12] =	ssyncset.done $0x0  }
0x46: {  	[sflag:s12] =	ssyncadd.s32 $0xFFFFE000  }
0x47: {  	[tilespmem:s10], [sflag:$0x2] =	stream.linear.gather [spmem:s15], $0x2000, $0x38;
	[tilespmem:$0x1C800] =	vst v63  }
0x48: {  	_ =	swait.ge [sflag:s12], $0x2000  }
0x49: {  	[sflag:s12] =	ssyncset.done $0x0;
	s26 =	rddreg [dreg:$0x8]  }
0x4a: {  	[sflag:s12] =	ssyncadd.s32 $0xFFFFE000;
	s5 =	sadd.s32 s26, s6  }
0x4b: {  	[hbm4b:s5+s3] =	stream.linear.scatter [tilespmem:s10], [sflag:$0x2], $0x2000, $0x38;
	[tilespmem:$0x1C800] =	vst v63  }
0x4c: {  	_ =	swait.ge [sflag:s12], $0x2000  }
0x4d: {  	[sflag:s12] =	ssyncset.done $0x0  }
0x4e: {  	[sflag:s12] =	ssyncadd.s32 $0xFFFFE000  }
0x4f: {  	[tilespmem:s10], [sflag:$0x2] =	stream.linear.gather [spmem:s17], $0x2000, $0x38;
	[tilespmem:$0x1C800] =	vst v63  }
0x50: {  	_ =	swait.ge [sflag:s12], $0x2000  }
0x51: {  	[sflag:s12] =	ssyncset.done $0x0;
	s26 =	rddreg [dreg:$0x9]  }
0x52: {  	[sflag:s12] =	ssyncadd.s32 $0xFFFFE000;
	s5 =	sadd.s32 s26, s6  }
0x53: {  	[hbm4b:s5+s3] =	stream.linear.scatter [tilespmem:s10], [sflag:$0x2], $0x2000, $0x38;
	[tilespmem:$0x1C800] =	vst v63  }
0x54: {  	_ =	swait.ge [sflag:s12], $0x2000  }
0x55: {  	[sflag:s12] =	ssyncset.done $0x0  }
0x56: {  	[sflag:s12] =	ssyncadd.s32 $0xFFFFE000  }
0x57: {  	[tilespmem:s10], [sflag:$0x2] =	stream.linear.gather [spmem:s19], $0x2000, $0x38;
	[tilespmem:$0x1C800] =	vst v63  }
0x58: {  	_ =	swait.ge [sflag:s12], $0x2000  }
0x59: {  	[sflag:s12] =	ssyncset.done $0x0;
	s26 =	rddreg [dreg:$0xa]  }
0x5a: {  	[sflag:s12] =	ssyncadd.s32 $0xFFFFE000;
	s5 =	sadd.s32 s26, s6  }
0x5b: {  	[hbm4b:s5+s3] =	stream.linear.scatter [tilespmem:s10], [sflag:$0x2], $0x2000, $0x38;
	[tilespmem:$0x1C800] =	vst v63  }
0x5c: {  	_ =	swait.ge [sflag:s12], $0x2000  }
0x5d: {  	[sflag:s12] =	ssyncset.done $0x0  }
0x5e: {  	[sflag:s12] =	ssyncadd.s32 $0xFFFFE000  }
0x5f: {  	[tilespmem:s10], [sflag:$0x2] =	stream.linear.gather [spmem:s21], $0x2000, $0x38;
	[tilespmem:$0x1C800] =	vst v63  }
0x60: {  	_ =	swait.ge [sflag:s12], $0x2000  }
0x61: {  	[sflag:s12] =	ssyncset.done $0x0;
	s26 =	rddreg [dreg:$0xb]  }
0x62: {  	[sflag:s12] =	ssyncadd.s32 $0xFFFFE000;
	s5 =	sadd.s32 s26, s6  }
0x63: {  	[hbm4b:s5+s3] =	stream.linear.scatter [tilespmem:s10], [sflag:$0x2], $0x2000, $0x38;
	[tilespmem:$0x1C800] =	vst v63  }
0x64: {  	_ =	swait.ge [sflag:s12], $0x2000  }
0x65: {  	[sflag:s12] =	ssyncset.done $0x0  }
0x66: {  	[sflag:s12] =	ssyncadd.s32 $0xFFFFE000  }
0x67: {  	[tilespmem:s10], [sflag:$0x2] =	stream.linear.gather [spmem:s23], $0x2000, $0x38;
	[tilespmem:$0x1C800] =	vst v63  }
0x68: {  	_ =	swait.ge [sflag:s12], $0x2000  }
0x69: {  	[sflag:s12] =	ssyncset.done $0x0;
	s26 =	rddreg [dreg:$0xc]  }
0x6a: {  	[sflag:s12] =	ssyncadd.s32 $0xFFFFE000;
	s5 =	sadd.s32 s26, s6  }
0x6b: {  	[hbm4b:s5+s3] =	stream.linear.scatter [tilespmem:s10], [sflag:$0x2], $0x2000, $0x38;
	[tilespmem:$0x1C800] =	vst v63  }
0x6c: {  	_ =	swait.ge [sflag:s12], $0x2000  }
0x6d: {  	[sflag:s12] =	ssyncset.done $0x0  }
0x6e: {  	[sflag:s12] =	ssyncadd.s32 $0xFFFFE000  }
0x6f: {  	[tilespmem:s10], [sflag:$0x2] =	stream.linear.gather [spmem:s25], $0x2000, $0x38;
	[tilespmem:$0x1C800] =	vst v63  }
0x70: {  	_ =	swait.ge [sflag:s12], $0x2000  }
0x71: {  	[sflag:s12] =	ssyncset.done $0x0;
	s26 =	rddreg [dreg:$0xd]  }
0x72: {  	[sflag:s12] =	ssyncadd.s32 $0xFFFFE000;
	s5 =	sadd.s32 s26, s6  }
.LBB2_12:
0x73: {  	[hbm4b:s5+s3] =	stream.linear.scatter [tilespmem:s10], [sflag:$0x2], $0x2000, $0x38;
	[tilespmem:$0x1C800] =	vst v63  }
0x74: {  	_ =	swait.ge [sflag:s12], $0x2000  }
0x75: {  	s24 =	sadd.s32 $0x1, s24;
	s26 =	rddreg [dreg:$0x18]  }
0x76: {  	p1 =	sne.s32 s24, s26  }
.Ltmp1:
0x77: {  	_ = 	snop;
	(pc) =	sbr.rel @!p1 .LBB2_13-.Ltmp1, $3  }
0x78: {  	_ =	sdelay $0x1  }
0x79: {  	[sflag:s12] =	ssyncset.done $0x0  }
0x7a: {  	[sflag:s12] =	ssyncadd.s32 $0xFFFFE000  }
.LBB2_1:
0x7b: {  	s26 =	simm.s32 $0x70;
	s5 =	simm.s32 $0x3C0  }
.LBB2_2:
0x7c: {  	p1 =	sne.s32 s5, $0xF9C0;
	[tilespmem:s26+$0x16800] =	vst v0  }
0x7d: {  	[tilespmem:s26+$0x16790] =	vst v0  }
0x7e: {  	[tilespmem:s26+$0x167A0] =	vst v0  }
.Ltmp2:
0x7f: {  	[tilespmem:s26+$0x167B0] =	vst v0;
	(pc) =	sbr.rel @p1 .LBB2_2-.Ltmp2, $4  }
0x80: {  	[tilespmem:s26+$0x167C0] =	vst v0  }
0x81: {  	[tilespmem:s26+$0x167D0] =	vst v0  }
0x82: {  	[tilespmem:s26+$0x167E0] =	vst v0  }
0x83: {  	[tilespmem:s26+$0x167F0] =	vst v0;
	s26 =	sshra.s32 s5, $0x2;
	s5 =	sadd.s32 $0x200, s5  }
0x84: {  	[tilespmem:s26+$0x16800] =	vst v0  }
0x85: {  	[tilespmem:s26+$0x16790] =	vst v0  }
0x86: {  	[tilespmem:s26+$0x167A0] =	vst v0  }
0x87: {  	[tilespmem:s26+$0x167B0] =	vst v0  }
0x88: {  	[tilespmem:s26+$0x167C0] =	vst v0  }
0x89: {  	[tilespmem:s26+$0x167D0] =	vst v0  }
0x8a: {  	[tilespmem:s26+$0x167E0] =	vst v0  }
0x8b: {  	[tilespmem:s26+$0x167F0] =	vst v0;
	s26 =	simm.s32 $0x0;
	s5 =	simm.s32 $0x200  }
.LBB2_4:
0x8c: {  	p1 =	sne.s32 s5, $0x7E00;
	[tilespmem:s26+$0x1A870] =	vst v1  }
0x8d: {  	[tilespmem:s26+$0x1A800] =	vst v1  }
0x8e: {  	[tilespmem:s26+$0x1A810] =	vst v1  }
.Ltmp3:
0x8f: {  	[tilespmem:s26+$0x1A820] =	vst v1;
	(pc) =	sbr.rel @p1 .LBB2_4-.Ltmp3, $4  }
0x90: {  	[tilespmem:s26+$0x1A830] =	vst v1  }
0x91: {  	[tilespmem:s26+$0x1A840] =	vst v1  }
0x92: {  	[tilespmem:s26+$0x1A850] =	vst v1  }
0x93: {  	[tilespmem:s26+$0x1A860] =	vst v1;
	s26 =	sshra.s32 s5, $0x2;
	s5 =	sadd.s32 $0x200, s5  }
0x94: {  	[tilespmem:s26+$0x1A870] =	vst v1  }
0x95: {  	[tilespmem:s26+$0x1A800] =	vst v1  }
0x96: {  	[tilespmem:s26+$0x1A810] =	vst v1  }
0x97: {  	[tilespmem:s26+$0x1A820] =	vst v1  }
0x98: {  	[tilespmem:s26+$0x1A830] =	vst v1  }
0x99: {  	[tilespmem:s26+$0x1A840] =	vst v1  }
0x9a: {  	[tilespmem:s26+$0x1A850] =	vst v1  }
0x9b: {  	[tilespmem:s26+$0x1A860] =	vst v1  }
0x9c: {  	[spmem:s4] =	stream.linear.scatter [tilespmem:s10], [sflag:$0x2], $0x2000, $0x38;
	[tilespmem:$0x1C800] =	vst v63  }
0x9d: {  	_ =	swait.ge [sflag:s12], $0x2000  }
0x9e: {  	[sflag:s12] =	ssyncset.done $0x0  }
0x9f: {  	[sflag:s12] =	ssyncadd.s32 $0xFFFFE000  }
0xa0: {  	[spmem:s28] =	stream.linear.scatter [tilespmem:s10], [sflag:$0x2], $0x2000, $0x38;
	[tilespmem:$0x1C800] =	vst v63  }
0xa1: {  	_ =	swait.ge [sflag:s12], $0x2000  }
0xa2: {  	[sflag:s12] =	ssyncset.done $0x0  }
0xa3: {  	[sflag:s12] =	ssyncadd.s32 $0xFFFFE000  }
0xa4: {  	[spmem:s29] =	stream.linear.scatter [tilespmem:s10], [sflag:$0x2], $0x2000, $0x38;
	[tilespmem:$0x1C800] =	vst v63  }
0xa5: {  	_ =	swait.ge [sflag:s12], $0x2000  }
0xa6: {  	[sflag:s12] =	ssyncset.done $0x0  }
0xa7: {  	[sflag:s12] =	ssyncadd.s32 $0xFFFFE000  }
0xa8: {  	[spmem:s30] =	stream.linear.scatter [tilespmem:s10], [sflag:$0x2], $0x2000, $0x38;
	[tilespmem:$0x1C800] =	vst v63  }
0xa9: {  	_ =	swait.ge [sflag:s12], $0x2000  }
0xaa: {  	[sflag:s12] =	ssyncset.done $0x0  }
0xab: {  	[sflag:s12] =	ssyncadd.s32 $0xFFFFE000  }
0xac: {  	[spmem:s16] =	stream.linear.scatter [tilespmem:s10], [sflag:$0x2], $0x2000, $0x38;
	[tilespmem:$0x1C800] =	vst v63  }
0xad: {  	_ =	swait.ge [sflag:s12], $0x2000  }
0xae: {  	[sflag:s12] =	ssyncset.done $0x0  }
0xaf: {  	[sflag:s12] =	ssyncadd.s32 $0xFFFFE000  }
0xb0: {  	[spmem:s31] =	stream.linear.scatter [tilespmem:s10], [sflag:$0x2], $0x2000, $0x38;
	[tilespmem:$0x1C800] =	vst v63  }
0xb1: {  	_ =	swait.ge [sflag:s12], $0x2000  }
0xb2: {  	[sflag:s12] =	ssyncset.done $0x0  }
0xb3: {  	[sflag:s12] =	ssyncadd.s32 $0xFFFFE000  }
0xb4: {  	[spmem:s0] =	stream.linear.scatter [tilespmem:s10], [sflag:$0x2], $0x2000, $0x38;
	[tilespmem:$0x1C800] =	vst v63  }
0xb5: {  	_ =	swait.ge [sflag:s12], $0x2000  }
0xb6: {  	[sflag:s12] =	ssyncset.done $0x0  }
0xb7: {  	[sflag:s12] =	ssyncadd.s32 $0xFFFFE000  }
0xb8: {  	[spmem:s1] =	stream.linear.scatter [tilespmem:s10], [sflag:$0x2], $0x2000, $0x38;
	[tilespmem:$0x1C800] =	vst v63  }
0xb9: {  	_ =	swait.ge [sflag:s12], $0x2000  }
0xba: {  	[sflag:s12] =	ssyncset.done $0x0  }
0xbb: {  	[sflag:s12] =	ssyncadd.s32 $0xFFFFE000  }
0xbc: {  	[spmem:s18] =	stream.linear.scatter [tilespmem:s10], [sflag:$0x2], $0x2000, $0x38;
	[tilespmem:$0x1C800] =	vst v63  }
0xbd: {  	_ =	swait.ge [sflag:s12], $0x2000  }
0xbe: {  	[sflag:s12] =	ssyncset.done $0x0  }
0xbf: {  	[sflag:s12] =	ssyncadd.s32 $0xFFFFE000  }
0xc0: {  	[spmem:s8] =	stream.linear.scatter [tilespmem:s10], [sflag:$0x2], $0x2000, $0x38;
	[tilespmem:$0x1C800] =	vst v63  }
0xc1: {  	_ =	swait.ge [sflag:s12], $0x2000  }
0xc2: {  	[sflag:s12] =	ssyncset.done $0x0  }
0xc3: {  	s5 =	simm.s32 $0x0;
	s26 =	rddreg [dreg:$0x3];
	[sflag:s12] =	ssyncadd.s32 $0xFFFFE000  }
0xc4: {  	[tilespmem:s7], [sflag:$0x2] =	stream.linear.gather [hbm4b:s26+s5], $0x2800, $0x38;
	[tilespmem:$0x1C800] =	vst v63  }
0xc5: {  	_ =	swait.ge [sflag:s12], $0x2800  }
0xc6: {  	[sflag:s12] =	ssyncset.done $0x0  }
0xc7: {  	[sflag:s12] =	ssyncadd.s32 $0xFFFFD800  }
0xc8: {  	[bflag:$0x0] =	sbarrier.arrive $0xFFFF  }
.LBB2_6:
0xc9: {  	p1 =	sne.s32 s5, $0x9E00  }
.Ltmp4:
0xca: {  	_ = 	snop;
	(pc) =	sbr.rel @p1 .LBB2_6-.Ltmp4, $4  }
0xcb: {  	_ = 	snop  }
0xcc: {  	s26 =	sshra.s32 s5, $0x2  }
0xcd: {  	s5 =	sadd.s32 $0x200, s5;
	s26 =	sadd.s32 $0x14000, s26  }
0xce: {  	[spmem:s2] =	stream.indirect.scatter.add.f32 [tilespmem:s14], [sflag:$0x1], $0x80, s26, s20, $0xb8;
	[tilespmem:$0x1C800] =	vst v63  }
0xcf: {  	_ =	swait.ge [sflag:s22], $0x3E80  }
0xd0: {  	s5 =	simm.s32 $0x4F;
	[sflag:s22] =	ssyncset.done $0x0  }
.LBB2_8:
0xd1: {  	p1 =	sne.s32 s5, $0x1;
	s5 =	sadd.s32 $0xFFFFFFFF, s5;
	[sflag:s22] =	ssyncadd.s32 $0xFFFFC180  }
.Ltmp5:
0xd2: {  	(pc) =	sbr.rel @p1 .LBB2_8-.Ltmp5, $3  }
0xd3: {  	_ =	sdelay $0x1  }
0xd4: {  	_ =	swait.ge [sflag:s22], $0x3E80  }
0xd5: {  	[sflag:s22] =	ssyncset.done $0x0  }
.Ltmp6:
0xd6: {  	(pc) =	sbr.rel @p0 .LBB2_11-.Ltmp6, $3  }
0xd7: {  	_ = 	snop  }
0xd8: {  	[sflag:s22] =	ssyncadd.s32 $0xFFFFC180  }
0xd9: {  	[bflag:$0x0] =	sbarrier.arrive $0xFFFF;
	_ =	sdelay $0x1  }
0xda: {  	[tilespmem:s10], [sflag:$0x2] =	stream.linear.gather [spmem:s4], $0x2000, $0x38;
	[tilespmem:$0x1C800] =	vst v63  }
0xdb: {  	_ =	swait.ge [sflag:s12], $0x2000  }
0xdc: {  	[sflag:s12] =	ssyncset.done $0x0  }
0xdd: {  	s5 =	rddreg [dreg:$0xe];
	[sflag:s12] =	ssyncadd.s32 $0xFFFFE000  }
0xde: {  	[hbm4b:s5+s3] =	stream.linear.scatter [tilespmem:s10], [sflag:$0x2], $0x2000, $0x38;
	[tilespmem:$0x1C800] =	vst v63  }
0xdf: {  	_ =	swait.ge [sflag:s12], $0x2000  }
0xe0: {  	[sflag:s12] =	ssyncset.done $0x0  }
0xe1: {  	[sflag:s12] =	ssyncadd.s32 $0xFFFFE000  }
0xe2: {  	[tilespmem:s10], [sflag:$0x2] =	stream.linear.gather [spmem:s9], $0x2000, $0x38;
	[tilespmem:$0x1C800] =	vst v63  }
0xe3: {  	_ =	swait.ge [sflag:s12], $0x2000  }
0xe4: {  	[sflag:s12] =	ssyncset.done $0x0  }
0xe5: {  	s26 =	rddreg [dreg:$0xf];
	[sflag:s12] =	ssyncadd.s32 $0xFFFFE000  }
0xe6: {  	[hbm4b:s26+s3] =	stream.linear.scatter [tilespmem:s10], [sflag:$0x2], $0x2000, $0x38;
	[tilespmem:$0x1C800] =	vst v63  }
0xe7: {  	_ =	swait.ge [sflag:s12], $0x2000  }
0xe8: {  	[sflag:s12] =	ssyncset.done $0x0  }
0xe9: {  	[sflag:s12] =	ssyncadd.s32 $0xFFFFE000  }
0xea: {  	[tilespmem:s10], [sflag:$0x2] =	stream.linear.gather [spmem:s11], $0x2000, $0x38;
	[tilespmem:$0x1C800] =	vst v63  }
0xeb: {  	_ =	swait.ge [sflag:s12], $0x2000  }
0xec: {  	[sflag:s12] =	ssyncset.done $0x0  }
0xed: {  	s26 =	rddreg [dreg:$0x10];
	[sflag:s12] =	ssyncadd.s32 $0xFFFFE000  }
0xee: {  	[hbm4b:s26+s3] =	stream.linear.scatter [tilespmem:s10], [sflag:$0x2], $0x2000, $0x38;
	[tilespmem:$0x1C800] =	vst v63  }
0xef: {  	_ =	swait.ge [sflag:s12], $0x2000  }
0xf0: {  	[sflag:s12] =	ssyncset.done $0x0  }
0xf1: {  	[sflag:s12] =	ssyncadd.s32 $0xFFFFE000  }
0xf2: {  	[tilespmem:s10], [sflag:$0x2] =	stream.linear.gather [spmem:s13], $0x2000, $0x38;
	[tilespmem:$0x1C800] =	vst v63  }
0xf3: {  	_ =	swait.ge [sflag:s12], $0x2000  }
0xf4: {  	[sflag:s12] =	ssyncset.done $0x0  }
0xf5: {  	s26 =	rddreg [dreg:$0x11];
	[sflag:s12] =	ssyncadd.s32 $0xFFFFE000  }
0xf6: {  	[hbm4b:s26+s3] =	stream.linear.scatter [tilespmem:s10], [sflag:$0x2], $0x2000, $0x38;
	[tilespmem:$0x1C800] =	vst v63  }
0xf7: {  	_ =	swait.ge [sflag:s12], $0x2000  }
0xf8: {  	[sflag:s12] =	ssyncset.done $0x0  }
0xf9: {  	[sflag:s12] =	ssyncadd.s32 $0xFFFFE000  }
0xfa: {  	[tilespmem:s10], [sflag:$0x2] =	stream.linear.gather [spmem:s15], $0x2000, $0x38;
	[tilespmem:$0x1C800] =	vst v63  }
0xfb: {  	_ =	swait.ge [sflag:s12], $0x2000  }
0xfc: {  	[sflag:s12] =	ssyncset.done $0x0  }
0xfd: {  	s26 =	rddreg [dreg:$0x12];
	[sflag:s12] =	ssyncadd.s32 $0xFFFFE000  }
0xfe: {  	[hbm4b:s26+s3] =	stream.linear.scatter [tilespmem:s10], [sflag:$0x2], $0x2000, $0x38;
	[tilespmem:$0x1C800] =	vst v63  }
0xff: {  	_ =	swait.ge [sflag:s12], $0x2000  }
0x100: {  	[sflag:s12] =	ssyncset.done $0x0  }
0x101: {  	[sflag:s12] =	ssyncadd.s32 $0xFFFFE000  }
0x102: {  	[tilespmem:s10], [sflag:$0x2] =	stream.linear.gather [spmem:s17], $0x2000, $0x38;
	[tilespmem:$0x1C800] =	vst v63  }
0x103: {  	_ =	swait.ge [sflag:s12], $0x2000  }
0x104: {  	[sflag:s12] =	ssyncset.done $0x0  }
0x105: {  	s26 =	rddreg [dreg:$0x13];
	[sflag:s12] =	ssyncadd.s32 $0xFFFFE000  }
0x106: {  	[hbm4b:s26+s3] =	stream.linear.scatter [tilespmem:s10], [sflag:$0x2], $0x2000, $0x38;
	[tilespmem:$0x1C800] =	vst v63  }
0x107: {  	_ =	swait.ge [sflag:s12], $0x2000  }
0x108: {  	[sflag:s12] =	ssyncset.done $0x0  }
0x109: {  	[sflag:s12] =	ssyncadd.s32 $0xFFFFE000  }
0x10a: {  	[tilespmem:s10], [sflag:$0x2] =	stream.linear.gather [spmem:s19], $0x2000, $0x38;
	[tilespmem:$0x1C800] =	vst v63  }
0x10b: {  	_ =	swait.ge [sflag:s12], $0x2000  }
0x10c: {  	[sflag:s12] =	ssyncset.done $0x0  }
0x10d: {  	s26 =	rddreg [dreg:$0x14];
	[sflag:s12] =	ssyncadd.s32 $0xFFFFE000  }
0x10e: {  	[hbm4b:s26+s3] =	stream.linear.scatter [tilespmem:s10], [sflag:$0x2], $0x2000, $0x38;
	[tilespmem:$0x1C800] =	vst v63  }
0x10f: {  	_ =	swait.ge [sflag:s12], $0x2000  }
0x110: {  	[sflag:s12] =	ssyncset.done $0x0  }
0x111: {  	[sflag:s12] =	ssyncadd.s32 $0xFFFFE000  }
0x112: {  	[tilespmem:s10], [sflag:$0x2] =	stream.linear.gather [spmem:s21], $0x2000, $0x38;
	[tilespmem:$0x1C800] =	vst v63  }
0x113: {  	_ =	swait.ge [sflag:s12], $0x2000  }
0x114: {  	[sflag:s12] =	ssyncset.done $0x0  }
0x115: {  	s26 =	rddreg [dreg:$0x15];
	[sflag:s12] =	ssyncadd.s32 $0xFFFFE000  }
0x116: {  	[hbm4b:s26+s3] =	stream.linear.scatter [tilespmem:s10], [sflag:$0x2], $0x2000, $0x38;
	[tilespmem:$0x1C800] =	vst v63  }
0x117: {  	_ =	swait.ge [sflag:s12], $0x2000  }
0x118: {  	[sflag:s12] =	ssyncset.done $0x0  }
0x119: {  	[sflag:s12] =	ssyncadd.s32 $0xFFFFE000  }
0x11a: {  	[tilespmem:s10], [sflag:$0x2] =	stream.linear.gather [spmem:s23], $0x2000, $0x38;
	[tilespmem:$0x1C800] =	vst v63  }
0x11b: {  	_ =	swait.ge [sflag:s12], $0x2000  }
0x11c: {  	[sflag:s12] =	ssyncset.done $0x0  }
0x11d: {  	s26 =	rddreg [dreg:$0x16];
	[sflag:s12] =	ssyncadd.s32 $0xFFFFE000  }
0x11e: {  	[hbm4b:s26+s3] =	stream.linear.scatter [tilespmem:s10], [sflag:$0x2], $0x2000, $0x38;
	[tilespmem:$0x1C800] =	vst v63  }
0x11f: {  	_ =	swait.ge [sflag:s12], $0x2000  }
0x120: {  	[sflag:s12] =	ssyncset.done $0x0  }
.Ltmp7:
0x121: {  	[sflag:s12] =	ssyncadd.s32 $0xFFFFE000;
	(pc) =	sbr.rel .LBB2_12-.Ltmp7, $4  }
0x122: {  	[tilespmem:s10], [sflag:$0x2] =	stream.linear.gather [spmem:s25], $0x2000, $0x38;
	[tilespmem:$0x1C800] =	vst v63  }
0x123: {  	_ =	swait.ge [sflag:s12], $0x2000  }
0x124: {  	[sflag:s12] =	ssyncset.done $0x0  }
0x125: {  	s5 =	rddreg [dreg:$0x17];
	[sflag:s12] =	ssyncadd.s32 $0xFFFFE000  }
.LBB2_13:
0x126: {  	_ =	sfence.sel $0x180000  }
0x127: {  	[bflag:$0x0] =	sbarrier.arrive $0xFFFF  }
0x128: {  	_ =	strace $0x90000047  }
0x129: {  	s0 =	stileid.u32;
	[bflag:$0x2] =	sbarrier.arrive $0xFFFF  }
0x12a: {  	p0 =	sne.s32 s0, $0x0;
	s0 =	rddreg [dreg:$0x2]  }
0x12b: {  	s0 =	sadd.s32 @!p0 $0x100000, s0  }
0x12c: {  	[sflag:s0] =	ssyncadd.tile.s32 @!p0 $0x1;
	_ =	shalt  }
.Lfunc_end2:
_tile_overlayer_lowered:
.L_overlay_start_2:
0x12d: {  	(tag) =	ssettag $0x2  }
0x12e: {  	s0 =	rddreg [dreg:$0x0];
	s2 =	stileid.u32  }
0x12f: {  	s1 =	rddreg [dreg:$0x1];
	p0 =	sne.s32 s2, $0x0  }
0x130: {  	s3 =	rddreg [dreg:$0x2];
	[bflag:$0x3] =	sbarrier.arrive $0xFFFF;
	s2 =	simm.s32 @!p0 $0x1C02  }
0x131: {  	[timem:s3], [sflag:s2] =	dma.local @!p0 [hbm:s0], s1  }
0x132: {  	s0 =	simm.s32 @!p0 $0x2  }
0x133: {  	_ =	swait.ge @!p0 [sflag:s0], s1  }
0x134: {  	s1 =	ssub.s32 @!p0 $0x0, s1;
	[sflag:s0] =	ssyncset.done @!p0 $0x0  }
0x135: {  	[sflag:s0] =	ssyncadd.s32 @!p0 s1  }
0x136: {  	[bflag:$0x3] =	sbarrier.arrive $0xFFFF  }
0x137: {  	_ =	shalt  }

// kernel: kernel.13.cloned.1.call-start
scs
__scs_entry_jumppad:
0x0: {  	(pc) =	sbr.rel $0x88, $3  }
0x1: {  	(tag) =	ssettag $0x0;
	lr =	simm.s32 $0x1  }
0x2: {  	[smem:$0x3F90] =	sst lr;
	_ =	strace $0xD0000000  }
0x3: {  	_ = 	snop  }
0x4: {  	_ = 	snop  }
0x5: {  	_ = 	snop  }
0x6: {  	_ = 	snop  }
0x7: {  	_ = 	snop  }
__scs_overlays_trampoline_lowered:
0x8: {  	[smem:$0x3F9F] =	sst s0  }
0x9: {  	[smem:$0x3FA0] =	sst s1  }
0xa: {  	[smem:$0x3FA1] =	sst s2  }
0xb: {  	[smem:$0x3FA2] =	sst s3  }
0xc: {  	[smem:$0x3FA3] =	sst s4  }
0xd: {  	[smem:$0x3FA4] =	sst s5  }
0xe: {  	[smem:$0x3FA5] =	sst s6  }
0xf: {  	[smem:$0x3FA6] =	sst s7  }
0x10: {  	[smem:$0x3FA7] =	sst s8  }
0x11: {  	[smem:$0x3FA8] =	sst s9;
	s0 =	simm.s32 @!p0 $0x0  }
0x12: {  	s1 =	sld [smem:$0x3F8E];
	s0 =	simm.s32 @p0 $0x1  }
0x13: {  	[smem:$0x3FA9] =	sst s0;
	s0 =	simm.s32 @!p1 $0x0  }
0x14: {  	s2 =	sld [smem:$0x3F8D];
	s0 =	simm.s32 @p1 $0x1  }
0x15: {  	[smem:$0x3FAA] =	sst s0;
	s0 =	simm.s32 @!p2 $0x0  }
0x16: {  	s3 =	sld [smem:$0x3FDB];
	s0 =	simm.s32 @p2 $0x1  }
0x17: {  	s4 =	simm.s32 $0x1BF5;
	[smem:$0x3FAC] =	sst s0  }
0x18: {  	s0 =	sld [smem:$0x3F8F];
	_ =	swait.ge [sflag:s4], $0x0  }
0x19: {  	s7 =	sld [smem:$0x3F90]  }
0x1a: {  	s8 =	sadd.s32 $0xFFFFE003, lr  }
0x1b: {  	s9 =	sadd.s32 $0xFFFFFEF7, lr;
	s5 =	simm.s32 $0xFFFFFFFF;
	p2 =	slt.u32 s8, $0xFFFFF086  }
0x1c: {  	p1 =	slt.u32 s9, $0xF7A;
	s5 =	simm.s32 @!p2 $0x0  }
0x1d: {  	s5 =	simm.s32 @p1 $0x1;
	p0 =	seq.s32 s7, s2  }
0x1e: {  	s7 =	smul.u32 @!p0 $0xF7A, s2;
	p2 =	seq.s32 @!p0 s5, $0x0  }
0x1f: {  	s9 =	smul.u32 $0xF7A, s1;
	s8 =	simm.s32 @!p0 $0x1BF5;
	p2 =	por !p2, p0  }
0x20: {  	[sflag:s8] =	ssyncset.s32 @!p0 $0xFFFFF086;
	s6 =	sadd.s32 @!p0 s3, s7;
	s7 =	simm.s32 @!p0 $0x108  }
0x21: {  	s3 =	sadd.s32 s3, s9;
	s6 =	sadd.s32 @!p0 $0x88, s6;
	s7 =	simm.s32 @p2 $0x1082  }
0x22: {  	[simem:s7], [sflag:s8] =	dma.local @!p0 [hbm:s6], $0xF7A  }
0x23: {  	s9 =	sor.u32 $0xD0000000, s2;
	s6 =	simm.s32 $0x108;
	_ =	swait.ge @!p0 [sflag:s8], $0x0  }
0x24: {  	s3 =	sadd.s32 $0x88, s3;
	s6 =	simm.s32 @!p1 $0x1082;
	[sflag:s4] =	ssyncset.s32 $0xFFFFF086  }
0x25: {  	[simem:s6], [sflag:s4] =	dma.local [hbm:s3], $0xF7A  }
0x26: {  	[smem:$0x3F90] =	sst s1;
	(tag) =	ssettag s2;
	_ =	strace s9  }
0x27: {  	s1 =	sld [smem:$0x3FA0]  }
0x28: {  	s2 =	sld [smem:$0x3FA1]  }
0x29: {  	s4 =	sld [smem:$0x3FA3]  }
0x2a: {  	p0 =	seq.s32 s5, $0x0;
	s5 =	sld [smem:$0x3FA4]  }
0x2b: {  	s6 =	sld [smem:$0x3FA5]  }
0x2c: {  	s7 =	sld [smem:$0x3FA6]  }
0x2d: {  	s3 =	simm.s32 $0x108;
	s8 =	sld [smem:$0x3FA7]  }
0x2e: {  	s3 =	simm.s32 @!p0 $0x1082;
	s9 =	sld [smem:$0x3FA8]  }
0x2f: {  	lr =	sadd.s32 s0, s3;
	s0 =	sld [smem:$0x3F9F]  }
0x30: {  	s3 =	sld [smem:$0x3FA2]  }
0x31: {  	[smem:$0x3FAB] =	sst s10  }
0x32: {  	s10 =	sld [smem:$0x3FA9];
	_ =	sdelay $0x3  }
0x33: {  	p0 =	seq.s32 s10, $0x1;
	s10 =	sld [smem:$0x3FAB];
	_ =	sdelay $0x3  }
0x34: {  	[smem:$0x3FAB] =	sst s10  }
0x35: {  	s10 =	sld [smem:$0x3FAA];
	_ =	sdelay $0x3  }
0x36: {  	p1 =	seq.s32 s10, $0x1;
	s10 =	sld [smem:$0x3FAB];
	_ =	sdelay $0x3  }
0x37: {  	[smem:$0x3FAB] =	sst s10  }
0x38: {  	s10 =	sld [smem:$0x3FAC]  }
0x39: {  	_ = 	snop;
	(pc) =	sbr.ind lr, $3  }
0x3a: {  	_ = 	snop  }
0x3b: {  	_ = 	snop  }
0x3c: {  	p2 =	seq.s32 s10, $0x1;
	s10 =	sld [smem:$0x3FAB]  }
0x3d: {  	_ =	shalt  }
0x3e: {  	_ =	shalt  }
0x3f: {  	_ =	shalt  }
0x40: {  	_ =	shalt  }
0x41: {  	_ =	shalt  }
0x42: {  	_ =	shalt  }
0x43: {  	_ =	shalt  }
0x44: {  	_ =	shalt  }
0x45: {  	_ =	shalt  }
0x46: {  	_ =	shalt  }
0x47: {  	_ =	shalt  }
0x48: {  	_ =	shalt  }
0x49: {  	_ =	shalt  }
0x4a: {  	_ =	shalt  }
0x4b: {  	_ =	shalt  }
0x4c: {  	_ =	shalt  }
0x4d: {  	_ =	shalt  }
0x4e: {  	_ =	shalt  }
0x4f: {  	_ =	shalt  }
0x50: {  	_ =	shalt  }
0x51: {  	_ =	shalt  }
0x52: {  	_ =	shalt  }
0x53: {  	_ =	shalt  }
0x54: {  	_ =	shalt  }
0x55: {  	_ =	shalt  }
0x56: {  	_ =	shalt  }
0x57: {  	_ =	shalt  }
0x58: {  	_ =	shalt  }
0x59: {  	_ =	shalt  }
0x5a: {  	_ =	shalt  }
0x5b: {  	_ =	shalt  }
0x5c: {  	_ =	shalt  }
0x5d: {  	_ =	shalt  }
0x5e: {  	_ =	shalt  }
0x5f: {  	_ =	shalt  }
0x60: {  	_ =	shalt  }
0x61: {  	_ =	shalt  }
0x62: {  	_ =	shalt  }
0x63: {  	_ =	shalt  }
0x64: {  	_ =	shalt  }
0x65: {  	_ =	shalt  }
0x66: {  	_ =	shalt  }
0x67: {  	_ =	shalt  }
0x68: {  	_ =	shalt  }
0x69: {  	_ =	shalt  }
0x6a: {  	_ =	shalt  }
0x6b: {  	_ =	shalt  }
0x6c: {  	_ =	shalt  }
0x6d: {  	_ =	shalt  }
0x6e: {  	_ =	shalt  }
0x6f: {  	_ =	shalt  }
0x70: {  	_ =	shalt  }
0x71: {  	_ =	shalt  }
0x72: {  	_ =	shalt  }
0x73: {  	_ =	shalt  }
0x74: {  	_ =	shalt  }
0x75: {  	_ =	shalt  }
0x76: {  	_ =	shalt  }
0x77: {  	_ =	shalt  }
0x78: {  	_ =	shalt  }
0x79: {  	_ =	shalt  }
0x7a: {  	_ =	shalt  }
0x7b: {  	_ =	shalt  }
0x7c: {  	_ =	shalt  }
0x7d: {  	_ =	shalt  }
0x7e: {  	_ =	shalt  }
0x7f: {  	_ =	shalt  }
0x80: {  	_ =	shalt  }
0x81: {  	_ =	shalt  }
0x82: {  	_ =	shalt  }
0x83: {  	_ =	shalt  }
0x84: {  	_ =	shalt  }
0x85: {  	_ =	shalt  }
0x86: {  	_ =	shalt  }
0x87: {  	_ =	shalt  }
.Lfunc_end0:
.L_simem_size_0:
called_computation.1_lowered:
.L_overlay_start_0:
0x88: {  	s2 =	sld [smem:$0x3FD9]  }
0x89: {  	s3 =	sld [smem:$0x3FFE];
	_ =	sdelay $0x1  }
0x8a: {  	s1 =	srdreg.scid  }
0x8b: {  	s0 =	sand.u32 $0x1, s1  }
0x8c: {  	s16 =	sshll.u32 s0, $0xA;
	s2 =	sadd.s32 s3, s2  }
0x8d: {  	s2 =	sadd.s32 s2, s16  }
0x8e: {  	[smem:$0x3FB7] =	sst s2  }
0x8f: {  	_ = 	snop  }
0x90: {  	(tm) =	ssettm $0x1  }
0x91: {  	s17 =	sld [smem:$0x3FFB];
	_ =	sdelay $0x3  }
0x92: {  	_ =	strace s17  }
0x93: {  	s2 =	sld [smem:$0x3FFC];
	_ =	sdelay $0x3  }
0x94: {  	_ =	strace s2  }
0x95: {  	s2 =	sld [smem:$0x3FFD];
	_ =	sdelay $0x3  }
0x96: {  	_ =	strace s2  }
0x97: {  	_ =	strace $0x8FFFFFFF  }
0x98: {  	s18 =	sld [smem:$0x3FDB];
	_ =	sdelay $0x1  }
0x99: {  	s19 =	simm.s32 $_scs_section_size  }
0x9a: {  	s4 =	simm.s32 $_size__tile_overlayer_lowered;
	s5 =	simm.s32 $_tile_overlayer_lowered  }
0x9b: {  	s22 =	simm.s32 $0x1BFF;
	s21 =	sshll.u32 s5, $0x1;
	s2 =	sadd.s32 s19, s18  }
0x9c: {  	s6 =	simm.s32 $0x0;
	s20 =	sshll.u32 s4, $0x1;
	s4 =	sadd.s32 s21, s2  }
0x9d: {  	[timem:s6], [sflag:s22] =	dma.local [hbm:s4], s20  }
0x9e: {  	_ =	swait.ge [sflag:s22], s20  }
0x9f: {  	s3 =	ssub.s32 $0x0, s20;
	[sflag:s22] =	ssyncset.done $0x0  }
0xa0: {  	[sflag:s22] =	ssyncadd.s32 s3;
	_ =	sdelay $0x1  }
0xa1: {  	s23 =	simm.s32 $0x1B8B  }
0xa2: {  	_ =	swait.ge [sflag:s23], $0x1  }
0xa3: {  	[sflag:s23] =	ssyncset.done $0x0  }
0xa4: {  	s25 =	simm.s32 $0x1B8E;
	s24 =	sld [smem:$0x3FFE];
	[sflag:s23] =	ssyncadd.s32 $0xFFFFFFFF  }
0xa5: {  	s26 =	simm.s32 $execute0_lowered;
	[smem:$0x3FD2] =	sst s25  }
0xa6: {  	s4 =	sshll.u32 s26, $0x1;
	_ =	strace $0x80000049;
	[dreg:$0x1] =	wrdreg $0xFFFFFFFF  }
0xa7: {  	s28 =	simm.s32 $_size_execute0_lowered;
	s2 =	sadd.s32 s2, s4;
	[dreg:$0x0] =	wrdreg $0x0  }
0xa8: {  	s4 =	sshll.u32 s28, $0x1;
	[dreg:$0x2] =	wrdreg s2  }
0xa9: {  	[dreg:$0x3] =	wrdreg s4  }
0xaa: {  	[dreg:$0x4] =	wrdreg $0xC0  }
0xab: {  	_ =	task [dreg:s6], $0x5FFFF  }
0xac: {  	[dreg:$0x1] =	wrdreg $0xFFFFFFFF  }
0xad: {  	[dreg:$0x0] =	wrdreg $0x60  }
0xae: {  	[dreg:$0x2] =	wrdreg s24  }
0xaf: {  	[dreg:$0x3] =	wrdreg $0x0  }
0xb0: {  	[dreg:$0x4] =	wrdreg $0x9  }
0xb1: {  	_ =	task.clear_ibuf [dreg:s6], $0x5FFFF;
	_ =	strace $0x90000049  }
0xb2: {  	s29 =	simm.s32 $0x9;
	_ =	strace $0x8000004B  }
0xb3: {  	_ =	swait.ge [sflag:s29], $0x1  }
0xb4: {  	[sflag:s29] =	ssyncadd.s32 $0xFFFFFFFF  }
0xb5: {  	_ =	strace $0x9000004B  }
0xb6: {  	_ =	sfence  }
0xb7: {  	s30 =	sld [smem:$0x0];
	_ =	sdelay $0x2  }
0xb8: {  	s31 =	sshll.u32 s1, $0xD;
	s1 =	sshrl.u32 s1, $0x2  }
0xb9: {  	s3 =	sand.u32 $0x4000, s31;
	s1 =	sadd.s32 s1, s30  }
0xba: {  	s0 =	sor.u32 s3, s0;
	s1 =	sshll.u32 s1, $0x11  }
0xbb: {  	s0 =	sor.u32 s1, s0  }
0xbc: {  	s0 =	sadd.s32 $0x8F2B, s0  }
0xbd: {  	[sflag:s0] =	ssyncadd.remote.s32 $0x1  }
0xbe: {  	_ =	sfence.sel $0xFFFF  }
0xbf: {  	[dreg:$0x0] =	wrdreg $0xFFFFFFFF;
	(pc) =	sbr.abs _section_cstart, $3  }
0xc0: {  	[dreg:$0x1] =	wrdreg $0xFFFFFFFF  }
0xc1: {  	_ =	task.clear_ibuf [dreg:s6], $0x2FFFF;
	_ =	strace $0x9FFFFFFF  }
0xc2: {  	(tm) =	ssettm $0x7FFFFFFF  }
0xc3: {  	_ =	shalt  }
tec
execute0_lowered:
.L_overlay_start_1:
0x0: {  	(tag) =	ssettag $0x1  }
0x1: {  	s0 =	rddreg [dreg:$0x0]  }
0x2: {  	s1 =	rddreg [dreg:$0x1];
	s3 =	simm.s32 $0x0  }
0x3: {  	s12 =	stileid.u32;
	s2 =	srdreg.scid;
	s18 =	simm.s32 $0x6  }
0x4: {  	s19 =	simm.s32 $0x14000;
	s20 =	simm.s32 $0x14800;
	s21 =	simm.s32 $0x7D  }
0x5: {  	s22 =	simm.s32 $0x16000;
	s28 =	simm.s32 $0x15800;
	s29 =	simm.s32 $0x2  }
0x6: {  	s30 =	simm.s32 $0x3;
	s31 =	simm.s32 $0x5;
	[smem:$0x7FF] =	sst s3  }
0x7: {  	s4 =	sadd.s32 $0x65200, s0;
	s13 =	smul.u32 $0x2800, s12;
	s2 =	sand.u32 $0x1, s2  }
0x8: {  	s6 =	sadd.s32 $0x5B200, s0;
	s9 =	smul.u32 $0x50000, s12;
	s7 =	sadd.s32 $0x1200, s0  }
0x9: {  	s8 =	smul.u32 $0xA00, s12;
	s26 =	sshll.u32 s12, $0x6;
	_ =	strace $0x8000004A  }
0xa: {  	s5 =	ssub.s32 $0x2, s2;
	p0 =	seq.s32 s2, $0x0;
	[dreg:$0x9] =	wrdreg s26  }
0xb: {  	s12 =	sor.u32 $0x1C06, s26;
	s26 =	simm.s32 $0x15000;
	s2 =	simm.s32 $0x0  }
0xc: {  	s10 =	sshrl.u32 s5, $0x1;
	s11 =	sadd.s32 s13, s0;
	s9 =	sshrl.u32 s9, $0x2  }
0xd: {  	s14 =	sadd.s32 s6, s8;
	s24 =	sadd.s32 s7, s8;
	[dreg:$0x3] =	wrdreg s13  }
0xe: {  	s25 =	sadd.s32 s4, s13;
	s5 =	ssub.s32 s5, s10;
	[dreg:$0x4] =	wrdreg s14  }
.Ltmp0:
0xf: {  	s23 =	sadd.s32 s9, s1;
	[dreg:$0x5] =	wrdreg s24;
	(pc) =	sbr.rel .LBB2_1-.Ltmp0, $4  }
0x10: {  	s9 =	sadd.s32 $0x8D200, s0;
	[dreg:$0x6] =	wrdreg s25;
	s11 =	sadd.s32 $0xB200, s11  }
0x11: {  	s0 =	sadd.s32 $0x33200, s0;
	[dreg:$0x7] =	wrdreg s11;
	s5 =	smax.u32 s5, $0x1  }
0x12: {  	s24 =	simm.s32 $0x1A000;
	s0 =	sadd.s32 s13, s0;
	[dreg:$0x8] =	wrdreg s5  }
0x13: {  	s17 =	sshrl.u32 s23, $0x3;
	s23 =	simm.s32 $0x1;
	[dreg:$0xa] =	wrdreg s0  }
.LBB2_21:
0x14: {  	s5 =	simm.s32 $0x4  }
0x15: {  	_ =	swait.ge [sflag:s5], $0x3E80  }
0x16: {  	[sflag:s5] =	ssyncset.done $0x0  }
0x17: {  	[sflag:s5] =	ssyncadd.s32 $0xFFFFC180  }
0x18: {  	[bflag:$0x0] =	sbarrier.arrive $0xFFFF  }
0x19: {  	s12 =	smov.u32 s0;
	s5 =	rddreg [dreg:$0xa]  }
.LBB2_22:
0x1a: {  	[hbm:s5], [sflag:s16] =	dma.local [spmem:s17], $0x2800  }
0x1b: {  	_ =	swait.ge [sflag:s18], $0x2800  }
0x1c: {  	s2 =	sadd.s32 $0x1, s2;
	s25 =	rddreg [dreg:$0x8]  }
0x1d: {  	p1 =	sne.s32 s2, s25  }
.Ltmp1:
0x1e: {  	_ = 	snop;
	(pc) =	sbr.rel @!p1 .LBB2_23-.Ltmp1, $3  }
0x1f: {  	_ =	sdelay $0x1  }
0x20: {  	[sflag:s18] =	ssyncset.done $0x0  }
0x21: {  	[sflag:s18] =	ssyncadd.s32 $0xFFFFD800  }
.LBB2_1:
.Ltmp2:
0x22: {  	(pc) =	sbr.rel @!p0 .LBB2_2-.Ltmp2, $1  }
0x23: {  	_ =	sdelay $0x3  }
0x24: {  	s5 =	rddreg [dreg:$0x6]  }
0x25: {  	[spmem:s17], [sflag:s12] =	dma.local [hbm:s5], $0x2800  }
0x26: {  	_ =	swait.ge [sflag:s18], $0x2800  }
0x27: {  	[sflag:s18] =	ssyncset.done $0x0  }
0x28: {  	[sflag:s18] =	ssyncadd.s32 $0xFFFFD800  }
0x29: {  	[bflag:$0x0] =	sbarrier.arrive $0xFFFF  }
0x2a: {  	s13 =	simm.s32 $0x0;
	s16 =	rddreg [dreg:$0x4]  }
0x2b: {  	[tilespmem:s19], [sflag:$0x6] =	stream.linear.gather [hbm4b:s16+s13], $0x800, $0x38;
	[tilespmem:$0x1E000] =	vst v63  }
0x2c: {  	_ =	swait.ge [sflag:s18], $0x800  }
0x2d: {  	[sflag:s18] =	ssyncset.done $0x0  }
0x2e: {  	s25 =	rddreg [dreg:$0x5];
	[sflag:s18] =	ssyncadd.s32 $0xFFFFF800  }
0x2f: {  	[tilespmem:s20], [sflag:$0x6] =	stream.linear.gather [hbm4b:s25+s13], $0x800, $0x38;
	[tilespmem:$0x1E000] =	vst v63  }
.Ltmp3:
0x30: {  	_ = 	snop;
	(pc) =	sbr.rel .LBB2_10-.Ltmp3, $4  }
0x31: {  	_ =	swait.ge [sflag:s18], $0x800  }
0x32: {  	[sflag:s18] =	ssyncset.done $0x0  }
0x33: {  	s15 =	simm.s32 $0x2;
	s16 =	simm.s32 $0x400;
	[sflag:s18] =	ssyncadd.s32 $0xFFFFF800  }
0x34: {  	[tilespmem:s22], [sflag:$0x1] =	stream.indirect.gather [hbm4b:s4+s21], $0x80, s19, s21, $0xb8;
	[tilespmem:$0x1E000] =	vst v63  }
.LBB2_15:
0x35: {  	_ =	swait.ge [sflag:s31], $0x800  }
0x36: {  	[sflag:s31] =	ssyncset.done $0x0  }
0x37: {  	[sflag:s31] =	ssyncadd.s32 $0xFFFFF800  }
0x38: {  	_ =	swait.ge [sflag:s31], $0x800  }
0x39: {  	[sflag:s31] =	ssyncset.done $0x0  }
0x3a: {  	[sflag:s31] =	ssyncadd.s32 $0xFFFFF800  }
.LBB2_17:
0x3b: {  	s5 =	sand.u32 $0x10, s15;
	s25 =	sand.u32 $0x1C00, s16  }
0x3c: {  	s10 =	simm.s32 $0x14000;
	s16 =	sadd.s32 $0x400, s16;
	p1 =	seq.s32 s5, $0x0  }
0x3d: {  	s10 =	simm.s32 @!p1 $0x15000;
	p1 =	sne.s32 s16, $0x14400  }
.Ltmp4:
0x3e: {  	_ = 	snop;
	(pc) =	sbr.rel @!p1 .LBB2_18-.Ltmp4, $4  }
0x3f: {  	_ = 	snop  }
0x40: {  	s5 =	sshrl.u32 s25, $0x2  }
0x41: {  	s13 =	sadd.s32 $0x1, s13;
	s15 =	sadd.s32 $0x2, s15;
	s5 =	sor.u32 s5, s10  }
0x42: {  	[tilespmem:s22], [sflag:$0x1] =	stream.indirect.gather [hbm4b:s4+s21], $0x80, s5, s21, $0xb8;
	[tilespmem:$0x1E000] =	vst v63  }
.LBB2_10:
0x43: {  	s25 =	sshrl.u32 s13, $0x3  }
0x44: {  	p2 =	seq.s32 s16, $0x400;
	_ =	swait.ge [sflag:s23], $0x3E80;
	s5 =	sshll.u32 s25, $0xD  }
0x45: {  	s10 =	sand.u32 @!p2 $0x8, s13;
	[sflag:s23] =	ssyncset.done $0x0;
	s14 =	simm.s32 @!p2 $0x4  }
0x46: {  	s11 =	ssub.s32 $0x200, s5;
	p1 =	seq.s32 @!p2 s10, $0x0;
	[sflag:s23] =	ssyncadd.s32 $0xFFFFC180  }
0x47: {  	s10 =	simm.s32 @!p2 $0x14800;
	s5 =	ssub.s32 $0x0, s5;
	p3 =	por !p1, p2  }
0x48: {  	s11 =	sadd.s32 s11, s16;
	_ =	swait.ge @!p2 [sflag:s14], $0x3E80;
	s10 =	simm.s32 @p3 $0x15800  }
0x49: {  	s5 =	sadd.s32 s5, s16;
	s11 =	sshra.s32 s11, $0x2;
	s10 =	simm.s32 @p2 $0x14800  }
0x4a: {  	[sflag:s14] =	ssyncset.done @!p2 $0x0;
	s10 =	sadd.s32 s11, s10;
	s11 =	simm.s32 @!p2 $0x14000  }
0x4b: {  	[sflag:s14] =	ssyncadd.s32 @!p2 $0xFFFFC180;
	s10 =	sadd.s32 $0xFFFFFE80, s10;
	s11 =	simm.s32 @p3 $0x15000  }
0x4c: {  	[spmem:s1] =	stream.indirect.scatter.add.f32 [tilespmem:s22], [sflag:$0x3], $0x80, s10, s21, $0xb8;
	[tilespmem:$0x1E000] =	vst v63  }
0x4d: {  	s5 =	sshra.s32 s5, $0x2;
	s11 =	simm.s32 @p2 $0x14000  }
0x4e: {  	s14 =	sadd.s32 s5, s11  }
0x4f: {  	s10 =	sadd.s32 $0xFFFFFF80, s14  }
0x50: {  	[tilespmem:s24], [sflag:$0x2] =	stream.indirect.gather [hbm4b:s4+s21], $0x80, s10, s21, $0xb8;
	[tilespmem:$0x1E000] =	vst v63  }
0x51: {  	p4 =	por p1, p2;
	p1 =	sgt.u32 s13, $0x47;
	s10 =	sand.u32 $0x7, s13  }
0x52: {  	p5 =	por @!p2 $0x1, $0x1;
	p4 =	por @!p4 $0x0, $0x0;
	p6 =	sne.s32 @!p1 s10, $0x1  }
0x53: {  	p4 =	por @!p3 p5, p5;
	p5 =	por p1, p6  }
.Ltmp5:
0x54: {  	_ = 	snop;
	(pc) =	sbr.rel @p5 .LBB2_14-.Ltmp5, $3  }
0x55: {  	_ =	sdelay $0x1  }
0x56: {  	p3 =	por $0x1, $0x1  }
0x57: {  	p3 =	por @!p2 p4, p4  }
0x58: {  	s11 =	sadd.s32 $0x1, s25  }
0x59: {  	s14 =	sshll.u32 s11, $0x8;
	s11 =	sand.u32 $0x1, s11  }
0x5a: {  	p2 =	seq.s32 s11, $0x0  }
.Ltmp6:
0x5b: {  	_ = 	snop;
	(pc) =	sbr.rel @!p2 .LBB2_13-.Ltmp6, $3  }
0x5c: {  	_ =	sdelay $0x1  }
0x5d: {  	s14 =	sadd.s32 s8, s14  }
0x5e: {  	s11 =	sadd.s32 s6, s14;
	s25 =	sadd.s32 s7, s14  }
.Ltmp7:
0x5f: {  	(pc) =	sbr.rel @!p3 .LBB2_14-.Ltmp7, $4  }
0x60: {  	_ = 	snop  }
0x61: {  	[tilespmem:s19], [sflag:$0x5] =	stream.linear.gather [hbm4b:s11+s3], $0x800, $0x38;
	[tilespmem:$0x1E000] =	vst v63  }
0x62: {  	_ = 	snop  }
0x63: {  	[tilespmem:s20], [sflag:$0x5] =	stream.linear.gather [hbm4b:s25+s3], $0x800, $0x38;
	[tilespmem:$0x1E000] =	vst v63  }
.LBB2_13:
0x64: {  	[tilespmem:s26], [sflag:$0x5] =	stream.linear.gather [hbm4b:s11+s3], $0x800, $0x38;
	[tilespmem:$0x1E000] =	vst v63  }
0x65: {  	_ = 	snop  }
0x66: {  	[tilespmem:s28], [sflag:$0x5] =	stream.linear.gather [hbm4b:s25+s3], $0x800, $0x38;
	[tilespmem:$0x1E000] =	vst v63  }
.LBB2_14:
0x67: {  	_ =	swait.ge [sflag:s29], $0x3E80;
	p2 =	sne.s32 @!p1 s10, $0x7  }
0x68: {  	[sflag:s29] =	ssyncset.done $0x0;
	p1 =	por p1, p2  }
.Ltmp8:
0x69: {  	s11 =	simm.s32 $0x14800;
	[sflag:s29] =	ssyncadd.s32 $0xFFFFC180;
	(pc) =	sbr.rel @!p1 .LBB2_15-.Ltmp8, $4  }
0x6a: {  	s11 =	simm.s32 @!p3 $0x15800;
	_ =	swait.ge [sflag:s30], $0x3E80  }
0x6b: {  	s5 =	sadd.s32 s5, s11;
	[sflag:s30] =	ssyncset.done $0x0  }
0x6c: {  	s5 =	sadd.s32 $0xFFFFFF80, s5;
	[sflag:s30] =	ssyncadd.s32 $0xFFFFC180  }
0x6d: {  	[spmem:s1] =	stream.indirect.scatter.add.f32 [tilespmem:s24], [sflag:$0x4], $0x80, s5, s21, $0xb8;
	[tilespmem:$0x1E000] =	vst v63  }
0x6e: {  	p1 =	seq.s32 s16, $0x14000  }
.Ltmp9:
0x6f: {  	_ = 	snop;
	(pc) =	sbr.rel @!p1 .LBB2_17-.Ltmp9, $1  }
0x70: {  	_ =	sdelay $0x3  }
.LBB2_18:
0x71: {  	s0 =	simm.s32 $0x4  }
.Ltmp10:
0x72: {  	_ =	swait.ge [sflag:s0], $0x3E80;
	(pc) =	sbr.rel .LBB2_22-.Ltmp10, $4  }
0x73: {  	[sflag:s0] =	ssyncset.done $0x0  }
0x74: {  	[sflag:s0] =	ssyncadd.s32 $0xFFFFC180  }
0x75: {  	[bflag:$0x0] =	sbarrier.arrive $0xFFFF  }
0x76: {  	s16 =	smov.u32 s12;
	s5 =	rddreg [dreg:$0x7]  }
.LBB2_2:
0x77: {  	s5 =	rddreg [dreg:$0x3]  }
0x78: {  	s10 =	rddreg [dreg:$0x9]  }
0x79: {  	s5 =	sadd.s32 s5, s9;
	s16 =	sor.u32 $0x1C06, s10  }
0x7a: {  	[spmem:s17], [sflag:s16] =	dma.local [hbm:s5], $0x2800  }
0x7b: {  	_ =	swait.ge [sflag:s18], $0x2800  }
0x7c: {  	[sflag:s18] =	ssyncset.done $0x0  }
0x7d: {  	[sflag:s18] =	ssyncadd.s32 $0xFFFFD800  }
0x7e: {  	[bflag:$0x0] =	sbarrier.arrive $0xFFFF  }
0x7f: {  	s13 =	simm.s32 $0x0;
	s15 =	rddreg [dreg:$0x4]  }
0x80: {  	[tilespmem:s19], [sflag:$0x6] =	stream.linear.gather [hbm4b:s15+s13], $0x800, $0x38;
	[tilespmem:$0x1E000] =	vst v63  }
0x81: {  	_ =	swait.ge [sflag:s18], $0x800  }
0x82: {  	[sflag:s18] =	ssyncset.done $0x0  }
0x83: {  	s25 =	rddreg [dreg:$0x5];
	[sflag:s18] =	ssyncadd.s32 $0xFFFFF800  }
0x84: {  	[tilespmem:s20], [sflag:$0x6] =	stream.linear.gather [hbm4b:s25+s13], $0x800, $0x38;
	[tilespmem:$0x1E000] =	vst v63  }
.Ltmp11:
0x85: {  	_ = 	snop;
	(pc) =	sbr.rel .LBB2_3-.Ltmp11, $4  }
0x86: {  	_ =	swait.ge [sflag:s18], $0x800  }
0x87: {  	s0 =	smov.u32 s12;
	[sflag:s18] =	ssyncset.done $0x0  }
0x88: {  	s15 =	simm.s32 $0x2;
	s25 =	simm.s32 $0x400;
	[sflag:s18] =	ssyncadd.s32 $0xFFFFF800  }
0x89: {  	[tilespmem:s22], [sflag:$0x1] =	stream.indirect.gather [hbm4b:s9+s21], $0x80, s19, s21, $0xb8;
	[tilespmem:$0x1E000] =	vst v63  }
.LBB2_8:
0x8a: {  	_ =	swait.ge [sflag:s31], $0x800  }
0x8b: {  	[sflag:s31] =	ssyncset.done $0x0  }
0x8c: {  	[sflag:s31] =	ssyncadd.s32 $0xFFFFF800  }
0x8d: {  	_ =	swait.ge [sflag:s31], $0x800  }
0x8e: {  	[sflag:s31] =	ssyncset.done $0x0  }
0x8f: {  	[sflag:s31] =	ssyncadd.s32 $0xFFFFF800  }
.LBB2_20:
0x90: {  	s5 =	sand.u32 $0x10, s15;
	s14 =	sand.u32 $0x1C00, s25  }
0x91: {  	s10 =	simm.s32 $0x14000;
	s25 =	sadd.s32 $0x400, s25;
	p1 =	seq.s32 s5, $0x0  }
0x92: {  	s10 =	simm.s32 @!p1 $0x15000;
	p1 =	sne.s32 s25, $0x14400  }
.Ltmp12:
0x93: {  	_ = 	snop;
	(pc) =	sbr.rel @!p1 .LBB2_21-.Ltmp12, $4  }
0x94: {  	_ = 	snop  }
0x95: {  	s5 =	sshrl.u32 s14, $0x2  }
0x96: {  	s13 =	sadd.s32 $0x1, s13;
	s15 =	sadd.s32 $0x2, s15;
	s5 =	sor.u32 s5, s10  }
0x97: {  	[tilespmem:s22], [sflag:$0x1] =	stream.indirect.gather [hbm4b:s9+s21], $0x80, s5, s21, $0xb8;
	[tilespmem:$0x1E000] =	vst v63  }
.LBB2_3:
0x98: {  	s5 =	sshrl.u32 s13, $0x3;
	p2 =	seq.s32 s25, $0x400;
	_ =	swait.ge [sflag:s23], $0x3E80  }
0x99: {  	s10 =	sshll.u32 s5, $0xD;
	s11 =	sand.u32 @!p2 $0x8, s13;
	[sflag:s23] =	ssyncset.done $0x0  }
0x9a: {  	s12 =	simm.s32 @!p2 $0x4;
	s14 =	ssub.s32 $0x200, s10;
	p1 =	seq.s32 @!p2 s11, $0x0  }
0x9b: {  	[sflag:s23] =	ssyncadd.s32 $0xFFFFC180;
	s11 =	simm.s32 @!p2 $0x14800;
	s10 =	ssub.s32 $0x0, s10  }
0x9c: {  	p3 =	por !p1, p2;
	s14 =	sadd.s32 s14, s25;
	_ =	swait.ge @!p2 [sflag:s12], $0x3E80  }
0x9d: {  	s11 =	simm.s32 @p3 $0x15800;
	s14 =	sshra.s32 s14, $0x2;
	[sflag:s12] =	ssyncset.done @!p2 $0x0  }
0x9e: {  	s11 =	simm.s32 @p2 $0x14800;
	[sflag:s12] =	ssyncadd.s32 @!p2 $0xFFFFC180;
	s12 =	simm.s32 @!p2 $0x14000  }
0x9f: {  	s10 =	sadd.s32 s10, s25;
	s11 =	sadd.s32 s14, s11;
	s12 =	simm.s32 @p3 $0x15000  }
0xa0: {  	s10 =	sshra.s32 s10, $0x2;
	s11 =	sadd.s32 $0xFFFFFE80, s11;
	s12 =	simm.s32 @p2 $0x14000  }
0xa1: {  	[spmem:s1] =	stream.indirect.scatter.add.f32 [tilespmem:s22], [sflag:$0x3], $0x80, s11, s21, $0xb8;
	[tilespmem:$0x1E000] =	vst v63  }
0xa2: {  	s14 =	sadd.s32 s10, s12  }
0xa3: {  	s11 =	sadd.s32 $0xFFFFFF80, s14  }
0xa4: {  	[tilespmem:s24], [sflag:$0x2] =	stream.indirect.gather [hbm4b:s9+s21], $0x80, s11, s21, $0xb8;
	[tilespmem:$0x1E000] =	vst v63  }
0xa5: {  	p4 =	por p1, p2;
	p1 =	sgt.u32 s13, $0x47;
	s11 =	sand.u32 $0x7, s13  }
0xa6: {  	p5 =	por @!p2 $0x1, $0x1;
	p4 =	por @!p4 $0x0, $0x0;
	p6 =	sne.s32 @!p1 s11, $0x1  }
0xa7: {  	p4 =	por @!p3 p5, p5;
	p5 =	por p1, p6  }
.Ltmp13:
0xa8: {  	_ = 	snop;
	(pc) =	sbr.rel @p5 .LBB2_7-.Ltmp13, $3  }
0xa9: {  	_ =	sdelay $0x1  }
0xaa: {  	p3 =	por $0x1, $0x1  }
0xab: {  	p3 =	por @!p2 p4, p4  }
0xac: {  	s5 =	sadd.s32 $0x1, s5  }
0xad: {  	s12 =	sshll.u32 s5, $0x8;
	s5 =	sand.u32 $0x1, s5  }
0xae: {  	p2 =	seq.s32 s5, $0x0  }
.Ltmp14:
0xaf: {  	_ = 	snop;
	(pc) =	sbr.rel @!p2 .LBB2_6-.Ltmp14, $3  }
0xb0: {  	_ =	sdelay $0x1  }
0xb1: {  	s12 =	sadd.s32 s8, s12  }
0xb2: {  	s5 =	sadd.s32 s6, s12;
	s14 =	sadd.s32 s7, s12  }
.Ltmp15:
0xb3: {  	(pc) =	sbr.rel @!p3 .LBB2_7-.Ltmp15, $4  }
0xb4: {  	_ = 	snop  }
0xb5: {  	[tilespmem:s19], [sflag:$0x5] =	stream.linear.gather [hbm4b:s5+s3], $0x800, $0x38;
	[tilespmem:$0x1E000] =	vst v63  }
0xb6: {  	_ = 	snop  }
0xb7: {  	[tilespmem:s20], [sflag:$0x5] =	stream.linear.gather [hbm4b:s14+s3], $0x800, $0x38;
	[tilespmem:$0x1E000] =	vst v63  }
.LBB2_6:
0xb8: {  	[tilespmem:s26], [sflag:$0x5] =	stream.linear.gather [hbm4b:s5+s3], $0x800, $0x38;
	[tilespmem:$0x1E000] =	vst v63  }
0xb9: {  	_ = 	snop  }
0xba: {  	[tilespmem:s28], [sflag:$0x5] =	stream.linear.gather [hbm4b:s14+s3], $0x800, $0x38;
	[tilespmem:$0x1E000] =	vst v63  }
.LBB2_7:
0xbb: {  	_ =	swait.ge [sflag:s29], $0x3E80;
	p2 =	sne.s32 @!p1 s11, $0x7  }
0xbc: {  	[sflag:s29] =	ssyncset.done $0x0;
	p1 =	por p1, p2  }
.Ltmp16:
0xbd: {  	s5 =	simm.s32 $0x14800;
	[sflag:s29] =	ssyncadd.s32 $0xFFFFC180;
	(pc) =	sbr.rel @!p1 .LBB2_8-.Ltmp16, $4  }
0xbe: {  	s5 =	simm.s32 @!p3 $0x15800;
	_ =	swait.ge [sflag:s30], $0x3E80  }
0xbf: {  	s5 =	sadd.s32 s10, s5;
	[sflag:s30] =	ssyncset.done $0x0  }
0xc0: {  	s5 =	sadd.s32 $0xFFFFFF80, s5;
	[sflag:s30] =	ssyncadd.s32 $0xFFFFC180  }
0xc1: {  	[spmem:s1] =	stream.indirect.scatter.add.f32 [tilespmem:s24], [sflag:$0x4], $0x80, s5, s21, $0xb8;
	[tilespmem:$0x1E000] =	vst v63  }
0xc2: {  	p1 =	seq.s32 s25, $0x14000  }
.Ltmp17:
0xc3: {  	_ = 	snop;
	(pc) =	sbr.rel @!p1 .LBB2_20-.Ltmp17, $4  }
.Ltmp18:
0xc4: {  	_ = 	snop;
	(pc) =	sbr.rel @p1 .LBB2_21-.Ltmp18, $4  }
0xc5: {  	_ = 	snop  }
0xc6: {  	_ = 	snop  }
0xc7: {  	_ = 	snop  }
0xc8: {  	_ = 	snop  }
.LBB2_23:
0xc9: {  	_ =	sfence.sel $0x180000  }
0xca: {  	[bflag:$0x0] =	sbarrier.arrive $0xFFFF  }
0xcb: {  	_ =	strace $0x9000004A  }
0xcc: {  	s0 =	stileid.u32;
	[bflag:$0x2] =	sbarrier.arrive $0xFFFF  }
0xcd: {  	p0 =	sne.s32 s0, $0x0;
	s0 =	rddreg [dreg:$0x2]  }
0xce: {  	s0 =	sadd.s32 @!p0 $0x100000, s0  }
0xcf: {  	[sflag:s0] =	ssyncadd.tile.s32 @!p0 $0x1;
	_ =	shalt  }
.Lfunc_end2:
_tile_overlayer_lowered:
.L_overlay_start_2:
0xd0: {  	(tag) =	ssettag $0x2  }
0xd1: {  	s0 =	rddreg [dreg:$0x0];
	s2 =	stileid.u32  }
0xd2: {  	s1 =	rddreg [dreg:$0x1];
	p0 =	sne.s32 s2, $0x0  }
0xd3: {  	s3 =	rddreg [dreg:$0x2];
	[bflag:$0x3] =	sbarrier.arrive $0xFFFF;
	s2 =	simm.s32 @!p0 $0x1C06  }
0xd4: {  	[timem:s3], [sflag:s2] =	dma.local @!p0 [hbm:s0], s1  }
0xd5: {  	s0 =	simm.s32 @!p0 $0x6  }
0xd6: {  	_ =	swait.ge @!p0 [sflag:s0], s1  }
0xd7: {  	s1 =	ssub.s32 @!p0 $0x0, s1;
	[sflag:s0] =	ssyncset.done @!p0 $0x0  }
0xd8: {  	[sflag:s0] =	ssyncadd.s32 @!p0 s1  }
0xd9: {  	[bflag:$0x3] =	sbarrier.arrive $0xFFFF  }
0xda: {  	_ =	shalt  }

// kernel: kernel.16.cloned.1.call-start
scs
__scs_entry_jumppad:
0x0: {  	(pc) =	sbr.rel $0x88, $3  }
0x1: {  	(tag) =	ssettag $0x0;
	lr =	simm.s32 $0x1  }
0x2: {  	[smem:$0x3F90] =	sst lr;
	_ =	strace $0xD0000000  }
0x3: {  	_ = 	snop  }
0x4: {  	_ = 	snop  }
0x5: {  	_ = 	snop  }
0x6: {  	_ = 	snop  }
0x7: {  	_ = 	snop  }
__scs_overlays_trampoline_lowered:
0x8: {  	[smem:$0x3F9F] =	sst s0  }
0x9: {  	[smem:$0x3FA0] =	sst s1  }
0xa: {  	[smem:$0x3FA1] =	sst s2  }
0xb: {  	[smem:$0x3FA2] =	sst s3  }
0xc: {  	[smem:$0x3FA3] =	sst s4  }
0xd: {  	[smem:$0x3FA4] =	sst s5  }
0xe: {  	[smem:$0x3FA5] =	sst s6  }
0xf: {  	[smem:$0x3FA6] =	sst s7  }
0x10: {  	[smem:$0x3FA7] =	sst s8  }
0x11: {  	[smem:$0x3FA8] =	sst s9;
	s0 =	simm.s32 @!p0 $0x0  }
0x12: {  	s1 =	sld [smem:$0x3F8E];
	s0 =	simm.s32 @p0 $0x1  }
0x13: {  	[smem:$0x3FA9] =	sst s0;
	s0 =	simm.s32 @!p1 $0x0  }
0x14: {  	s2 =	sld [smem:$0x3F8D];
	s0 =	simm.s32 @p1 $0x1  }
0x15: {  	[smem:$0x3FAA] =	sst s0;
	s0 =	simm.s32 @!p2 $0x0  }
0x16: {  	s3 =	sld [smem:$0x3FDB];
	s0 =	simm.s32 @p2 $0x1  }
0x17: {  	s4 =	simm.s32 $0x1BF5;
	[smem:$0x3FAC] =	sst s0  }
0x18: {  	s0 =	sld [smem:$0x3F8F];
	_ =	swait.ge [sflag:s4], $0x0  }
0x19: {  	s7 =	sld [smem:$0x3F90]  }
0x1a: {  	s8 =	sadd.s32 $0xFFFFE003, lr  }
0x1b: {  	s9 =	sadd.s32 $0xFFFFFEF7, lr;
	s5 =	simm.s32 $0xFFFFFFFF;
	p2 =	slt.u32 s8, $0xFFFFF086  }
0x1c: {  	p1 =	slt.u32 s9, $0xF7A;
	s5 =	simm.s32 @!p2 $0x0  }
0x1d: {  	s5 =	simm.s32 @p1 $0x1;
	p0 =	seq.s32 s7, s2  }
0x1e: {  	s7 =	smul.u32 @!p0 $0xF7A, s2;
	p2 =	seq.s32 @!p0 s5, $0x0  }
0x1f: {  	s9 =	smul.u32 $0xF7A, s1;
	s8 =	simm.s32 @!p0 $0x1BF5;
	p2 =	por !p2, p0  }
0x20: {  	[sflag:s8] =	ssyncset.s32 @!p0 $0xFFFFF086;
	s6 =	sadd.s32 @!p0 s3, s7;
	s7 =	simm.s32 @!p0 $0x108  }
0x21: {  	s3 =	sadd.s32 s3, s9;
	s6 =	sadd.s32 @!p0 $0x88, s6;
	s7 =	simm.s32 @p2 $0x1082  }
0x22: {  	[simem:s7], [sflag:s8] =	dma.local @!p0 [hbm:s6], $0xF7A  }
0x23: {  	s9 =	sor.u32 $0xD0000000, s2;
	s6 =	simm.s32 $0x108;
	_ =	swait.ge @!p0 [sflag:s8], $0x0  }
0x24: {  	s3 =	sadd.s32 $0x88, s3;
	s6 =	simm.s32 @!p1 $0x1082;
	[sflag:s4] =	ssyncset.s32 $0xFFFFF086  }
0x25: {  	[simem:s6], [sflag:s4] =	dma.local [hbm:s3], $0xF7A  }
0x26: {  	[smem:$0x3F90] =	sst s1;
	(tag) =	ssettag s2;
	_ =	strace s9  }
0x27: {  	s1 =	sld [smem:$0x3FA0]  }
0x28: {  	s2 =	sld [smem:$0x3FA1]  }
0x29: {  	s4 =	sld [smem:$0x3FA3]  }
0x2a: {  	p0 =	seq.s32 s5, $0x0;
	s5 =	sld [smem:$0x3FA4]  }
0x2b: {  	s6 =	sld [smem:$0x3FA5]  }
0x2c: {  	s7 =	sld [smem:$0x3FA6]  }
0x2d: {  	s3 =	simm.s32 $0x108;
	s8 =	sld [smem:$0x3FA7]  }
0x2e: {  	s3 =	simm.s32 @!p0 $0x1082;
	s9 =	sld [smem:$0x3FA8]  }
0x2f: {  	lr =	sadd.s32 s0, s3;
	s0 =	sld [smem:$0x3F9F]  }
0x30: {  	s3 =	sld [smem:$0x3FA2]  }
0x31: {  	[smem:$0x3FAB] =	sst s10  }
0x32: {  	s10 =	sld [smem:$0x3FA9];
	_ =	sdelay $0x3  }
0x33: {  	p0 =	seq.s32 s10, $0x1;
	s10 =	sld [smem:$0x3FAB];
	_ =	sdelay $0x3  }
0x34: {  	[smem:$0x3FAB] =	sst s10  }
0x35: {  	s10 =	sld [smem:$0x3FAA];
	_ =	sdelay $0x3  }
0x36: {  	p1 =	seq.s32 s10, $0x1;
	s10 =	sld [smem:$0x3FAB];
	_ =	sdelay $0x3  }
0x37: {  	[smem:$0x3FAB] =	sst s10  }
0x38: {  	s10 =	sld [smem:$0x3FAC]  }
0x39: {  	_ = 	snop;
	(pc) =	sbr.ind lr, $3  }
0x3a: {  	_ = 	snop  }
0x3b: {  	_ = 	snop  }
0x3c: {  	p2 =	seq.s32 s10, $0x1;
	s10 =	sld [smem:$0x3FAB]  }
0x3d: {  	_ =	shalt  }
0x3e: {  	_ =	shalt  }
0x3f: {  	_ =	shalt  }
0x40: {  	_ =	shalt  }
0x41: {  	_ =	shalt  }
0x42: {  	_ =	shalt  }
0x43: {  	_ =	shalt  }
0x44: {  	_ =	shalt  }
0x45: {  	_ =	shalt  }
0x46: {  	_ =	shalt  }
0x47: {  	_ =	shalt  }
0x48: {  	_ =	shalt  }
0x49: {  	_ =	shalt  }
0x4a: {  	_ =	shalt  }
0x4b: {  	_ =	shalt  }
0x4c: {  	_ =	shalt  }
0x4d: {  	_ =	shalt  }
0x4e: {  	_ =	shalt  }
0x4f: {  	_ =	shalt  }
0x50: {  	_ =	shalt  }
0x51: {  	_ =	shalt  }
0x52: {  	_ =	shalt  }
0x53: {  	_ =	shalt  }
0x54: {  	_ =	shalt  }
0x55: {  	_ =	shalt  }
0x56: {  	_ =	shalt  }
0x57: {  	_ =	shalt  }
0x58: {  	_ =	shalt  }
0x59: {  	_ =	shalt  }
0x5a: {  	_ =	shalt  }
0x5b: {  	_ =	shalt  }
0x5c: {  	_ =	shalt  }
0x5d: {  	_ =	shalt  }
0x5e: {  	_ =	shalt  }
0x5f: {  	_ =	shalt  }
0x60: {  	_ =	shalt  }
0x61: {  	_ =	shalt  }
0x62: {  	_ =	shalt  }
0x63: {  	_ =	shalt  }
0x64: {  	_ =	shalt  }
0x65: {  	_ =	shalt  }
0x66: {  	_ =	shalt  }
0x67: {  	_ =	shalt  }
0x68: {  	_ =	shalt  }
0x69: {  	_ =	shalt  }
0x6a: {  	_ =	shalt  }
0x6b: {  	_ =	shalt  }
0x6c: {  	_ =	shalt  }
0x6d: {  	_ =	shalt  }
0x6e: {  	_ =	shalt  }
0x6f: {  	_ =	shalt  }
0x70: {  	_ =	shalt  }
0x71: {  	_ =	shalt  }
0x72: {  	_ =	shalt  }
0x73: {  	_ =	shalt  }
0x74: {  	_ =	shalt  }
0x75: {  	_ =	shalt  }
0x76: {  	_ =	shalt  }
0x77: {  	_ =	shalt  }
0x78: {  	_ =	shalt  }
0x79: {  	_ =	shalt  }
0x7a: {  	_ =	shalt  }
0x7b: {  	_ =	shalt  }
0x7c: {  	_ =	shalt  }
0x7d: {  	_ =	shalt  }
0x7e: {  	_ =	shalt  }
0x7f: {  	_ =	shalt  }
0x80: {  	_ =	shalt  }
0x81: {  	_ =	shalt  }
0x82: {  	_ =	shalt  }
0x83: {  	_ =	shalt  }
0x84: {  	_ =	shalt  }
0x85: {  	_ =	shalt  }
0x86: {  	_ =	shalt  }
0x87: {  	_ =	shalt  }
.Lfunc_end0:
.L_simem_size_0:
called_computation.2_lowered:
.L_overlay_start_0:
0x88: {  	s2 =	sld [smem:$0x3FD9]  }
0x89: {  	s3 =	sld [smem:$0x3FFE];
	_ =	sdelay $0x1  }
0x8a: {  	s1 =	srdreg.scid  }
0x8b: {  	s0 =	sand.u32 $0x1, s1  }
0x8c: {  	s16 =	sshll.u32 s0, $0xA;
	s2 =	sadd.s32 s3, s2  }
0x8d: {  	s2 =	sadd.s32 s2, s16  }
0x8e: {  	[smem:$0x3FB7] =	sst s2  }
0x8f: {  	_ = 	snop  }
0x90: {  	(tm) =	ssettm $0x1  }
0x91: {  	s17 =	sld [smem:$0x3FFB];
	_ =	sdelay $0x3  }
0x92: {  	_ =	strace s17  }
0x93: {  	s2 =	sld [smem:$0x3FFC];
	_ =	sdelay $0x3  }
0x94: {  	_ =	strace s2  }
0x95: {  	s2 =	sld [smem:$0x3FFD];
	_ =	sdelay $0x3  }
0x96: {  	_ =	strace s2  }
0x97: {  	_ =	strace $0x8FFFFFFF  }
0x98: {  	s18 =	sld [smem:$0x3FDB];
	_ =	sdelay $0x1  }
0x99: {  	s19 =	simm.s32 $_scs_section_size  }
0x9a: {  	s4 =	simm.s32 $_size__tile_overlayer_lowered;
	s5 =	simm.s32 $_tile_overlayer_lowered  }
0x9b: {  	s22 =	simm.s32 $0x1BFF;
	s21 =	sshll.u32 s5, $0x1;
	s2 =	sadd.s32 s19, s18  }
0x9c: {  	s6 =	simm.s32 $0x0;
	s20 =	sshll.u32 s4, $0x1;
	s4 =	sadd.s32 s21, s2  }
0x9d: {  	[timem:s6], [sflag:s22] =	dma.local [hbm:s4], s20  }
0x9e: {  	_ =	swait.ge [sflag:s22], s20  }
0x9f: {  	s3 =	ssub.s32 $0x0, s20;
	[sflag:s22] =	ssyncset.done $0x0  }
0xa0: {  	[sflag:s22] =	ssyncadd.s32 s3;
	_ =	sdelay $0x1  }
0xa1: {  	s23 =	simm.s32 $0x1B8B  }
0xa2: {  	_ =	swait.ge [sflag:s23], $0x1  }
0xa3: {  	[sflag:s23] =	ssyncset.done $0x0  }
0xa4: {  	s25 =	simm.s32 $0x1B8E;
	s24 =	sld [smem:$0x3FFE];
	[sflag:s23] =	ssyncadd.s32 $0xFFFFFFFF  }
0xa5: {  	s26 =	simm.s32 $execute0_lowered;
	[smem:$0x3FD2] =	sst s25  }
0xa6: {  	s4 =	sshll.u32 s26, $0x1;
	_ =	strace $0x8000004C;
	[dreg:$0x1] =	wrdreg $0xFFFFFFFF  }
0xa7: {  	s28 =	simm.s32 $_size_execute0_lowered;
	s2 =	sadd.s32 s2, s4;
	[dreg:$0x0] =	wrdreg $0x0  }
0xa8: {  	s4 =	sshll.u32 s28, $0x1;
	[dreg:$0x2] =	wrdreg s2  }
0xa9: {  	[dreg:$0x3] =	wrdreg s4  }
0xaa: {  	[dreg:$0x4] =	wrdreg $0xC0  }
0xab: {  	_ =	task [dreg:s6], $0x5FFFF  }
0xac: {  	[dreg:$0x1] =	wrdreg $0xFFFFFFFF  }
0xad: {  	[dreg:$0x0] =	wrdreg $0x60  }
0xae: {  	[dreg:$0x2] =	wrdreg s24  }
0xaf: {  	[dreg:$0x3] =	wrdreg $0x0  }
0xb0: {  	[dreg:$0x4] =	wrdreg $0x9  }
0xb1: {  	_ =	task.clear_ibuf [dreg:s6], $0x5FFFF;
	_ =	strace $0x9000004C  }
0xb2: {  	s29 =	simm.s32 $0x9;
	_ =	strace $0x8000004E  }
0xb3: {  	_ =	swait.ge [sflag:s29], $0x1  }
0xb4: {  	[sflag:s29] =	ssyncadd.s32 $0xFFFFFFFF  }
0xb5: {  	_ =	strace $0x9000004E  }
0xb6: {  	_ =	sfence  }
0xb7: {  	s30 =	sld [smem:$0x0];
	_ =	sdelay $0x2  }
0xb8: {  	s31 =	sshll.u32 s1, $0xD;
	s1 =	sshrl.u32 s1, $0x2  }
0xb9: {  	s3 =	sand.u32 $0x4000, s31;
	s1 =	sadd.s32 s1, s30  }
0xba: {  	s0 =	sor.u32 s3, s0;
	s1 =	sshll.u32 s1, $0x11  }
0xbb: {  	s0 =	sor.u32 s1, s0  }
0xbc: {  	s0 =	sadd.s32 $0x8F2B, s0  }
0xbd: {  	[sflag:s0] =	ssyncadd.remote.s32 $0x1  }
0xbe: {  	_ =	sfence.sel $0xFFFF  }
0xbf: {  	[dreg:$0x0] =	wrdreg $0xFFFFFFFF;
	(pc) =	sbr.abs _section_cstart, $3  }
0xc0: {  	[dreg:$0x1] =	wrdreg $0xFFFFFFFF  }
0xc1: {  	_ =	task.clear_ibuf [dreg:s6], $0x2FFFF;
	_ =	strace $0x9FFFFFFF  }
0xc2: {  	(tm) =	ssettm $0x7FFFFFFF  }
0xc3: {  	_ =	shalt  }
tec
execute0_lowered:
.L_overlay_start_1:
0x0: {  	(tag) =	ssettag $0x1  }
0x1: {  	s0 =	rddreg [dreg:$0x0]  }
0x2: {  	s1 =	rddreg [dreg:$0x1];
	s3 =	simm.s32 $0x0  }
0x3: {  	s12 =	stileid.u32;
	s2 =	srdreg.scid;
	s18 =	simm.s32 $0x6  }
0x4: {  	s19 =	simm.s32 $0x14000;
	s20 =	simm.s32 $0x14800;
	s21 =	simm.s32 $0x7D  }
0x5: {  	s22 =	simm.s32 $0x16000;
	s28 =	simm.s32 $0x15800;
	s29 =	simm.s32 $0x2  }
0x6: {  	s30 =	simm.s32 $0x3;
	s31 =	simm.s32 $0x5;
	[smem:$0x7FF] =	sst s3  }
0x7: {  	s4 =	sadd.s32 $0x65200, s0;
	s13 =	smul.u32 $0x2800, s12;
	s2 =	sand.u32 $0x1, s2  }
0x8: {  	s6 =	sadd.s32 $0x5B200, s0;
	s9 =	smul.u32 $0x50000, s12;
	s7 =	sadd.s32 $0x1200, s0  }
0x9: {  	s8 =	smul.u32 $0xA00, s12;
	s26 =	sshll.u32 s12, $0x6;
	_ =	strace $0x8000004D  }
0xa: {  	s5 =	ssub.s32 $0x2, s2;
	p0 =	seq.s32 s2, $0x0;
	[dreg:$0x9] =	wrdreg s26  }
0xb: {  	s12 =	sor.u32 $0x1C06, s26;
	s26 =	simm.s32 $0x15000;
	s2 =	simm.s32 $0x0  }
0xc: {  	s10 =	sshrl.u32 s5, $0x1;
	s11 =	sadd.s32 s13, s0;
	s9 =	sshrl.u32 s9, $0x2  }
0xd: {  	s14 =	sadd.s32 s6, s8;
	s24 =	sadd.s32 s7, s8;
	[dreg:$0x3] =	wrdreg s13  }
0xe: {  	s25 =	sadd.s32 s4, s13;
	s5 =	ssub.s32 s5, s10;
	[dreg:$0x4] =	wrdreg s14  }
.Ltmp0:
0xf: {  	s23 =	sadd.s32 s9, s1;
	[dreg:$0x5] =	wrdreg s24;
	(pc) =	sbr.rel .LBB2_1-.Ltmp0, $4  }
0x10: {  	s9 =	sadd.s32 $0x8D200, s0;
	[dreg:$0x6] =	wrdreg s25;
	s11 =	sadd.s32 $0xB200, s11  }
0x11: {  	s0 =	sadd.s32 $0x33200, s0;
	[dreg:$0x7] =	wrdreg s11;
	s5 =	smax.u32 s5, $0x1  }
0x12: {  	s24 =	simm.s32 $0x1A000;
	s0 =	sadd.s32 s13, s0;
	[dreg:$0x8] =	wrdreg s5  }
0x13: {  	s17 =	sshrl.u32 s23, $0x3;
	s23 =	simm.s32 $0x1;
	[dreg:$0xa] =	wrdreg s0  }
.LBB2_21:
0x14: {  	s5 =	simm.s32 $0x4  }
0x15: {  	_ =	swait.ge [sflag:s5], $0x3E80  }
0x16: {  	[sflag:s5] =	ssyncset.done $0x0  }
0x17: {  	[sflag:s5] =	ssyncadd.s32 $0xFFFFC180  }
0x18: {  	[bflag:$0x0] =	sbarrier.arrive $0xFFFF  }
0x19: {  	s12 =	smov.u32 s0;
	s5 =	rddreg [dreg:$0xa]  }
.LBB2_22:
0x1a: {  	[hbm:s5], [sflag:s16] =	dma.local [spmem:s17], $0x2800  }
0x1b: {  	_ =	swait.ge [sflag:s18], $0x2800  }
0x1c: {  	s2 =	sadd.s32 $0x1, s2;
	s25 =	rddreg [dreg:$0x8]  }
0x1d: {  	p1 =	sne.s32 s2, s25  }
.Ltmp1:
0x1e: {  	_ = 	snop;
	(pc) =	sbr.rel @!p1 .LBB2_23-.Ltmp1, $3  }
0x1f: {  	_ =	sdelay $0x1  }
0x20: {  	[sflag:s18] =	ssyncset.done $0x0  }
0x21: {  	[sflag:s18] =	ssyncadd.s32 $0xFFFFD800  }
.LBB2_1:
.Ltmp2:
0x22: {  	(pc) =	sbr.rel @!p0 .LBB2_2-.Ltmp2, $1  }
0x23: {  	_ =	sdelay $0x3  }
0x24: {  	s5 =	rddreg [dreg:$0x6]  }
0x25: {  	[spmem:s17], [sflag:s12] =	dma.local [hbm:s5], $0x2800  }
0x26: {  	_ =	swait.ge [sflag:s18], $0x2800  }
0x27: {  	[sflag:s18] =	ssyncset.done $0x0  }
0x28: {  	[sflag:s18] =	ssyncadd.s32 $0xFFFFD800  }
0x29: {  	[bflag:$0x0] =	sbarrier.arrive $0xFFFF  }
0x2a: {  	s13 =	simm.s32 $0x0;
	s16 =	rddreg [dreg:$0x4]  }
0x2b: {  	[tilespmem:s19], [sflag:$0x6] =	stream.linear.gather [hbm4b:s16+s13], $0x800, $0x38;
	[tilespmem:$0x1E000] =	vst v63  }
0x2c: {  	_ =	swait.ge [sflag:s18], $0x800  }
0x2d: {  	[sflag:s18] =	ssyncset.done $0x0  }
0x2e: {  	s25 =	rddreg [dreg:$0x5];
	[sflag:s18] =	ssyncadd.s32 $0xFFFFF800  }
0x2f: {  	[tilespmem:s20], [sflag:$0x6] =	stream.linear.gather [hbm4b:s25+s13], $0x800, $0x38;
	[tilespmem:$0x1E000] =	vst v63  }
.Ltmp3:
0x30: {  	_ = 	snop;
	(pc) =	sbr.rel .LBB2_10-.Ltmp3, $4  }
0x31: {  	_ =	swait.ge [sflag:s18], $0x800  }
0x32: {  	[sflag:s18] =	ssyncset.done $0x0  }
0x33: {  	s15 =	simm.s32 $0x2;
	s16 =	simm.s32 $0x400;
	[sflag:s18] =	ssyncadd.s32 $0xFFFFF800  }
0x34: {  	[tilespmem:s22], [sflag:$0x1] =	stream.indirect.gather [hbm4b:s4+s21], $0x80, s19, s21, $0xb8;
	[tilespmem:$0x1E000] =	vst v63  }
.LBB2_15:
0x35: {  	_ =	swait.ge [sflag:s31], $0x800  }
0x36: {  	[sflag:s31] =	ssyncset.done $0x0  }
0x37: {  	[sflag:s31] =	ssyncadd.s32 $0xFFFFF800  }
0x38: {  	_ =	swait.ge [sflag:s31], $0x800  }
0x39: {  	[sflag:s31] =	ssyncset.done $0x0  }
0x3a: {  	[sflag:s31] =	ssyncadd.s32 $0xFFFFF800  }
.LBB2_17:
0x3b: {  	s5 =	sand.u32 $0x10, s15;
	s25 =	sand.u32 $0x1C00, s16  }
0x3c: {  	s10 =	simm.s32 $0x14000;
	s16 =	sadd.s32 $0x400, s16;
	p1 =	seq.s32 s5, $0x0  }
0x3d: {  	s10 =	simm.s32 @!p1 $0x15000;
	p1 =	sne.s32 s16, $0x14400  }
.Ltmp4:
0x3e: {  	_ = 	snop;
	(pc) =	sbr.rel @!p1 .LBB2_18-.Ltmp4, $4  }
0x3f: {  	_ = 	snop  }
0x40: {  	s5 =	sshrl.u32 s25, $0x2  }
0x41: {  	s13 =	sadd.s32 $0x1, s13;
	s15 =	sadd.s32 $0x2, s15;
	s5 =	sor.u32 s5, s10  }
0x42: {  	[tilespmem:s22], [sflag:$0x1] =	stream.indirect.gather [hbm4b:s4+s21], $0x80, s5, s21, $0xb8;
	[tilespmem:$0x1E000] =	vst v63  }
.LBB2_10:
0x43: {  	s25 =	sshrl.u32 s13, $0x3  }
0x44: {  	p2 =	seq.s32 s16, $0x400;
	_ =	swait.ge [sflag:s23], $0x3E80;
	s5 =	sshll.u32 s25, $0xD  }
0x45: {  	s10 =	sand.u32 @!p2 $0x8, s13;
	[sflag:s23] =	ssyncset.done $0x0;
	s14 =	simm.s32 @!p2 $0x4  }
0x46: {  	s11 =	ssub.s32 $0x200, s5;
	p1 =	seq.s32 @!p2 s10, $0x0;
	[sflag:s23] =	ssyncadd.s32 $0xFFFFC180  }
0x47: {  	s10 =	simm.s32 @!p2 $0x14800;
	s5 =	ssub.s32 $0x0, s5;
	p3 =	por !p1, p2  }
0x48: {  	s11 =	sadd.s32 s11, s16;
	_ =	swait.ge @!p2 [sflag:s14], $0x3E80;
	s10 =	simm.s32 @p3 $0x15800  }
0x49: {  	s5 =	sadd.s32 s5, s16;
	s11 =	sshra.s32 s11, $0x2;
	s10 =	simm.s32 @p2 $0x14800  }
0x4a: {  	[sflag:s14] =	ssyncset.done @!p2 $0x0;
	s10 =	sadd.s32 s11, s10;
	s11 =	simm.s32 @!p2 $0x14000  }
0x4b: {  	[sflag:s14] =	ssyncadd.s32 @!p2 $0xFFFFC180;
	s10 =	sadd.s32 $0xFFFFFE80, s10;
	s11 =	simm.s32 @p3 $0x15000  }
0x4c: {  	[spmem:s1] =	stream.indirect.scatter.add.f32 [tilespmem:s22], [sflag:$0x3], $0x80, s10, s21, $0xb8;
	[tilespmem:$0x1E000] =	vst v63  }
0x4d: {  	s5 =	sshra.s32 s5, $0x2;
	s11 =	simm.s32 @p2 $0x14000  }
0x4e: {  	s14 =	sadd.s32 s5, s11  }
0x4f: {  	s10 =	sadd.s32 $0xFFFFFF80, s14  }
0x50: {  	[tilespmem:s24], [sflag:$0x2] =	stream.indirect.gather [hbm4b:s4+s21], $0x80, s10, s21, $0xb8;
	[tilespmem:$0x1E000] =	vst v63  }
0x51: {  	p4 =	por p1, p2;
	p1 =	sgt.u32 s13, $0x47;
	s10 =	sand.u32 $0x7, s13  }
0x52: {  	p5 =	por @!p2 $0x1, $0x1;
	p4 =	por @!p4 $0x0, $0x0;
	p6 =	sne.s32 @!p1 s10, $0x1  }
0x53: {  	p4 =	por @!p3 p5, p5;
	p5 =	por p1, p6  }
.Ltmp5:
0x54: {  	_ = 	snop;
	(pc) =	sbr.rel @p5 .LBB2_14-.Ltmp5, $3  }
0x55: {  	_ =	sdelay $0x1  }
0x56: {  	p3 =	por $0x1, $0x1  }
0x57: {  	p3 =	por @!p2 p4, p4  }
0x58: {  	s11 =	sadd.s32 $0x1, s25  }
0x59: {  	s14 =	sshll.u32 s11, $0x8;
	s11 =	sand.u32 $0x1, s11  }
0x5a: {  	p2 =	seq.s32 s11, $0x0  }
.Ltmp6:
0x5b: {  	_ = 	snop;
	(pc) =	sbr.rel @!p2 .LBB2_13-.Ltmp6, $3  }
0x5c: {  	_ =	sdelay $0x1  }
0x5d: {  	s14 =	sadd.s32 s8, s14  }
0x5e: {  	s11 =	sadd.s32 s6, s14;
	s25 =	sadd.s32 s7, s14  }
.Ltmp7:
0x5f: {  	(pc) =	sbr.rel @!p3 .LBB2_14-.Ltmp7, $4  }
0x60: {  	_ = 	snop  }
0x61: {  	[tilespmem:s19], [sflag:$0x5] =	stream.linear.gather [hbm4b:s11+s3], $0x800, $0x38;
	[tilespmem:$0x1E000] =	vst v63  }
0x62: {  	_ = 	snop  }
0x63: {  	[tilespmem:s20], [sflag:$0x5] =	stream.linear.gather [hbm4b:s25+s3], $0x800, $0x38;
	[tilespmem:$0x1E000] =	vst v63  }
.LBB2_13:
0x64: {  	[tilespmem:s26], [sflag:$0x5] =	stream.linear.gather [hbm4b:s11+s3], $0x800, $0x38;
	[tilespmem:$0x1E000] =	vst v63  }
0x65: {  	_ = 	snop  }
0x66: {  	[tilespmem:s28], [sflag:$0x5] =	stream.linear.gather [hbm4b:s25+s3], $0x800, $0x38;
	[tilespmem:$0x1E000] =	vst v63  }
.LBB2_14:
0x67: {  	_ =	swait.ge [sflag:s29], $0x3E80;
	p2 =	sne.s32 @!p1 s10, $0x7  }
0x68: {  	[sflag:s29] =	ssyncset.done $0x0;
	p1 =	por p1, p2  }
.Ltmp8:
0x69: {  	s11 =	simm.s32 $0x14800;
	[sflag:s29] =	ssyncadd.s32 $0xFFFFC180;
	(pc) =	sbr.rel @!p1 .LBB2_15-.Ltmp8, $4  }
0x6a: {  	s11 =	simm.s32 @!p3 $0x15800;
	_ =	swait.ge [sflag:s30], $0x3E80  }
0x6b: {  	s5 =	sadd.s32 s5, s11;
	[sflag:s30] =	ssyncset.done $0x0  }
0x6c: {  	s5 =	sadd.s32 $0xFFFFFF80, s5;
	[sflag:s30] =	ssyncadd.s32 $0xFFFFC180  }
0x6d: {  	[spmem:s1] =	stream.indirect.scatter.add.f32 [tilespmem:s24], [sflag:$0x4], $0x80, s5, s21, $0xb8;
	[tilespmem:$0x1E000] =	vst v63  }
0x6e: {  	p1 =	seq.s32 s16, $0x14000  }
.Ltmp9:
0x6f: {  	_ = 	snop;
	(pc) =	sbr.rel @!p1 .LBB2_17-.Ltmp9, $1  }
0x70: {  	_ =	sdelay $0x3  }
.LBB2_18:
0x71: {  	s0 =	simm.s32 $0x4  }
.Ltmp10:
0x72: {  	_ =	swait.ge [sflag:s0], $0x3E80;
	(pc) =	sbr.rel .LBB2_22-.Ltmp10, $4  }
0x73: {  	[sflag:s0] =	ssyncset.done $0x0  }
0x74: {  	[sflag:s0] =	ssyncadd.s32 $0xFFFFC180  }
0x75: {  	[bflag:$0x0] =	sbarrier.arrive $0xFFFF  }
0x76: {  	s16 =	smov.u32 s12;
	s5 =	rddreg [dreg:$0x7]  }
.LBB2_2:
0x77: {  	s5 =	rddreg [dreg:$0x3]  }
0x78: {  	s10 =	rddreg [dreg:$0x9]  }
0x79: {  	s5 =	sadd.s32 s5, s9;
	s16 =	sor.u32 $0x1C06, s10  }
0x7a: {  	[spmem:s17], [sflag:s16] =	dma.local [hbm:s5], $0x2800  }
0x7b: {  	_ =	swait.ge [sflag:s18], $0x2800  }
0x7c: {  	[sflag:s18] =	ssyncset.done $0x0  }
0x7d: {  	[sflag:s18] =	ssyncadd.s32 $0xFFFFD800  }
0x7e: {  	[bflag:$0x0] =	sbarrier.arrive $0xFFFF  }
0x7f: {  	s13 =	simm.s32 $0x0;
	s15 =	rddreg [dreg:$0x4]  }
0x80: {  	[tilespmem:s19], [sflag:$0x6] =	stream.linear.gather [hbm4b:s15+s13], $0x800, $0x38;
	[tilespmem:$0x1E000] =	vst v63  }
0x81: {  	_ =	swait.ge [sflag:s18], $0x800  }
0x82: {  	[sflag:s18] =	ssyncset.done $0x0  }
0x83: {  	s25 =	rddreg [dreg:$0x5];
	[sflag:s18] =	ssyncadd.s32 $0xFFFFF800  }
0x84: {  	[tilespmem:s20], [sflag:$0x6] =	stream.linear.gather [hbm4b:s25+s13], $0x800, $0x38;
	[tilespmem:$0x1E000] =	vst v63  }
.Ltmp11:
0x85: {  	_ = 	snop;
	(pc) =	sbr.rel .LBB2_3-.Ltmp11, $4  }
0x86: {  	_ =	swait.ge [sflag:s18], $0x800  }
0x87: {  	s0 =	smov.u32 s12;
	[sflag:s18] =	ssyncset.done $0x0  }
0x88: {  	s15 =	simm.s32 $0x2;
	s25 =	simm.s32 $0x400;
	[sflag:s18] =	ssyncadd.s32 $0xFFFFF800  }
0x89: {  	[tilespmem:s22], [sflag:$0x1] =	stream.indirect.gather [hbm4b:s9+s21], $0x80, s19, s21, $0xb8;
	[tilespmem:$0x1E000] =	vst v63  }
.LBB2_8:
0x8a: {  	_ =	swait.ge [sflag:s31], $0x800  }
0x8b: {  	[sflag:s31] =	ssyncset.done $0x0  }
0x8c: {  	[sflag:s31] =	ssyncadd.s32 $0xFFFFF800  }
0x8d: {  	_ =	swait.ge [sflag:s31], $0x800  }
0x8e: {  	[sflag:s31] =	ssyncset.done $0x0  }
0x8f: {  	[sflag:s31] =	ssyncadd.s32 $0xFFFFF800  }
.LBB2_20:
0x90: {  	s5 =	sand.u32 $0x10, s15;
	s14 =	sand.u32 $0x1C00, s25  }
0x91: {  	s10 =	simm.s32 $0x14000;
	s25 =	sadd.s32 $0x400, s25;
	p1 =	seq.s32 s5, $0x0  }
0x92: {  	s10 =	simm.s32 @!p1 $0x15000;
	p1 =	sne.s32 s25, $0x14400  }
.Ltmp12:
0x93: {  	_ = 	snop;
	(pc) =	sbr.rel @!p1 .LBB2_21-.Ltmp12, $4  }
0x94: {  	_ = 	snop  }
0x95: {  	s5 =	sshrl.u32 s14, $0x2  }
0x96: {  	s13 =	sadd.s32 $0x1, s13;
	s15 =	sadd.s32 $0x2, s15;
	s5 =	sor.u32 s5, s10  }
0x97: {  	[tilespmem:s22], [sflag:$0x1] =	stream.indirect.gather [hbm4b:s9+s21], $0x80, s5, s21, $0xb8;
	[tilespmem:$0x1E000] =	vst v63  }
.LBB2_3:
0x98: {  	s5 =	sshrl.u32 s13, $0x3;
	p2 =	seq.s32 s25, $0x400;
	_ =	swait.ge [sflag:s23], $0x3E80  }
0x99: {  	s10 =	sshll.u32 s5, $0xD;
	s11 =	sand.u32 @!p2 $0x8, s13;
	[sflag:s23] =	ssyncset.done $0x0  }
0x9a: {  	s12 =	simm.s32 @!p2 $0x4;
	s14 =	ssub.s32 $0x200, s10;
	p1 =	seq.s32 @!p2 s11, $0x0  }
0x9b: {  	[sflag:s23] =	ssyncadd.s32 $0xFFFFC180;
	s11 =	simm.s32 @!p2 $0x14800;
	s10 =	ssub.s32 $0x0, s10  }
0x9c: {  	p3 =	por !p1, p2;
	s14 =	sadd.s32 s14, s25;
	_ =	swait.ge @!p2 [sflag:s12], $0x3E80  }
0x9d: {  	s11 =	simm.s32 @p3 $0x15800;
	s14 =	sshra.s32 s14, $0x2;
	[sflag:s12] =	ssyncset.done @!p2 $0x0  }
0x9e: {  	s11 =	simm.s32 @p2 $0x14800;
	[sflag:s12] =	ssyncadd.s32 @!p2 $0xFFFFC180;
	s12 =	simm.s32 @!p2 $0x14000  }
0x9f: {  	s10 =	sadd.s32 s10, s25;
	s11 =	sadd.s32 s14, s11;
	s12 =	simm.s32 @p3 $0x15000  }
0xa0: {  	s10 =	sshra.s32 s10, $0x2;
	s11 =	sadd.s32 $0xFFFFFE80, s11;
	s12 =	simm.s32 @p2 $0x14000  }
0xa1: {  	[spmem:s1] =	stream.indirect.scatter.add.f32 [tilespmem:s22], [sflag:$0x3], $0x80, s11, s21, $0xb8;
	[tilespmem:$0x1E000] =	vst v63  }
0xa2: {  	s14 =	sadd.s32 s10, s12  }
0xa3: {  	s11 =	sadd.s32 $0xFFFFFF80, s14  }
0xa4: {  	[tilespmem:s24], [sflag:$0x2] =	stream.indirect.gather [hbm4b:s9+s21], $0x80, s11, s21, $0xb8;
	[tilespmem:$0x1E000] =	vst v63  }
0xa5: {  	p4 =	por p1, p2;
	p1 =	sgt.u32 s13, $0x47;
	s11 =	sand.u32 $0x7, s13  }
0xa6: {  	p5 =	por @!p2 $0x1, $0x1;
	p4 =	por @!p4 $0x0, $0x0;
	p6 =	sne.s32 @!p1 s11, $0x1  }
0xa7: {  	p4 =	por @!p3 p5, p5;
	p5 =	por p1, p6  }
.Ltmp13:
0xa8: {  	_ = 	snop;
	(pc) =	sbr.rel @p5 .LBB2_7-.Ltmp13, $3  }
0xa9: {  	_ =	sdelay $0x1  }
0xaa: {  	p3 =	por $0x1, $0x1  }
0xab: {  	p3 =	por @!p2 p4, p4  }
0xac: {  	s5 =	sadd.s32 $0x1, s5  }
0xad: {  	s12 =	sshll.u32 s5, $0x8;
	s5 =	sand.u32 $0x1, s5  }
0xae: {  	p2 =	seq.s32 s5, $0x0  }
.Ltmp14:
0xaf: {  	_ = 	snop;
	(pc) =	sbr.rel @!p2 .LBB2_6-.Ltmp14, $3  }
0xb0: {  	_ =	sdelay $0x1  }
0xb1: {  	s12 =	sadd.s32 s8, s12  }
0xb2: {  	s5 =	sadd.s32 s6, s12;
	s14 =	sadd.s32 s7, s12  }
.Ltmp15:
0xb3: {  	(pc) =	sbr.rel @!p3 .LBB2_7-.Ltmp15, $4  }
0xb4: {  	_ = 	snop  }
0xb5: {  	[tilespmem:s19], [sflag:$0x5] =	stream.linear.gather [hbm4b:s5+s3], $0x800, $0x38;
	[tilespmem:$0x1E000] =	vst v63  }
0xb6: {  	_ = 	snop  }
0xb7: {  	[tilespmem:s20], [sflag:$0x5] =	stream.linear.gather [hbm4b:s14+s3], $0x800, $0x38;
	[tilespmem:$0x1E000] =	vst v63  }
.LBB2_6:
0xb8: {  	[tilespmem:s26], [sflag:$0x5] =	stream.linear.gather [hbm4b:s5+s3], $0x800, $0x38;
	[tilespmem:$0x1E000] =	vst v63  }
0xb9: {  	_ = 	snop  }
0xba: {  	[tilespmem:s28], [sflag:$0x5] =	stream.linear.gather [hbm4b:s14+s3], $0x800, $0x38;
	[tilespmem:$0x1E000] =	vst v63  }
.LBB2_7:
0xbb: {  	_ =	swait.ge [sflag:s29], $0x3E80;
	p2 =	sne.s32 @!p1 s11, $0x7  }
0xbc: {  	[sflag:s29] =	ssyncset.done $0x0;
	p1 =	por p1, p2  }
.Ltmp16:
0xbd: {  	s5 =	simm.s32 $0x14800;
	[sflag:s29] =	ssyncadd.s32 $0xFFFFC180;
	(pc) =	sbr.rel @!p1 .LBB2_8-.Ltmp16, $4  }
0xbe: {  	s5 =	simm.s32 @!p3 $0x15800;
	_ =	swait.ge [sflag:s30], $0x3E80  }
0xbf: {  	s5 =	sadd.s32 s10, s5;
	[sflag:s30] =	ssyncset.done $0x0  }
0xc0: {  	s5 =	sadd.s32 $0xFFFFFF80, s5;
	[sflag:s30] =	ssyncadd.s32 $0xFFFFC180  }
0xc1: {  	[spmem:s1] =	stream.indirect.scatter.add.f32 [tilespmem:s24], [sflag:$0x4], $0x80, s5, s21, $0xb8;
	[tilespmem:$0x1E000] =	vst v63  }
0xc2: {  	p1 =	seq.s32 s25, $0x14000  }
.Ltmp17:
0xc3: {  	_ = 	snop;
	(pc) =	sbr.rel @!p1 .LBB2_20-.Ltmp17, $4  }
.Ltmp18:
0xc4: {  	_ = 	snop;
	(pc) =	sbr.rel @p1 .LBB2_21-.Ltmp18, $4  }
0xc5: {  	_ = 	snop  }
0xc6: {  	_ = 	snop  }
0xc7: {  	_ = 	snop  }
0xc8: {  	_ = 	snop  }
.LBB2_23:
0xc9: {  	_ =	sfence.sel $0x180000  }
0xca: {  	[bflag:$0x0] =	sbarrier.arrive $0xFFFF  }
0xcb: {  	_ =	strace $0x9000004D  }
0xcc: {  	s0 =	stileid.u32;
	[bflag:$0x2] =	sbarrier.arrive $0xFFFF  }
0xcd: {  	p0 =	sne.s32 s0, $0x0;
	s0 =	rddreg [dreg:$0x2]  }
0xce: {  	s0 =	sadd.s32 @!p0 $0x100000, s0  }
0xcf: {  	[sflag:s0] =	ssyncadd.tile.s32 @!p0 $0x1;
	_ =	shalt  }
.Lfunc_end2:
_tile_overlayer_lowered:
.L_overlay_start_2:
0xd0: {  	(tag) =	ssettag $0x2  }
0xd1: {  	s0 =	rddreg [dreg:$0x0];
	s2 =	stileid.u32  }
0xd2: {  	s1 =	rddreg [dreg:$0x1];
	p0 =	sne.s32 s2, $0x0  }
0xd3: {  	s3 =	rddreg [dreg:$0x2];
	[bflag:$0x3] =	sbarrier.arrive $0xFFFF;
	s2 =	simm.s32 @!p0 $0x1C06  }
0xd4: {  	[timem:s3], [sflag:s2] =	dma.local @!p0 [hbm:s0], s1  }
0xd5: {  	s0 =	simm.s32 @!p0 $0x6  }
0xd6: {  	_ =	swait.ge @!p0 [sflag:s0], s1  }
0xd7: {  	s1 =	ssub.s32 @!p0 $0x0, s1;
	[sflag:s0] =	ssyncset.done @!p0 $0x0  }
0xd8: {  	[sflag:s0] =	ssyncadd.s32 @!p0 s1  }
0xd9: {  	[bflag:$0x3] =	sbarrier.arrive $0xFFFF  }
0xda: {  	_ =	shalt  }

// kernel: kernel.19.cloned.1.call-start
scs
__scs_entry_jumppad:
0x0: {  	(pc) =	sbr.rel $0x88, $3  }
0x1: {  	(tag) =	ssettag $0x0;
	lr =	simm.s32 $0x1  }
0x2: {  	[smem:$0x3F90] =	sst lr;
	_ =	strace $0xD0000000  }
0x3: {  	_ = 	snop  }
0x4: {  	_ = 	snop  }
0x5: {  	_ = 	snop  }
0x6: {  	_ = 	snop  }
0x7: {  	_ = 	snop  }
__scs_overlays_trampoline_lowered:
0x8: {  	[smem:$0x3F9F] =	sst s0  }
0x9: {  	[smem:$0x3FA0] =	sst s1  }
0xa: {  	[smem:$0x3FA1] =	sst s2  }
0xb: {  	[smem:$0x3FA2] =	sst s3  }
0xc: {  	[smem:$0x3FA3] =	sst s4  }
0xd: {  	[smem:$0x3FA4] =	sst s5  }
0xe: {  	[smem:$0x3FA5] =	sst s6  }
0xf: {  	[smem:$0x3FA6] =	sst s7  }
0x10: {  	[smem:$0x3FA7] =	sst s8  }
0x11: {  	[smem:$0x3FA8] =	sst s9;
	s0 =	simm.s32 @!p0 $0x0  }
0x12: {  	s1 =	sld [smem:$0x3F8E];
	s0 =	simm.s32 @p0 $0x1  }
0x13: {  	[smem:$0x3FA9] =	sst s0;
	s0 =	simm.s32 @!p1 $0x0  }
0x14: {  	s2 =	sld [smem:$0x3F8D];
	s0 =	simm.s32 @p1 $0x1  }
0x15: {  	[smem:$0x3FAA] =	sst s0;
	s0 =	simm.s32 @!p2 $0x0  }
0x16: {  	s3 =	sld [smem:$0x3FDB];
	s0 =	simm.s32 @p2 $0x1  }
0x17: {  	s4 =	simm.s32 $0x1BF5;
	[smem:$0x3FAC] =	sst s0  }
0x18: {  	s0 =	sld [smem:$0x3F8F];
	_ =	swait.ge [sflag:s4], $0x0  }
0x19: {  	s7 =	sld [smem:$0x3F90]  }
0x1a: {  	s8 =	sadd.s32 $0xFFFFE003, lr  }
0x1b: {  	s9 =	sadd.s32 $0xFFFFFEF7, lr;
	s5 =	simm.s32 $0xFFFFFFFF;
	p2 =	slt.u32 s8, $0xFFFFF086  }
0x1c: {  	p1 =	slt.u32 s9, $0xF7A;
	s5 =	simm.s32 @!p2 $0x0  }
0x1d: {  	s5 =	simm.s32 @p1 $0x1;
	p0 =	seq.s32 s7, s2  }
0x1e: {  	s7 =	smul.u32 @!p0 $0xF7A, s2;
	p2 =	seq.s32 @!p0 s5, $0x0  }
0x1f: {  	s9 =	smul.u32 $0xF7A, s1;
	s8 =	simm.s32 @!p0 $0x1BF5;
	p2 =	por !p2, p0  }
0x20: {  	[sflag:s8] =	ssyncset.s32 @!p0 $0xFFFFF086;
	s6 =	sadd.s32 @!p0 s3, s7;
	s7 =	simm.s32 @!p0 $0x108  }
0x21: {  	s3 =	sadd.s32 s3, s9;
	s6 =	sadd.s32 @!p0 $0x88, s6;
	s7 =	simm.s32 @p2 $0x1082  }
0x22: {  	[simem:s7], [sflag:s8] =	dma.local @!p0 [hbm:s6], $0xF7A  }
0x23: {  	s9 =	sor.u32 $0xD0000000, s2;
	s6 =	simm.s32 $0x108;
	_ =	swait.ge @!p0 [sflag:s8], $0x0  }
0x24: {  	s3 =	sadd.s32 $0x88, s3;
	s6 =	simm.s32 @!p1 $0x1082;
	[sflag:s4] =	ssyncset.s32 $0xFFFFF086  }
0x25: {  	[simem:s6], [sflag:s4] =	dma.local [hbm:s3], $0xF7A  }
0x26: {  	[smem:$0x3F90] =	sst s1;
	(tag) =	ssettag s2;
	_ =	strace s9  }
0x27: {  	s1 =	sld [smem:$0x3FA0]  }
0x28: {  	s2 =	sld [smem:$0x3FA1]  }
0x29: {  	s4 =	sld [smem:$0x3FA3]  }
0x2a: {  	p0 =	seq.s32 s5, $0x0;
	s5 =	sld [smem:$0x3FA4]  }
0x2b: {  	s6 =	sld [smem:$0x3FA5]  }
0x2c: {  	s7 =	sld [smem:$0x3FA6]  }
0x2d: {  	s3 =	simm.s32 $0x108;
	s8 =	sld [smem:$0x3FA7]  }
0x2e: {  	s3 =	simm.s32 @!p0 $0x1082;
	s9 =	sld [smem:$0x3FA8]  }
0x2f: {  	lr =	sadd.s32 s0, s3;
	s0 =	sld [smem:$0x3F9F]  }
0x30: {  	s3 =	sld [smem:$0x3FA2]  }
0x31: {  	[smem:$0x3FAB] =	sst s10  }
0x32: {  	s10 =	sld [smem:$0x3FA9];
	_ =	sdelay $0x3  }
0x33: {  	p0 =	seq.s32 s10, $0x1;
	s10 =	sld [smem:$0x3FAB];
	_ =	sdelay $0x3  }
0x34: {  	[smem:$0x3FAB] =	sst s10  }
0x35: {  	s10 =	sld [smem:$0x3FAA];
	_ =	sdelay $0x3  }
0x36: {  	p1 =	seq.s32 s10, $0x1;
	s10 =	sld [smem:$0x3FAB];
	_ =	sdelay $0x3  }
0x37: {  	[smem:$0x3FAB] =	sst s10  }
0x38: {  	s10 =	sld [smem:$0x3FAC]  }
0x39: {  	_ = 	snop;
	(pc) =	sbr.ind lr, $3  }
0x3a: {  	_ = 	snop  }
0x3b: {  	_ = 	snop  }
0x3c: {  	p2 =	seq.s32 s10, $0x1;
	s10 =	sld [smem:$0x3FAB]  }
0x3d: {  	_ =	shalt  }
0x3e: {  	_ =	shalt  }
0x3f: {  	_ =	shalt  }
0x40: {  	_ =	shalt  }
0x41: {  	_ =	shalt  }
0x42: {  	_ =	shalt  }
0x43: {  	_ =	shalt  }
0x44: {  	_ =	shalt  }
0x45: {  	_ =	shalt  }
0x46: {  	_ =	shalt  }
0x47: {  	_ =	shalt  }
0x48: {  	_ =	shalt  }
0x49: {  	_ =	shalt  }
0x4a: {  	_ =	shalt  }
0x4b: {  	_ =	shalt  }
0x4c: {  	_ =	shalt  }
0x4d: {  	_ =	shalt  }
0x4e: {  	_ =	shalt  }
0x4f: {  	_ =	shalt  }
0x50: {  	_ =	shalt  }
0x51: {  	_ =	shalt  }
0x52: {  	_ =	shalt  }
0x53: {  	_ =	shalt  }
0x54: {  	_ =	shalt  }
0x55: {  	_ =	shalt  }
0x56: {  	_ =	shalt  }
0x57: {  	_ =	shalt  }
0x58: {  	_ =	shalt  }
0x59: {  	_ =	shalt  }
0x5a: {  	_ =	shalt  }
0x5b: {  	_ =	shalt  }
0x5c: {  	_ =	shalt  }
0x5d: {  	_ =	shalt  }
0x5e: {  	_ =	shalt  }
0x5f: {  	_ =	shalt  }
0x60: {  	_ =	shalt  }
0x61: {  	_ =	shalt  }
0x62: {  	_ =	shalt  }
0x63: {  	_ =	shalt  }
0x64: {  	_ =	shalt  }
0x65: {  	_ =	shalt  }
0x66: {  	_ =	shalt  }
0x67: {  	_ =	shalt  }
0x68: {  	_ =	shalt  }
0x69: {  	_ =	shalt  }
0x6a: {  	_ =	shalt  }
0x6b: {  	_ =	shalt  }
0x6c: {  	_ =	shalt  }
0x6d: {  	_ =	shalt  }
0x6e: {  	_ =	shalt  }
0x6f: {  	_ =	shalt  }
0x70: {  	_ =	shalt  }
0x71: {  	_ =	shalt  }
0x72: {  	_ =	shalt  }
0x73: {  	_ =	shalt  }
0x74: {  	_ =	shalt  }
0x75: {  	_ =	shalt  }
0x76: {  	_ =	shalt  }
0x77: {  	_ =	shalt  }
0x78: {  	_ =	shalt  }
0x79: {  	_ =	shalt  }
0x7a: {  	_ =	shalt  }
0x7b: {  	_ =	shalt  }
0x7c: {  	_ =	shalt  }
0x7d: {  	_ =	shalt  }
0x7e: {  	_ =	shalt  }
0x7f: {  	_ =	shalt  }
0x80: {  	_ =	shalt  }
0x81: {  	_ =	shalt  }
0x82: {  	_ =	shalt  }
0x83: {  	_ =	shalt  }
0x84: {  	_ =	shalt  }
0x85: {  	_ =	shalt  }
0x86: {  	_ =	shalt  }
0x87: {  	_ =	shalt  }
.Lfunc_end0:
.L_simem_size_0:
called_computation.3_lowered:
.L_overlay_start_0:
0x88: {  	s2 =	sld [smem:$0x3FD9]  }
0x89: {  	s3 =	sld [smem:$0x3FFE];
	_ =	sdelay $0x1  }
0x8a: {  	s1 =	srdreg.scid  }
0x8b: {  	s0 =	sand.u32 $0x1, s1  }
0x8c: {  	s16 =	sshll.u32 s0, $0xA;
	s2 =	sadd.s32 s3, s2  }
0x8d: {  	s2 =	sadd.s32 s2, s16  }
0x8e: {  	[smem:$0x3FB7] =	sst s2  }
0x8f: {  	_ = 	snop  }
0x90: {  	(tm) =	ssettm $0x1  }
0x91: {  	s17 =	sld [smem:$0x3FFB];
	_ =	sdelay $0x3  }
0x92: {  	_ =	strace s17  }
0x93: {  	s2 =	sld [smem:$0x3FFC];
	_ =	sdelay $0x3  }
0x94: {  	_ =	strace s2  }
0x95: {  	s2 =	sld [smem:$0x3FFD];
	_ =	sdelay $0x3  }
0x96: {  	_ =	strace s2  }
0x97: {  	_ =	strace $0x8FFFFFFF  }
0x98: {  	s18 =	sld [smem:$0x3FDB];
	_ =	sdelay $0x1  }
0x99: {  	s19 =	simm.s32 $_scs_section_size  }
0x9a: {  	s4 =	simm.s32 $_size__tile_overlayer_lowered;
	s5 =	simm.s32 $_tile_overlayer_lowered  }
0x9b: {  	s22 =	simm.s32 $0x1BFF;
	s21 =	sshll.u32 s5, $0x1;
	s2 =	sadd.s32 s19, s18  }
0x9c: {  	s6 =	simm.s32 $0x0;
	s20 =	sshll.u32 s4, $0x1;
	s4 =	sadd.s32 s21, s2  }
0x9d: {  	[timem:s6], [sflag:s22] =	dma.local [hbm:s4], s20  }
0x9e: {  	_ =	swait.ge [sflag:s22], s20  }
0x9f: {  	s3 =	ssub.s32 $0x0, s20;
	[sflag:s22] =	ssyncset.done $0x0  }
0xa0: {  	[sflag:s22] =	ssyncadd.s32 s3;
	_ =	sdelay $0x1  }
0xa1: {  	s23 =	simm.s32 $0x1B8B  }
0xa2: {  	_ =	swait.ge [sflag:s23], $0x1  }
0xa3: {  	[sflag:s23] =	ssyncset.done $0x0  }
0xa4: {  	s25 =	simm.s32 $0x1B8E;
	s24 =	sld [smem:$0x3FFE];
	[sflag:s23] =	ssyncadd.s32 $0xFFFFFFFF  }
0xa5: {  	s26 =	simm.s32 $execute0_lowered;
	[smem:$0x3FD2] =	sst s25  }
0xa6: {  	s4 =	sshll.u32 s26, $0x1;
	_ =	strace $0x8000004F;
	[dreg:$0x1] =	wrdreg $0xFFFFFFFF  }
0xa7: {  	s28 =	simm.s32 $_size_execute0_lowered;
	s2 =	sadd.s32 s2, s4;
	[dreg:$0x0] =	wrdreg $0x0  }
0xa8: {  	s4 =	sshll.u32 s28, $0x1;
	[dreg:$0x2] =	wrdreg s2  }
0xa9: {  	[dreg:$0x3] =	wrdreg s4  }
0xaa: {  	[dreg:$0x4] =	wrdreg $0xC0  }
0xab: {  	_ =	task [dreg:s6], $0x5FFFF  }
0xac: {  	[dreg:$0x1] =	wrdreg $0xFFFFFFFF  }
0xad: {  	[dreg:$0x0] =	wrdreg $0x60  }
0xae: {  	[dreg:$0x2] =	wrdreg s24  }
0xaf: {  	[dreg:$0x3] =	wrdreg $0x0  }
0xb0: {  	[dreg:$0x4] =	wrdreg $0x9  }
0xb1: {  	_ =	task.clear_ibuf [dreg:s6], $0x5FFFF;
	_ =	strace $0x9000004F  }
0xb2: {  	s29 =	simm.s32 $0x9;
	_ =	strace $0x80000051  }
0xb3: {  	_ =	swait.ge [sflag:s29], $0x1  }
0xb4: {  	[sflag:s29] =	ssyncadd.s32 $0xFFFFFFFF  }
0xb5: {  	_ =	strace $0x90000051  }
0xb6: {  	_ =	sfence  }
0xb7: {  	s30 =	sld [smem:$0x0];
	_ =	sdelay $0x2  }
0xb8: {  	s31 =	sshll.u32 s1, $0xD;
	s1 =	sshrl.u32 s1, $0x2  }
0xb9: {  	s3 =	sand.u32 $0x4000, s31;
	s1 =	sadd.s32 s1, s30  }
0xba: {  	s0 =	sor.u32 s3, s0;
	s1 =	sshll.u32 s1, $0x11  }
0xbb: {  	s0 =	sor.u32 s1, s0  }
0xbc: {  	s0 =	sadd.s32 $0x8F2B, s0  }
0xbd: {  	[sflag:s0] =	ssyncadd.remote.s32 $0x1  }
0xbe: {  	_ =	sfence.sel $0xFFFF  }
0xbf: {  	[dreg:$0x0] =	wrdreg $0xFFFFFFFF;
	(pc) =	sbr.abs _section_cstart, $3  }
0xc0: {  	[dreg:$0x1] =	wrdreg $0xFFFFFFFF  }
0xc1: {  	_ =	task.clear_ibuf [dreg:s6], $0x2FFFF;
	_ =	strace $0x9FFFFFFF  }
0xc2: {  	(tm) =	ssettm $0x7FFFFFFF  }
0xc3: {  	_ =	shalt  }
tec
execute0_lowered:
.L_overlay_start_1:
0x0: {  	(tag) =	ssettag $0x1  }
0x1: {  	s0 =	rddreg [dreg:$0x0]  }
0x2: {  	s1 =	rddreg [dreg:$0x1];
	s3 =	simm.s32 $0x0  }
0x3: {  	s12 =	stileid.u32;
	s2 =	srdreg.scid;
	s18 =	simm.s32 $0x6  }
0x4: {  	s19 =	simm.s32 $0x14000;
	s20 =	simm.s32 $0x14800;
	s21 =	simm.s32 $0x7D  }
0x5: {  	s22 =	simm.s32 $0x16000;
	s28 =	simm.s32 $0x15800;
	s29 =	simm.s32 $0x2  }
0x6: {  	s30 =	simm.s32 $0x3;
	s31 =	simm.s32 $0x5;
	[smem:$0x7FF] =	sst s3  }
0x7: {  	s4 =	sadd.s32 $0x65200, s0;
	s13 =	smul.u32 $0x2800, s12;
	s2 =	sand.u32 $0x1, s2  }
0x8: {  	s6 =	sadd.s32 $0x5B200, s0;
	s9 =	smul.u32 $0x50000, s12;
	s7 =	sadd.s32 $0x1200, s0  }
0x9: {  	s8 =	smul.u32 $0xA00, s12;
	s26 =	sshll.u32 s12, $0x6;
	_ =	strace $0x80000050  }
0xa: {  	s5 =	ssub.s32 $0x2, s2;
	p0 =	seq.s32 s2, $0x0;
	[dreg:$0x9] =	wrdreg s26  }
0xb: {  	s12 =	sor.u32 $0x1C06, s26;
	s26 =	simm.s32 $0x15000;
	s2 =	simm.s32 $0x0  }
0xc: {  	s10 =	sshrl.u32 s5, $0x1;
	s11 =	sadd.s32 s13, s0;
	s9 =	sshrl.u32 s9, $0x2  }
0xd: {  	s14 =	sadd.s32 s6, s8;
	s24 =	sadd.s32 s7, s8;
	[dreg:$0x3] =	wrdreg s13  }
0xe: {  	s25 =	sadd.s32 s4, s13;
	s5 =	ssub.s32 s5, s10;
	[dreg:$0x4] =	wrdreg s14  }
.Ltmp0:
0xf: {  	s23 =	sadd.s32 s9, s1;
	[dreg:$0x5] =	wrdreg s24;
	(pc) =	sbr.rel .LBB2_1-.Ltmp0, $4  }
0x10: {  	s9 =	sadd.s32 $0x8D200, s0;
	[dreg:$0x6] =	wrdreg s25;
	s11 =	sadd.s32 $0xB200, s11  }
0x11: {  	s0 =	sadd.s32 $0x33200, s0;
	[dreg:$0x7] =	wrdreg s11;
	s5 =	smax.u32 s5, $0x1  }
0x12: {  	s24 =	simm.s32 $0x1A000;
	s0 =	sadd.s32 s13, s0;
	[dreg:$0x8] =	wrdreg s5  }
0x13: {  	s17 =	sshrl.u32 s23, $0x3;
	s23 =	simm.s32 $0x1;
	[dreg:$0xa] =	wrdreg s0  }
.LBB2_21:
0x14: {  	s5 =	simm.s32 $0x4  }
0x15: {  	_ =	swait.ge [sflag:s5], $0x3E80  }
0x16: {  	[sflag:s5] =	ssyncset.done $0x0  }
0x17: {  	[sflag:s5] =	ssyncadd.s32 $0xFFFFC180  }
0x18: {  	[bflag:$0x0] =	sbarrier.arrive $0xFFFF  }
0x19: {  	s12 =	smov.u32 s0;
	s5 =	rddreg [dreg:$0xa]  }
.LBB2_22:
0x1a: {  	[hbm:s5], [sflag:s16] =	dma.local [spmem:s17], $0x2800  }
0x1b: {  	_ =	swait.ge [sflag:s18], $0x2800  }
0x1c: {  	s2 =	sadd.s32 $0x1, s2;
	s25 =	rddreg [dreg:$0x8]  }
0x1d: {  	p1 =	sne.s32 s2, s25  }
.Ltmp1:
0x1e: {  	_ = 	snop;
	(pc) =	sbr.rel @!p1 .LBB2_23-.Ltmp1, $3  }
0x1f: {  	_ =	sdelay $0x1  }
0x20: {  	[sflag:s18] =	ssyncset.done $0x0  }
0x21: {  	[sflag:s18] =	ssyncadd.s32 $0xFFFFD800  }
.LBB2_1:
.Ltmp2:
0x22: {  	(pc) =	sbr.rel @!p0 .LBB2_2-.Ltmp2, $1  }
0x23: {  	_ =	sdelay $0x3  }
0x24: {  	s5 =	rddreg [dreg:$0x6]  }
0x25: {  	[spmem:s17], [sflag:s12] =	dma.local [hbm:s5], $0x2800  }
0x26: {  	_ =	swait.ge [sflag:s18], $0x2800  }
0x27: {  	[sflag:s18] =	ssyncset.done $0x0  }
0x28: {  	[sflag:s18] =	ssyncadd.s32 $0xFFFFD800  }
0x29: {  	[bflag:$0x0] =	sbarrier.arrive $0xFFFF  }
0x2a: {  	s13 =	simm.s32 $0x0;
	s16 =	rddreg [dreg:$0x4]  }
0x2b: {  	[tilespmem:s19], [sflag:$0x6] =	stream.linear.gather [hbm4b:s16+s13], $0x800, $0x38;
	[tilespmem:$0x1E000] =	vst v63  }
0x2c: {  	_ =	swait.ge [sflag:s18], $0x800  }
0x2d: {  	[sflag:s18] =	ssyncset.done $0x0  }
0x2e: {  	s25 =	rddreg [dreg:$0x5];
	[sflag:s18] =	ssyncadd.s32 $0xFFFFF800  }
0x2f: {  	[tilespmem:s20], [sflag:$0x6] =	stream.linear.gather [hbm4b:s25+s13], $0x800, $0x38;
	[tilespmem:$0x1E000] =	vst v63  }
.Ltmp3:
0x30: {  	_ = 	snop;
	(pc) =	sbr.rel .LBB2_10-.Ltmp3, $4  }
0x31: {  	_ =	swait.ge [sflag:s18], $0x800  }
0x32: {  	[sflag:s18] =	ssyncset.done $0x0  }
0x33: {  	s15 =	simm.s32 $0x2;
	s16 =	simm.s32 $0x400;
	[sflag:s18] =	ssyncadd.s32 $0xFFFFF800  }
0x34: {  	[tilespmem:s22], [sflag:$0x1] =	stream.indirect.gather [hbm4b:s4+s21], $0x80, s19, s21, $0xb8;
	[tilespmem:$0x1E000] =	vst v63  }
.LBB2_15:
0x35: {  	_ =	swait.ge [sflag:s31], $0x800  }
0x36: {  	[sflag:s31] =	ssyncset.done $0x0  }
0x37: {  	[sflag:s31] =	ssyncadd.s32 $0xFFFFF800  }
0x38: {  	_ =	swait.ge [sflag:s31], $0x800  }
0x39: {  	[sflag:s31] =	ssyncset.done $0x0  }
0x3a: {  	[sflag:s31] =	ssyncadd.s32 $0xFFFFF800  }
.LBB2_17:
0x3b: {  	s5 =	sand.u32 $0x10, s15;
	s25 =	sand.u32 $0x1C00, s16  }
0x3c: {  	s10 =	simm.s32 $0x14000;
	s16 =	sadd.s32 $0x400, s16;
	p1 =	seq.s32 s5, $0x0  }
0x3d: {  	s10 =	simm.s32 @!p1 $0x15000;
	p1 =	sne.s32 s16, $0x14400  }
.Ltmp4:
0x3e: {  	_ = 	snop;
	(pc) =	sbr.rel @!p1 .LBB2_18-.Ltmp4, $4  }
0x3f: {  	_ = 	snop  }
0x40: {  	s5 =	sshrl.u32 s25, $0x2  }
0x41: {  	s13 =	sadd.s32 $0x1, s13;
	s15 =	sadd.s32 $0x2, s15;
	s5 =	sor.u32 s5, s10  }
0x42: {  	[tilespmem:s22], [sflag:$0x1] =	stream.indirect.gather [hbm4b:s4+s21], $0x80, s5, s21, $0xb8;
	[tilespmem:$0x1E000] =	vst v63  }
.LBB2_10:
0x43: {  	s25 =	sshrl.u32 s13, $0x3  }
0x44: {  	p2 =	seq.s32 s16, $0x400;
	_ =	swait.ge [sflag:s23], $0x3E80;
	s5 =	sshll.u32 s25, $0xD  }
0x45: {  	s10 =	sand.u32 @!p2 $0x8, s13;
	[sflag:s23] =	ssyncset.done $0x0;
	s14 =	simm.s32 @!p2 $0x4  }
0x46: {  	s11 =	ssub.s32 $0x200, s5;
	p1 =	seq.s32 @!p2 s10, $0x0;
	[sflag:s23] =	ssyncadd.s32 $0xFFFFC180  }
0x47: {  	s10 =	simm.s32 @!p2 $0x14800;
	s5 =	ssub.s32 $0x0, s5;
	p3 =	por !p1, p2  }
0x48: {  	s11 =	sadd.s32 s11, s16;
	_ =	swait.ge @!p2 [sflag:s14], $0x3E80;
	s10 =	simm.s32 @p3 $0x15800  }
0x49: {  	s5 =	sadd.s32 s5, s16;
	s11 =	sshra.s32 s11, $0x2;
	s10 =	simm.s32 @p2 $0x14800  }
0x4a: {  	[sflag:s14] =	ssyncset.done @!p2 $0x0;
	s10 =	sadd.s32 s11, s10;
	s11 =	simm.s32 @!p2 $0x14000  }
0x4b: {  	[sflag:s14] =	ssyncadd.s32 @!p2 $0xFFFFC180;
	s10 =	sadd.s32 $0xFFFFFE80, s10;
	s11 =	simm.s32 @p3 $0x15000  }
0x4c: {  	[spmem:s1] =	stream.indirect.scatter.add.f32 [tilespmem:s22], [sflag:$0x3], $0x80, s10, s21, $0xb8;
	[tilespmem:$0x1E000] =	vst v63  }
0x4d: {  	s5 =	sshra.s32 s5, $0x2;
	s11 =	simm.s32 @p2 $0x14000  }
0x4e: {  	s14 =	sadd.s32 s5, s11  }
0x4f: {  	s10 =	sadd.s32 $0xFFFFFF80, s14  }
0x50: {  	[tilespmem:s24], [sflag:$0x2] =	stream.indirect.gather [hbm4b:s4+s21], $0x80, s10, s21, $0xb8;
	[tilespmem:$0x1E000] =	vst v63  }
0x51: {  	p4 =	por p1, p2;
	p1 =	sgt.u32 s13, $0x47;
	s10 =	sand.u32 $0x7, s13  }
0x52: {  	p5 =	por @!p2 $0x1, $0x1;
	p4 =	por @!p4 $0x0, $0x0;
	p6 =	sne.s32 @!p1 s10, $0x1  }
0x53: {  	p4 =	por @!p3 p5, p5;
	p5 =	por p1, p6  }
.Ltmp5:
0x54: {  	_ = 	snop;
	(pc) =	sbr.rel @p5 .LBB2_14-.Ltmp5, $3  }
0x55: {  	_ =	sdelay $0x1  }
0x56: {  	p3 =	por $0x1, $0x1  }
0x57: {  	p3 =	por @!p2 p4, p4  }
0x58: {  	s11 =	sadd.s32 $0x1, s25  }
0x59: {  	s14 =	sshll.u32 s11, $0x8;
	s11 =	sand.u32 $0x1, s11  }
0x5a: {  	p2 =	seq.s32 s11, $0x0  }
.Ltmp6:
0x5b: {  	_ = 	snop;
	(pc) =	sbr.rel @!p2 .LBB2_13-.Ltmp6, $3  }
0x5c: {  	_ =	sdelay $0x1  }
0x5d: {  	s14 =	sadd.s32 s8, s14  }
0x5e: {  	s11 =	sadd.s32 s6, s14;
	s25 =	sadd.s32 s7, s14  }
.Ltmp7:
0x5f: {  	(pc) =	sbr.rel @!p3 .LBB2_14-.Ltmp7, $4  }
0x60: {  	_ = 	snop  }
0x61: {  	[tilespmem:s19], [sflag:$0x5] =	stream.linear.gather [hbm4b:s11+s3], $0x800, $0x38;
	[tilespmem:$0x1E000] =	vst v63  }
0x62: {  	_ = 	snop  }
0x63: {  	[tilespmem:s20], [sflag:$0x5] =	stream.linear.gather [hbm4b:s25+s3], $0x800, $0x38;
	[tilespmem:$0x1E000] =	vst v63  }
.LBB2_13:
0x64: {  	[tilespmem:s26], [sflag:$0x5] =	stream.linear.gather [hbm4b:s11+s3], $0x800, $0x38;
	[tilespmem:$0x1E000] =	vst v63  }
0x65: {  	_ = 	snop  }
0x66: {  	[tilespmem:s28], [sflag:$0x5] =	stream.linear.gather [hbm4b:s25+s3], $0x800, $0x38;
	[tilespmem:$0x1E000] =	vst v63  }
.LBB2_14:
0x67: {  	_ =	swait.ge [sflag:s29], $0x3E80;
	p2 =	sne.s32 @!p1 s10, $0x7  }
0x68: {  	[sflag:s29] =	ssyncset.done $0x0;
	p1 =	por p1, p2  }
.Ltmp8:
0x69: {  	s11 =	simm.s32 $0x14800;
	[sflag:s29] =	ssyncadd.s32 $0xFFFFC180;
	(pc) =	sbr.rel @!p1 .LBB2_15-.Ltmp8, $4  }
0x6a: {  	s11 =	simm.s32 @!p3 $0x15800;
	_ =	swait.ge [sflag:s30], $0x3E80  }
0x6b: {  	s5 =	sadd.s32 s5, s11;
	[sflag:s30] =	ssyncset.done $0x0  }
0x6c: {  	s5 =	sadd.s32 $0xFFFFFF80, s5;
	[sflag:s30] =	ssyncadd.s32 $0xFFFFC180  }
0x6d: {  	[spmem:s1] =	stream.indirect.scatter.add.f32 [tilespmem:s24], [sflag:$0x4], $0x80, s5, s21, $0xb8;
	[tilespmem:$0x1E000] =	vst v63  }
0x6e: {  	p1 =	seq.s32 s16, $0x14000  }
.Ltmp9:
0x6f: {  	_ = 	snop;
	(pc) =	sbr.rel @!p1 .LBB2_17-.Ltmp9, $1  }
0x70: {  	_ =	sdelay $0x3  }
.LBB2_18:
0x71: {  	s0 =	simm.s32 $0x4  }
.Ltmp10:
0x72: {  	_ =	swait.ge [sflag:s0], $0x3E80;
	(pc) =	sbr.rel .LBB2_22-.Ltmp10, $4  }
0x73: {  	[sflag:s0] =	ssyncset.done $0x0  }
0x74: {  	[sflag:s0] =	ssyncadd.s32 $0xFFFFC180  }
0x75: {  	[bflag:$0x0] =	sbarrier.arrive $0xFFFF  }
0x76: {  	s16 =	smov.u32 s12;
	s5 =	rddreg [dreg:$0x7]  }
.LBB2_2:
0x77: {  	s5 =	rddreg [dreg:$0x3]  }
0x78: {  	s10 =	rddreg [dreg:$0x9]  }
0x79: {  	s5 =	sadd.s32 s5, s9;
	s16 =	sor.u32 $0x1C06, s10  }
0x7a: {  	[spmem:s17], [sflag:s16] =	dma.local [hbm:s5], $0x2800  }
0x7b: {  	_ =	swait.ge [sflag:s18], $0x2800  }
0x7c: {  	[sflag:s18] =	ssyncset.done $0x0  }
0x7d: {  	[sflag:s18] =	ssyncadd.s32 $0xFFFFD800  }
0x7e: {  	[bflag:$0x0] =	sbarrier.arrive $0xFFFF  }
0x7f: {  	s13 =	simm.s32 $0x0;
	s15 =	rddreg [dreg:$0x4]  }
0x80: {  	[tilespmem:s19], [sflag:$0x6] =	stream.linear.gather [hbm4b:s15+s13], $0x800, $0x38;
	[tilespmem:$0x1E000] =	vst v63  }
0x81: {  	_ =	swait.ge [sflag:s18], $0x800  }
0x82: {  	[sflag:s18] =	ssyncset.done $0x0  }
0x83: {  	s25 =	rddreg [dreg:$0x5];
	[sflag:s18] =	ssyncadd.s32 $0xFFFFF800  }
0x84: {  	[tilespmem:s20], [sflag:$0x6] =	stream.linear.gather [hbm4b:s25+s13], $0x800, $0x38;
	[tilespmem:$0x1E000] =	vst v63  }
.Ltmp11:
0x85: {  	_ = 	snop;
	(pc) =	sbr.rel .LBB2_3-.Ltmp11, $4  }
0x86: {  	_ =	swait.ge [sflag:s18], $0x800  }
0x87: {  	s0 =	smov.u32 s12;
	[sflag:s18] =	ssyncset.done $0x0  }
0x88: {  	s15 =	simm.s32 $0x2;
	s25 =	simm.s32 $0x400;
	[sflag:s18] =	ssyncadd.s32 $0xFFFFF800  }
0x89: {  	[tilespmem:s22], [sflag:$0x1] =	stream.indirect.gather [hbm4b:s9+s21], $0x80, s19, s21, $0xb8;
	[tilespmem:$0x1E000] =	vst v63  }
.LBB2_8:
0x8a: {  	_ =	swait.ge [sflag:s31], $0x800  }
0x8b: {  	[sflag:s31] =	ssyncset.done $0x0  }
0x8c: {  	[sflag:s31] =	ssyncadd.s32 $0xFFFFF800  }
0x8d: {  	_ =	swait.ge [sflag:s31], $0x800  }
0x8e: {  	[sflag:s31] =	ssyncset.done $0x0  }
0x8f: {  	[sflag:s31] =	ssyncadd.s32 $0xFFFFF800  }
.LBB2_20:
0x90: {  	s5 =	sand.u32 $0x10, s15;
	s14 =	sand.u32 $0x1C00, s25  }
0x91: {  	s10 =	simm.s32 $0x14000;
	s25 =	sadd.s32 $0x400, s25;
	p1 =	seq.s32 s5, $0x0  }
0x92: {  	s10 =	simm.s32 @!p1 $0x15000;
	p1 =	sne.s32 s25, $0x14400  }
.Ltmp12:
0x93: {  	_ = 	snop;
	(pc) =	sbr.rel @!p1 .LBB2_21-.Ltmp12, $4  }
0x94: {  	_ = 	snop  }
0x95: {  	s5 =	sshrl.u32 s14, $0x2  }
0x96: {  	s13 =	sadd.s32 $0x1, s13;
	s15 =	sadd.s32 $0x2, s15;
	s5 =	sor.u32 s5, s10  }
0x97: {  	[tilespmem:s22], [sflag:$0x1] =	stream.indirect.gather [hbm4b:s9+s21], $0x80, s5, s21, $0xb8;
	[tilespmem:$0x1E000] =	vst v63  }
.LBB2_3:
0x98: {  	s5 =	sshrl.u32 s13, $0x3;
	p2 =	seq.s32 s25, $0x400;
	_ =	swait.ge [sflag:s23], $0x3E80  }
0x99: {  	s10 =	sshll.u32 s5, $0xD;
	s11 =	sand.u32 @!p2 $0x8, s13;
	[sflag:s23] =	ssyncset.done $0x0  }
0x9a: {  	s12 =	simm.s32 @!p2 $0x4;
	s14 =	ssub.s32 $0x200, s10;
	p1 =	seq.s32 @!p2 s11, $0x0  }
0x9b: {  	[sflag:s23] =	ssyncadd.s32 $0xFFFFC180;
	s11 =	simm.s32 @!p2 $0x14800;
	s10 =	ssub.s32 $0x0, s10  }
0x9c: {  	p3 =	por !p1, p2;
	s14 =	sadd.s32 s14, s25;
	_ =	swait.ge @!p2 [sflag:s12], $0x3E80  }
0x9d: {  	s11 =	simm.s32 @p3 $0x15800;
	s14 =	sshra.s32 s14, $0x2;
	[sflag:s12] =	ssyncset.done @!p2 $0x0  }
0x9e: {  	s11 =	simm.s32 @p2 $0x14800;
	[sflag:s12] =	ssyncadd.s32 @!p2 $0xFFFFC180;
	s12 =	simm.s32 @!p2 $0x14000  }
0x9f: {  	s10 =	sadd.s32 s10, s25;
	s11 =	sadd.s32 s14, s11;
	s12 =	simm.s32 @p3 $0x15000  }
0xa0: {  	s10 =	sshra.s32 s10, $0x2;
	s11 =	sadd.s32 $0xFFFFFE80, s11;
	s12 =	simm.s32 @p2 $0x14000  }
0xa1: {  	[spmem:s1] =	stream.indirect.scatter.add.f32 [tilespmem:s22], [sflag:$0x3], $0x80, s11, s21, $0xb8;
	[tilespmem:$0x1E000] =	vst v63  }
0xa2: {  	s14 =	sadd.s32 s10, s12  }
0xa3: {  	s11 =	sadd.s32 $0xFFFFFF80, s14  }
0xa4: {  	[tilespmem:s24], [sflag:$0x2] =	stream.indirect.gather [hbm4b:s9+s21], $0x80, s11, s21, $0xb8;
	[tilespmem:$0x1E000] =	vst v63  }
0xa5: {  	p4 =	por p1, p2;
	p1 =	sgt.u32 s13, $0x47;
	s11 =	sand.u32 $0x7, s13  }
0xa6: {  	p5 =	por @!p2 $0x1, $0x1;
	p4 =	por @!p4 $0x0, $0x0;
	p6 =	sne.s32 @!p1 s11, $0x1  }
0xa7: {  	p4 =	por @!p3 p5, p5;
	p5 =	por p1, p6  }
.Ltmp13:
0xa8: {  	_ = 	snop;
	(pc) =	sbr.rel @p5 .LBB2_7-.Ltmp13, $3  }
0xa9: {  	_ =	sdelay $0x1  }
0xaa: {  	p3 =	por $0x1, $0x1  }
0xab: {  	p3 =	por @!p2 p4, p4  }
0xac: {  	s5 =	sadd.s32 $0x1, s5  }
0xad: {  	s12 =	sshll.u32 s5, $0x8;
	s5 =	sand.u32 $0x1, s5  }
0xae: {  	p2 =	seq.s32 s5, $0x0  }
.Ltmp14:
0xaf: {  	_ = 	snop;
	(pc) =	sbr.rel @!p2 .LBB2_6-.Ltmp14, $3  }
0xb0: {  	_ =	sdelay $0x1  }
0xb1: {  	s12 =	sadd.s32 s8, s12  }
0xb2: {  	s5 =	sadd.s32 s6, s12;
	s14 =	sadd.s32 s7, s12  }
.Ltmp15:
0xb3: {  	(pc) =	sbr.rel @!p3 .LBB2_7-.Ltmp15, $4  }
0xb4: {  	_ = 	snop  }
0xb5: {  	[tilespmem:s19], [sflag:$0x5] =	stream.linear.gather [hbm4b:s5+s3], $0x800, $0x38;
	[tilespmem:$0x1E000] =	vst v63  }
0xb6: {  	_ = 	snop  }
0xb7: {  	[tilespmem:s20], [sflag:$0x5] =	stream.linear.gather [hbm4b:s14+s3], $0x800, $0x38;
	[tilespmem:$0x1E000] =	vst v63  }
.LBB2_6:
0xb8: {  	[tilespmem:s26], [sflag:$0x5] =	stream.linear.gather [hbm4b:s5+s3], $0x800, $0x38;
	[tilespmem:$0x1E000] =	vst v63  }
0xb9: {  	_ = 	snop  }
0xba: {  	[tilespmem:s28], [sflag:$0x5] =	stream.linear.gather [hbm4b:s14+s3], $0x800, $0x38;
	[tilespmem:$0x1E000] =	vst v63  }
.LBB2_7:
0xbb: {  	_ =	swait.ge [sflag:s29], $0x3E80;
	p2 =	sne.s32 @!p1 s11, $0x7  }
0xbc: {  	[sflag:s29] =	ssyncset.done $0x0;
	p1 =	por p1, p2  }
.Ltmp16:
0xbd: {  	s5 =	simm.s32 $0x14800;
	[sflag:s29] =	ssyncadd.s32 $0xFFFFC180;
	(pc) =	sbr.rel @!p1 .LBB2_8-.Ltmp16, $4  }
0xbe: {  	s5 =	simm.s32 @!p3 $0x15800;
	_ =	swait.ge [sflag:s30], $0x3E80  }
0xbf: {  	s5 =	sadd.s32 s10, s5;
	[sflag:s30] =	ssyncset.done $0x0  }
0xc0: {  	s5 =	sadd.s32 $0xFFFFFF80, s5;
	[sflag:s30] =	ssyncadd.s32 $0xFFFFC180  }
0xc1: {  	[spmem:s1] =	stream.indirect.scatter.add.f32 [tilespmem:s24], [sflag:$0x4], $0x80, s5, s21, $0xb8;
	[tilespmem:$0x1E000] =	vst v63  }
0xc2: {  	p1 =	seq.s32 s25, $0x14000  }
.Ltmp17:
0xc3: {  	_ = 	snop;
	(pc) =	sbr.rel @!p1 .LBB2_20-.Ltmp17, $4  }
.Ltmp18:
0xc4: {  	_ = 	snop;
	(pc) =	sbr.rel @p1 .LBB2_21-.Ltmp18, $4  }
0xc5: {  	_ = 	snop  }
0xc6: {  	_ = 	snop  }
0xc7: {  	_ = 	snop  }
0xc8: {  	_ = 	snop  }
.LBB2_23:
0xc9: {  	_ =	sfence.sel $0x180000  }
0xca: {  	[bflag:$0x0] =	sbarrier.arrive $0xFFFF  }
0xcb: {  	_ =	strace $0x90000050  }
0xcc: {  	s0 =	stileid.u32;
	[bflag:$0x2] =	sbarrier.arrive $0xFFFF  }
0xcd: {  	p0 =	sne.s32 s0, $0x0;
	s0 =	rddreg [dreg:$0x2]  }
0xce: {  	s0 =	sadd.s32 @!p0 $0x100000, s0  }
0xcf: {  	[sflag:s0] =	ssyncadd.tile.s32 @!p0 $0x1;
	_ =	shalt  }
.Lfunc_end2:
_tile_overlayer_lowered:
.L_overlay_start_2:
0xd0: {  	(tag) =	ssettag $0x2  }
0xd1: {  	s0 =	rddreg [dreg:$0x0];
	s2 =	stileid.u32  }
0xd2: {  	s1 =	rddreg [dreg:$0x1];
	p0 =	sne.s32 s2, $0x0  }
0xd3: {  	s3 =	rddreg [dreg:$0x2];
	[bflag:$0x3] =	sbarrier.arrive $0xFFFF;
	s2 =	simm.s32 @!p0 $0x1C06  }
0xd4: {  	[timem:s3], [sflag:s2] =	dma.local @!p0 [hbm:s0], s1  }
0xd5: {  	s0 =	simm.s32 @!p0 $0x6  }
0xd6: {  	_ =	swait.ge @!p0 [sflag:s0], s1  }
0xd7: {  	s1 =	ssub.s32 @!p0 $0x0, s1;
	[sflag:s0] =	ssyncset.done @!p0 $0x0  }
0xd8: {  	[sflag:s0] =	ssyncadd.s32 @!p0 s1  }
0xd9: {  	[bflag:$0x3] =	sbarrier.arrive $0xFFFF  }
0xda: {  	_ =	shalt  }

</sc_bundles>
